<compile_context>
chip_gen: v7x
topology: tpu7x:2x2x1
jax: 0.10.2.dev20260603
libtpu: 0.0.44.dev20260713+nightly
codegen_flags: <defaults>
</compile_context>

<pallas_src>
import jax
import jax.numpy as jnp
from jax import lax
from jax.experimental import pallas as pl
from jax.experimental.pallas import tpu as pltpu
from jax.experimental.pallas import tpu_sc as plsc

N_USERS = 30000
N_ITEMS = 20000
N_NODES = 50000
D = 64
LAYERS = 3
E = 800000

NC, NS = 2, 16
HALF = 25600
N_PAD = NC * HALF
ACC_ROWS = 25728
TRASH = 25600
ROWS_PER_TILE = HALF // NS
BCHUNK = 64
BSTEPS = ROWS_PER_TILE // BCHUNK
E_PAD = 819200
EROWS = E_PAD // 128
EROWS_PER_TILE = EROWS // NS
STRIP_ROWS = 16
NSTRIPS = EROWS_PER_TILE // STRIP_ROWS
FROWS = STRIP_ROWS + 1
ZROWS_T = HALF // NS

_MESH = plsc.VectorSubcoreMesh(core_axis_name="c", subcore_axis_name="s")


def _popcnt(m):
    r = plsc.all_reduce_population_count(m)
    if getattr(r, "ndim", 0):
        r = r[0]
    return r


def _zero_rows(rows_v, n):
    def z0body(i, _):
        for k in range(4):
            rows_v[i, pl.ds(k * 16, 16)] = jnp.zeros((16,), jnp.float32)
        return 0

    lax.fori_loop(0, n, z0body, 0)


def _zero_acc(acc, rows_v, s):
    z0 = s * ZROWS_T

    def zbody(i, _):
        pltpu.sync_copy(rows_v.at[pl.ds(0, 128)],
                        acc.at[pl.ds(z0 + i * 128, 128)])
        return 0

    lax.fori_loop(0, ZROWS_T // 128, zbody, 0)
    rem = ZROWS_T - (ZROWS_T // 128) * 128
    if rem:
        pltpu.sync_copy(rows_v.at[pl.ds(0, rem)],
                        acc.at[pl.ds(z0 + ZROWS_T - rem, rem)])


def _filter_strip(ed_v, srcf, ldstf, base):
    iot = lax.iota(jnp.int32, 16)

    def fbody(i, cur):
        j = i >> 3
        k = i & 7
        sl = pl.ds(k * 16, 16)
        vd = ed_v[j, pl.ds(128 + k * 16, 16)]
        vs = ed_v[j, sl]
        l = vd - base
        m = (l >= 0) & (l < HALF)
        m32 = jnp.where(m, 1, 0)
        rank = plsc.cumsum(m32) - m32
        a = cur + rank
        plsc.store_scatter(srcf, [a >> 7, a & 127], vs, mask=m)
        plsc.store_scatter(ldstf, [a >> 7, a & 127], l, mask=m)
        return cur + _popcnt(m)

    cur = lax.fori_loop(0, STRIP_ROWS * 8, fbody, 0)
    nb = (cur + 127) >> 7
    lim = nb * 128

    def pbody(k, _):
        a = cur + k * 16 + iot
        m = a < lim
        psrc = 50000 + (a & 1023)
        plsc.store_scatter(srcf, [a >> 7, a & 127], psrc, mask=m)
        plsc.store_scatter(ldstf, [a >> 7, a & 127], TRASH + (a & 127),
                           mask=m)
        return 0

    lax.fori_loop(0, 8, pbody, 0)
    return nb


def _deg_body(ed_hbm, deg_hbm, dacc, ed_v, srcf, ldstf,
              ones_v, degb, sem_s):
    c = lax.axis_index("c")
    s = lax.axis_index("s")

    def initv(i, _):
        ones_v[pl.ds(i * 16, 16)] = jnp.ones((16,), jnp.float32)
        degb[pl.ds(i * 16, 16)] = jnp.zeros((16,), jnp.float32)
        return 0

    lax.fori_loop(0, 8, initv, 0)

    z0 = s * ZROWS_T

    def zbody(i, _):
        pltpu.sync_copy(degb.at[pl.ds(0, 128)],
                        dacc.at[pl.ds(z0 + i * 128, 128)])
        return 0

    lax.fori_loop(0, ZROWS_T // 128, zbody, 0)
    rem = ZROWS_T - (ZROWS_T // 128) * 128
    if rem:
        pltpu.sync_copy(degb.at[pl.ds(0, rem)],
                        dacc.at[pl.ds(z0 + ZROWS_T - rem, rem)])
    plsc.subcore_barrier()

    base = c * HALF

    def strip(st, _):
        row0 = s * EROWS_PER_TILE + st * STRIP_ROWS
        pltpu.sync_copy(ed_hbm.at[pl.ds(row0, STRIP_ROWS)], ed_v)
        nb = _filter_strip(ed_v, srcf, ldstf, base)

        def bloop(b, _):
            pltpu.async_copy(ones_v, dacc.at[ldstf.at[b]], sem_s, add=True)
            return 0

        lax.fori_loop(0, nb, bloop, 0)

        def bdrain(b, _):
            pltpu.make_async_copy(ones_v, dacc.at[ldstf.at[b]], sem_s).wait()
            return 0

        lax.fori_loop(0, nb, bdrain, 0)
        return 0

    lax.fori_loop(0, NSTRIPS, strip, 0)
    plsc.subcore_barrier()

    lb = s * ROWS_PER_TILE
    pltpu.sync_copy(dacc.at[pl.ds(lb, ROWS_PER_TILE)], degb)
    pltpu.sync_copy(degb, deg_hbm.at[pl.ds(c * HALF + lb, ROWS_PER_TILE)])


def _layer_body(ed_hbm, y_hbm, de_hbm, d2_hbm, tin_hbm,
                yout_hbm, tout_hbm,
                acc, ed_v, srcf, ldstf, rows_v, sem_g, sem_s):
    c = lax.axis_index("c")
    s = lax.axis_index("s")

    _zero_rows(rows_v, 128)
    _zero_acc(acc, rows_v, s)
    plsc.subcore_barrier()

    base = c * HALF

    def strip(st, _):
        row0 = s * EROWS_PER_TILE + st * STRIP_ROWS
        pltpu.sync_copy(ed_hbm.at[pl.ds(row0, STRIP_ROWS)], ed_v)
        nb = _filter_strip(ed_v, srcf, ldstf, base)

        @pl.when(nb > 0)
        def _():
            pltpu.async_copy(y_hbm.at[srcf.at[0]],
                             rows_v.at[pl.ds(0, 128)], sem_g)

        def bloop(b, _):
            slot = (b & 1) * 128
            nslot = 128 - slot
            pltpu.make_async_copy(y_hbm.at[srcf.at[b]],
                                  rows_v.at[pl.ds(slot, 128)], sem_g).wait()

            @pl.when(b > 0)
            def _():
                pltpu.make_async_copy(rows_v.at[pl.ds(nslot, 128)],
                                      acc.at[ldstf.at[b - 1]], sem_s).wait()

            pltpu.async_copy(rows_v.at[pl.ds(slot, 128)],
                             acc.at[ldstf.at[b]], sem_s, add=True)

            @pl.when(b + 1 < nb)
            def _():
                pltpu.async_copy(y_hbm.at[srcf.at[b + 1]],
                                 rows_v.at[pl.ds(nslot, 128)], sem_g)

            return 0

        lax.fori_loop(0, nb, bloop, 0)

        @pl.when(nb > 0)
        def _():
            lastslot = ((nb - 1) & 1) * 128
            pltpu.make_async_copy(rows_v.at[pl.ds(lastslot, 128)],
                                  acc.at[ldstf.at[nb - 1]], sem_s).wait()

        return 0

    lax.fori_loop(0, NSTRIPS, strip, 0)
    plsc.subcore_barrier()

    lb = s * ROWS_PER_TILE

    def bstep(k, _):
        r0 = lb + k * BCHUNK
        g0 = c * HALF + r0
        pltpu.sync_copy(acc.at[pl.ds(r0, BCHUNK)], rows_v.at[pl.ds(0, BCHUNK)])
        pltpu.sync_copy(de_hbm.at[pl.ds(g0, BCHUNK)],
                        rows_v.at[pl.ds(64, BCHUNK)])
        pltpu.sync_copy(d2_hbm.at[pl.ds(g0, BCHUNK)],
                        rows_v.at[pl.ds(128, BCHUNK)])
        pltpu.sync_copy(tin_hbm.at[pl.ds(g0, BCHUNK)],
                        rows_v.at[pl.ds(192, BCHUNK)])

        def rowop(i, _):
            for q in range(4):
                sl = pl.ds(q * 16, 16)
                a = rows_v[i, sl]
                rows_v[192 + i, sl] = (rows_v[192 + i, sl]
                                       + 0.25 * (rows_v[64 + i, sl] * a))
                rows_v[i, sl] = rows_v[128 + i, sl] * a
            return 0

        lax.fori_loop(0, BCHUNK, rowop, 0)
        pltpu.sync_copy(rows_v.at[pl.ds(192, BCHUNK)],
                        tout_hbm.at[pl.ds(g0, BCHUNK)])
        pltpu.sync_copy(rows_v.at[pl.ds(0, BCHUNK)],
                        yout_hbm.at[pl.ds(g0, BCHUNK)])
        return 0

    lax.fori_loop(0, BSTEPS, bstep, 0)


def _setup_tc_body(deg_ref, w_ref, de_ref, d2_ref, y0_ref, t0_ref):
    d = deg_ref[:, :]
    dis = jnp.where(d >= 0.5, lax.rsqrt(jnp.maximum(d, 1e-12)), 0.0)
    w = w_ref[:, :]
    de = jnp.broadcast_to(dis, w.shape)
    de_ref[:, :] = de
    d2_ref[:, :] = de * de
    y0_ref[:, :] = de * w
    t0_ref[:, :] = 0.25 * w


_SETUP_BR = 512


def _deg_call(ed2d):
    f = pl.kernel(
        _deg_body,
        out_type=jax.ShapeDtypeStruct((N_PAD,), jnp.float32),
        mesh=_MESH,
        scratch_types=[
            pltpu.VMEM_SHARED((ACC_ROWS,), jnp.float32),
            pltpu.VMEM((STRIP_ROWS, 256), jnp.int32),
            pltpu.VMEM((FROWS, 128), jnp.int32),
            pltpu.VMEM((FROWS, 128), jnp.int32),
            pltpu.VMEM((128,), jnp.float32),
            pltpu.VMEM((ROWS_PER_TILE,), jnp.float32),
            pltpu.SemaphoreType.DMA,
        ],
        compiler_params=pltpu.CompilerParams(use_tc_tiling_on_sc=False, needs_layout_passes=False),
    )
    return f(ed2d)


def _setup_call(deg, w_pad):
    grid = (N_PAD // _SETUP_BR,)
    bs_deg = pl.BlockSpec((_SETUP_BR, 1), lambda i: (i, 0))
    bs = pl.BlockSpec((_SETUP_BR, D), lambda i: (i, 0))
    out = jax.ShapeDtypeStruct((N_PAD, D), jnp.float32)
    return pl.pallas_call(
        _setup_tc_body,
        grid=grid,
        in_specs=[bs_deg, bs],
        out_specs=[bs, bs, bs, bs],
        out_shape=[out, out, out, out],
    )(deg, w_pad)


def _layer_call(ed2d, y, de, d2, t):
    out = jax.ShapeDtypeStruct((N_PAD, D), jnp.float32)
    f = pl.kernel(
        _layer_body,
        out_type=(out, out),
        mesh=_MESH,
        scratch_types=[
            pltpu.VMEM_SHARED((ACC_ROWS, D), jnp.float32),
            pltpu.VMEM((STRIP_ROWS, 256), jnp.int32),
            pltpu.VMEM((FROWS, 128), jnp.int32),
            pltpu.VMEM((FROWS, 128), jnp.int32),
            pltpu.VMEM((256, D), jnp.float32),
            pltpu.SemaphoreType.DMA,
            pltpu.SemaphoreType.DMA,
        ],
        compiler_params=pltpu.CompilerParams(use_tc_tiling_on_sc=False, needs_layout_passes=False),
    )
    return f(ed2d, y, de, d2, t)


def kernel(edge_index, weight):
    src = edge_index[0]
    dst = edge_index[1]
    pad = jnp.full((E_PAD - E,), 1 << 29, dtype=jnp.int32)
    src2d = jnp.concatenate([src, jnp.zeros((E_PAD - E,), jnp.int32)]
                            ).reshape(EROWS, 128)
    dst2d = jnp.concatenate([dst, pad]).reshape(EROWS, 128)
    ed2d = jnp.concatenate([src2d, dst2d], axis=1)
    w_pad = jnp.zeros((N_PAD, D), jnp.float32).at[:N_NODES].set(weight)

    deg = _deg_call(ed2d)
    de, d2, y, t = _setup_call(deg.reshape(N_PAD, 1), w_pad)
    for _ in range(LAYERS):
        y, t = _layer_call(ed2d, y, de, d2, t)

    return (t[:N_USERS], t[N_USERS:N_NODES])

# --- scband reference (transcript-rebuilt; emitter-appended) ---
"""Pipeline reference for scband-collaborative-light-gcn-80848464380031 (READ-ONLY COPY).

The authoritative reference and input builder live on the scoring server;
editing this copy changes nothing except your own understanding.
"""

import jax, jax.numpy as jnp
import numpy as np

NUM_USERS = 30000
NUM_ITEMS = 20000
DIM = 64
NUM_LAYERS = 3
N_EDGES = 800000


def setup_inputs(seed: int = 0) -> dict:
    key = jax.random.key(seed)
    k1, k2 = jax.random.split(key)
    n = NUM_USERS + NUM_ITEMS
    # xavier_uniform init for the embedding table (fan_in=n, fan_out=DIM)
    bound = float(np.sqrt(6.0 / (n + DIM)))
    weight = jax.random.uniform(k1, (n, DIM), minval=-bound, maxval=bound, dtype=jnp.float32)
    edge_index = jax.random.randint(k2, (2, N_EDGES), 0, n, dtype=jnp.int32)
    return {"edge_index": edge_index, "weight": weight}


def _lgconv(x, edge_index):
    # LGConv: symmetric gcn_norm without self-loops, then scatter-add of src messages to dst
    src = edge_index[0]
    dst = edge_index[1]
    n = x.shape[0]
    deg = jnp.zeros((n,), dtype=x.dtype).at[dst].add(1.0)
    deg_inv_sqrt = jnp.where(deg > 0, 1.0 / jnp.sqrt(jnp.maximum(deg, 1e-12)), 0.0)
    norm = deg_inv_sqrt[src] * deg_inv_sqrt[dst]
    msg = x[src] * norm[:, None]
    out = jnp.zeros_like(x).at[dst].add(msg)
    return out


def reference(edge_index, weight):
    emb = weight
    embs = [emb]
    for _ in range(NUM_LAYERS):
        emb = _lgconv(emb, edge_index)
        embs.append(emb)
    out = jnp.stack(embs, axis=1)
    out = jnp.mean(out, axis=1)
    user_emb = out[:NUM_USERS]
    item_emb = out[NUM_USERS:]
    return (user_emb, item_emb)

if __name__ == "__main__":
    import jax
    _d = setup_inputs()
    print(jax.jit(kernel)(*tuple(_d.values())))

</pallas_src>

<mosaic_0001>
#map = affine_map<(d0, d1) -> (0, 0)>
module attributes {stable_mosaic.version = 14 : i64} {
  func.func @_layer_body(%arg0: i32, %arg1: i32, %arg2: memref<6400x256xi32, #tpu.memory_space<hbm>>, %arg3: memref<51200x64xf32, #tpu.memory_space<hbm>>, %arg4: memref<51200x64xf32, #tpu.memory_space<hbm>>, %arg5: memref<51200x64xf32, #tpu.memory_space<hbm>>, %arg6: memref<51200x64xf32, #tpu.memory_space<hbm>>, %arg7: memref<51200x64xf32, #tpu.memory_space<hbm>>, %arg8: memref<51200x64xf32, #tpu.memory_space<hbm>>, %arg9: memref<25728x64xf32, #tpu.memory_space<vmem_shared>>, %arg10: memref<16x256xi32, #tpu.memory_space<vmem>>, %arg11: memref<17x128xi32, #tpu.memory_space<vmem>>, %arg12: memref<17x128xi32, #tpu.memory_space<vmem>>, %arg13: memref<256x64xf32, #tpu.memory_space<vmem>>, %arg14: memref<!tpu.dma_semaphore, #tpu.memory_space<semaphore_mem>>, %arg15: memref<!tpu.dma_semaphore, #tpu.memory_space<semaphore_mem>>) attributes {dimension_semantics = [#tpu.dimension_semantics<core_parallel>, #tpu.dimension_semantics<subcore_parallel>], iteration_bounds = array<i64: 2, 16>, scalar_prefetch = 0 : i64, scratch_operands = 7 : i64, tpu.core_type = #tpu.core_type<sc_vector_subcore>, window_params = [{transform_indices = #map}, {transform_indices = #map}, {transform_indices = #map}, {transform_indices = #map}, {transform_indices = #map}, {transform_indices = #map}, {transform_indices = #map}]} {
    %scan3A = arith.constant 0 : i32
    %scan3A_0 = arith.constant 0 : i32
    %scan3A_1 = arith.constant 128 : i32
    %scan3A_2 = arith.addi %scan3A_0, %scan3A_1 : i32
    %scan3A_3 = arith.constant 1 : i32
    %scan3A_4 = scf.for %scan3A_35 = %scan3A_0 to %scan3A_2 step %scan3A_3 iter_args(%scan3A_36 = %scan3A) -> (i32)  : i32 {
      %broadcast_in_dim3A = arith.constant 0.000000e+00 : f32
      %broadcast_in_dim3A_37 = vector.broadcast %broadcast_in_dim3A : f32 to vector<16xf32>
      %swap3A = arith.index_cast %scan3A_35 : i32 to index
      %swap3A_38 = arith.constant 0 : index
      %swap3A_39 = tpu.vector_load %arg13[%swap3A, %swap3A_38] {strides = array<i32>} : memref<256x64xf32, #tpu.memory_space<vmem>>, vector<16xf32>,
      tpu.vector_store %arg13[%swap3A, %swap3A_38], %broadcast_in_dim3A_37 {strides = array<i32>} : memref<256x64xf32, #tpu.memory_space<vmem>>, vector<16xf32>,
      %broadcast_in_dim3A_40 = arith.constant 0.000000e+00 : f32
      %broadcast_in_dim3A_41 = vector.broadcast %broadcast_in_dim3A_40 : f32 to vector<16xf32>
      %swap3A_42 = arith.index_cast %scan3A_35 : i32 to index
      %swap3A_43 = arith.constant 16 : index
      %swap3A_44 = tpu.vector_load %arg13[%swap3A_42, %swap3A_43] {strides = array<i32>} : memref<256x64xf32, #tpu.memory_space<vmem>>, vector<16xf32>,
      tpu.vector_store %arg13[%swap3A_42, %swap3A_43], %broadcast_in_dim3A_41 {strides = array<i32>} : memref<256x64xf32, #tpu.memory_space<vmem>>, vector<16xf32>,
      %broadcast_in_dim3A_45 = arith.constant 0.000000e+00 : f32
      %broadcast_in_dim3A_46 = vector.broadcast %broadcast_in_dim3A_45 : f32 to vector<16xf32>
      %swap3A_47 = arith.index_cast %scan3A_35 : i32 to index
      %swap3A_48 = arith.constant 32 : index
      %swap3A_49 = tpu.vector_load %arg13[%swap3A_47, %swap3A_48] {strides = array<i32>} : memref<256x64xf32, #tpu.memory_space<vmem>>, vector<16xf32>,
      tpu.vector_store %arg13[%swap3A_47, %swap3A_48], %broadcast_in_dim3A_46 {strides = array<i32>} : memref<256x64xf32, #tpu.memory_space<vmem>>, vector<16xf32>,
      %broadcast_in_dim3A_50 = arith.constant 0.000000e+00 : f32
      %broadcast_in_dim3A_51 = vector.broadcast %broadcast_in_dim3A_50 : f32 to vector<16xf32>
      %swap3A_52 = arith.index_cast %scan3A_35 : i32 to index
      %swap3A_53 = arith.constant 48 : index
      %swap3A_54 = tpu.vector_load %arg13[%swap3A_52, %swap3A_53] {strides = array<i32>} : memref<256x64xf32, #tpu.memory_space<vmem>>, vector<16xf32>,
      tpu.vector_store %arg13[%swap3A_52, %swap3A_53], %broadcast_in_dim3A_51 {strides = array<i32>} : memref<256x64xf32, #tpu.memory_space<vmem>>, vector<16xf32>,
      %scan3A_55 = arith.constant 0 : i32
      scf.yield %scan3A_55 : i32
    }
    %scan3A_5 = arith.constant 128 : i32
    %mul3A = arith.constant 1600 : i32
    %mul3A_6 = arith.muli %arg1, %mul3A : i32
    %scan3A_7 = arith.constant 0 : i32
    %scan3A_8 = arith.constant 0 : i32
    %scan3A_9 = arith.constant 12 : i32
    %scan3A_10 = arith.addi %scan3A_8, %scan3A_9 : i32
    %scan3A_11 = arith.constant 1 : i32
    %scan3A_12 = scf.for %scan3A_35 = %scan3A_8 to %scan3A_10 step %scan3A_11 iter_args(%scan3A_36 = %scan3A_7) -> (i32)  : i32 {
      %mul3A_37 = arith.constant 128 : i32
      %mul3A_38 = arith.muli %scan3A_35, %mul3A_37 : i32
      %add3A_39 = arith.addi %mul3A_6, %mul3A_38 : i32
      "tpu.region"() ({
        %run_scoped3A = tpu.sem_alloc : memref<!tpu.dma_semaphore, #tpu.memory_space<semaphore_mem>>
        %dma_start3A = arith.constant 0 : i32
        %dma_start3A_41 = arith.constant 0 : i32
        %dma_start3A_42 = tpu.memref_slice %arg13[%dma_start3A, %dma_start3A_41] : memref<256x64xf32, #tpu.memory_space<vmem>> -> memref<128x64xf32, #tpu.memory_space<vmem>>
        %dma_start3A_43 = arith.constant 0 : i32
        %dma_start3A_44 = tpu.memref_slice %arg9[%add3A_39, %dma_start3A_43] : memref<25728x64xf32, #tpu.memory_space<vmem_shared>> -> memref<128x64xf32, #tpu.memory_space<vmem_shared>>
        %dma_start3A_45 = arith.constant 0 : i32
        %dma_start3A_46 = tpu.memref_slice %arg9[%add3A_39, %dma_start3A_45] : memref<25728x64xf32, #tpu.memory_space<vmem_shared>> -> memref<128x64xf32, #tpu.memory_space<vmem_shared>>
        %dma_start3A_47 = arith.constant 0 : i32
        %dma_start3A_48 = arith.constant 0 : i32
        %dma_start3A_49 = tpu.memref_slice %arg13[%dma_start3A_47, %dma_start3A_48] : memref<256x64xf32, #tpu.memory_space<vmem>> -> memref<128x64xf32, #tpu.memory_space<vmem>>
        tpu.enqueue_dma source(%dma_start3A_49 : memref<128x64xf32, #tpu.memory_space<vmem>>) target(%dma_start3A_46 : memref<128x64xf32, #tpu.memory_space<vmem_shared>>) target_semaphore(%run_scoped3A : memref<!tpu.dma_semaphore, #tpu.memory_space<semaphore_mem>>)
        %dma_wait3A = arith.constant 0 : i32
        %dma_wait3A_50 = arith.constant 0 : i32
        %dma_wait3A_51 = tpu.memref_slice %arg13[%dma_wait3A, %dma_wait3A_50] : memref<256x64xf32, #tpu.memory_space<vmem>> -> memref<128x64xf32, #tpu.memory_space<vmem>>
        %dma_wait3A_52 = arith.constant 0 : i32
        %dma_wait3A_53 = tpu.memref_slice %arg9[%add3A_39, %dma_wait3A_52] : memref<25728x64xf32, #tpu.memory_space<vmem_shared>> -> memref<128x64xf32, #tpu.memory_space<vmem_shared>>
        %dma_wait3A_54 = arith.constant 0 : i32
        %dma_wait3A_55 = tpu.memref_slice %arg9[%add3A_39, %dma_wait3A_54] : memref<25728x64xf32, #tpu.memory_space<vmem_shared>> -> memref<128x64xf32, #tpu.memory_space<vmem_shared>>
        %dma_wait3A_56 = arith.constant 0 : i32
        %dma_wait3A_57 = arith.constant 0 : i32
        %dma_wait3A_58 = tpu.memref_slice %arg13[%dma_wait3A_56, %dma_wait3A_57] : memref<256x64xf32, #tpu.memory_space<vmem>> -> memref<128x64xf32, #tpu.memory_space<vmem>>
        tpu.wait_dma2 semaphore(%run_scoped3A : memref<!tpu.dma_semaphore, #tpu.memory_space<semaphore_mem>>) src(%dma_wait3A_58 : memref<128x64xf32, #tpu.memory_space<vmem>>) dst(%dma_wait3A_55 : memref<128x64xf32, #tpu.memory_space<vmem_shared>>)
        tpu.yield
      }) : () -> ()
      %scan3A_40 = arith.constant 0 : i32
      scf.yield %scan3A_40 : i32
    }
    %scan3A_13 = arith.constant 12 : i32
    %add3A = arith.constant 1600 : i32
    %add3A_14 = arith.addi %mul3A_6, %add3A : i32
    %sub3A = arith.constant 64 : i32
    %sub3A_15 = arith.subi %add3A_14, %sub3A : i32
    "tpu.region"() ({
      %run_scoped3A = tpu.sem_alloc : memref<!tpu.dma_semaphore, #tpu.memory_space<semaphore_mem>>
      %dma_start3A = arith.constant 0 : i32
      %dma_start3A_35 = arith.constant 0 : i32
      %dma_start3A_36 = tpu.memref_slice %arg13[%dma_start3A, %dma_start3A_35] : memref<256x64xf32, #tpu.memory_space<vmem>> -> memref<64x64xf32, #tpu.memory_space<vmem>>
      %dma_start3A_37 = arith.constant 0 : i32
      %dma_start3A_38 = tpu.memref_slice %arg9[%sub3A_15, %dma_start3A_37] : memref<25728x64xf32, #tpu.memory_space<vmem_shared>> -> memref<64x64xf32, #tpu.memory_space<vmem_shared>>
      %dma_start3A_39 = arith.constant 0 : i32
      %dma_start3A_40 = tpu.memref_slice %arg9[%sub3A_15, %dma_start3A_39] : memref<25728x64xf32, #tpu.memory_space<vmem_shared>> -> memref<64x64xf32, #tpu.memory_space<vmem_shared>>
      %dma_start3A_41 = arith.constant 0 : i32
      %dma_start3A_42 = arith.constant 0 : i32
      %dma_start3A_43 = tpu.memref_slice %arg13[%dma_start3A_41, %dma_start3A_42] : memref<256x64xf32, #tpu.memory_space<vmem>> -> memref<64x64xf32, #tpu.memory_space<vmem>>
      tpu.enqueue_dma source(%dma_start3A_43 : memref<64x64xf32, #tpu.memory_space<vmem>>) target(%dma_start3A_40 : memref<64x64xf32, #tpu.memory_space<vmem_shared>>) target_semaphore(%run_scoped3A : memref<!tpu.dma_semaphore, #tpu.memory_space<semaphore_mem>>)
      %dma_wait3A = arith.constant 0 : i32
      %dma_wait3A_44 = arith.constant 0 : i32
      %dma_wait3A_45 = tpu.memref_slice %arg13[%dma_wait3A, %dma_wait3A_44] : memref<256x64xf32, #tpu.memory_space<vmem>> -> memref<64x64xf32, #tpu.memory_space<vmem>>
      %dma_wait3A_46 = arith.constant 0 : i32
      %dma_wait3A_47 = tpu.memref_slice %arg9[%sub3A_15, %dma_wait3A_46] : memref<25728x64xf32, #tpu.memory_space<vmem_shared>> -> memref<64x64xf32, #tpu.memory_space<vmem_shared>>
      %dma_wait3A_48 = arith.constant 0 : i32
      %dma_wait3A_49 = tpu.memref_slice %arg9[%sub3A_15, %dma_wait3A_48] : memref<25728x64xf32, #tpu.memory_space<vmem_shared>> -> memref<64x64xf32, #tpu.memory_space<vmem_shared>>
      %dma_wait3A_50 = arith.constant 0 : i32
      %dma_wait3A_51 = arith.constant 0 : i32
      %dma_wait3A_52 = tpu.memref_slice %arg13[%dma_wait3A_50, %dma_wait3A_51] : memref<256x64xf32, #tpu.memory_space<vmem>> -> memref<64x64xf32, #tpu.memory_space<vmem>>
      tpu.wait_dma2 semaphore(%run_scoped3A : memref<!tpu.dma_semaphore, #tpu.memory_space<semaphore_mem>>) src(%dma_wait3A_52 : memref<64x64xf32, #tpu.memory_space<vmem>>) dst(%dma_wait3A_49 : memref<64x64xf32, #tpu.memory_space<vmem_shared>>)
      tpu.yield
    }) : () -> ()
    %barrier3A = arith.constant 0 : index
    tpu.barrier barrier_id(%barrier3A)
    %mul3A_16 = arith.constant 25600 : i32
    %mul3A_17 = arith.muli %arg0, %mul3A_16 : i32
    %scan3A_18 = arith.constant 0 : i32
    %scan3A_19 = arith.constant 0 : i32
    %scan3A_20 = arith.constant 25 : i32
    %scan3A_21 = arith.addi %scan3A_19, %scan3A_20 : i32
    %scan3A_22 = arith.constant 1 : i32
    %scan3A_23 = scf.for %scan3A_35 = %scan3A_19 to %scan3A_21 step %scan3A_22 iter_args(%scan3A_36 = %scan3A_18) -> (i32)  : i32 {
      %mul3A_37 = arith.constant 400 : i32
      %mul3A_38 = arith.muli %arg1, %mul3A_37 : i32
      %mul3A_39 = arith.constant 16 : i32
      %mul3A_40 = arith.muli %scan3A_35, %mul3A_39 : i32
      %add3A_41 = arith.addi %mul3A_38, %mul3A_40 : i32
      "tpu.region"() ({
        %run_scoped3A = tpu.sem_alloc : memref<!tpu.dma_semaphore, #tpu.memory_space<semaphore_mem>>
        %dma_start3A = arith.constant 0 : i32
        %dma_start3A_80 = tpu.memref_slice %arg2[%add3A_41, %dma_start3A] : memref<6400x256xi32, #tpu.memory_space<hbm>> -> memref<16x256xi32, #tpu.memory_space<hbm>>
        %dma_start3A_81 = arith.constant 0 : i32
        %dma_start3A_82 = tpu.memref_slice %arg2[%add3A_41, %dma_start3A_81] : memref<6400x256xi32, #tpu.memory_space<hbm>> -> memref<16x256xi32, #tpu.memory_space<hbm>>
        tpu.enqueue_dma source(%dma_start3A_82 : memref<16x256xi32, #tpu.memory_space<hbm>>) target(%arg10 : memref<16x256xi32, #tpu.memory_space<vmem>>) target_semaphore(%run_scoped3A : memref<!tpu.dma_semaphore, #tpu.memory_space<semaphore_mem>>)
        %dma_wait3A = arith.constant 0 : i32
        %dma_wait3A_83 = tpu.memref_slice %arg2[%add3A_41, %dma_wait3A] : memref<6400x256xi32, #tpu.memory_space<hbm>> -> memref<16x256xi32, #tpu.memory_space<hbm>>
        %dma_wait3A_84 = arith.constant 0 : i32
        %dma_wait3A_85 = tpu.memref_slice %arg2[%add3A_41, %dma_wait3A_84] : memref<6400x256xi32, #tpu.memory_space<hbm>> -> memref<16x256xi32, #tpu.memory_space<hbm>>
        tpu.wait_dma2 semaphore(%run_scoped3A : memref<!tpu.dma_semaphore, #tpu.memory_space<semaphore_mem>>) src(%dma_wait3A_85 : memref<16x256xi32, #tpu.memory_space<hbm>>) dst(%arg10 : memref<16x256xi32, #tpu.memory_space<vmem>>)
        tpu.yield
      }) : () -> ()
      %iota3A = tpu.iota {dimensions = array<i32: 0>} : vector<16xi32>
      %scan3A_42 = arith.constant 0 : i32
      %scan3A_43 = arith.constant 0 : i32
      %scan3A_44 = arith.constant 128 : i32
      %scan3A_45 = arith.addi %scan3A_43, %scan3A_44 : i32
      %scan3A_46 = arith.constant 1 : i32
      %scan3A_47 = scf.for %scan3A_80 = %scan3A_43 to %scan3A_45 step %scan3A_46 iter_args(%scan3A_81 = %scan3A_42) -> (i32)  : i32 {
        %shift_right_arithmetic3A_82 = arith.constant 3 : i32
        %shift_right_arithmetic3A_83 = arith.shrsi %scan3A_80, %shift_right_arithmetic3A_82 : i32
        %and3A = arith.constant 7 : i32
        %and3A_84 = arith.andi %scan3A_80, %and3A : i32
        %mul3A_85 = arith.constant 16 : i32
        %mul3A_86 = arith.muli %and3A_84, %mul3A_85 : i32
        %mul3A_87 = arith.constant 16 : i32
        %mul3A_88 = arith.muli %and3A_84, %mul3A_87 : i32
        %add3A_89 = arith.constant 128 : i32
        %add3A_90 = arith.addi %add3A_89, %mul3A_88 : i32
        %get3A = arith.index_cast %shift_right_arithmetic3A_83 : i32 to index
        %get3A_91 = arith.index_cast %add3A_90 : i32 to index
        %get3A_92 = tpu.vector_load %arg10[%get3A, %get3A_91] {strides = array<i32>} : memref<16x256xi32, #tpu.memory_space<vmem>>, vector<16xi32>,
        %get3A_93 = arith.index_cast %shift_right_arithmetic3A_83 : i32 to index
        %get3A_94 = arith.index_cast %mul3A_86 : i32 to index
        %get3A_95 = tpu.vector_load %arg10[%get3A_93, %get3A_94] {strides = array<i32>} : memref<16x256xi32, #tpu.memory_space<vmem>>, vector<16xi32>,
        %sub3A_96 = vector.broadcast %mul3A_17 : i32 to vector<16xi32>
        %sub3A_97 = arith.subi %get3A_92, %sub3A_96 : vector<16xi32>
        %ge3A = arith.constant 0 : i32
        %ge3A_98 = vector.broadcast %ge3A : i32 to vector<16xi32>
        %ge3A_99 = arith.cmpi sge, %sub3A_97, %ge3A_98 : vector<16xi32>
        %lt3A = arith.constant 25600 : i32
        %lt3A_100 = vector.broadcast %lt3A : i32 to vector<16xi32>
        %lt3A_101 = arith.cmpi slt, %sub3A_97, %lt3A_100 : vector<16xi32>
        %and3A_102 = arith.andi %ge3A_99, %lt3A_101 : vector<16xi1>
        %jit3A = arith.constant 1 : i32
        %jit3A_103 = arith.constant 0 : i32
        %broadcast_in_dim3A = vector.broadcast %jit3A : i32 to vector<16xi32>
        %broadcast_in_dim3A_104 = vector.broadcast %jit3A_103 : i32 to vector<16xi32>
        %select_n3A = arith.select %and3A_102, %broadcast_in_dim3A, %broadcast_in_dim3A_104 : vector<16xi1>, vector<16xi32>
        %broadcast_in_dim3A_105 = arith.constant true
        %broadcast_in_dim3A_106 = vector.broadcast %broadcast_in_dim3A_105 : i1 to vector<16xi1>
        %masked_cumsum3A = tpu.scan <sum>, %select_n3A masked %broadcast_in_dim3A_106 : vector<16xi32>, vector<16xi1> -> vector<16xi32>
        %sub3A_107 = arith.subi %masked_cumsum3A, %select_n3A : vector<16xi32>
        %add3A_108 = vector.broadcast %scan3A_81 : i32 to vector<16xi32>
        %add3A_109 = arith.addi %add3A_108, %sub3A_107 : vector<16xi32>
        %shift_right_arithmetic3A_110 = arith.constant 7 : i32
        %shift_right_arithmetic3A_111 = vector.broadcast %shift_right_arithmetic3A_110 : i32 to vector<16xi32>
        %shift_right_arithmetic3A_112 = arith.shrsi %add3A_109, %shift_right_arithmetic3A_111 : vector<16xi32>
        %and3A_113 = arith.constant 127 : i32
        %and3A_114 = vector.broadcast %and3A_113 : i32 to vector<16xi32>
        %and3A_115 = arith.andi %add3A_109, %and3A_114 : vector<16xi32>
        tpu.vector_store_idx %arg11[%shift_right_arithmetic3A_112, %and3A_115], %get3A_95 masked %and3A_102 : memref<17x128xi32, #tpu.memory_space<vmem>>[vector<16xi32>, vector<16xi32>], vector<16xi32>, vector<16xi1>
        %shift_right_arithmetic3A_116 = arith.constant 7 : i32
        %shift_right_arithmetic3A_117 = vector.broadcast %shift_right_arithmetic3A_116 : i32 to vector<16xi32>
        %shift_right_arithmetic3A_118 = arith.shrsi %add3A_109, %shift_right_arithmetic3A_117 : vector<16xi32>
        %and3A_119 = arith.constant 127 : i32
        %and3A_120 = vector.broadcast %and3A_119 : i32 to vector<16xi32>
        %and3A_121 = arith.andi %add3A_109, %and3A_120 : vector<16xi32>
        tpu.vector_store_idx %arg12[%shift_right_arithmetic3A_118, %and3A_121], %sub3A_97 masked %and3A_102 : memref<17x128xi32, #tpu.memory_space<vmem>>[vector<16xi32>, vector<16xi32>], vector<16xi32>, vector<16xi1>
        %all_reduce_population_count3A = tpu.all_reduce %and3A_102 {dim = 0 : i64, kind = #tpu.reduction_kind<sum>} : vector<16xi1> -> vector<16xi32>
        %slice3A = vector.extract_strided_slice %all_reduce_population_count3A {offsets = [0], sizes = [1], strides = [1]} : vector<16xi32> to vector<1xi32>
        %squeeze3A = vector.extract %slice3A[0] : i32 from vector<1xi32>
        %add3A_122 = arith.addi %scan3A_81, %squeeze3A : i32
        scf.yield %add3A_122 : i32
      }
      %scan3A_48 = arith.constant 128 : i32
      %add3A_49 = arith.constant 127 : i32
      %add3A_50 = arith.addi %scan3A_47, %add3A_49 : i32
      %shift_right_arithmetic3A = arith.constant 7 : i32
      %shift_right_arithmetic3A_51 = arith.shrsi %add3A_50, %shift_right_arithmetic3A : i32
      %mul3A_52 = arith.constant 128 : i32
      %mul3A_53 = arith.muli %shift_right_arithmetic3A_51, %mul3A_52 : i32
      %scan3A_54 = arith.constant 0 : i32
      %scan3A_55 = arith.constant 0 : i32
      %scan3A_56 = arith.constant 8 : i32
      %scan3A_57 = arith.addi %scan3A_55, %scan3A_56 : i32
      %scan3A_58 = arith.constant 1 : i32
      %scan3A_59 = scf.for %scan3A_80 = %scan3A_55 to %scan3A_57 step %scan3A_58 iter_args(%scan3A_81 = %scan3A_54) -> (i32)  : i32 {
        %mul3A_82 = arith.constant 16 : i32
        %mul3A_83 = arith.muli %scan3A_80, %mul3A_82 : i32
        %add3A_84 = arith.addi %scan3A_47, %mul3A_83 : i32
        %add3A_85 = vector.broadcast %add3A_84 : i32 to vector<16xi32>
        %add3A_86 = arith.addi %add3A_85, %iota3A : vector<16xi32>
        %lt3A = vector.broadcast %mul3A_53 : i32 to vector<16xi32>
        %lt3A_87 = arith.cmpi slt, %add3A_86, %lt3A : vector<16xi32>
        %and3A = arith.constant 1023 : i32
        %and3A_88 = vector.broadcast %and3A : i32 to vector<16xi32>
        %and3A_89 = arith.andi %add3A_86, %and3A_88 : vector<16xi32>
        %add3A_90 = arith.constant 50000 : i32
        %add3A_91 = vector.broadcast %add3A_90 : i32 to vector<16xi32>
        %add3A_92 = arith.addi %add3A_91, %and3A_89 : vector<16xi32>
        %shift_right_arithmetic3A_93 = arith.constant 7 : i32
        %shift_right_arithmetic3A_94 = vector.broadcast %shift_right_arithmetic3A_93 : i32 to vector<16xi32>
        %shift_right_arithmetic3A_95 = arith.shrsi %add3A_86, %shift_right_arithmetic3A_94 : vector<16xi32>
        %and3A_96 = arith.constant 127 : i32
        %and3A_97 = vector.broadcast %and3A_96 : i32 to vector<16xi32>
        %and3A_98 = arith.andi %add3A_86, %and3A_97 : vector<16xi32>
        tpu.vector_store_idx %arg11[%shift_right_arithmetic3A_95, %and3A_98], %add3A_92 masked %lt3A_87 : memref<17x128xi32, #tpu.memory_space<vmem>>[vector<16xi32>, vector<16xi32>], vector<16xi32>, vector<16xi1>
        %shift_right_arithmetic3A_99 = arith.constant 7 : i32
        %shift_right_arithmetic3A_100 = vector.broadcast %shift_right_arithmetic3A_99 : i32 to vector<16xi32>
        %shift_right_arithmetic3A_101 = arith.shrsi %add3A_86, %shift_right_arithmetic3A_100 : vector<16xi32>
        %and3A_102 = arith.constant 127 : i32
        %and3A_103 = vector.broadcast %and3A_102 : i32 to vector<16xi32>
        %and3A_104 = arith.andi %add3A_86, %and3A_103 : vector<16xi32>
        %and3A_105 = arith.constant 127 : i32
        %and3A_106 = vector.broadcast %and3A_105 : i32 to vector<16xi32>
        %and3A_107 = arith.andi %add3A_86, %and3A_106 : vector<16xi32>
        %add3A_108 = arith.constant 25600 : i32
        %add3A_109 = vector.broadcast %add3A_108 : i32 to vector<16xi32>
        %add3A_110 = arith.addi %add3A_109, %and3A_107 : vector<16xi32>
        tpu.vector_store_idx %arg12[%shift_right_arithmetic3A_101, %and3A_104], %add3A_110 masked %lt3A_87 : memref<17x128xi32, #tpu.memory_space<vmem>>[vector<16xi32>, vector<16xi32>], vector<16xi32>, vector<16xi1>
        %scan3A_111 = arith.constant 0 : i32
        scf.yield %scan3A_111 : i32
      }
      %scan3A_60 = arith.constant 8 : i32
      %gt3A = arith.constant 0 : i32
      %gt3A_61 = arith.cmpi sgt, %shift_right_arithmetic3A_51, %gt3A : i32
      %convert_element_type3A = arith.extui %gt3A_61 : i1 to i32
      %cond3A = arith.constant 0 : i32
      %cond3A_62 = arith.cmpi ne, %convert_element_type3A, %cond3A : i32
      scf.if %cond3A_62 {
        %dma_start3A = arith.constant 0 : i32
        %dma_start3A_80 = arith.constant 0 : i32
        %dma_start3A_81 = arith.constant 0 : i32
        %dma_start3A_82 = tpu.memref_slice %arg13[%dma_start3A_80, %dma_start3A_81] : memref<256x64xf32, #tpu.memory_space<vmem>> -> memref<128x64xf32, #tpu.memory_space<vmem>>
        %dma_start3A_83 = arith.constant 0 : i32
        %dma_start3A_84 = tpu.memref_slice %arg11[%dma_start3A, %dma_start3A_83] : memref<17x128xi32, #tpu.memory_space<vmem>> -> memref<1x128xi32, #tpu.memory_space<vmem>>
        %dma_start3A_85 = tpu.memref_squeeze %dma_start3A_84 : memref<1x128xi32, #tpu.memory_space<vmem>> -> memref<128xi32, #tpu.memory_space<vmem>>
        %dma_start3A_86 = arith.constant 0 : i32
        %dma_start3A_87 = arith.constant 0 : i32
        %dma_start3A_88 = tpu.memref_slice %arg3[%dma_start3A_86, %dma_start3A_87] : memref<51200x64xf32, #tpu.memory_space<hbm>> -> memref<51200x64xf32, #tpu.memory_space<hbm>>
        tpu.enqueue_indirect_dma source(%dma_start3A_88 : memref<51200x64xf32, #tpu.memory_space<hbm>>) target(%dma_start3A_82 : memref<128x64xf32, #tpu.memory_space<vmem>>) offsets(%dma_start3A_85 : memref<128xi32, #tpu.memory_space<vmem>>) semaphore(%arg14 : memref<!tpu.dma_semaphore, #tpu.memory_space<semaphore_mem>>)
      } else {
      }
      %while3A = arith.constant 0 : i32
      %while3A_63 = arith.constant 0 : i32
      %while3A_64 = arith.subi %shift_right_arithmetic3A_51, %while3A : i32
      %while3A_65 = arith.addi %while3A, %while3A_64 : i32
      %while3A_66 = arith.constant 1 : i32
      %while3A_67 = arith.divsi %while3A_64, %while3A_66 : i32
      %while3A_68 = arith.muli %while3A_67, %while3A_66 : i32
      %while3A_69 = arith.addi %while3A, %while3A_68 : i32
      %while3A_70 = arith.constant 1 : i32
      %while3A_71 = scf.for %while3A_80 = %while3A to %while3A_69 step %while3A_70 iter_args(%while3A_81 = %while3A_63) -> (i32)  : i32 {
        %and3A = arith.constant 1 : i32
        %and3A_82 = arith.andi %while3A_80, %and3A : i32
        %mul3A_83 = arith.constant 128 : i32
        %mul3A_84 = arith.muli %and3A_82, %mul3A_83 : i32
        %sub3A_85 = arith.constant 128 : i32
        %sub3A_86 = arith.subi %sub3A_85, %mul3A_84 : i32
        %dma_wait3A = arith.constant 0 : i32
        %dma_wait3A_87 = tpu.memref_slice %arg13[%mul3A_84, %dma_wait3A] : memref<256x64xf32, #tpu.memory_space<vmem>> -> memref<128x64xf32, #tpu.memory_space<vmem>>
        %dma_wait3A_88 = arith.constant 0 : i32
        %dma_wait3A_89 = tpu.memref_slice %arg11[%while3A_80, %dma_wait3A_88] : memref<17x128xi32, #tpu.memory_space<vmem>> -> memref<1x128xi32, #tpu.memory_space<vmem>>
        %dma_wait3A_90 = tpu.memref_squeeze %dma_wait3A_89 : memref<1x128xi32, #tpu.memory_space<vmem>> -> memref<128xi32, #tpu.memory_space<vmem>>
        %dma_wait3A_91 = arith.constant 0 : i32
        %dma_wait3A_92 = arith.constant 0 : i32
        %dma_wait3A_93 = tpu.memref_slice %arg3[%dma_wait3A_91, %dma_wait3A_92] : memref<51200x64xf32, #tpu.memory_space<hbm>> -> memref<51200x64xf32, #tpu.memory_space<hbm>>
        tpu.wait_indirect_dma semaphore(%arg14 : memref<!tpu.dma_semaphore, #tpu.memory_space<semaphore_mem>>) src(%dma_wait3A_93 : memref<51200x64xf32, #tpu.memory_space<hbm>>) dst(%dma_wait3A_87 : memref<128x64xf32, #tpu.memory_space<vmem>>)
        %gt3A_94 = arith.constant 0 : i32
        %gt3A_95 = arith.cmpi sgt, %while3A_80, %gt3A_94 : i32
        %convert_element_type3A_96 = arith.extui %gt3A_95 : i1 to i32
        %cond3A_97 = arith.constant 0 : i32
        %cond3A_98 = arith.cmpi ne, %convert_element_type3A_96, %cond3A_97 : i32
        scf.if %cond3A_98 {
          %sub3A_112 = arith.constant 1 : i32
          %sub3A_113 = arith.subi %while3A_80, %sub3A_112 : i32
          %dma_wait3A_114 = arith.constant 0 : i32
          %dma_wait3A_115 = tpu.memref_slice %arg13[%sub3A_86, %dma_wait3A_114] : memref<256x64xf32, #tpu.memory_space<vmem>> -> memref<128x64xf32, #tpu.memory_space<vmem>>
          %dma_wait3A_116 = arith.constant 0 : i32
          %dma_wait3A_117 = tpu.memref_slice %arg12[%sub3A_113, %dma_wait3A_116] : memref<17x128xi32, #tpu.memory_space<vmem>> -> memref<1x128xi32, #tpu.memory_space<vmem>>
          %dma_wait3A_118 = tpu.memref_squeeze %dma_wait3A_117 : memref<1x128xi32, #tpu.memory_space<vmem>> -> memref<128xi32, #tpu.memory_space<vmem>>
          %dma_wait3A_119 = arith.constant 0 : i32
          %dma_wait3A_120 = arith.constant 0 : i32
          %dma_wait3A_121 = tpu.memref_slice %arg9[%dma_wait3A_119, %dma_wait3A_120] : memref<25728x64xf32, #tpu.memory_space<vmem_shared>> -> memref<25728x64xf32, #tpu.memory_space<vmem_shared>>
          tpu.wait_indirect_dma semaphore(%arg15 : memref<!tpu.dma_semaphore, #tpu.memory_space<semaphore_mem>>) src(%dma_wait3A_115 : memref<128x64xf32, #tpu.memory_space<vmem>>) dst(%dma_wait3A_121 : memref<25728x64xf32, #tpu.memory_space<vmem_shared>>)
        } else {
        }
        %dma_start3A = arith.constant 0 : i32
        %dma_start3A_99 = tpu.memref_slice %arg13[%mul3A_84, %dma_start3A] : memref<256x64xf32, #tpu.memory_space<vmem>> -> memref<128x64xf32, #tpu.memory_space<vmem>>
        %dma_start3A_100 = arith.constant 0 : i32
        %dma_start3A_101 = tpu.memref_slice %arg12[%while3A_80, %dma_start3A_100] : memref<17x128xi32, #tpu.memory_space<vmem>> -> memref<1x128xi32, #tpu.memory_space<vmem>>
        %dma_start3A_102 = tpu.memref_squeeze %dma_start3A_101 : memref<1x128xi32, #tpu.memory_space<vmem>> -> memref<128xi32, #tpu.memory_space<vmem>>
        %dma_start3A_103 = arith.constant 0 : i32
        %dma_start3A_104 = arith.constant 0 : i32
        %dma_start3A_105 = tpu.memref_slice %arg9[%dma_start3A_103, %dma_start3A_104] : memref<25728x64xf32, #tpu.memory_space<vmem_shared>> -> memref<25728x64xf32, #tpu.memory_space<vmem_shared>>
        tpu.enqueue_indirect_dma source(%dma_start3A_99 : memref<128x64xf32, #tpu.memory_space<vmem>>) target(%dma_start3A_105 : memref<25728x64xf32, #tpu.memory_space<vmem_shared>>) offsets(%dma_start3A_102 : memref<128xi32, #tpu.memory_space<vmem>>) semaphore(%arg15 : memref<!tpu.dma_semaphore, #tpu.memory_space<semaphore_mem>>) {add = true}
        %add3A_106 = arith.constant 1 : i32
        %add3A_107 = arith.addi %while3A_80, %add3A_106 : i32
        %lt3A = arith.cmpi slt, %add3A_107, %shift_right_arithmetic3A_51 : i32
        %convert_element_type3A_108 = arith.extui %lt3A : i1 to i32
        %cond3A_109 = arith.constant 0 : i32
        %cond3A_110 = arith.cmpi ne, %convert_element_type3A_108, %cond3A_109 : i32
        scf.if %cond3A_110 {
          %add3A_112 = arith.constant 1 : i32
          %add3A_113 = arith.addi %while3A_80, %add3A_112 : i32
          %dma_start3A_114 = arith.constant 0 : i32
          %dma_start3A_115 = tpu.memref_slice %arg13[%sub3A_86, %dma_start3A_114] : memref<256x64xf32, #tpu.memory_space<vmem>> -> memref<128x64xf32, #tpu.memory_space<vmem>>
          %dma_start3A_116 = arith.constant 0 : i32
          %dma_start3A_117 = tpu.memref_slice %arg11[%add3A_113, %dma_start3A_116] : memref<17x128xi32, #tpu.memory_space<vmem>> -> memref<1x128xi32, #tpu.memory_space<vmem>>
          %dma_start3A_118 = tpu.memref_squeeze %dma_start3A_117 : memref<1x128xi32, #tpu.memory_space<vmem>> -> memref<128xi32, #tpu.memory_space<vmem>>
          %dma_start3A_119 = arith.constant 0 : i32
          %dma_start3A_120 = arith.constant 0 : i32
          %dma_start3A_121 = tpu.memref_slice %arg3[%dma_start3A_119, %dma_start3A_120] : memref<51200x64xf32, #tpu.memory_space<hbm>> -> memref<51200x64xf32, #tpu.memory_space<hbm>>
          tpu.enqueue_indirect_dma source(%dma_start3A_121 : memref<51200x64xf32, #tpu.memory_space<hbm>>) target(%dma_start3A_115 : memref<128x64xf32, #tpu.memory_space<vmem>>) offsets(%dma_start3A_118 : memref<128xi32, #tpu.memory_space<vmem>>) semaphore(%arg14 : memref<!tpu.dma_semaphore, #tpu.memory_space<semaphore_mem>>)
        } else {
        }
        %while3A_111 = arith.constant 0 : i32
        scf.yield %while3A_111 : i32
      }
      %while3A_72 = arith.constant 1 : i32
      %while3A_73 = scf.for %while3A_80 = %while3A_69 to %while3A_65 step %while3A_72 iter_args(%while3A_81 = %while3A_71) -> (i32)  : i32 {
        %and3A = arith.constant 1 : i32
        %and3A_82 = arith.andi %while3A_80, %and3A : i32
        %mul3A_83 = arith.constant 128 : i32
        %mul3A_84 = arith.muli %and3A_82, %mul3A_83 : i32
        %sub3A_85 = arith.constant 128 : i32
        %sub3A_86 = arith.subi %sub3A_85, %mul3A_84 : i32
        %dma_wait3A = arith.constant 0 : i32
        %dma_wait3A_87 = tpu.memref_slice %arg13[%mul3A_84, %dma_wait3A] : memref<256x64xf32, #tpu.memory_space<vmem>> -> memref<128x64xf32, #tpu.memory_space<vmem>>
        %dma_wait3A_88 = arith.constant 0 : i32
        %dma_wait3A_89 = tpu.memref_slice %arg11[%while3A_80, %dma_wait3A_88] : memref<17x128xi32, #tpu.memory_space<vmem>> -> memref<1x128xi32, #tpu.memory_space<vmem>>
        %dma_wait3A_90 = tpu.memref_squeeze %dma_wait3A_89 : memref<1x128xi32, #tpu.memory_space<vmem>> -> memref<128xi32, #tpu.memory_space<vmem>>
        %dma_wait3A_91 = arith.constant 0 : i32
        %dma_wait3A_92 = arith.constant 0 : i32
        %dma_wait3A_93 = tpu.memref_slice %arg3[%dma_wait3A_91, %dma_wait3A_92] : memref<51200x64xf32, #tpu.memory_space<hbm>> -> memref<51200x64xf32, #tpu.memory_space<hbm>>
        tpu.wait_indirect_dma semaphore(%arg14 : memref<!tpu.dma_semaphore, #tpu.memory_space<semaphore_mem>>) src(%dma_wait3A_93 : memref<51200x64xf32, #tpu.memory_space<hbm>>) dst(%dma_wait3A_87 : memref<128x64xf32, #tpu.memory_space<vmem>>)
        %gt3A_94 = arith.constant 0 : i32
        %gt3A_95 = arith.cmpi sgt, %while3A_80, %gt3A_94 : i32
        %convert_element_type3A_96 = arith.extui %gt3A_95 : i1 to i32
        %cond3A_97 = arith.constant 0 : i32
        %cond3A_98 = arith.cmpi ne, %convert_element_type3A_96, %cond3A_97 : i32
        scf.if %cond3A_98 {
          %sub3A_112 = arith.constant 1 : i32
          %sub3A_113 = arith.subi %while3A_80, %sub3A_112 : i32
          %dma_wait3A_114 = arith.constant 0 : i32
          %dma_wait3A_115 = tpu.memref_slice %arg13[%sub3A_86, %dma_wait3A_114] : memref<256x64xf32, #tpu.memory_space<vmem>> -> memref<128x64xf32, #tpu.memory_space<vmem>>
          %dma_wait3A_116 = arith.constant 0 : i32
          %dma_wait3A_117 = tpu.memref_slice %arg12[%sub3A_113, %dma_wait3A_116] : memref<17x128xi32, #tpu.memory_space<vmem>> -> memref<1x128xi32, #tpu.memory_space<vmem>>
          %dma_wait3A_118 = tpu.memref_squeeze %dma_wait3A_117 : memref<1x128xi32, #tpu.memory_space<vmem>> -> memref<128xi32, #tpu.memory_space<vmem>>
          %dma_wait3A_119 = arith.constant 0 : i32
          %dma_wait3A_120 = arith.constant 0 : i32
          %dma_wait3A_121 = tpu.memref_slice %arg9[%dma_wait3A_119, %dma_wait3A_120] : memref<25728x64xf32, #tpu.memory_space<vmem_shared>> -> memref<25728x64xf32, #tpu.memory_space<vmem_shared>>
          tpu.wait_indirect_dma semaphore(%arg15 : memref<!tpu.dma_semaphore, #tpu.memory_space<semaphore_mem>>) src(%dma_wait3A_115 : memref<128x64xf32, #tpu.memory_space<vmem>>) dst(%dma_wait3A_121 : memref<25728x64xf32, #tpu.memory_space<vmem_shared>>)
        } else {
        }
        %dma_start3A = arith.constant 0 : i32
        %dma_start3A_99 = tpu.memref_slice %arg13[%mul3A_84, %dma_start3A] : memref<256x64xf32, #tpu.memory_space<vmem>> -> memref<128x64xf32, #tpu.memory_space<vmem>>
        %dma_start3A_100 = arith.constant 0 : i32
        %dma_start3A_101 = tpu.memref_slice %arg12[%while3A_80, %dma_start3A_100] : memref<17x128xi32, #tpu.memory_space<vmem>> -> memref<1x128xi32, #tpu.memory_space<vmem>>
        %dma_start3A_102 = tpu.memref_squeeze %dma_start3A_101 : memref<1x128xi32, #tpu.memory_space<vmem>> -> memref<128xi32, #tpu.memory_space<vmem>>
        %dma_start3A_103 = arith.constant 0 : i32
        %dma_start3A_104 = arith.constant 0 : i32
        %dma_start3A_105 = tpu.memref_slice %arg9[%dma_start3A_103, %dma_start3A_104] : memref<25728x64xf32, #tpu.memory_space<vmem_shared>> -> memref<25728x64xf32, #tpu.memory_space<vmem_shared>>
        tpu.enqueue_indirect_dma source(%dma_start3A_99 : memref<128x64xf32, #tpu.memory_space<vmem>>) target(%dma_start3A_105 : memref<25728x64xf32, #tpu.memory_space<vmem_shared>>) offsets(%dma_start3A_102 : memref<128xi32, #tpu.memory_space<vmem>>) semaphore(%arg15 : memref<!tpu.dma_semaphore, #tpu.memory_space<semaphore_mem>>) {add = true}
        %add3A_106 = arith.constant 1 : i32
        %add3A_107 = arith.addi %while3A_80, %add3A_106 : i32
        %lt3A = arith.cmpi slt, %add3A_107, %shift_right_arithmetic3A_51 : i32
        %convert_element_type3A_108 = arith.extui %lt3A : i1 to i32
        %cond3A_109 = arith.constant 0 : i32
        %cond3A_110 = arith.cmpi ne, %convert_element_type3A_108, %cond3A_109 : i32
        scf.if %cond3A_110 {
          %add3A_112 = arith.constant 1 : i32
          %add3A_113 = arith.addi %while3A_80, %add3A_112 : i32
          %dma_start3A_114 = arith.constant 0 : i32
          %dma_start3A_115 = tpu.memref_slice %arg13[%sub3A_86, %dma_start3A_114] : memref<256x64xf32, #tpu.memory_space<vmem>> -> memref<128x64xf32, #tpu.memory_space<vmem>>
          %dma_start3A_116 = arith.constant 0 : i32
          %dma_start3A_117 = tpu.memref_slice %arg11[%add3A_113, %dma_start3A_116] : memref<17x128xi32, #tpu.memory_space<vmem>> -> memref<1x128xi32, #tpu.memory_space<vmem>>
          %dma_start3A_118 = tpu.memref_squeeze %dma_start3A_117 : memref<1x128xi32, #tpu.memory_space<vmem>> -> memref<128xi32, #tpu.memory_space<vmem>>
          %dma_start3A_119 = arith.constant 0 : i32
          %dma_start3A_120 = arith.constant 0 : i32
          %dma_start3A_121 = tpu.memref_slice %arg3[%dma_start3A_119, %dma_start3A_120] : memref<51200x64xf32, #tpu.memory_space<hbm>> -> memref<51200x64xf32, #tpu.memory_space<hbm>>
          tpu.enqueue_indirect_dma source(%dma_start3A_121 : memref<51200x64xf32, #tpu.memory_space<hbm>>) target(%dma_start3A_115 : memref<128x64xf32, #tpu.memory_space<vmem>>) offsets(%dma_start3A_118 : memref<128xi32, #tpu.memory_space<vmem>>) semaphore(%arg14 : memref<!tpu.dma_semaphore, #tpu.memory_space<semaphore_mem>>)
        } else {
        }
        %while3A_111 = arith.constant 0 : i32
        scf.yield %while3A_111 : i32
      }
      %gt3A_74 = arith.constant 0 : i32
      %gt3A_75 = arith.cmpi sgt, %shift_right_arithmetic3A_51, %gt3A_74 : i32
      %convert_element_type3A_76 = arith.extui %gt3A_75 : i1 to i32
      %cond3A_77 = arith.constant 0 : i32
      %cond3A_78 = arith.cmpi ne, %convert_element_type3A_76, %cond3A_77 : i32
      scf.if %cond3A_78 {
        %sub3A_80 = arith.constant 1 : i32
        %sub3A_81 = arith.subi %shift_right_arithmetic3A_51, %sub3A_80 : i32
        %and3A = arith.constant 1 : i32
        %and3A_82 = arith.andi %sub3A_81, %and3A : i32
        %mul3A_83 = arith.constant 128 : i32
        %mul3A_84 = arith.muli %and3A_82, %mul3A_83 : i32
        %sub3A_85 = arith.constant 1 : i32
        %sub3A_86 = arith.subi %shift_right_arithmetic3A_51, %sub3A_85 : i32
        %dma_wait3A = arith.constant 0 : i32
        %dma_wait3A_87 = tpu.memref_slice %arg13[%mul3A_84, %dma_wait3A] : memref<256x64xf32, #tpu.memory_space<vmem>> -> memref<128x64xf32, #tpu.memory_space<vmem>>
        %dma_wait3A_88 = arith.constant 0 : i32
        %dma_wait3A_89 = tpu.memref_slice %arg12[%sub3A_86, %dma_wait3A_88] : memref<17x128xi32, #tpu.memory_space<vmem>> -> memref<1x128xi32, #tpu.memory_space<vmem>>
        %dma_wait3A_90 = tpu.memref_squeeze %dma_wait3A_89 : memref<1x128xi32, #tpu.memory_space<vmem>> -> memref<128xi32, #tpu.memory_space<vmem>>
        %dma_wait3A_91 = arith.constant 0 : i32
        %dma_wait3A_92 = arith.constant 0 : i32
        %dma_wait3A_93 = tpu.memref_slice %arg9[%dma_wait3A_91, %dma_wait3A_92] : memref<25728x64xf32, #tpu.memory_space<vmem_shared>> -> memref<25728x64xf32, #tpu.memory_space<vmem_shared>>
        tpu.wait_indirect_dma semaphore(%arg15 : memref<!tpu.dma_semaphore, #tpu.memory_space<semaphore_mem>>) src(%dma_wait3A_87 : memref<128x64xf32, #tpu.memory_space<vmem>>) dst(%dma_wait3A_93 : memref<25728x64xf32, #tpu.memory_space<vmem_shared>>)
      } else {
      }
      %scan3A_79 = arith.constant 0 : i32
      scf.yield %scan3A_79 : i32
    }
    %scan3A_24 = arith.constant 25 : i32
    %barrier3A_25 = arith.constant 0 : index
    tpu.barrier barrier_id(%barrier3A_25)
    %mul3A_26 = arith.constant 1600 : i32
    %mul3A_27 = arith.muli %arg1, %mul3A_26 : i32
    %scan3A_28 = arith.constant 0 : i32
    %scan3A_29 = arith.constant 0 : i32
    %scan3A_30 = arith.constant 25 : i32
    %scan3A_31 = arith.addi %scan3A_29, %scan3A_30 : i32
    %scan3A_32 = arith.constant 1 : i32
    %scan3A_33 = scf.for %scan3A_35 = %scan3A_29 to %scan3A_31 step %scan3A_32 iter_args(%scan3A_36 = %scan3A_28) -> (i32)  : i32 {
      %mul3A_37 = arith.constant 64 : i32
      %mul3A_38 = arith.muli %scan3A_35, %mul3A_37 : i32
      %add3A_39 = arith.addi %mul3A_27, %mul3A_38 : i32
      %mul3A_40 = arith.constant 25600 : i32
      %mul3A_41 = arith.muli %arg0, %mul3A_40 : i32
      %add3A_42 = arith.addi %mul3A_41, %add3A_39 : i32
      "tpu.region"() ({
        %run_scoped3A = tpu.sem_alloc : memref<!tpu.dma_semaphore, #tpu.memory_space<semaphore_mem>>
        %dma_start3A = arith.constant 0 : i32
        %dma_start3A_51 = arith.constant 0 : i32
        %dma_start3A_52 = tpu.memref_slice %arg13[%dma_start3A, %dma_start3A_51] : memref<256x64xf32, #tpu.memory_space<vmem>> -> memref<64x64xf32, #tpu.memory_space<vmem>>
        %dma_start3A_53 = arith.constant 0 : i32
        %dma_start3A_54 = tpu.memref_slice %arg9[%add3A_39, %dma_start3A_53] : memref<25728x64xf32, #tpu.memory_space<vmem_shared>> -> memref<64x64xf32, #tpu.memory_space<vmem_shared>>
        %dma_start3A_55 = arith.constant 0 : i32
        %dma_start3A_56 = arith.constant 0 : i32
        %dma_start3A_57 = tpu.memref_slice %arg13[%dma_start3A_55, %dma_start3A_56] : memref<256x64xf32, #tpu.memory_space<vmem>> -> memref<64x64xf32, #tpu.memory_space<vmem>>
        %dma_start3A_58 = arith.constant 0 : i32
        %dma_start3A_59 = tpu.memref_slice %arg9[%add3A_39, %dma_start3A_58] : memref<25728x64xf32, #tpu.memory_space<vmem_shared>> -> memref<64x64xf32, #tpu.memory_space<vmem_shared>>
        tpu.enqueue_dma source(%dma_start3A_59 : memref<64x64xf32, #tpu.memory_space<vmem_shared>>) target(%dma_start3A_57 : memref<64x64xf32, #tpu.memory_space<vmem>>) target_semaphore(%run_scoped3A : memref<!tpu.dma_semaphore, #tpu.memory_space<semaphore_mem>>)
        %dma_wait3A = arith.constant 0 : i32
        %dma_wait3A_60 = arith.constant 0 : i32
        %dma_wait3A_61 = tpu.memref_slice %arg13[%dma_wait3A, %dma_wait3A_60] : memref<256x64xf32, #tpu.memory_space<vmem>> -> memref<64x64xf32, #tpu.memory_space<vmem>>
        %dma_wait3A_62 = arith.constant 0 : i32
        %dma_wait3A_63 = tpu.memref_slice %arg9[%add3A_39, %dma_wait3A_62] : memref<25728x64xf32, #tpu.memory_space<vmem_shared>> -> memref<64x64xf32, #tpu.memory_space<vmem_shared>>
        %dma_wait3A_64 = arith.constant 0 : i32
        %dma_wait3A_65 = arith.constant 0 : i32
        %dma_wait3A_66 = tpu.memref_slice %arg13[%dma_wait3A_64, %dma_wait3A_65] : memref<256x64xf32, #tpu.memory_space<vmem>> -> memref<64x64xf32, #tpu.memory_space<vmem>>
        %dma_wait3A_67 = arith.constant 0 : i32
        %dma_wait3A_68 = tpu.memref_slice %arg9[%add3A_39, %dma_wait3A_67] : memref<25728x64xf32, #tpu.memory_space<vmem_shared>> -> memref<64x64xf32, #tpu.memory_space<vmem_shared>>
        tpu.wait_dma2 semaphore(%run_scoped3A : memref<!tpu.dma_semaphore, #tpu.memory_space<semaphore_mem>>) src(%dma_wait3A_68 : memref<64x64xf32, #tpu.memory_space<vmem_shared>>) dst(%dma_wait3A_66 : memref<64x64xf32, #tpu.memory_space<vmem>>)
        tpu.yield
      }) : () -> ()
      "tpu.region"() ({
        %run_scoped3A = tpu.sem_alloc : memref<!tpu.dma_semaphore, #tpu.memory_space<semaphore_mem>>
        %dma_start3A = arith.constant 64 : i32
        %dma_start3A_51 = arith.constant 0 : i32
        %dma_start3A_52 = tpu.memref_slice %arg13[%dma_start3A, %dma_start3A_51] : memref<256x64xf32, #tpu.memory_space<vmem>> -> memref<64x64xf32, #tpu.memory_space<vmem>>
        %dma_start3A_53 = arith.constant 0 : i32
        %dma_start3A_54 = tpu.memref_slice %arg4[%add3A_42, %dma_start3A_53] : memref<51200x64xf32, #tpu.memory_space<hbm>> -> memref<64x64xf32, #tpu.memory_space<hbm>>
        %dma_start3A_55 = arith.constant 64 : i32
        %dma_start3A_56 = arith.constant 0 : i32
        %dma_start3A_57 = tpu.memref_slice %arg13[%dma_start3A_55, %dma_start3A_56] : memref<256x64xf32, #tpu.memory_space<vmem>> -> memref<64x64xf32, #tpu.memory_space<vmem>>
        %dma_start3A_58 = arith.constant 0 : i32
        %dma_start3A_59 = tpu.memref_slice %arg4[%add3A_42, %dma_start3A_58] : memref<51200x64xf32, #tpu.memory_space<hbm>> -> memref<64x64xf32, #tpu.memory_space<hbm>>
        tpu.enqueue_dma source(%dma_start3A_59 : memref<64x64xf32, #tpu.memory_space<hbm>>) target(%dma_start3A_57 : memref<64x64xf32, #tpu.memory_space<vmem>>) target_semaphore(%run_scoped3A : memref<!tpu.dma_semaphore, #tpu.memory_space<semaphore_mem>>)
        %dma_wait3A = arith.constant 64 : i32
        %dma_wait3A_60 = arith.constant 0 : i32
        %dma_wait3A_61 = tpu.memref_slice %arg13[%dma_wait3A, %dma_wait3A_60] : memref<256x64xf32, #tpu.memory_space<vmem>> -> memref<64x64xf32, #tpu.memory_space<vmem>>
        %dma_wait3A_62 = arith.constant 0 : i32
        %dma_wait3A_63 = tpu.memref_slice %arg4[%add3A_42, %dma_wait3A_62] : memref<51200x64xf32, #tpu.memory_space<hbm>> -> memref<64x64xf32, #tpu.memory_space<hbm>>
        %dma_wait3A_64 = arith.constant 64 : i32
        %dma_wait3A_65 = arith.constant 0 : i32
        %dma_wait3A_66 = tpu.memref_slice %arg13[%dma_wait3A_64, %dma_wait3A_65] : memref<256x64xf32, #tpu.memory_space<vmem>> -> memref<64x64xf32, #tpu.memory_space<vmem>>
        %dma_wait3A_67 = arith.constant 0 : i32
        %dma_wait3A_68 = tpu.memref_slice %arg4[%add3A_42, %dma_wait3A_67] : memref<51200x64xf32, #tpu.memory_space<hbm>> -> memref<64x64xf32, #tpu.memory_space<hbm>>
        tpu.wait_dma2 semaphore(%run_scoped3A : memref<!tpu.dma_semaphore, #tpu.memory_space<semaphore_mem>>) src(%dma_wait3A_68 : memref<64x64xf32, #tpu.memory_space<hbm>>) dst(%dma_wait3A_66 : memref<64x64xf32, #tpu.memory_space<vmem>>)
        tpu.yield
      }) : () -> ()
      "tpu.region"() ({
        %run_scoped3A = tpu.sem_alloc : memref<!tpu.dma_semaphore, #tpu.memory_space<semaphore_mem>>
        %dma_start3A = arith.constant 128 : i32
        %dma_start3A_51 = arith.constant 0 : i32
        %dma_start3A_52 = tpu.memref_slice %arg13[%dma_start3A, %dma_start3A_51] : memref<256x64xf32, #tpu.memory_space<vmem>> -> memref<64x64xf32, #tpu.memory_space<vmem>>
        %dma_start3A_53 = arith.constant 0 : i32
        %dma_start3A_54 = tpu.memref_slice %arg5[%add3A_42, %dma_start3A_53] : memref<51200x64xf32, #tpu.memory_space<hbm>> -> memref<64x64xf32, #tpu.memory_space<hbm>>
        %dma_start3A_55 = arith.constant 128 : i32
        %dma_start3A_56 = arith.constant 0 : i32
        %dma_start3A_57 = tpu.memref_slice %arg13[%dma_start3A_55, %dma_start3A_56] : memref<256x64xf32, #tpu.memory_space<vmem>> -> memref<64x64xf32, #tpu.memory_space<vmem>>
        %dma_start3A_58 = arith.constant 0 : i32
        %dma_start3A_59 = tpu.memref_slice %arg5[%add3A_42, %dma_start3A_58] : memref<51200x64xf32, #tpu.memory_space<hbm>> -> memref<64x64xf32, #tpu.memory_space<hbm>>
        tpu.enqueue_dma source(%dma_start3A_59 : memref<64x64xf32, #tpu.memory_space<hbm>>) target(%dma_start3A_57 : memref<64x64xf32, #tpu.memory_space<vmem>>) target_semaphore(%run_scoped3A : memref<!tpu.dma_semaphore, #tpu.memory_space<semaphore_mem>>)
        %dma_wait3A = arith.constant 128 : i32
        %dma_wait3A_60 = arith.constant 0 : i32
        %dma_wait3A_61 = tpu.memref_slice %arg13[%dma_wait3A, %dma_wait3A_60] : memref<256x64xf32, #tpu.memory_space<vmem>> -> memref<64x64xf32, #tpu.memory_space<vmem>>
        %dma_wait3A_62 = arith.constant 0 : i32
        %dma_wait3A_63 = tpu.memref_slice %arg5[%add3A_42, %dma_wait3A_62] : memref<51200x64xf32, #tpu.memory_space<hbm>> -> memref<64x64xf32, #tpu.memory_space<hbm>>
        %dma_wait3A_64 = arith.constant 128 : i32
        %dma_wait3A_65 = arith.constant 0 : i32
        %dma_wait3A_66 = tpu.memref_slice %arg13[%dma_wait3A_64, %dma_wait3A_65] : memref<256x64xf32, #tpu.memory_space<vmem>> -> memref<64x64xf32, #tpu.memory_space<vmem>>
        %dma_wait3A_67 = arith.constant 0 : i32
        %dma_wait3A_68 = tpu.memref_slice %arg5[%add3A_42, %dma_wait3A_67] : memref<51200x64xf32, #tpu.memory_space<hbm>> -> memref<64x64xf32, #tpu.memory_space<hbm>>
        tpu.wait_dma2 semaphore(%run_scoped3A : memref<!tpu.dma_semaphore, #tpu.memory_space<semaphore_mem>>) src(%dma_wait3A_68 : memref<64x64xf32, #tpu.memory_space<hbm>>) dst(%dma_wait3A_66 : memref<64x64xf32, #tpu.memory_space<vmem>>)
        tpu.yield
      }) : () -> ()
      "tpu.region"() ({
        %run_scoped3A = tpu.sem_alloc : memref<!tpu.dma_semaphore, #tpu.memory_space<semaphore_mem>>
        %dma_start3A = arith.constant 192 : i32
        %dma_start3A_51 = arith.constant 0 : i32
        %dma_start3A_52 = tpu.memref_slice %arg13[%dma_start3A, %dma_start3A_51] : memref<256x64xf32, #tpu.memory_space<vmem>> -> memref<64x64xf32, #tpu.memory_space<vmem>>
        %dma_start3A_53 = arith.constant 0 : i32
        %dma_start3A_54 = tpu.memref_slice %arg6[%add3A_42, %dma_start3A_53] : memref<51200x64xf32, #tpu.memory_space<hbm>> -> memref<64x64xf32, #tpu.memory_space<hbm>>
        %dma_start3A_55 = arith.constant 192 : i32
        %dma_start3A_56 = arith.constant 0 : i32
        %dma_start3A_57 = tpu.memref_slice %arg13[%dma_start3A_55, %dma_start3A_56] : memref<256x64xf32, #tpu.memory_space<vmem>> -> memref<64x64xf32, #tpu.memory_space<vmem>>
        %dma_start3A_58 = arith.constant 0 : i32
        %dma_start3A_59 = tpu.memref_slice %arg6[%add3A_42, %dma_start3A_58] : memref<51200x64xf32, #tpu.memory_space<hbm>> -> memref<64x64xf32, #tpu.memory_space<hbm>>
        tpu.enqueue_dma source(%dma_start3A_59 : memref<64x64xf32, #tpu.memory_space<hbm>>) target(%dma_start3A_57 : memref<64x64xf32, #tpu.memory_space<vmem>>) target_semaphore(%run_scoped3A : memref<!tpu.dma_semaphore, #tpu.memory_space<semaphore_mem>>)
        %dma_wait3A = arith.constant 192 : i32
        %dma_wait3A_60 = arith.constant 0 : i32
        %dma_wait3A_61 = tpu.memref_slice %arg13[%dma_wait3A, %dma_wait3A_60] : memref<256x64xf32, #tpu.memory_space<vmem>> -> memref<64x64xf32, #tpu.memory_space<vmem>>
        %dma_wait3A_62 = arith.constant 0 : i32
        %dma_wait3A_63 = tpu.memref_slice %arg6[%add3A_42, %dma_wait3A_62] : memref<51200x64xf32, #tpu.memory_space<hbm>> -> memref<64x64xf32, #tpu.memory_space<hbm>>
        %dma_wait3A_64 = arith.constant 192 : i32
        %dma_wait3A_65 = arith.constant 0 : i32
        %dma_wait3A_66 = tpu.memref_slice %arg13[%dma_wait3A_64, %dma_wait3A_65] : memref<256x64xf32, #tpu.memory_space<vmem>> -> memref<64x64xf32, #tpu.memory_space<vmem>>
        %dma_wait3A_67 = arith.constant 0 : i32
        %dma_wait3A_68 = tpu.memref_slice %arg6[%add3A_42, %dma_wait3A_67] : memref<51200x64xf32, #tpu.memory_space<hbm>> -> memref<64x64xf32, #tpu.memory_space<hbm>>
        tpu.wait_dma2 semaphore(%run_scoped3A : memref<!tpu.dma_semaphore, #tpu.memory_space<semaphore_mem>>) src(%dma_wait3A_68 : memref<64x64xf32, #tpu.memory_space<hbm>>) dst(%dma_wait3A_66 : memref<64x64xf32, #tpu.memory_space<vmem>>)
        tpu.yield
      }) : () -> ()
      %scan3A_43 = arith.constant 0 : i32
      %scan3A_44 = arith.constant 0 : i32
      %scan3A_45 = arith.constant 64 : i32
      %scan3A_46 = arith.addi %scan3A_44, %scan3A_45 : i32
      %scan3A_47 = arith.constant 1 : i32
      %scan3A_48 = scf.for %scan3A_51 = %scan3A_44 to %scan3A_46 step %scan3A_47 iter_args(%scan3A_52 = %scan3A_43) -> (i32)  : i32 {
        %get3A = arith.index_cast %scan3A_51 : i32 to index
        %get3A_53 = arith.constant 0 : index
        %get3A_54 = tpu.vector_load %arg13[%get3A, %get3A_53] {strides = array<i32>} : memref<256x64xf32, #tpu.memory_space<vmem>>, vector<16xf32>,
        %add3A_55 = arith.constant 192 : i32
        %add3A_56 = arith.addi %add3A_55, %scan3A_51 : i32
        %get3A_57 = arith.index_cast %add3A_56 : i32 to index
        %get3A_58 = arith.constant 0 : index
        %get3A_59 = tpu.vector_load %arg13[%get3A_57, %get3A_58] {strides = array<i32>} : memref<256x64xf32, #tpu.memory_space<vmem>>, vector<16xf32>,
        %add3A_60 = arith.constant 64 : i32
        %add3A_61 = arith.addi %add3A_60, %scan3A_51 : i32
        %get3A_62 = arith.index_cast %add3A_61 : i32 to index
        %get3A_63 = arith.constant 0 : index
        %get3A_64 = tpu.vector_load %arg13[%get3A_62, %get3A_63] {strides = array<i32>} : memref<256x64xf32, #tpu.memory_space<vmem>>, vector<16xf32>,
        %mul3A_65 = arith.mulf %get3A_64, %get3A_54 : vector<16xf32>
        %mul3A_66 = arith.constant 2.500000e-01 : f32
        %mul3A_67 = vector.broadcast %mul3A_66 : f32 to vector<16xf32>
        %mul3A_68 = arith.mulf %mul3A_67, %mul3A_65 : vector<16xf32>
        %add3A_69 = arith.addf %get3A_59, %mul3A_68 : vector<16xf32>
        %add3A_70 = arith.constant 192 : i32
        %add3A_71 = arith.addi %add3A_70, %scan3A_51 : i32
        %swap3A = arith.index_cast %add3A_71 : i32 to index
        %swap3A_72 = arith.constant 0 : index
        %swap3A_73 = tpu.vector_load %arg13[%swap3A, %swap3A_72] {strides = array<i32>} : memref<256x64xf32, #tpu.memory_space<vmem>>, vector<16xf32>,
        tpu.vector_store %arg13[%swap3A, %swap3A_72], %add3A_69 {strides = array<i32>} : memref<256x64xf32, #tpu.memory_space<vmem>>, vector<16xf32>,
        %add3A_74 = arith.constant 128 : i32
        %add3A_75 = arith.addi %add3A_74, %scan3A_51 : i32
        %get3A_76 = arith.index_cast %add3A_75 : i32 to index
        %get3A_77 = arith.constant 0 : index
        %get3A_78 = tpu.vector_load %arg13[%get3A_76, %get3A_77] {strides = array<i32>} : memref<256x64xf32, #tpu.memory_space<vmem>>, vector<16xf32>,
        %mul3A_79 = arith.mulf %get3A_78, %get3A_54 : vector<16xf32>
        %swap3A_80 = arith.index_cast %scan3A_51 : i32 to index
        %swap3A_81 = arith.constant 0 : index
        %swap3A_82 = tpu.vector_load %arg13[%swap3A_80, %swap3A_81] {strides = array<i32>} : memref<256x64xf32, #tpu.memory_space<vmem>>, vector<16xf32>,
        tpu.vector_store %arg13[%swap3A_80, %swap3A_81], %mul3A_79 {strides = array<i32>} : memref<256x64xf32, #tpu.memory_space<vmem>>, vector<16xf32>,
        %get3A_83 = arith.index_cast %scan3A_51 : i32 to index
        %get3A_84 = arith.constant 16 : index
        %get3A_85 = tpu.vector_load %arg13[%get3A_83, %get3A_84] {strides = array<i32>} : memref<256x64xf32, #tpu.memory_space<vmem>>, vector<16xf32>,
        %add3A_86 = arith.constant 192 : i32
        %add3A_87 = arith.addi %add3A_86, %scan3A_51 : i32
        %get3A_88 = arith.index_cast %add3A_87 : i32 to index
        %get3A_89 = arith.constant 16 : index
        %get3A_90 = tpu.vector_load %arg13[%get3A_88, %get3A_89] {strides = array<i32>} : memref<256x64xf32, #tpu.memory_space<vmem>>, vector<16xf32>,
        %add3A_91 = arith.constant 64 : i32
        %add3A_92 = arith.addi %add3A_91, %scan3A_51 : i32
        %get3A_93 = arith.index_cast %add3A_92 : i32 to index
        %get3A_94 = arith.constant 16 : index
        %get3A_95 = tpu.vector_load %arg13[%get3A_93, %get3A_94] {strides = array<i32>} : memref<256x64xf32, #tpu.memory_space<vmem>>, vector<16xf32>,
        %mul3A_96 = arith.mulf %get3A_95, %get3A_85 : vector<16xf32>
        %mul3A_97 = arith.constant 2.500000e-01 : f32
        %mul3A_98 = vector.broadcast %mul3A_97 : f32 to vector<16xf32>
        %mul3A_99 = arith.mulf %mul3A_98, %mul3A_96 : vector<16xf32>
        %add3A_100 = arith.addf %get3A_90, %mul3A_99 : vector<16xf32>
        %add3A_101 = arith.constant 192 : i32
        %add3A_102 = arith.addi %add3A_101, %scan3A_51 : i32
        %swap3A_103 = arith.index_cast %add3A_102 : i32 to index
        %swap3A_104 = arith.constant 16 : index
        %swap3A_105 = tpu.vector_load %arg13[%swap3A_103, %swap3A_104] {strides = array<i32>} : memref<256x64xf32, #tpu.memory_space<vmem>>, vector<16xf32>,
        tpu.vector_store %arg13[%swap3A_103, %swap3A_104], %add3A_100 {strides = array<i32>} : memref<256x64xf32, #tpu.memory_space<vmem>>, vector<16xf32>,
        %add3A_106 = arith.constant 128 : i32
        %add3A_107 = arith.addi %add3A_106, %scan3A_51 : i32
        %get3A_108 = arith.index_cast %add3A_107 : i32 to index
        %get3A_109 = arith.constant 16 : index
        %get3A_110 = tpu.vector_load %arg13[%get3A_108, %get3A_109] {strides = array<i32>} : memref<256x64xf32, #tpu.memory_space<vmem>>, vector<16xf32>,
        %mul3A_111 = arith.mulf %get3A_110, %get3A_85 : vector<16xf32>
        %swap3A_112 = arith.index_cast %scan3A_51 : i32 to index
        %swap3A_113 = arith.constant 16 : index
        %swap3A_114 = tpu.vector_load %arg13[%swap3A_112, %swap3A_113] {strides = array<i32>} : memref<256x64xf32, #tpu.memory_space<vmem>>, vector<16xf32>,
        tpu.vector_store %arg13[%swap3A_112, %swap3A_113], %mul3A_111 {strides = array<i32>} : memref<256x64xf32, #tpu.memory_space<vmem>>, vector<16xf32>,
        %get3A_115 = arith.index_cast %scan3A_51 : i32 to index
        %get3A_116 = arith.constant 32 : index
        %get3A_117 = tpu.vector_load %arg13[%get3A_115, %get3A_116] {strides = array<i32>} : memref<256x64xf32, #tpu.memory_space<vmem>>, vector<16xf32>,
        %add3A_118 = arith.constant 192 : i32
        %add3A_119 = arith.addi %add3A_118, %scan3A_51 : i32
        %get3A_120 = arith.index_cast %add3A_119 : i32 to index
        %get3A_121 = arith.constant 32 : index
        %get3A_122 = tpu.vector_load %arg13[%get3A_120, %get3A_121] {strides = array<i32>} : memref<256x64xf32, #tpu.memory_space<vmem>>, vector<16xf32>,
        %add3A_123 = arith.constant 64 : i32
        %add3A_124 = arith.addi %add3A_123, %scan3A_51 : i32
        %get3A_125 = arith.index_cast %add3A_124 : i32 to index
        %get3A_126 = arith.constant 32 : index
        %get3A_127 = tpu.vector_load %arg13[%get3A_125, %get3A_126] {strides = array<i32>} : memref<256x64xf32, #tpu.memory_space<vmem>>, vector<16xf32>,
        %mul3A_128 = arith.mulf %get3A_127, %get3A_117 : vector<16xf32>
        %mul3A_129 = arith.constant 2.500000e-01 : f32
        %mul3A_130 = vector.broadcast %mul3A_129 : f32 to vector<16xf32>
        %mul3A_131 = arith.mulf %mul3A_130, %mul3A_128 : vector<16xf32>
        %add3A_132 = arith.addf %get3A_122, %mul3A_131 : vector<16xf32>
        %add3A_133 = arith.constant 192 : i32
        %add3A_134 = arith.addi %add3A_133, %scan3A_51 : i32
        %swap3A_135 = arith.index_cast %add3A_134 : i32 to index
        %swap3A_136 = arith.constant 32 : index
        %swap3A_137 = tpu.vector_load %arg13[%swap3A_135, %swap3A_136] {strides = array<i32>} : memref<256x64xf32, #tpu.memory_space<vmem>>, vector<16xf32>,
        tpu.vector_store %arg13[%swap3A_135, %swap3A_136], %add3A_132 {strides = array<i32>} : memref<256x64xf32, #tpu.memory_space<vmem>>, vector<16xf32>,
        %add3A_138 = arith.constant 128 : i32
        %add3A_139 = arith.addi %add3A_138, %scan3A_51 : i32
        %get3A_140 = arith.index_cast %add3A_139 : i32 to index
        %get3A_141 = arith.constant 32 : index
        %get3A_142 = tpu.vector_load %arg13[%get3A_140, %get3A_141] {strides = array<i32>} : memref<256x64xf32, #tpu.memory_space<vmem>>, vector<16xf32>,
        %mul3A_143 = arith.mulf %get3A_142, %get3A_117 : vector<16xf32>
        %swap3A_144 = arith.index_cast %scan3A_51 : i32 to index
        %swap3A_145 = arith.constant 32 : index
        %swap3A_146 = tpu.vector_load %arg13[%swap3A_144, %swap3A_145] {strides = array<i32>} : memref<256x64xf32, #tpu.memory_space<vmem>>, vector<16xf32>,
        tpu.vector_store %arg13[%swap3A_144, %swap3A_145], %mul3A_143 {strides = array<i32>} : memref<256x64xf32, #tpu.memory_space<vmem>>, vector<16xf32>,
        %get3A_147 = arith.index_cast %scan3A_51 : i32 to index
        %get3A_148 = arith.constant 48 : index
        %get3A_149 = tpu.vector_load %arg13[%get3A_147, %get3A_148] {strides = array<i32>} : memref<256x64xf32, #tpu.memory_space<vmem>>, vector<16xf32>,
        %add3A_150 = arith.constant 192 : i32
        %add3A_151 = arith.addi %add3A_150, %scan3A_51 : i32
        %get3A_152 = arith.index_cast %add3A_151 : i32 to index
        %get3A_153 = arith.constant 48 : index
        %get3A_154 = tpu.vector_load %arg13[%get3A_152, %get3A_153] {strides = array<i32>} : memref<256x64xf32, #tpu.memory_space<vmem>>, vector<16xf32>,
        %add3A_155 = arith.constant 64 : i32
        %add3A_156 = arith.addi %add3A_155, %scan3A_51 : i32
        %get3A_157 = arith.index_cast %add3A_156 : i32 to index
        %get3A_158 = arith.constant 48 : index
        %get3A_159 = tpu.vector_load %arg13[%get3A_157, %get3A_158] {strides = array<i32>} : memref<256x64xf32, #tpu.memory_space<vmem>>, vector<16xf32>,
        %mul3A_160 = arith.mulf %get3A_159, %get3A_149 : vector<16xf32>
        %mul3A_161 = arith.constant 2.500000e-01 : f32
        %mul3A_162 = vector.broadcast %mul3A_161 : f32 to vector<16xf32>
        %mul3A_163 = arith.mulf %mul3A_162, %mul3A_160 : vector<16xf32>
        %add3A_164 = arith.addf %get3A_154, %mul3A_163 : vector<16xf32>
        %add3A_165 = arith.constant 192 : i32
        %add3A_166 = arith.addi %add3A_165, %scan3A_51 : i32
        %swap3A_167 = arith.index_cast %add3A_166 : i32 to index
        %swap3A_168 = arith.constant 48 : index
        %swap3A_169 = tpu.vector_load %arg13[%swap3A_167, %swap3A_168] {strides = array<i32>} : memref<256x64xf32, #tpu.memory_space<vmem>>, vector<16xf32>,
        tpu.vector_store %arg13[%swap3A_167, %swap3A_168], %add3A_164 {strides = array<i32>} : memref<256x64xf32, #tpu.memory_space<vmem>>, vector<16xf32>,
        %add3A_170 = arith.constant 128 : i32
        %add3A_171 = arith.addi %add3A_170, %scan3A_51 : i32
        %get3A_172 = arith.index_cast %add3A_171 : i32 to index
        %get3A_173 = arith.constant 48 : index
        %get3A_174 = tpu.vector_load %arg13[%get3A_172, %get3A_173] {strides = array<i32>} : memref<256x64xf32, #tpu.memory_space<vmem>>, vector<16xf32>,
        %mul3A_175 = arith.mulf %get3A_174, %get3A_149 : vector<16xf32>
        %swap3A_176 = arith.index_cast %scan3A_51 : i32 to index
        %swap3A_177 = arith.constant 48 : index
        %swap3A_178 = tpu.vector_load %arg13[%swap3A_176, %swap3A_177] {strides = array<i32>} : memref<256x64xf32, #tpu.memory_space<vmem>>, vector<16xf32>,
        tpu.vector_store %arg13[%swap3A_176, %swap3A_177], %mul3A_175 {strides = array<i32>} : memref<256x64xf32, #tpu.memory_space<vmem>>, vector<16xf32>,
        %scan3A_179 = arith.constant 0 : i32
        scf.yield %scan3A_179 : i32
      }
      %scan3A_49 = arith.constant 64 : i32
      "tpu.region"() ({
        %run_scoped3A = tpu.sem_alloc : memref<!tpu.dma_semaphore, #tpu.memory_space<semaphore_mem>>
        %dma_start3A = arith.constant 192 : i32
        %dma_start3A_51 = arith.constant 0 : i32
        %dma_start3A_52 = tpu.memref_slice %arg13[%dma_start3A, %dma_start3A_51] : memref<256x64xf32, #tpu.memory_space<vmem>> -> memref<64x64xf32, #tpu.memory_space<vmem>>
        %dma_start3A_53 = arith.constant 0 : i32
        %dma_start3A_54 = tpu.memref_slice %arg8[%add3A_42, %dma_start3A_53] : memref<51200x64xf32, #tpu.memory_space<hbm>> -> memref<64x64xf32, #tpu.memory_space<hbm>>
        %dma_start3A_55 = arith.constant 0 : i32
        %dma_start3A_56 = tpu.memref_slice %arg8[%add3A_42, %dma_start3A_55] : memref<51200x64xf32, #tpu.memory_space<hbm>> -> memref<64x64xf32, #tpu.memory_space<hbm>>
        %dma_start3A_57 = arith.constant 192 : i32
        %dma_start3A_58 = arith.constant 0 : i32
        %dma_start3A_59 = tpu.memref_slice %arg13[%dma_start3A_57, %dma_start3A_58] : memref<256x64xf32, #tpu.memory_space<vmem>> -> memref<64x64xf32, #tpu.memory_space<vmem>>
        tpu.enqueue_dma source(%dma_start3A_59 : memref<64x64xf32, #tpu.memory_space<vmem>>) target(%dma_start3A_56 : memref<64x64xf32, #tpu.memory_space<hbm>>) target_semaphore(%run_scoped3A : memref<!tpu.dma_semaphore, #tpu.memory_space<semaphore_mem>>)
        %dma_wait3A = arith.constant 192 : i32
        %dma_wait3A_60 = arith.constant 0 : i32
        %dma_wait3A_61 = tpu.memref_slice %arg13[%dma_wait3A, %dma_wait3A_60] : memref<256x64xf32, #tpu.memory_space<vmem>> -> memref<64x64xf32, #tpu.memory_space<vmem>>
        %dma_wait3A_62 = arith.constant 0 : i32
        %dma_wait3A_63 = tpu.memref_slice %arg8[%add3A_42, %dma_wait3A_62] : memref<51200x64xf32, #tpu.memory_space<hbm>> -> memref<64x64xf32, #tpu.memory_space<hbm>>
        %dma_wait3A_64 = arith.constant 0 : i32
        %dma_wait3A_65 = tpu.memref_slice %arg8[%add3A_42, %dma_wait3A_64] : memref<51200x64xf32, #tpu.memory_space<hbm>> -> memref<64x64xf32, #tpu.memory_space<hbm>>
        %dma_wait3A_66 = arith.constant 192 : i32
        %dma_wait3A_67 = arith.constant 0 : i32
        %dma_wait3A_68 = tpu.memref_slice %arg13[%dma_wait3A_66, %dma_wait3A_67] : memref<256x64xf32, #tpu.memory_space<vmem>> -> memref<64x64xf32, #tpu.memory_space<vmem>>
        tpu.wait_dma2 semaphore(%run_scoped3A : memref<!tpu.dma_semaphore, #tpu.memory_space<semaphore_mem>>) src(%dma_wait3A_68 : memref<64x64xf32, #tpu.memory_space<vmem>>) dst(%dma_wait3A_65 : memref<64x64xf32, #tpu.memory_space<hbm>>)
        tpu.yield
      }) : () -> ()
      "tpu.region"() ({
        %run_scoped3A = tpu.sem_alloc : memref<!tpu.dma_semaphore, #tpu.memory_space<semaphore_mem>>
        %dma_start3A = arith.constant 0 : i32
        %dma_start3A_51 = arith.constant 0 : i32
        %dma_start3A_52 = tpu.memref_slice %arg13[%dma_start3A, %dma_start3A_51] : memref<256x64xf32, #tpu.memory_space<vmem>> -> memref<64x64xf32, #tpu.memory_space<vmem>>
        %dma_start3A_53 = arith.constant 0 : i32
        %dma_start3A_54 = tpu.memref_slice %arg7[%add3A_42, %dma_start3A_53] : memref<51200x64xf32, #tpu.memory_space<hbm>> -> memref<64x64xf32, #tpu.memory_space<hbm>>
        %dma_start3A_55 = arith.constant 0 : i32
        %dma_start3A_56 = tpu.memref_slice %arg7[%add3A_42, %dma_start3A_55] : memref<51200x64xf32, #tpu.memory_space<hbm>> -> memref<64x64xf32, #tpu.memory_space<hbm>>
        %dma_start3A_57 = arith.constant 0 : i32
        %dma_start3A_58 = arith.constant 0 : i32
        %dma_start3A_59 = tpu.memref_slice %arg13[%dma_start3A_57, %dma_start3A_58] : memref<256x64xf32, #tpu.memory_space<vmem>> -> memref<64x64xf32, #tpu.memory_space<vmem>>
        tpu.enqueue_dma source(%dma_start3A_59 : memref<64x64xf32, #tpu.memory_space<vmem>>) target(%dma_start3A_56 : memref<64x64xf32, #tpu.memory_space<hbm>>) target_semaphore(%run_scoped3A : memref<!tpu.dma_semaphore, #tpu.memory_space<semaphore_mem>>)
        %dma_wait3A = arith.constant 0 : i32
        %dma_wait3A_60 = arith.constant 0 : i32
        %dma_wait3A_61 = tpu.memref_slice %arg13[%dma_wait3A, %dma_wait3A_60] : memref<256x64xf32, #tpu.memory_space<vmem>> -> memref<64x64xf32, #tpu.memory_space<vmem>>
        %dma_wait3A_62 = arith.constant 0 : i32
        %dma_wait3A_63 = tpu.memref_slice %arg7[%add3A_42, %dma_wait3A_62] : memref<51200x64xf32, #tpu.memory_space<hbm>> -> memref<64x64xf32, #tpu.memory_space<hbm>>
        %dma_wait3A_64 = arith.constant 0 : i32
        %dma_wait3A_65 = tpu.memref_slice %arg7[%add3A_42, %dma_wait3A_64] : memref<51200x64xf32, #tpu.memory_space<hbm>> -> memref<64x64xf32, #tpu.memory_space<hbm>>
        %dma_wait3A_66 = arith.constant 0 : i32
        %dma_wait3A_67 = arith.constant 0 : i32
        %dma_wait3A_68 = tpu.memref_slice %arg13[%dma_wait3A_66, %dma_wait3A_67] : memref<256x64xf32, #tpu.memory_space<vmem>> -> memref<64x64xf32, #tpu.memory_space<vmem>>
        tpu.wait_dma2 semaphore(%run_scoped3A : memref<!tpu.dma_semaphore, #tpu.memory_space<semaphore_mem>>) src(%dma_wait3A_68 : memref<64x64xf32, #tpu.memory_space<vmem>>) dst(%dma_wait3A_65 : memref<64x64xf32, #tpu.memory_space<hbm>>)
        tpu.yield
      }) : () -> ()
      %scan3A_50 = arith.constant 0 : i32
      scf.yield %scan3A_50 : i32
    }
    %scan3A_34 = arith.constant 25 : i32
    return
  }
}

#map = affine_map<(d0, d1) -> (0, 0)>
#map1 = affine_map<(d0, d1) -> (0)>
module attributes {stable_mosaic.version = 14 : i64} {
  func.func @_deg_body(%arg0: i32, %arg1: i32, %arg2: memref<6400x256xi32, #tpu.memory_space<hbm>>, %arg3: memref<51200xf32, #tpu.memory_space<hbm>>, %arg4: memref<25728xf32, #tpu.memory_space<vmem_shared>>, %arg5: memref<16x256xi32, #tpu.memory_space<vmem>>, %arg6: memref<17x128xi32, #tpu.memory_space<vmem>>, %arg7: memref<17x128xi32, #tpu.memory_space<vmem>>, %arg8: memref<128xf32, #tpu.memory_space<vmem>>, %arg9: memref<1600xf32, #tpu.memory_space<vmem>>, %arg10: memref<!tpu.dma_semaphore, #tpu.memory_space<semaphore_mem>>) attributes {dimension_semantics = [#tpu.dimension_semantics<core_parallel>, #tpu.dimension_semantics<subcore_parallel>], iteration_bounds = array<i64: 2, 16>, scalar_prefetch = 0 : i64, scratch_operands = 7 : i64, tpu.core_type = #tpu.core_type<sc_vector_subcore>, window_params = [{transform_indices = #map}, {transform_indices = #map1}]} {
    %scan3A = arith.constant 0 : i32
    %scan3A_0 = arith.constant 0 : i32
    %scan3A_1 = arith.constant 8 : i32
    %scan3A_2 = arith.addi %scan3A_0, %scan3A_1 : i32
    %scan3A_3 = arith.constant 1 : i32
    %scan3A_4 = scf.for %scan3A_31 = %scan3A_0 to %scan3A_2 step %scan3A_3 iter_args(%scan3A_32 = %scan3A) -> (i32)  : i32 {
      %broadcast_in_dim3A = arith.constant 1.000000e+00 : f32
      %broadcast_in_dim3A_33 = vector.broadcast %broadcast_in_dim3A : f32 to vector<16xf32>
      %mul3A_34 = arith.constant 16 : i32
      %mul3A_35 = arith.muli %scan3A_31, %mul3A_34 : i32
      %swap3A = arith.index_cast %mul3A_35 : i32 to index
      %swap3A_36 = tpu.vector_load %arg8[%swap3A] {strides = array<i32>} : memref<128xf32, #tpu.memory_space<vmem>>, vector<16xf32>,
      tpu.vector_store %arg8[%swap3A], %broadcast_in_dim3A_33 {strides = array<i32>} : memref<128xf32, #tpu.memory_space<vmem>>, vector<16xf32>,
      %broadcast_in_dim3A_37 = arith.constant 0.000000e+00 : f32
      %broadcast_in_dim3A_38 = vector.broadcast %broadcast_in_dim3A_37 : f32 to vector<16xf32>
      %mul3A_39 = arith.constant 16 : i32
      %mul3A_40 = arith.muli %scan3A_31, %mul3A_39 : i32
      %swap3A_41 = arith.index_cast %mul3A_40 : i32 to index
      %swap3A_42 = tpu.vector_load %arg9[%swap3A_41] {strides = array<i32>} : memref<1600xf32, #tpu.memory_space<vmem>>, vector<16xf32>,
      tpu.vector_store %arg9[%swap3A_41], %broadcast_in_dim3A_38 {strides = array<i32>} : memref<1600xf32, #tpu.memory_space<vmem>>, vector<16xf32>,
      %scan3A_43 = arith.constant 0 : i32
      scf.yield %scan3A_43 : i32
    }
    %scan3A_5 = arith.constant 8 : i32
    %mul3A = arith.constant 1600 : i32
    %mul3A_6 = arith.muli %arg1, %mul3A : i32
    %scan3A_7 = arith.constant 0 : i32
    %scan3A_8 = arith.constant 0 : i32
    %scan3A_9 = arith.constant 12 : i32
    %scan3A_10 = arith.addi %scan3A_8, %scan3A_9 : i32
    %scan3A_11 = arith.constant 1 : i32
    %scan3A_12 = scf.for %scan3A_31 = %scan3A_8 to %scan3A_10 step %scan3A_11 iter_args(%scan3A_32 = %scan3A_7) -> (i32)  : i32 {
      %mul3A_33 = arith.constant 128 : i32
      %mul3A_34 = arith.muli %scan3A_31, %mul3A_33 : i32
      %add3A_35 = arith.addi %mul3A_6, %mul3A_34 : i32
      "tpu.region"() ({
        %run_scoped3A = tpu.sem_alloc : memref<!tpu.dma_semaphore, #tpu.memory_space<semaphore_mem>>
        %dma_start3A = arith.constant 0 : i32
        %dma_start3A_37 = tpu.memref_slice %arg9[%dma_start3A] : memref<1600xf32, #tpu.memory_space<vmem>> -> memref<128xf32, #tpu.memory_space<vmem>>
        %dma_start3A_38 = tpu.memref_slice %arg4[%add3A_35] : memref<25728xf32, #tpu.memory_space<vmem_shared>> -> memref<128xf32, #tpu.memory_space<vmem_shared>>
        %dma_start3A_39 = tpu.memref_slice %arg4[%add3A_35] : memref<25728xf32, #tpu.memory_space<vmem_shared>> -> memref<128xf32, #tpu.memory_space<vmem_shared>>
        %dma_start3A_40 = arith.constant 0 : i32
        %dma_start3A_41 = tpu.memref_slice %arg9[%dma_start3A_40] : memref<1600xf32, #tpu.memory_space<vmem>> -> memref<128xf32, #tpu.memory_space<vmem>>
        tpu.enqueue_dma source(%dma_start3A_41 : memref<128xf32, #tpu.memory_space<vmem>>) target(%dma_start3A_39 : memref<128xf32, #tpu.memory_space<vmem_shared>>) target_semaphore(%run_scoped3A : memref<!tpu.dma_semaphore, #tpu.memory_space<semaphore_mem>>)
        %dma_wait3A = arith.constant 0 : i32
        %dma_wait3A_42 = tpu.memref_slice %arg9[%dma_wait3A] : memref<1600xf32, #tpu.memory_space<vmem>> -> memref<128xf32, #tpu.memory_space<vmem>>
        %dma_wait3A_43 = tpu.memref_slice %arg4[%add3A_35] : memref<25728xf32, #tpu.memory_space<vmem_shared>> -> memref<128xf32, #tpu.memory_space<vmem_shared>>
        %dma_wait3A_44 = tpu.memref_slice %arg4[%add3A_35] : memref<25728xf32, #tpu.memory_space<vmem_shared>> -> memref<128xf32, #tpu.memory_space<vmem_shared>>
        %dma_wait3A_45 = arith.constant 0 : i32
        %dma_wait3A_46 = tpu.memref_slice %arg9[%dma_wait3A_45] : memref<1600xf32, #tpu.memory_space<vmem>> -> memref<128xf32, #tpu.memory_space<vmem>>
        tpu.wait_dma2 semaphore(%run_scoped3A : memref<!tpu.dma_semaphore, #tpu.memory_space<semaphore_mem>>) src(%dma_wait3A_46 : memref<128xf32, #tpu.memory_space<vmem>>) dst(%dma_wait3A_44 : memref<128xf32, #tpu.memory_space<vmem_shared>>)
        tpu.yield
      }) : () -> ()
      %scan3A_36 = arith.constant 0 : i32
      scf.yield %scan3A_36 : i32
    }
    %scan3A_13 = arith.constant 12 : i32
    %add3A = arith.constant 1600 : i32
    %add3A_14 = arith.addi %mul3A_6, %add3A : i32
    %sub3A = arith.constant 64 : i32
    %sub3A_15 = arith.subi %add3A_14, %sub3A : i32
    "tpu.region"() ({
      %run_scoped3A = tpu.sem_alloc : memref<!tpu.dma_semaphore, #tpu.memory_space<semaphore_mem>>
      %dma_start3A = arith.constant 0 : i32
      %dma_start3A_31 = tpu.memref_slice %arg9[%dma_start3A] : memref<1600xf32, #tpu.memory_space<vmem>> -> memref<64xf32, #tpu.memory_space<vmem>>
      %dma_start3A_32 = tpu.memref_slice %arg4[%sub3A_15] : memref<25728xf32, #tpu.memory_space<vmem_shared>> -> memref<64xf32, #tpu.memory_space<vmem_shared>>
      %dma_start3A_33 = tpu.memref_slice %arg4[%sub3A_15] : memref<25728xf32, #tpu.memory_space<vmem_shared>> -> memref<64xf32, #tpu.memory_space<vmem_shared>>
      %dma_start3A_34 = arith.constant 0 : i32
      %dma_start3A_35 = tpu.memref_slice %arg9[%dma_start3A_34] : memref<1600xf32, #tpu.memory_space<vmem>> -> memref<64xf32, #tpu.memory_space<vmem>>
      tpu.enqueue_dma source(%dma_start3A_35 : memref<64xf32, #tpu.memory_space<vmem>>) target(%dma_start3A_33 : memref<64xf32, #tpu.memory_space<vmem_shared>>) target_semaphore(%run_scoped3A : memref<!tpu.dma_semaphore, #tpu.memory_space<semaphore_mem>>)
      %dma_wait3A = arith.constant 0 : i32
      %dma_wait3A_36 = tpu.memref_slice %arg9[%dma_wait3A] : memref<1600xf32, #tpu.memory_space<vmem>> -> memref<64xf32, #tpu.memory_space<vmem>>
      %dma_wait3A_37 = tpu.memref_slice %arg4[%sub3A_15] : memref<25728xf32, #tpu.memory_space<vmem_shared>> -> memref<64xf32, #tpu.memory_space<vmem_shared>>
      %dma_wait3A_38 = tpu.memref_slice %arg4[%sub3A_15] : memref<25728xf32, #tpu.memory_space<vmem_shared>> -> memref<64xf32, #tpu.memory_space<vmem_shared>>
      %dma_wait3A_39 = arith.constant 0 : i32
      %dma_wait3A_40 = tpu.memref_slice %arg9[%dma_wait3A_39] : memref<1600xf32, #tpu.memory_space<vmem>> -> memref<64xf32, #tpu.memory_space<vmem>>
      tpu.wait_dma2 semaphore(%run_scoped3A : memref<!tpu.dma_semaphore, #tpu.memory_space<semaphore_mem>>) src(%dma_wait3A_40 : memref<64xf32, #tpu.memory_space<vmem>>) dst(%dma_wait3A_38 : memref<64xf32, #tpu.memory_space<vmem_shared>>)
      tpu.yield
    }) : () -> ()
    %barrier3A = arith.constant 0 : index
    tpu.barrier barrier_id(%barrier3A)
    %mul3A_16 = arith.constant 25600 : i32
    %mul3A_17 = arith.muli %arg0, %mul3A_16 : i32
    %scan3A_18 = arith.constant 0 : i32
    %scan3A_19 = arith.constant 0 : i32
    %scan3A_20 = arith.constant 25 : i32
    %scan3A_21 = arith.addi %scan3A_19, %scan3A_20 : i32
    %scan3A_22 = arith.constant 1 : i32
    %scan3A_23 = scf.for %scan3A_31 = %scan3A_19 to %scan3A_21 step %scan3A_22 iter_args(%scan3A_32 = %scan3A_18) -> (i32)  : i32 {
      %mul3A_33 = arith.constant 400 : i32
      %mul3A_34 = arith.muli %arg1, %mul3A_33 : i32
      %mul3A_35 = arith.constant 16 : i32
      %mul3A_36 = arith.muli %scan3A_31, %mul3A_35 : i32
      %add3A_37 = arith.addi %mul3A_34, %mul3A_36 : i32
      "tpu.region"() ({
        %run_scoped3A = tpu.sem_alloc : memref<!tpu.dma_semaphore, #tpu.memory_space<semaphore_mem>>
        %dma_start3A = arith.constant 0 : i32
        %dma_start3A_81 = tpu.memref_slice %arg2[%add3A_37, %dma_start3A] : memref<6400x256xi32, #tpu.memory_space<hbm>> -> memref<16x256xi32, #tpu.memory_space<hbm>>
        %dma_start3A_82 = arith.constant 0 : i32
        %dma_start3A_83 = tpu.memref_slice %arg2[%add3A_37, %dma_start3A_82] : memref<6400x256xi32, #tpu.memory_space<hbm>> -> memref<16x256xi32, #tpu.memory_space<hbm>>
        tpu.enqueue_dma source(%dma_start3A_83 : memref<16x256xi32, #tpu.memory_space<hbm>>) target(%arg5 : memref<16x256xi32, #tpu.memory_space<vmem>>) target_semaphore(%run_scoped3A : memref<!tpu.dma_semaphore, #tpu.memory_space<semaphore_mem>>)
        %dma_wait3A = arith.constant 0 : i32
        %dma_wait3A_84 = tpu.memref_slice %arg2[%add3A_37, %dma_wait3A] : memref<6400x256xi32, #tpu.memory_space<hbm>> -> memref<16x256xi32, #tpu.memory_space<hbm>>
        %dma_wait3A_85 = arith.constant 0 : i32
        %dma_wait3A_86 = tpu.memref_slice %arg2[%add3A_37, %dma_wait3A_85] : memref<6400x256xi32, #tpu.memory_space<hbm>> -> memref<16x256xi32, #tpu.memory_space<hbm>>
        tpu.wait_dma2 semaphore(%run_scoped3A : memref<!tpu.dma_semaphore, #tpu.memory_space<semaphore_mem>>) src(%dma_wait3A_86 : memref<16x256xi32, #tpu.memory_space<hbm>>) dst(%arg5 : memref<16x256xi32, #tpu.memory_space<vmem>>)
        tpu.yield
      }) : () -> ()
      %iota3A = tpu.iota {dimensions = array<i32: 0>} : vector<16xi32>
      %scan3A_38 = arith.constant 0 : i32
      %scan3A_39 = arith.constant 0 : i32
      %scan3A_40 = arith.constant 128 : i32
      %scan3A_41 = arith.addi %scan3A_39, %scan3A_40 : i32
      %scan3A_42 = arith.constant 1 : i32
      %scan3A_43 = scf.for %scan3A_81 = %scan3A_39 to %scan3A_41 step %scan3A_42 iter_args(%scan3A_82 = %scan3A_38) -> (i32)  : i32 {
        %shift_right_arithmetic3A_83 = arith.constant 3 : i32
        %shift_right_arithmetic3A_84 = arith.shrsi %scan3A_81, %shift_right_arithmetic3A_83 : i32
        %and3A = arith.constant 7 : i32
        %and3A_85 = arith.andi %scan3A_81, %and3A : i32
        %mul3A_86 = arith.constant 16 : i32
        %mul3A_87 = arith.muli %and3A_85, %mul3A_86 : i32
        %mul3A_88 = arith.constant 16 : i32
        %mul3A_89 = arith.muli %and3A_85, %mul3A_88 : i32
        %add3A_90 = arith.constant 128 : i32
        %add3A_91 = arith.addi %add3A_90, %mul3A_89 : i32
        %get3A = arith.index_cast %shift_right_arithmetic3A_84 : i32 to index
        %get3A_92 = arith.index_cast %add3A_91 : i32 to index
        %get3A_93 = tpu.vector_load %arg5[%get3A, %get3A_92] {strides = array<i32>} : memref<16x256xi32, #tpu.memory_space<vmem>>, vector<16xi32>,
        %get3A_94 = arith.index_cast %shift_right_arithmetic3A_84 : i32 to index
        %get3A_95 = arith.index_cast %mul3A_87 : i32 to index
        %get3A_96 = tpu.vector_load %arg5[%get3A_94, %get3A_95] {strides = array<i32>} : memref<16x256xi32, #tpu.memory_space<vmem>>, vector<16xi32>,
        %sub3A_97 = vector.broadcast %mul3A_17 : i32 to vector<16xi32>
        %sub3A_98 = arith.subi %get3A_93, %sub3A_97 : vector<16xi32>
        %ge3A = arith.constant 0 : i32
        %ge3A_99 = vector.broadcast %ge3A : i32 to vector<16xi32>
        %ge3A_100 = arith.cmpi sge, %sub3A_98, %ge3A_99 : vector<16xi32>
        %lt3A = arith.constant 25600 : i32
        %lt3A_101 = vector.broadcast %lt3A : i32 to vector<16xi32>
        %lt3A_102 = arith.cmpi slt, %sub3A_98, %lt3A_101 : vector<16xi32>
        %and3A_103 = arith.andi %ge3A_100, %lt3A_102 : vector<16xi1>
        %jit3A = arith.constant 1 : i32
        %jit3A_104 = arith.constant 0 : i32
        %broadcast_in_dim3A = vector.broadcast %jit3A : i32 to vector<16xi32>
        %broadcast_in_dim3A_105 = vector.broadcast %jit3A_104 : i32 to vector<16xi32>
        %select_n3A = arith.select %and3A_103, %broadcast_in_dim3A, %broadcast_in_dim3A_105 : vector<16xi1>, vector<16xi32>
        %broadcast_in_dim3A_106 = arith.constant true
        %broadcast_in_dim3A_107 = vector.broadcast %broadcast_in_dim3A_106 : i1 to vector<16xi1>
        %masked_cumsum3A = tpu.scan <sum>, %select_n3A masked %broadcast_in_dim3A_107 : vector<16xi32>, vector<16xi1> -> vector<16xi32>
        %sub3A_108 = arith.subi %masked_cumsum3A, %select_n3A : vector<16xi32>
        %add3A_109 = vector.broadcast %scan3A_82 : i32 to vector<16xi32>
        %add3A_110 = arith.addi %add3A_109, %sub3A_108 : vector<16xi32>
        %shift_right_arithmetic3A_111 = arith.constant 7 : i32
        %shift_right_arithmetic3A_112 = vector.broadcast %shift_right_arithmetic3A_111 : i32 to vector<16xi32>
        %shift_right_arithmetic3A_113 = arith.shrsi %add3A_110, %shift_right_arithmetic3A_112 : vector<16xi32>
        %and3A_114 = arith.constant 127 : i32
        %and3A_115 = vector.broadcast %and3A_114 : i32 to vector<16xi32>
        %and3A_116 = arith.andi %add3A_110, %and3A_115 : vector<16xi32>
        tpu.vector_store_idx %arg6[%shift_right_arithmetic3A_113, %and3A_116], %get3A_96 masked %and3A_103 : memref<17x128xi32, #tpu.memory_space<vmem>>[vector<16xi32>, vector<16xi32>], vector<16xi32>, vector<16xi1>
        %shift_right_arithmetic3A_117 = arith.constant 7 : i32
        %shift_right_arithmetic3A_118 = vector.broadcast %shift_right_arithmetic3A_117 : i32 to vector<16xi32>
        %shift_right_arithmetic3A_119 = arith.shrsi %add3A_110, %shift_right_arithmetic3A_118 : vector<16xi32>
        %and3A_120 = arith.constant 127 : i32
        %and3A_121 = vector.broadcast %and3A_120 : i32 to vector<16xi32>
        %and3A_122 = arith.andi %add3A_110, %and3A_121 : vector<16xi32>
        tpu.vector_store_idx %arg7[%shift_right_arithmetic3A_119, %and3A_122], %sub3A_98 masked %and3A_103 : memref<17x128xi32, #tpu.memory_space<vmem>>[vector<16xi32>, vector<16xi32>], vector<16xi32>, vector<16xi1>
        %all_reduce_population_count3A = tpu.all_reduce %and3A_103 {dim = 0 : i64, kind = #tpu.reduction_kind<sum>} : vector<16xi1> -> vector<16xi32>
        %slice3A = vector.extract_strided_slice %all_reduce_population_count3A {offsets = [0], sizes = [1], strides = [1]} : vector<16xi32> to vector<1xi32>
        %squeeze3A = vector.extract %slice3A[0] : i32 from vector<1xi32>
        %add3A_123 = arith.addi %scan3A_82, %squeeze3A : i32
        scf.yield %add3A_123 : i32
      }
      %scan3A_44 = arith.constant 128 : i32
      %add3A_45 = arith.constant 127 : i32
      %add3A_46 = arith.addi %scan3A_43, %add3A_45 : i32
      %shift_right_arithmetic3A = arith.constant 7 : i32
      %shift_right_arithmetic3A_47 = arith.shrsi %add3A_46, %shift_right_arithmetic3A : i32
      %mul3A_48 = arith.constant 128 : i32
      %mul3A_49 = arith.muli %shift_right_arithmetic3A_47, %mul3A_48 : i32
      %scan3A_50 = arith.constant 0 : i32
      %scan3A_51 = arith.constant 0 : i32
      %scan3A_52 = arith.constant 8 : i32
      %scan3A_53 = arith.addi %scan3A_51, %scan3A_52 : i32
      %scan3A_54 = arith.constant 1 : i32
      %scan3A_55 = scf.for %scan3A_81 = %scan3A_51 to %scan3A_53 step %scan3A_54 iter_args(%scan3A_82 = %scan3A_50) -> (i32)  : i32 {
        %mul3A_83 = arith.constant 16 : i32
        %mul3A_84 = arith.muli %scan3A_81, %mul3A_83 : i32
        %add3A_85 = arith.addi %scan3A_43, %mul3A_84 : i32
        %add3A_86 = vector.broadcast %add3A_85 : i32 to vector<16xi32>
        %add3A_87 = arith.addi %add3A_86, %iota3A : vector<16xi32>
        %lt3A = vector.broadcast %mul3A_49 : i32 to vector<16xi32>
        %lt3A_88 = arith.cmpi slt, %add3A_87, %lt3A : vector<16xi32>
        %and3A = arith.constant 1023 : i32
        %and3A_89 = vector.broadcast %and3A : i32 to vector<16xi32>
        %and3A_90 = arith.andi %add3A_87, %and3A_89 : vector<16xi32>
        %add3A_91 = arith.constant 50000 : i32
        %add3A_92 = vector.broadcast %add3A_91 : i32 to vector<16xi32>
        %add3A_93 = arith.addi %add3A_92, %and3A_90 : vector<16xi32>
        %shift_right_arithmetic3A_94 = arith.constant 7 : i32
        %shift_right_arithmetic3A_95 = vector.broadcast %shift_right_arithmetic3A_94 : i32 to vector<16xi32>
        %shift_right_arithmetic3A_96 = arith.shrsi %add3A_87, %shift_right_arithmetic3A_95 : vector<16xi32>
        %and3A_97 = arith.constant 127 : i32
        %and3A_98 = vector.broadcast %and3A_97 : i32 to vector<16xi32>
        %and3A_99 = arith.andi %add3A_87, %and3A_98 : vector<16xi32>
        tpu.vector_store_idx %arg6[%shift_right_arithmetic3A_96, %and3A_99], %add3A_93 masked %lt3A_88 : memref<17x128xi32, #tpu.memory_space<vmem>>[vector<16xi32>, vector<16xi32>], vector<16xi32>, vector<16xi1>
        %shift_right_arithmetic3A_100 = arith.constant 7 : i32
        %shift_right_arithmetic3A_101 = vector.broadcast %shift_right_arithmetic3A_100 : i32 to vector<16xi32>
        %shift_right_arithmetic3A_102 = arith.shrsi %add3A_87, %shift_right_arithmetic3A_101 : vector<16xi32>
        %and3A_103 = arith.constant 127 : i32
        %and3A_104 = vector.broadcast %and3A_103 : i32 to vector<16xi32>
        %and3A_105 = arith.andi %add3A_87, %and3A_104 : vector<16xi32>
        %and3A_106 = arith.constant 127 : i32
        %and3A_107 = vector.broadcast %and3A_106 : i32 to vector<16xi32>
        %and3A_108 = arith.andi %add3A_87, %and3A_107 : vector<16xi32>
        %add3A_109 = arith.constant 25600 : i32
        %add3A_110 = vector.broadcast %add3A_109 : i32 to vector<16xi32>
        %add3A_111 = arith.addi %add3A_110, %and3A_108 : vector<16xi32>
        tpu.vector_store_idx %arg7[%shift_right_arithmetic3A_102, %and3A_105], %add3A_111 masked %lt3A_88 : memref<17x128xi32, #tpu.memory_space<vmem>>[vector<16xi32>, vector<16xi32>], vector<16xi32>, vector<16xi1>
        %scan3A_112 = arith.constant 0 : i32
        scf.yield %scan3A_112 : i32
      }
      %scan3A_56 = arith.constant 8 : i32
      %while3A = arith.constant 0 : i32
      %while3A_57 = arith.constant 0 : i32
      %while3A_58 = arith.subi %shift_right_arithmetic3A_47, %while3A : i32
      %while3A_59 = arith.addi %while3A, %while3A_58 : i32
      %while3A_60 = arith.constant 1 : i32
      %while3A_61 = arith.divsi %while3A_58, %while3A_60 : i32
      %while3A_62 = arith.muli %while3A_61, %while3A_60 : i32
      %while3A_63 = arith.addi %while3A, %while3A_62 : i32
      %while3A_64 = arith.constant 1 : i32
      %while3A_65 = scf.for %while3A_81 = %while3A to %while3A_63 step %while3A_64 iter_args(%while3A_82 = %while3A_57) -> (i32)  : i32 {
        %dma_start3A = arith.constant 0 : i32
        %dma_start3A_83 = tpu.memref_slice %arg7[%while3A_81, %dma_start3A] : memref<17x128xi32, #tpu.memory_space<vmem>> -> memref<1x128xi32, #tpu.memory_space<vmem>>
        %dma_start3A_84 = tpu.memref_squeeze %dma_start3A_83 : memref<1x128xi32, #tpu.memory_space<vmem>> -> memref<128xi32, #tpu.memory_space<vmem>>
        %dma_start3A_85 = arith.constant 0 : i32
        %dma_start3A_86 = tpu.memref_slice %arg4[%dma_start3A_85] : memref<25728xf32, #tpu.memory_space<vmem_shared>> -> memref<25728xf32, #tpu.memory_space<vmem_shared>>
        tpu.enqueue_indirect_dma source(%arg8 : memref<128xf32, #tpu.memory_space<vmem>>) target(%dma_start3A_86 : memref<25728xf32, #tpu.memory_space<vmem_shared>>) offsets(%dma_start3A_84 : memref<128xi32, #tpu.memory_space<vmem>>) semaphore(%arg10 : memref<!tpu.dma_semaphore, #tpu.memory_space<semaphore_mem>>) {add = true}
        %while3A_87 = arith.constant 0 : i32
        scf.yield %while3A_87 : i32
      }
      %while3A_66 = arith.constant 1 : i32
      %while3A_67 = scf.for %while3A_81 = %while3A_63 to %while3A_59 step %while3A_66 iter_args(%while3A_82 = %while3A_65) -> (i32)  : i32 {
        %dma_start3A = arith.constant 0 : i32
        %dma_start3A_83 = tpu.memref_slice %arg7[%while3A_81, %dma_start3A] : memref<17x128xi32, #tpu.memory_space<vmem>> -> memref<1x128xi32, #tpu.memory_space<vmem>>
        %dma_start3A_84 = tpu.memref_squeeze %dma_start3A_83 : memref<1x128xi32, #tpu.memory_space<vmem>> -> memref<128xi32, #tpu.memory_space<vmem>>
        %dma_start3A_85 = arith.constant 0 : i32
        %dma_start3A_86 = tpu.memref_slice %arg4[%dma_start3A_85] : memref<25728xf32, #tpu.memory_space<vmem_shared>> -> memref<25728xf32, #tpu.memory_space<vmem_shared>>
        tpu.enqueue_indirect_dma source(%arg8 : memref<128xf32, #tpu.memory_space<vmem>>) target(%dma_start3A_86 : memref<25728xf32, #tpu.memory_space<vmem_shared>>) offsets(%dma_start3A_84 : memref<128xi32, #tpu.memory_space<vmem>>) semaphore(%arg10 : memref<!tpu.dma_semaphore, #tpu.memory_space<semaphore_mem>>) {add = true}
        %while3A_87 = arith.constant 0 : i32
        scf.yield %while3A_87 : i32
      }
      %while3A_68 = arith.constant 0 : i32
      %while3A_69 = arith.constant 0 : i32
      %while3A_70 = arith.subi %shift_right_arithmetic3A_47, %while3A_68 : i32
      %while3A_71 = arith.addi %while3A_68, %while3A_70 : i32
      %while3A_72 = arith.constant 1 : i32
      %while3A_73 = arith.divsi %while3A_70, %while3A_72 : i32
      %while3A_74 = arith.muli %while3A_73, %while3A_72 : i32
      %while3A_75 = arith.addi %while3A_68, %while3A_74 : i32
      %while3A_76 = arith.constant 1 : i32
      %while3A_77 = scf.for %while3A_81 = %while3A_68 to %while3A_75 step %while3A_76 iter_args(%while3A_82 = %while3A_69) -> (i32)  : i32 {
        %dma_wait3A = arith.constant 0 : i32
        %dma_wait3A_83 = tpu.memref_slice %arg7[%while3A_81, %dma_wait3A] : memref<17x128xi32, #tpu.memory_space<vmem>> -> memref<1x128xi32, #tpu.memory_space<vmem>>
        %dma_wait3A_84 = tpu.memref_squeeze %dma_wait3A_83 : memref<1x128xi32, #tpu.memory_space<vmem>> -> memref<128xi32, #tpu.memory_space<vmem>>
        %dma_wait3A_85 = arith.constant 0 : i32
        %dma_wait3A_86 = tpu.memref_slice %arg4[%dma_wait3A_85] : memref<25728xf32, #tpu.memory_space<vmem_shared>> -> memref<25728xf32, #tpu.memory_space<vmem_shared>>
        tpu.wait_indirect_dma semaphore(%arg10 : memref<!tpu.dma_semaphore, #tpu.memory_space<semaphore_mem>>) src(%arg8 : memref<128xf32, #tpu.memory_space<vmem>>) dst(%dma_wait3A_86 : memref<25728xf32, #tpu.memory_space<vmem_shared>>)
        %while3A_87 = arith.constant 0 : i32
        scf.yield %while3A_87 : i32
      }
      %while3A_78 = arith.constant 1 : i32
      %while3A_79 = scf.for %while3A_81 = %while3A_75 to %while3A_71 step %while3A_78 iter_args(%while3A_82 = %while3A_77) -> (i32)  : i32 {
        %dma_wait3A = arith.constant 0 : i32
        %dma_wait3A_83 = tpu.memref_slice %arg7[%while3A_81, %dma_wait3A] : memref<17x128xi32, #tpu.memory_space<vmem>> -> memref<1x128xi32, #tpu.memory_space<vmem>>
        %dma_wait3A_84 = tpu.memref_squeeze %dma_wait3A_83 : memref<1x128xi32, #tpu.memory_space<vmem>> -> memref<128xi32, #tpu.memory_space<vmem>>
        %dma_wait3A_85 = arith.constant 0 : i32
        %dma_wait3A_86 = tpu.memref_slice %arg4[%dma_wait3A_85] : memref<25728xf32, #tpu.memory_space<vmem_shared>> -> memref<25728xf32, #tpu.memory_space<vmem_shared>>
        tpu.wait_indirect_dma semaphore(%arg10 : memref<!tpu.dma_semaphore, #tpu.memory_space<semaphore_mem>>) src(%arg8 : memref<128xf32, #tpu.memory_space<vmem>>) dst(%dma_wait3A_86 : memref<25728xf32, #tpu.memory_space<vmem_shared>>)
        %while3A_87 = arith.constant 0 : i32
        scf.yield %while3A_87 : i32
      }
      %scan3A_80 = arith.constant 0 : i32
      scf.yield %scan3A_80 : i32
    }
    %scan3A_24 = arith.constant 25 : i32
    %barrier3A_25 = arith.constant 0 : index
    tpu.barrier barrier_id(%barrier3A_25)
    %mul3A_26 = arith.constant 1600 : i32
    %mul3A_27 = arith.muli %arg1, %mul3A_26 : i32
    "tpu.region"() ({
      %run_scoped3A = tpu.sem_alloc : memref<!tpu.dma_semaphore, #tpu.memory_space<semaphore_mem>>
      %dma_start3A = tpu.memref_slice %arg4[%mul3A_27] : memref<25728xf32, #tpu.memory_space<vmem_shared>> -> memref<1600xf32, #tpu.memory_space<vmem_shared>>
      %dma_start3A_31 = tpu.memref_slice %arg4[%mul3A_27] : memref<25728xf32, #tpu.memory_space<vmem_shared>> -> memref<1600xf32, #tpu.memory_space<vmem_shared>>
      tpu.enqueue_dma source(%dma_start3A_31 : memref<1600xf32, #tpu.memory_space<vmem_shared>>) target(%arg9 : memref<1600xf32, #tpu.memory_space<vmem>>) target_semaphore(%run_scoped3A : memref<!tpu.dma_semaphore, #tpu.memory_space<semaphore_mem>>)
      %dma_wait3A = tpu.memref_slice %arg4[%mul3A_27] : memref<25728xf32, #tpu.memory_space<vmem_shared>> -> memref<1600xf32, #tpu.memory_space<vmem_shared>>
      %dma_wait3A_32 = tpu.memref_slice %arg4[%mul3A_27] : memref<25728xf32, #tpu.memory_space<vmem_shared>> -> memref<1600xf32, #tpu.memory_space<vmem_shared>>
      tpu.wait_dma2 semaphore(%run_scoped3A : memref<!tpu.dma_semaphore, #tpu.memory_space<semaphore_mem>>) src(%dma_wait3A_32 : memref<1600xf32, #tpu.memory_space<vmem_shared>>) dst(%arg9 : memref<1600xf32, #tpu.memory_space<vmem>>)
      tpu.yield
    }) : () -> ()
    %mul3A_28 = arith.constant 25600 : i32
    %mul3A_29 = arith.muli %arg0, %mul3A_28 : i32
    %add3A_30 = arith.addi %mul3A_29, %mul3A_27 : i32
    "tpu.region"() ({
      %run_scoped3A = tpu.sem_alloc : memref<!tpu.dma_semaphore, #tpu.memory_space<semaphore_mem>>
      %dma_start3A = tpu.memref_slice %arg3[%add3A_30] : memref<51200xf32, #tpu.memory_space<hbm>> -> memref<1600xf32, #tpu.memory_space<hbm>>
      %dma_start3A_31 = tpu.memref_slice %arg3[%add3A_30] : memref<51200xf32, #tpu.memory_space<hbm>> -> memref<1600xf32, #tpu.memory_space<hbm>>
      tpu.enqueue_dma source(%arg9 : memref<1600xf32, #tpu.memory_space<vmem>>) target(%dma_start3A_31 : memref<1600xf32, #tpu.memory_space<hbm>>) target_semaphore(%run_scoped3A : memref<!tpu.dma_semaphore, #tpu.memory_space<semaphore_mem>>)
      %dma_wait3A = tpu.memref_slice %arg3[%add3A_30] : memref<51200xf32, #tpu.memory_space<hbm>> -> memref<1600xf32, #tpu.memory_space<hbm>>
      %dma_wait3A_32 = tpu.memref_slice %arg3[%add3A_30] : memref<51200xf32, #tpu.memory_space<hbm>> -> memref<1600xf32, #tpu.memory_space<hbm>>
      tpu.wait_dma2 semaphore(%run_scoped3A : memref<!tpu.dma_semaphore, #tpu.memory_space<semaphore_mem>>) src(%arg9 : memref<1600xf32, #tpu.memory_space<vmem>>) dst(%dma_wait3A_32 : memref<1600xf32, #tpu.memory_space<hbm>>)
      tpu.yield
    }) : () -> ()
    return
  }
}

#map = affine_map<(d0, d1) -> (0, 0)>
module attributes {stable_mosaic.version = 14 : i64} {
  func.func @_layer_body(%arg0: i32, %arg1: i32, %arg2: memref<6400x256xi32, #tpu.memory_space<hbm>>, %arg3: memref<51200x64xf32, #tpu.memory_space<hbm>>, %arg4: memref<51200x64xf32, #tpu.memory_space<hbm>>, %arg5: memref<51200x64xf32, #tpu.memory_space<hbm>>, %arg6: memref<51200x64xf32, #tpu.memory_space<hbm>>, %arg7: memref<51200x64xf32, #tpu.memory_space<hbm>>, %arg8: memref<51200x64xf32, #tpu.memory_space<hbm>>, %arg9: memref<25728x64xf32, #tpu.memory_space<vmem_shared>>, %arg10: memref<16x256xi32, #tpu.memory_space<vmem>>, %arg11: memref<17x128xi32, #tpu.memory_space<vmem>>, %arg12: memref<17x128xi32, #tpu.memory_space<vmem>>, %arg13: memref<256x64xf32, #tpu.memory_space<vmem>>, %arg14: memref<!tpu.dma_semaphore, #tpu.memory_space<semaphore_mem>>, %arg15: memref<!tpu.dma_semaphore, #tpu.memory_space<semaphore_mem>>) attributes {dimension_semantics = [#tpu.dimension_semantics<core_parallel>, #tpu.dimension_semantics<subcore_parallel>], iteration_bounds = array<i64: 2, 16>, scalar_prefetch = 0 : i64, scratch_operands = 7 : i64, tpu.core_type = #tpu.core_type<sc_vector_subcore>, window_params = [{transform_indices = #map}, {transform_indices = #map}, {transform_indices = #map}, {transform_indices = #map}, {transform_indices = #map}, {transform_indices = #map}, {transform_indices = #map}]} {
    %scan3A = arith.constant 0 : i32
    %scan3A_0 = arith.constant 0 : i32
    %scan3A_1 = arith.constant 128 : i32
    %scan3A_2 = arith.addi %scan3A_0, %scan3A_1 : i32
    %scan3A_3 = arith.constant 1 : i32
    %scan3A_4 = scf.for %scan3A_35 = %scan3A_0 to %scan3A_2 step %scan3A_3 iter_args(%scan3A_36 = %scan3A) -> (i32)  : i32 {
      %broadcast_in_dim3A = arith.constant 0.000000e+00 : f32
      %broadcast_in_dim3A_37 = vector.broadcast %broadcast_in_dim3A : f32 to vector<16xf32>
      %swap3A = arith.index_cast %scan3A_35 : i32 to index
      %swap3A_38 = arith.constant 0 : index
      %swap3A_39 = tpu.vector_load %arg13[%swap3A, %swap3A_38] {strides = array<i32>} : memref<256x64xf32, #tpu.memory_space<vmem>>, vector<16xf32>,
      tpu.vector_store %arg13[%swap3A, %swap3A_38], %broadcast_in_dim3A_37 {strides = array<i32>} : memref<256x64xf32, #tpu.memory_space<vmem>>, vector<16xf32>,
      %broadcast_in_dim3A_40 = arith.constant 0.000000e+00 : f32
      %broadcast_in_dim3A_41 = vector.broadcast %broadcast_in_dim3A_40 : f32 to vector<16xf32>
      %swap3A_42 = arith.index_cast %scan3A_35 : i32 to index
      %swap3A_43 = arith.constant 16 : index
      %swap3A_44 = tpu.vector_load %arg13[%swap3A_42, %swap3A_43] {strides = array<i32>} : memref<256x64xf32, #tpu.memory_space<vmem>>, vector<16xf32>,
      tpu.vector_store %arg13[%swap3A_42, %swap3A_43], %broadcast_in_dim3A_41 {strides = array<i32>} : memref<256x64xf32, #tpu.memory_space<vmem>>, vector<16xf32>,
      %broadcast_in_dim3A_45 = arith.constant 0.000000e+00 : f32
      %broadcast_in_dim3A_46 = vector.broadcast %broadcast_in_dim3A_45 : f32 to vector<16xf32>
      %swap3A_47 = arith.index_cast %scan3A_35 : i32 to index
      %swap3A_48 = arith.constant 32 : index
      %swap3A_49 = tpu.vector_load %arg13[%swap3A_47, %swap3A_48] {strides = array<i32>} : memref<256x64xf32, #tpu.memory_space<vmem>>, vector<16xf32>,
      tpu.vector_store %arg13[%swap3A_47, %swap3A_48], %broadcast_in_dim3A_46 {strides = array<i32>} : memref<256x64xf32, #tpu.memory_space<vmem>>, vector<16xf32>,
      %broadcast_in_dim3A_50 = arith.constant 0.000000e+00 : f32
      %broadcast_in_dim3A_51 = vector.broadcast %broadcast_in_dim3A_50 : f32 to vector<16xf32>
      %swap3A_52 = arith.index_cast %scan3A_35 : i32 to index
      %swap3A_53 = arith.constant 48 : index
      %swap3A_54 = tpu.vector_load %arg13[%swap3A_52, %swap3A_53] {strides = array<i32>} : memref<256x64xf32, #tpu.memory_space<vmem>>, vector<16xf32>,
      tpu.vector_store %arg13[%swap3A_52, %swap3A_53], %broadcast_in_dim3A_51 {strides = array<i32>} : memref<256x64xf32, #tpu.memory_space<vmem>>, vector<16xf32>,
      %scan3A_55 = arith.constant 0 : i32
      scf.yield %scan3A_55 : i32
    }
    %scan3A_5 = arith.constant 128 : i32
    %mul3A = arith.constant 1600 : i32
    %mul3A_6 = arith.muli %arg1, %mul3A : i32
    %scan3A_7 = arith.constant 0 : i32
    %scan3A_8 = arith.constant 0 : i32
    %scan3A_9 = arith.constant 12 : i32
    %scan3A_10 = arith.addi %scan3A_8, %scan3A_9 : i32
    %scan3A_11 = arith.constant 1 : i32
    %scan3A_12 = scf.for %scan3A_35 = %scan3A_8 to %scan3A_10 step %scan3A_11 iter_args(%scan3A_36 = %scan3A_7) -> (i32)  : i32 {
      %mul3A_37 = arith.constant 128 : i32
      %mul3A_38 = arith.muli %scan3A_35, %mul3A_37 : i32
      %add3A_39 = arith.addi %mul3A_6, %mul3A_38 : i32
      "tpu.region"() ({
        %run_scoped3A = tpu.sem_alloc : memref<!tpu.dma_semaphore, #tpu.memory_space<semaphore_mem>>
        %dma_start3A = arith.constant 0 : i32
        %dma_start3A_41 = arith.constant 0 : i32
        %dma_start3A_42 = tpu.memref_slice %arg13[%dma_start3A, %dma_start3A_41] : memref<256x64xf32, #tpu.memory_space<vmem>> -> memref<128x64xf32, #tpu.memory_space<vmem>>
        %dma_start3A_43 = arith.constant 0 : i32
        %dma_start3A_44 = tpu.memref_slice %arg9[%add3A_39, %dma_start3A_43] : memref<25728x64xf32, #tpu.memory_space<vmem_shared>> -> memref<128x64xf32, #tpu.memory_space<vmem_shared>>
        %dma_start3A_45 = arith.constant 0 : i32
        %dma_start3A_46 = tpu.memref_slice %arg9[%add3A_39, %dma_start3A_45] : memref<25728x64xf32, #tpu.memory_space<vmem_shared>> -> memref<128x64xf32, #tpu.memory_space<vmem_shared>>
        %dma_start3A_47 = arith.constant 0 : i32
        %dma_start3A_48 = arith.constant 0 : i32
        %dma_start3A_49 = tpu.memref_slice %arg13[%dma_start3A_47, %dma_start3A_48] : memref<256x64xf32, #tpu.memory_space<vmem>> -> memref<128x64xf32, #tpu.memory_space<vmem>>
        tpu.enqueue_dma source(%dma_start3A_49 : memref<128x64xf32, #tpu.memory_space<vmem>>) target(%dma_start3A_46 : memref<128x64xf32, #tpu.memory_space<vmem_shared>>) target_semaphore(%run_scoped3A : memref<!tpu.dma_semaphore, #tpu.memory_space<semaphore_mem>>)
        %dma_wait3A = arith.constant 0 : i32
        %dma_wait3A_50 = arith.constant 0 : i32
        %dma_wait3A_51 = tpu.memref_slice %arg13[%dma_wait3A, %dma_wait3A_50] : memref<256x64xf32, #tpu.memory_space<vmem>> -> memref<128x64xf32, #tpu.memory_space<vmem>>
        %dma_wait3A_52 = arith.constant 0 : i32
        %dma_wait3A_53 = tpu.memref_slice %arg9[%add3A_39, %dma_wait3A_52] : memref<25728x64xf32, #tpu.memory_space<vmem_shared>> -> memref<128x64xf32, #tpu.memory_space<vmem_shared>>
        %dma_wait3A_54 = arith.constant 0 : i32
        %dma_wait3A_55 = tpu.memref_slice %arg9[%add3A_39, %dma_wait3A_54] : memref<25728x64xf32, #tpu.memory_space<vmem_shared>> -> memref<128x64xf32, #tpu.memory_space<vmem_shared>>
        %dma_wait3A_56 = arith.constant 0 : i32
        %dma_wait3A_57 = arith.constant 0 : i32
        %dma_wait3A_58 = tpu.memref_slice %arg13[%dma_wait3A_56, %dma_wait3A_57] : memref<256x64xf32, #tpu.memory_space<vmem>> -> memref<128x64xf32, #tpu.memory_space<vmem>>
        tpu.wait_dma2 semaphore(%run_scoped3A : memref<!tpu.dma_semaphore, #tpu.memory_space<semaphore_mem>>) src(%dma_wait3A_58 : memref<128x64xf32, #tpu.memory_space<vmem>>) dst(%dma_wait3A_55 : memref<128x64xf32, #tpu.memory_space<vmem_shared>>)
        tpu.yield
      }) : () -> ()
      %scan3A_40 = arith.constant 0 : i32
      scf.yield %scan3A_40 : i32
    }
    %scan3A_13 = arith.constant 12 : i32
    %add3A = arith.constant 1600 : i32
    %add3A_14 = arith.addi %mul3A_6, %add3A : i32
    %sub3A = arith.constant 64 : i32
    %sub3A_15 = arith.subi %add3A_14, %sub3A : i32
    "tpu.region"() ({
      %run_scoped3A = tpu.sem_alloc : memref<!tpu.dma_semaphore, #tpu.memory_space<semaphore_mem>>
      %dma_start3A = arith.constant 0 : i32
      %dma_start3A_35 = arith.constant 0 : i32
      %dma_start3A_36 = tpu.memref_slice %arg13[%dma_start3A, %dma_start3A_35] : memref<256x64xf32, #tpu.memory_space<vmem>> -> memref<64x64xf32, #tpu.memory_space<vmem>>
      %dma_start3A_37 = arith.constant 0 : i32
      %dma_start3A_38 = tpu.memref_slice %arg9[%sub3A_15, %dma_start3A_37] : memref<25728x64xf32, #tpu.memory_space<vmem_shared>> -> memref<64x64xf32, #tpu.memory_space<vmem_shared>>
      %dma_start3A_39 = arith.constant 0 : i32
      %dma_start3A_40 = tpu.memref_slice %arg9[%sub3A_15, %dma_start3A_39] : memref<25728x64xf32, #tpu.memory_space<vmem_shared>> -> memref<64x64xf32, #tpu.memory_space<vmem_shared>>
      %dma_start3A_41 = arith.constant 0 : i32
      %dma_start3A_42 = arith.constant 0 : i32
      %dma_start3A_43 = tpu.memref_slice %arg13[%dma_start3A_41, %dma_start3A_42] : memref<256x64xf32, #tpu.memory_space<vmem>> -> memref<64x64xf32, #tpu.memory_space<vmem>>
      tpu.enqueue_dma source(%dma_start3A_43 : memref<64x64xf32, #tpu.memory_space<vmem>>) target(%dma_start3A_40 : memref<64x64xf32, #tpu.memory_space<vmem_shared>>) target_semaphore(%run_scoped3A : memref<!tpu.dma_semaphore, #tpu.memory_space<semaphore_mem>>)
      %dma_wait3A = arith.constant 0 : i32
      %dma_wait3A_44 = arith.constant 0 : i32
      %dma_wait3A_45 = tpu.memref_slice %arg13[%dma_wait3A, %dma_wait3A_44] : memref<256x64xf32, #tpu.memory_space<vmem>> -> memref<64x64xf32, #tpu.memory_space<vmem>>
      %dma_wait3A_46 = arith.constant 0 : i32
      %dma_wait3A_47 = tpu.memref_slice %arg9[%sub3A_15, %dma_wait3A_46] : memref<25728x64xf32, #tpu.memory_space<vmem_shared>> -> memref<64x64xf32, #tpu.memory_space<vmem_shared>>
      %dma_wait3A_48 = arith.constant 0 : i32
      %dma_wait3A_49 = tpu.memref_slice %arg9[%sub3A_15, %dma_wait3A_48] : memref<25728x64xf32, #tpu.memory_space<vmem_shared>> -> memref<64x64xf32, #tpu.memory_space<vmem_shared>>
      %dma_wait3A_50 = arith.constant 0 : i32
      %dma_wait3A_51 = arith.constant 0 : i32
      %dma_wait3A_52 = tpu.memref_slice %arg13[%dma_wait3A_50, %dma_wait3A_51] : memref<256x64xf32, #tpu.memory_space<vmem>> -> memref<64x64xf32, #tpu.memory_space<vmem>>
      tpu.wait_dma2 semaphore(%run_scoped3A : memref<!tpu.dma_semaphore, #tpu.memory_space<semaphore_mem>>) src(%dma_wait3A_52 : memref<64x64xf32, #tpu.memory_space<vmem>>) dst(%dma_wait3A_49 : memref<64x64xf32, #tpu.memory_space<vmem_shared>>)
      tpu.yield
    }) : () -> ()
    %barrier3A = arith.constant 0 : index
    tpu.barrier barrier_id(%barrier3A)
    %mul3A_16 = arith.constant 25600 : i32
    %mul3A_17 = arith.muli %arg0, %mul3A_16 : i32
    %scan3A_18 = arith.constant 0 : i32
    %scan3A_19 = arith.constant 0 : i32
    %scan3A_20 = arith.constant 25 : i32
    %scan3A_21 = arith.addi %scan3A_19, %scan3A_20 : i32
    %scan3A_22 = arith.constant 1 : i32
    %scan3A_23 = scf.for %scan3A_35 = %scan3A_19 to %scan3A_21 step %scan3A_22 iter_args(%scan3A_36 = %scan3A_18) -> (i32)  : i32 {
      %mul3A_37 = arith.constant 400 : i32
      %mul3A_38 = arith.muli %arg1, %mul3A_37 : i32
      %mul3A_39 = arith.constant 16 : i32
      %mul3A_40 = arith.muli %scan3A_35, %mul3A_39 : i32
      %add3A_41 = arith.addi %mul3A_38, %mul3A_40 : i32
      "tpu.region"() ({
        %run_scoped3A = tpu.sem_alloc : memref<!tpu.dma_semaphore, #tpu.memory_space<semaphore_mem>>
        %dma_start3A = arith.constant 0 : i32
        %dma_start3A_80 = tpu.memref_slice %arg2[%add3A_41, %dma_start3A] : memref<6400x256xi32, #tpu.memory_space<hbm>> -> memref<16x256xi32, #tpu.memory_space<hbm>>
        %dma_start3A_81 = arith.constant 0 : i32
        %dma_start3A_82 = tpu.memref_slice %arg2[%add3A_41, %dma_start3A_81] : memref<6400x256xi32, #tpu.memory_space<hbm>> -> memref<16x256xi32, #tpu.memory_space<hbm>>
        tpu.enqueue_dma source(%dma_start3A_82 : memref<16x256xi32, #tpu.memory_space<hbm>>) target(%arg10 : memref<16x256xi32, #tpu.memory_space<vmem>>) target_semaphore(%run_scoped3A : memref<!tpu.dma_semaphore, #tpu.memory_space<semaphore_mem>>)
        %dma_wait3A = arith.constant 0 : i32
        %dma_wait3A_83 = tpu.memref_slice %arg2[%add3A_41, %dma_wait3A] : memref<6400x256xi32, #tpu.memory_space<hbm>> -> memref<16x256xi32, #tpu.memory_space<hbm>>
        %dma_wait3A_84 = arith.constant 0 : i32
        %dma_wait3A_85 = tpu.memref_slice %arg2[%add3A_41, %dma_wait3A_84] : memref<6400x256xi32, #tpu.memory_space<hbm>> -> memref<16x256xi32, #tpu.memory_space<hbm>>
        tpu.wait_dma2 semaphore(%run_scoped3A : memref<!tpu.dma_semaphore, #tpu.memory_space<semaphore_mem>>) src(%dma_wait3A_85 : memref<16x256xi32, #tpu.memory_space<hbm>>) dst(%arg10 : memref<16x256xi32, #tpu.memory_space<vmem>>)
        tpu.yield
      }) : () -> ()
      %iota3A = tpu.iota {dimensions = array<i32: 0>} : vector<16xi32>
      %scan3A_42 = arith.constant 0 : i32
      %scan3A_43 = arith.constant 0 : i32
      %scan3A_44 = arith.constant 128 : i32
      %scan3A_45 = arith.addi %scan3A_43, %scan3A_44 : i32
      %scan3A_46 = arith.constant 1 : i32
      %scan3A_47 = scf.for %scan3A_80 = %scan3A_43 to %scan3A_45 step %scan3A_46 iter_args(%scan3A_81 = %scan3A_42) -> (i32)  : i32 {
        %shift_right_arithmetic3A_82 = arith.constant 3 : i32
        %shift_right_arithmetic3A_83 = arith.shrsi %scan3A_80, %shift_right_arithmetic3A_82 : i32
        %and3A = arith.constant 7 : i32
        %and3A_84 = arith.andi %scan3A_80, %and3A : i32
        %mul3A_85 = arith.constant 16 : i32
        %mul3A_86 = arith.muli %and3A_84, %mul3A_85 : i32
        %mul3A_87 = arith.constant 16 : i32
        %mul3A_88 = arith.muli %and3A_84, %mul3A_87 : i32
        %add3A_89 = arith.constant 128 : i32
        %add3A_90 = arith.addi %add3A_89, %mul3A_88 : i32
        %get3A = arith.index_cast %shift_right_arithmetic3A_83 : i32 to index
        %get3A_91 = arith.index_cast %add3A_90 : i32 to index
        %get3A_92 = tpu.vector_load %arg10[%get3A, %get3A_91] {strides = array<i32>} : memref<16x256xi32, #tpu.memory_space<vmem>>, vector<16xi32>,
        %get3A_93 = arith.index_cast %shift_right_arithmetic3A_83 : i32 to index
        %get3A_94 = arith.index_cast %mul3A_86 : i32 to index
        %get3A_95 = tpu.vector_load %arg10[%get3A_93, %get3A_94] {strides = array<i32>} : memref<16x256xi32, #tpu.memory_space<vmem>>, vector<16xi32>,
        %sub3A_96 = vector.broadcast %mul3A_17 : i32 to vector<16xi32>
        %sub3A_97 = arith.subi %get3A_92, %sub3A_96 : vector<16xi32>
        %ge3A = arith.constant 0 : i32
        %ge3A_98 = vector.broadcast %ge3A : i32 to vector<16xi32>
        %ge3A_99 = arith.cmpi sge, %sub3A_97, %ge3A_98 : vector<16xi32>
        %lt3A = arith.constant 25600 : i32
        %lt3A_100 = vector.broadcast %lt3A : i32 to vector<16xi32>
        %lt3A_101 = arith.cmpi slt, %sub3A_97, %lt3A_100 : vector<16xi32>
        %and3A_102 = arith.andi %ge3A_99, %lt3A_101 : vector<16xi1>
        %jit3A = arith.constant 1 : i32
        %jit3A_103 = arith.constant 0 : i32
        %broadcast_in_dim3A = vector.broadcast %jit3A : i32 to vector<16xi32>
        %broadcast_in_dim3A_104 = vector.broadcast %jit3A_103 : i32 to vector<16xi32>
        %select_n3A = arith.select %and3A_102, %broadcast_in_dim3A, %broadcast_in_dim3A_104 : vector<16xi1>, vector<16xi32>
        %broadcast_in_dim3A_105 = arith.constant true
        %broadcast_in_dim3A_106 = vector.broadcast %broadcast_in_dim3A_105 : i1 to vector<16xi1>
        %masked_cumsum3A = tpu.scan <sum>, %select_n3A masked %broadcast_in_dim3A_106 : vector<16xi32>, vector<16xi1> -> vector<16xi32>
        %sub3A_107 = arith.subi %masked_cumsum3A, %select_n3A : vector<16xi32>
        %add3A_108 = vector.broadcast %scan3A_81 : i32 to vector<16xi32>
        %add3A_109 = arith.addi %add3A_108, %sub3A_107 : vector<16xi32>
        %shift_right_arithmetic3A_110 = arith.constant 7 : i32
        %shift_right_arithmetic3A_111 = vector.broadcast %shift_right_arithmetic3A_110 : i32 to vector<16xi32>
        %shift_right_arithmetic3A_112 = arith.shrsi %add3A_109, %shift_right_arithmetic3A_111 : vector<16xi32>
        %and3A_113 = arith.constant 127 : i32
        %and3A_114 = vector.broadcast %and3A_113 : i32 to vector<16xi32>
        %and3A_115 = arith.andi %add3A_109, %and3A_114 : vector<16xi32>
        tpu.vector_store_idx %arg11[%shift_right_arithmetic3A_112, %and3A_115], %get3A_95 masked %and3A_102 : memref<17x128xi32, #tpu.memory_space<vmem>>[vector<16xi32>, vector<16xi32>], vector<16xi32>, vector<16xi1>
        %shift_right_arithmetic3A_116 = arith.constant 7 : i32
        %shift_right_arithmetic3A_117 = vector.broadcast %shift_right_arithmetic3A_116 : i32 to vector<16xi32>
        %shift_right_arithmetic3A_118 = arith.shrsi %add3A_109, %shift_right_arithmetic3A_117 : vector<16xi32>
        %and3A_119 = arith.constant 127 : i32
        %and3A_120 = vector.broadcast %and3A_119 : i32 to vector<16xi32>
        %and3A_121 = arith.andi %add3A_109, %and3A_120 : vector<16xi32>
        tpu.vector_store_idx %arg12[%shift_right_arithmetic3A_118, %and3A_121], %sub3A_97 masked %and3A_102 : memref<17x128xi32, #tpu.memory_space<vmem>>[vector<16xi32>, vector<16xi32>], vector<16xi32>, vector<16xi1>
        %all_reduce_population_count3A = tpu.all_reduce %and3A_102 {dim = 0 : i64, kind = #tpu.reduction_kind<sum>} : vector<16xi1> -> vector<16xi32>
        %slice3A = vector.extract_strided_slice %all_reduce_population_count3A {offsets = [0], sizes = [1], strides = [1]} : vector<16xi32> to vector<1xi32>
        %squeeze3A = vector.extract %slice3A[0] : i32 from vector<1xi32>
        %add3A_122 = arith.addi %scan3A_81, %squeeze3A : i32
        scf.yield %add3A_122 : i32
      }
      %scan3A_48 = arith.constant 128 : i32
      %add3A_49 = arith.constant 127 : i32
      %add3A_50 = arith.addi %scan3A_47, %add3A_49 : i32
      %shift_right_arithmetic3A = arith.constant 7 : i32
      %shift_right_arithmetic3A_51 = arith.shrsi %add3A_50, %shift_right_arithmetic3A : i32
      %mul3A_52 = arith.constant 128 : i32
      %mul3A_53 = arith.muli %shift_right_arithmetic3A_51, %mul3A_52 : i32
      %scan3A_54 = arith.constant 0 : i32
      %scan3A_55 = arith.constant 0 : i32
      %scan3A_56 = arith.constant 8 : i32
      %scan3A_57 = arith.addi %scan3A_55, %scan3A_56 : i32
      %scan3A_58 = arith.constant 1 : i32
      %scan3A_59 = scf.for %scan3A_80 = %scan3A_55 to %scan3A_57 step %scan3A_58 iter_args(%scan3A_81 = %scan3A_54) -> (i32)  : i32 {
        %mul3A_82 = arith.constant 16 : i32
        %mul3A_83 = arith.muli %scan3A_80, %mul3A_82 : i32
        %add3A_84 = arith.addi %scan3A_47, %mul3A_83 : i32
        %add3A_85 = vector.broadcast %add3A_84 : i32 to vector<16xi32>
        %add3A_86 = arith.addi %add3A_85, %iota3A : vector<16xi32>
        %lt3A = vector.broadcast %mul3A_53 : i32 to vector<16xi32>
        %lt3A_87 = arith.cmpi slt, %add3A_86, %lt3A : vector<16xi32>
        %and3A = arith.constant 1023 : i32
        %and3A_88 = vector.broadcast %and3A : i32 to vector<16xi32>
        %and3A_89 = arith.andi %add3A_86, %and3A_88 : vector<16xi32>
        %add3A_90 = arith.constant 50000 : i32
        %add3A_91 = vector.broadcast %add3A_90 : i32 to vector<16xi32>
        %add3A_92 = arith.addi %add3A_91, %and3A_89 : vector<16xi32>
        %shift_right_arithmetic3A_93 = arith.constant 7 : i32
        %shift_right_arithmetic3A_94 = vector.broadcast %shift_right_arithmetic3A_93 : i32 to vector<16xi32>
        %shift_right_arithmetic3A_95 = arith.shrsi %add3A_86, %shift_right_arithmetic3A_94 : vector<16xi32>
        %and3A_96 = arith.constant 127 : i32
        %and3A_97 = vector.broadcast %and3A_96 : i32 to vector<16xi32>
        %and3A_98 = arith.andi %add3A_86, %and3A_97 : vector<16xi32>
        tpu.vector_store_idx %arg11[%shift_right_arithmetic3A_95, %and3A_98], %add3A_92 masked %lt3A_87 : memref<17x128xi32, #tpu.memory_space<vmem>>[vector<16xi32>, vector<16xi32>], vector<16xi32>, vector<16xi1>
        %shift_right_arithmetic3A_99 = arith.constant 7 : i32
        %shift_right_arithmetic3A_100 = vector.broadcast %shift_right_arithmetic3A_99 : i32 to vector<16xi32>
        %shift_right_arithmetic3A_101 = arith.shrsi %add3A_86, %shift_right_arithmetic3A_100 : vector<16xi32>
        %and3A_102 = arith.constant 127 : i32
        %and3A_103 = vector.broadcast %and3A_102 : i32 to vector<16xi32>
        %and3A_104 = arith.andi %add3A_86, %and3A_103 : vector<16xi32>
        %and3A_105 = arith.constant 127 : i32
        %and3A_106 = vector.broadcast %and3A_105 : i32 to vector<16xi32>
        %and3A_107 = arith.andi %add3A_86, %and3A_106 : vector<16xi32>
        %add3A_108 = arith.constant 25600 : i32
        %add3A_109 = vector.broadcast %add3A_108 : i32 to vector<16xi32>
        %add3A_110 = arith.addi %add3A_109, %and3A_107 : vector<16xi32>
        tpu.vector_store_idx %arg12[%shift_right_arithmetic3A_101, %and3A_104], %add3A_110 masked %lt3A_87 : memref<17x128xi32, #tpu.memory_space<vmem>>[vector<16xi32>, vector<16xi32>], vector<16xi32>, vector<16xi1>
        %scan3A_111 = arith.constant 0 : i32
        scf.yield %scan3A_111 : i32
      }
      %scan3A_60 = arith.constant 8 : i32
      %gt3A = arith.constant 0 : i32
      %gt3A_61 = arith.cmpi sgt, %shift_right_arithmetic3A_51, %gt3A : i32
      %convert_element_type3A = arith.extui %gt3A_61 : i1 to i32
      %cond3A = arith.constant 0 : i32
      %cond3A_62 = arith.cmpi ne, %convert_element_type3A, %cond3A : i32
      scf.if %cond3A_62 {
        %dma_start3A = arith.constant 0 : i32
        %dma_start3A_80 = arith.constant 0 : i32
        %dma_start3A_81 = arith.constant 0 : i32
        %dma_start3A_82 = tpu.memref_slice %arg13[%dma_start3A_80, %dma_start3A_81] : memref<256x64xf32, #tpu.memory_space<vmem>> -> memref<128x64xf32, #tpu.memory_space<vmem>>
        %dma_start3A_83 = arith.constant 0 : i32
        %dma_start3A_84 = tpu.memref_slice %arg11[%dma_start3A, %dma_start3A_83] : memref<17x128xi32, #tpu.memory_space<vmem>> -> memref<1x128xi32, #tpu.memory_space<vmem>>
        %dma_start3A_85 = tpu.memref_squeeze %dma_start3A_84 : memref<1x128xi32, #tpu.memory_space<vmem>> -> memref<128xi32, #tpu.memory_space<vmem>>
        %dma_start3A_86 = arith.constant 0 : i32
        %dma_start3A_87 = arith.constant 0 : i32
        %dma_start3A_88 = tpu.memref_slice %arg3[%dma_start3A_86, %dma_start3A_87] : memref<51200x64xf32, #tpu.memory_space<hbm>> -> memref<51200x64xf32, #tpu.memory_space<hbm>>
        tpu.enqueue_indirect_dma source(%dma_start3A_88 : memref<51200x64xf32, #tpu.memory_space<hbm>>) target(%dma_start3A_82 : memref<128x64xf32, #tpu.memory_space<vmem>>) offsets(%dma_start3A_85 : memref<128xi32, #tpu.memory_space<vmem>>) semaphore(%arg14 : memref<!tpu.dma_semaphore, #tpu.memory_space<semaphore_mem>>)
      } else {
      }
      %while3A = arith.constant 0 : i32
      %while3A_63 = arith.constant 0 : i32
      %while3A_64 = arith.subi %shift_right_arithmetic3A_51, %while3A : i32
      %while3A_65 = arith.addi %while3A, %while3A_64 : i32
      %while3A_66 = arith.constant 1 : i32
      %while3A_67 = arith.divsi %while3A_64, %while3A_66 : i32
      %while3A_68 = arith.muli %while3A_67, %while3A_66 : i32
      %while3A_69 = arith.addi %while3A, %while3A_68 : i32
      %while3A_70 = arith.constant 1 : i32
      %while3A_71 = scf.for %while3A_80 = %while3A to %while3A_69 step %while3A_70 iter_args(%while3A_81 = %while3A_63) -> (i32)  : i32 {
        %and3A = arith.constant 1 : i32
        %and3A_82 = arith.andi %while3A_80, %and3A : i32
        %mul3A_83 = arith.constant 128 : i32
        %mul3A_84 = arith.muli %and3A_82, %mul3A_83 : i32
        %sub3A_85 = arith.constant 128 : i32
        %sub3A_86 = arith.subi %sub3A_85, %mul3A_84 : i32
        %dma_wait3A = arith.constant 0 : i32
        %dma_wait3A_87 = tpu.memref_slice %arg13[%mul3A_84, %dma_wait3A] : memref<256x64xf32, #tpu.memory_space<vmem>> -> memref<128x64xf32, #tpu.memory_space<vmem>>
        %dma_wait3A_88 = arith.constant 0 : i32
        %dma_wait3A_89 = tpu.memref_slice %arg11[%while3A_80, %dma_wait3A_88] : memref<17x128xi32, #tpu.memory_space<vmem>> -> memref<1x128xi32, #tpu.memory_space<vmem>>
        %dma_wait3A_90 = tpu.memref_squeeze %dma_wait3A_89 : memref<1x128xi32, #tpu.memory_space<vmem>> -> memref<128xi32, #tpu.memory_space<vmem>>
        %dma_wait3A_91 = arith.constant 0 : i32
        %dma_wait3A_92 = arith.constant 0 : i32
        %dma_wait3A_93 = tpu.memref_slice %arg3[%dma_wait3A_91, %dma_wait3A_92] : memref<51200x64xf32, #tpu.memory_space<hbm>> -> memref<51200x64xf32, #tpu.memory_space<hbm>>
        tpu.wait_indirect_dma semaphore(%arg14 : memref<!tpu.dma_semaphore, #tpu.memory_space<semaphore_mem>>) src(%dma_wait3A_93 : memref<51200x64xf32, #tpu.memory_space<hbm>>) dst(%dma_wait3A_87 : memref<128x64xf32, #tpu.memory_space<vmem>>)
        %gt3A_94 = arith.constant 0 : i32
        %gt3A_95 = arith.cmpi sgt, %while3A_80, %gt3A_94 : i32
        %convert_element_type3A_96 = arith.extui %gt3A_95 : i1 to i32
        %cond3A_97 = arith.constant 0 : i32
        %cond3A_98 = arith.cmpi ne, %convert_element_type3A_96, %cond3A_97 : i32
        scf.if %cond3A_98 {
          %sub3A_112 = arith.constant 1 : i32
          %sub3A_113 = arith.subi %while3A_80, %sub3A_112 : i32
          %dma_wait3A_114 = arith.constant 0 : i32
          %dma_wait3A_115 = tpu.memref_slice %arg13[%sub3A_86, %dma_wait3A_114] : memref<256x64xf32, #tpu.memory_space<vmem>> -> memref<128x64xf32, #tpu.memory_space<vmem>>
          %dma_wait3A_116 = arith.constant 0 : i32
          %dma_wait3A_117 = tpu.memref_slice %arg12[%sub3A_113, %dma_wait3A_116] : memref<17x128xi32, #tpu.memory_space<vmem>> -> memref<1x128xi32, #tpu.memory_space<vmem>>
          %dma_wait3A_118 = tpu.memref_squeeze %dma_wait3A_117 : memref<1x128xi32, #tpu.memory_space<vmem>> -> memref<128xi32, #tpu.memory_space<vmem>>
          %dma_wait3A_119 = arith.constant 0 : i32
          %dma_wait3A_120 = arith.constant 0 : i32
          %dma_wait3A_121 = tpu.memref_slice %arg9[%dma_wait3A_119, %dma_wait3A_120] : memref<25728x64xf32, #tpu.memory_space<vmem_shared>> -> memref<25728x64xf32, #tpu.memory_space<vmem_shared>>
          tpu.wait_indirect_dma semaphore(%arg15 : memref<!tpu.dma_semaphore, #tpu.memory_space<semaphore_mem>>) src(%dma_wait3A_115 : memref<128x64xf32, #tpu.memory_space<vmem>>) dst(%dma_wait3A_121 : memref<25728x64xf32, #tpu.memory_space<vmem_shared>>)
        } else {
        }
        %dma_start3A = arith.constant 0 : i32
        %dma_start3A_99 = tpu.memref_slice %arg13[%mul3A_84, %dma_start3A] : memref<256x64xf32, #tpu.memory_space<vmem>> -> memref<128x64xf32, #tpu.memory_space<vmem>>
        %dma_start3A_100 = arith.constant 0 : i32
        %dma_start3A_101 = tpu.memref_slice %arg12[%while3A_80, %dma_start3A_100] : memref<17x128xi32, #tpu.memory_space<vmem>> -> memref<1x128xi32, #tpu.memory_space<vmem>>
        %dma_start3A_102 = tpu.memref_squeeze %dma_start3A_101 : memref<1x128xi32, #tpu.memory_space<vmem>> -> memref<128xi32, #tpu.memory_space<vmem>>
        %dma_start3A_103 = arith.constant 0 : i32
        %dma_start3A_104 = arith.constant 0 : i32
        %dma_start3A_105 = tpu.memref_slice %arg9[%dma_start3A_103, %dma_start3A_104] : memref<25728x64xf32, #tpu.memory_space<vmem_shared>> -> memref<25728x64xf32, #tpu.memory_space<vmem_shared>>
        tpu.enqueue_indirect_dma source(%dma_start3A_99 : memref<128x64xf32, #tpu.memory_space<vmem>>) target(%dma_start3A_105 : memref<25728x64xf32, #tpu.memory_space<vmem_shared>>) offsets(%dma_start3A_102 : memref<128xi32, #tpu.memory_space<vmem>>) semaphore(%arg15 : memref<!tpu.dma_semaphore, #tpu.memory_space<semaphore_mem>>) {add = true}
        %add3A_106 = arith.constant 1 : i32
        %add3A_107 = arith.addi %while3A_80, %add3A_106 : i32
        %lt3A = arith.cmpi slt, %add3A_107, %shift_right_arithmetic3A_51 : i32
        %convert_element_type3A_108 = arith.extui %lt3A : i1 to i32
        %cond3A_109 = arith.constant 0 : i32
        %cond3A_110 = arith.cmpi ne, %convert_element_type3A_108, %cond3A_109 : i32
        scf.if %cond3A_110 {
          %add3A_112 = arith.constant 1 : i32
          %add3A_113 = arith.addi %while3A_80, %add3A_112 : i32
          %dma_start3A_114 = arith.constant 0 : i32
          %dma_start3A_115 = tpu.memref_slice %arg13[%sub3A_86, %dma_start3A_114] : memref<256x64xf32, #tpu.memory_space<vmem>> -> memref<128x64xf32, #tpu.memory_space<vmem>>
          %dma_start3A_116 = arith.constant 0 : i32
          %dma_start3A_117 = tpu.memref_slice %arg11[%add3A_113, %dma_start3A_116] : memref<17x128xi32, #tpu.memory_space<vmem>> -> memref<1x128xi32, #tpu.memory_space<vmem>>
          %dma_start3A_118 = tpu.memref_squeeze %dma_start3A_117 : memref<1x128xi32, #tpu.memory_space<vmem>> -> memref<128xi32, #tpu.memory_space<vmem>>
          %dma_start3A_119 = arith.constant 0 : i32
          %dma_start3A_120 = arith.constant 0 : i32
          %dma_start3A_121 = tpu.memref_slice %arg3[%dma_start3A_119, %dma_start3A_120] : memref<51200x64xf32, #tpu.memory_space<hbm>> -> memref<51200x64xf32, #tpu.memory_space<hbm>>
          tpu.enqueue_indirect_dma source(%dma_start3A_121 : memref<51200x64xf32, #tpu.memory_space<hbm>>) target(%dma_start3A_115 : memref<128x64xf32, #tpu.memory_space<vmem>>) offsets(%dma_start3A_118 : memref<128xi32, #tpu.memory_space<vmem>>) semaphore(%arg14 : memref<!tpu.dma_semaphore, #tpu.memory_space<semaphore_mem>>)
        } else {
        }
        %while3A_111 = arith.constant 0 : i32
        scf.yield %while3A_111 : i32
      }
      %while3A_72 = arith.constant 1 : i32
      %while3A_73 = scf.for %while3A_80 = %while3A_69 to %while3A_65 step %while3A_72 iter_args(%while3A_81 = %while3A_71) -> (i32)  : i32 {
        %and3A = arith.constant 1 : i32
        %and3A_82 = arith.andi %while3A_80, %and3A : i32
        %mul3A_83 = arith.constant 128 : i32
        %mul3A_84 = arith.muli %and3A_82, %mul3A_83 : i32
        %sub3A_85 = arith.constant 128 : i32
        %sub3A_86 = arith.subi %sub3A_85, %mul3A_84 : i32
        %dma_wait3A = arith.constant 0 : i32
        %dma_wait3A_87 = tpu.memref_slice %arg13[%mul3A_84, %dma_wait3A] : memref<256x64xf32, #tpu.memory_space<vmem>> -> memref<128x64xf32, #tpu.memory_space<vmem>>
        %dma_wait3A_88 = arith.constant 0 : i32
        %dma_wait3A_89 = tpu.memref_slice %arg11[%while3A_80, %dma_wait3A_88] : memref<17x128xi32, #tpu.memory_space<vmem>> -> memref<1x128xi32, #tpu.memory_space<vmem>>
        %dma_wait3A_90 = tpu.memref_squeeze %dma_wait3A_89 : memref<1x128xi32, #tpu.memory_space<vmem>> -> memref<128xi32, #tpu.memory_space<vmem>>
        %dma_wait3A_91 = arith.constant 0 : i32
        %dma_wait3A_92 = arith.constant 0 : i32
        %dma_wait3A_93 = tpu.memref_slice %arg3[%dma_wait3A_91, %dma_wait3A_92] : memref<51200x64xf32, #tpu.memory_space<hbm>> -> memref<51200x64xf32, #tpu.memory_space<hbm>>
        tpu.wait_indirect_dma semaphore(%arg14 : memref<!tpu.dma_semaphore, #tpu.memory_space<semaphore_mem>>) src(%dma_wait3A_93 : memref<51200x64xf32, #tpu.memory_space<hbm>>) dst(%dma_wait3A_87 : memref<128x64xf32, #tpu.memory_space<vmem>>)
        %gt3A_94 = arith.constant 0 : i32
        %gt3A_95 = arith.cmpi sgt, %while3A_80, %gt3A_94 : i32
        %convert_element_type3A_96 = arith.extui %gt3A_95 : i1 to i32
        %cond3A_97 = arith.constant 0 : i32
        %cond3A_98 = arith.cmpi ne, %convert_element_type3A_96, %cond3A_97 : i32
        scf.if %cond3A_98 {
          %sub3A_112 = arith.constant 1 : i32
          %sub3A_113 = arith.subi %while3A_80, %sub3A_112 : i32
          %dma_wait3A_114 = arith.constant 0 : i32
          %dma_wait3A_115 = tpu.memref_slice %arg13[%sub3A_86, %dma_wait3A_114] : memref<256x64xf32, #tpu.memory_space<vmem>> -> memref<128x64xf32, #tpu.memory_space<vmem>>
          %dma_wait3A_116 = arith.constant 0 : i32
          %dma_wait3A_117 = tpu.memref_slice %arg12[%sub3A_113, %dma_wait3A_116] : memref<17x128xi32, #tpu.memory_space<vmem>> -> memref<1x128xi32, #tpu.memory_space<vmem>>
          %dma_wait3A_118 = tpu.memref_squeeze %dma_wait3A_117 : memref<1x128xi32, #tpu.memory_space<vmem>> -> memref<128xi32, #tpu.memory_space<vmem>>
          %dma_wait3A_119 = arith.constant 0 : i32
          %dma_wait3A_120 = arith.constant 0 : i32
          %dma_wait3A_121 = tpu.memref_slice %arg9[%dma_wait3A_119, %dma_wait3A_120] : memref<25728x64xf32, #tpu.memory_space<vmem_shared>> -> memref<25728x64xf32, #tpu.memory_space<vmem_shared>>
          tpu.wait_indirect_dma semaphore(%arg15 : memref<!tpu.dma_semaphore, #tpu.memory_space<semaphore_mem>>) src(%dma_wait3A_115 : memref<128x64xf32, #tpu.memory_space<vmem>>) dst(%dma_wait3A_121 : memref<25728x64xf32, #tpu.memory_space<vmem_shared>>)
        } else {
        }
        %dma_start3A = arith.constant 0 : i32
        %dma_start3A_99 = tpu.memref_slice %arg13[%mul3A_84, %dma_start3A] : memref<256x64xf32, #tpu.memory_space<vmem>> -> memref<128x64xf32, #tpu.memory_space<vmem>>
        %dma_start3A_100 = arith.constant 0 : i32
        %dma_start3A_101 = tpu.memref_slice %arg12[%while3A_80, %dma_start3A_100] : memref<17x128xi32, #tpu.memory_space<vmem>> -> memref<1x128xi32, #tpu.memory_space<vmem>>
        %dma_start3A_102 = tpu.memref_squeeze %dma_start3A_101 : memref<1x128xi32, #tpu.memory_space<vmem>> -> memref<128xi32, #tpu.memory_space<vmem>>
        %dma_start3A_103 = arith.constant 0 : i32
        %dma_start3A_104 = arith.constant 0 : i32
        %dma_start3A_105 = tpu.memref_slice %arg9[%dma_start3A_103, %dma_start3A_104] : memref<25728x64xf32, #tpu.memory_space<vmem_shared>> -> memref<25728x64xf32, #tpu.memory_space<vmem_shared>>
        tpu.enqueue_indirect_dma source(%dma_start3A_99 : memref<128x64xf32, #tpu.memory_space<vmem>>) target(%dma_start3A_105 : memref<25728x64xf32, #tpu.memory_space<vmem_shared>>) offsets(%dma_start3A_102 : memref<128xi32, #tpu.memory_space<vmem>>) semaphore(%arg15 : memref<!tpu.dma_semaphore, #tpu.memory_space<semaphore_mem>>) {add = true}
        %add3A_106 = arith.constant 1 : i32
        %add3A_107 = arith.addi %while3A_80, %add3A_106 : i32
        %lt3A = arith.cmpi slt, %add3A_107, %shift_right_arithmetic3A_51 : i32
        %convert_element_type3A_108 = arith.extui %lt3A : i1 to i32
        %cond3A_109 = arith.constant 0 : i32
        %cond3A_110 = arith.cmpi ne, %convert_element_type3A_108, %cond3A_109 : i32
        scf.if %cond3A_110 {
          %add3A_112 = arith.constant 1 : i32
          %add3A_113 = arith.addi %while3A_80, %add3A_112 : i32
          %dma_start3A_114 = arith.constant 0 : i32
          %dma_start3A_115 = tpu.memref_slice %arg13[%sub3A_86, %dma_start3A_114] : memref<256x64xf32, #tpu.memory_space<vmem>> -> memref<128x64xf32, #tpu.memory_space<vmem>>
          %dma_start3A_116 = arith.constant 0 : i32
          %dma_start3A_117 = tpu.memref_slice %arg11[%add3A_113, %dma_start3A_116] : memref<17x128xi32, #tpu.memory_space<vmem>> -> memref<1x128xi32, #tpu.memory_space<vmem>>
          %dma_start3A_118 = tpu.memref_squeeze %dma_start3A_117 : memref<1x128xi32, #tpu.memory_space<vmem>> -> memref<128xi32, #tpu.memory_space<vmem>>
          %dma_start3A_119 = arith.constant 0 : i32
          %dma_start3A_120 = arith.constant 0 : i32
          %dma_start3A_121 = tpu.memref_slice %arg3[%dma_start3A_119, %dma_start3A_120] : memref<51200x64xf32, #tpu.memory_space<hbm>> -> memref<51200x64xf32, #tpu.memory_space<hbm>>
          tpu.enqueue_indirect_dma source(%dma_start3A_121 : memref<51200x64xf32, #tpu.memory_space<hbm>>) target(%dma_start3A_115 : memref<128x64xf32, #tpu.memory_space<vmem>>) offsets(%dma_start3A_118 : memref<128xi32, #tpu.memory_space<vmem>>) semaphore(%arg14 : memref<!tpu.dma_semaphore, #tpu.memory_space<semaphore_mem>>)
        } else {
        }
        %while3A_111 = arith.constant 0 : i32
        scf.yield %while3A_111 : i32
      }
      %gt3A_74 = arith.constant 0 : i32
      %gt3A_75 = arith.cmpi sgt, %shift_right_arithmetic3A_51, %gt3A_74 : i32
      %convert_element_type3A_76 = arith.extui %gt3A_75 : i1 to i32
      %cond3A_77 = arith.constant 0 : i32
      %cond3A_78 = arith.cmpi ne, %convert_element_type3A_76, %cond3A_77 : i32
      scf.if %cond3A_78 {
        %sub3A_80 = arith.constant 1 : i32
        %sub3A_81 = arith.subi %shift_right_arithmetic3A_51, %sub3A_80 : i32
        %and3A = arith.constant 1 : i32
        %and3A_82 = arith.andi %sub3A_81, %and3A : i32
        %mul3A_83 = arith.constant 128 : i32
        %mul3A_84 = arith.muli %and3A_82, %mul3A_83 : i32
        %sub3A_85 = arith.constant 1 : i32
        %sub3A_86 = arith.subi %shift_right_arithmetic3A_51, %sub3A_85 : i32
        %dma_wait3A = arith.constant 0 : i32
        %dma_wait3A_87 = tpu.memref_slice %arg13[%mul3A_84, %dma_wait3A] : memref<256x64xf32, #tpu.memory_space<vmem>> -> memref<128x64xf32, #tpu.memory_space<vmem>>
        %dma_wait3A_88 = arith.constant 0 : i32
        %dma_wait3A_89 = tpu.memref_slice %arg12[%sub3A_86, %dma_wait3A_88] : memref<17x128xi32, #tpu.memory_space<vmem>> -> memref<1x128xi32, #tpu.memory_space<vmem>>
        %dma_wait3A_90 = tpu.memref_squeeze %dma_wait3A_89 : memref<1x128xi32, #tpu.memory_space<vmem>> -> memref<128xi32, #tpu.memory_space<vmem>>
        %dma_wait3A_91 = arith.constant 0 : i32
        %dma_wait3A_92 = arith.constant 0 : i32
        %dma_wait3A_93 = tpu.memref_slice %arg9[%dma_wait3A_91, %dma_wait3A_92] : memref<25728x64xf32, #tpu.memory_space<vmem_shared>> -> memref<25728x64xf32, #tpu.memory_space<vmem_shared>>
        tpu.wait_indirect_dma semaphore(%arg15 : memref<!tpu.dma_semaphore, #tpu.memory_space<semaphore_mem>>) src(%dma_wait3A_87 : memref<128x64xf32, #tpu.memory_space<vmem>>) dst(%dma_wait3A_93 : memref<25728x64xf32, #tpu.memory_space<vmem_shared>>)
      } else {
      }
      %scan3A_79 = arith.constant 0 : i32
      scf.yield %scan3A_79 : i32
    }
    %scan3A_24 = arith.constant 25 : i32
    %barrier3A_25 = arith.constant 0 : index
    tpu.barrier barrier_id(%barrier3A_25)
    %mul3A_26 = arith.constant 1600 : i32
    %mul3A_27 = arith.muli %arg1, %mul3A_26 : i32
    %scan3A_28 = arith.constant 0 : i32
    %scan3A_29 = arith.constant 0 : i32
    %scan3A_30 = arith.constant 25 : i32
    %scan3A_31 = arith.addi %scan3A_29, %scan3A_30 : i32
    %scan3A_32 = arith.constant 1 : i32
    %scan3A_33 = scf.for %scan3A_35 = %scan3A_29 to %scan3A_31 step %scan3A_32 iter_args(%scan3A_36 = %scan3A_28) -> (i32)  : i32 {
      %mul3A_37 = arith.constant 64 : i32
      %mul3A_38 = arith.muli %scan3A_35, %mul3A_37 : i32
      %add3A_39 = arith.addi %mul3A_27, %mul3A_38 : i32
      %mul3A_40 = arith.constant 25600 : i32
      %mul3A_41 = arith.muli %arg0, %mul3A_40 : i32
      %add3A_42 = arith.addi %mul3A_41, %add3A_39 : i32
      "tpu.region"() ({
        %run_scoped3A = tpu.sem_alloc : memref<!tpu.dma_semaphore, #tpu.memory_space<semaphore_mem>>
        %dma_start3A = arith.constant 0 : i32
        %dma_start3A_51 = arith.constant 0 : i32
        %dma_start3A_52 = tpu.memref_slice %arg13[%dma_start3A, %dma_start3A_51] : memref<256x64xf32, #tpu.memory_space<vmem>> -> memref<64x64xf32, #tpu.memory_space<vmem>>
        %dma_start3A_53 = arith.constant 0 : i32
        %dma_start3A_54 = tpu.memref_slice %arg9[%add3A_39, %dma_start3A_53] : memref<25728x64xf32, #tpu.memory_space<vmem_shared>> -> memref<64x64xf32, #tpu.memory_space<vmem_shared>>
        %dma_start3A_55 = arith.constant 0 : i32
        %dma_start3A_56 = arith.constant 0 : i32
        %dma_start3A_57 = tpu.memref_slice %arg13[%dma_start3A_55, %dma_start3A_56] : memref<256x64xf32, #tpu.memory_space<vmem>> -> memref<64x64xf32, #tpu.memory_space<vmem>>
        %dma_start3A_58 = arith.constant 0 : i32
        %dma_start3A_59 = tpu.memref_slice %arg9[%add3A_39, %dma_start3A_58] : memref<25728x64xf32, #tpu.memory_space<vmem_shared>> -> memref<64x64xf32, #tpu.memory_space<vmem_shared>>
        tpu.enqueue_dma source(%dma_start3A_59 : memref<64x64xf32, #tpu.memory_space<vmem_shared>>) target(%dma_start3A_57 : memref<64x64xf32, #tpu.memory_space<vmem>>) target_semaphore(%run_scoped3A : memref<!tpu.dma_semaphore, #tpu.memory_space<semaphore_mem>>)
        %dma_wait3A = arith.constant 0 : i32
        %dma_wait3A_60 = arith.constant 0 : i32
        %dma_wait3A_61 = tpu.memref_slice %arg13[%dma_wait3A, %dma_wait3A_60] : memref<256x64xf32, #tpu.memory_space<vmem>> -> memref<64x64xf32, #tpu.memory_space<vmem>>
        %dma_wait3A_62 = arith.constant 0 : i32
        %dma_wait3A_63 = tpu.memref_slice %arg9[%add3A_39, %dma_wait3A_62] : memref<25728x64xf32, #tpu.memory_space<vmem_shared>> -> memref<64x64xf32, #tpu.memory_space<vmem_shared>>
        %dma_wait3A_64 = arith.constant 0 : i32
        %dma_wait3A_65 = arith.constant 0 : i32
        %dma_wait3A_66 = tpu.memref_slice %arg13[%dma_wait3A_64, %dma_wait3A_65] : memref<256x64xf32, #tpu.memory_space<vmem>> -> memref<64x64xf32, #tpu.memory_space<vmem>>
        %dma_wait3A_67 = arith.constant 0 : i32
        %dma_wait3A_68 = tpu.memref_slice %arg9[%add3A_39, %dma_wait3A_67] : memref<25728x64xf32, #tpu.memory_space<vmem_shared>> -> memref<64x64xf32, #tpu.memory_space<vmem_shared>>
        tpu.wait_dma2 semaphore(%run_scoped3A : memref<!tpu.dma_semaphore, #tpu.memory_space<semaphore_mem>>) src(%dma_wait3A_68 : memref<64x64xf32, #tpu.memory_space<vmem_shared>>) dst(%dma_wait3A_66 : memref<64x64xf32, #tpu.memory_space<vmem>>)
        tpu.yield
      }) : () -> ()
      "tpu.region"() ({
        %run_scoped3A = tpu.sem_alloc : memref<!tpu.dma_semaphore, #tpu.memory_space<semaphore_mem>>
        %dma_start3A = arith.constant 64 : i32
        %dma_start3A_51 = arith.constant 0 : i32
        %dma_start3A_52 = tpu.memref_slice %arg13[%dma_start3A, %dma_start3A_51] : memref<256x64xf32, #tpu.memory_space<vmem>> -> memref<64x64xf32, #tpu.memory_space<vmem>>
        %dma_start3A_53 = arith.constant 0 : i32
        %dma_start3A_54 = tpu.memref_slice %arg4[%add3A_42, %dma_start3A_53] : memref<51200x64xf32, #tpu.memory_space<hbm>> -> memref<64x64xf32, #tpu.memory_space<hbm>>
        %dma_start3A_55 = arith.constant 64 : i32
        %dma_start3A_56 = arith.constant 0 : i32
        %dma_start3A_57 = tpu.memref_slice %arg13[%dma_start3A_55, %dma_start3A_56] : memref<256x64xf32, #tpu.memory_space<vmem>> -> memref<64x64xf32, #tpu.memory_space<vmem>>
        %dma_start3A_58 = arith.constant 0 : i32
        %dma_start3A_59 = tpu.memref_slice %arg4[%add3A_42, %dma_start3A_58] : memref<51200x64xf32, #tpu.memory_space<hbm>> -> memref<64x64xf32, #tpu.memory_space<hbm>>
        tpu.enqueue_dma source(%dma_start3A_59 : memref<64x64xf32, #tpu.memory_space<hbm>>) target(%dma_start3A_57 : memref<64x64xf32, #tpu.memory_space<vmem>>) target_semaphore(%run_scoped3A : memref<!tpu.dma_semaphore, #tpu.memory_space<semaphore_mem>>)
        %dma_wait3A = arith.constant 64 : i32
        %dma_wait3A_60 = arith.constant 0 : i32
        %dma_wait3A_61 = tpu.memref_slice %arg13[%dma_wait3A, %dma_wait3A_60] : memref<256x64xf32, #tpu.memory_space<vmem>> -> memref<64x64xf32, #tpu.memory_space<vmem>>
        %dma_wait3A_62 = arith.constant 0 : i32
        %dma_wait3A_63 = tpu.memref_slice %arg4[%add3A_42, %dma_wait3A_62] : memref<51200x64xf32, #tpu.memory_space<hbm>> -> memref<64x64xf32, #tpu.memory_space<hbm>>
        %dma_wait3A_64 = arith.constant 64 : i32
        %dma_wait3A_65 = arith.constant 0 : i32
        %dma_wait3A_66 = tpu.memref_slice %arg13[%dma_wait3A_64, %dma_wait3A_65] : memref<256x64xf32, #tpu.memory_space<vmem>> -> memref<64x64xf32, #tpu.memory_space<vmem>>
        %dma_wait3A_67 = arith.constant 0 : i32
        %dma_wait3A_68 = tpu.memref_slice %arg4[%add3A_42, %dma_wait3A_67] : memref<51200x64xf32, #tpu.memory_space<hbm>> -> memref<64x64xf32, #tpu.memory_space<hbm>>
        tpu.wait_dma2 semaphore(%run_scoped3A : memref<!tpu.dma_semaphore, #tpu.memory_space<semaphore_mem>>) src(%dma_wait3A_68 : memref<64x64xf32, #tpu.memory_space<hbm>>) dst(%dma_wait3A_66 : memref<64x64xf32, #tpu.memory_space<vmem>>)
        tpu.yield
      }) : () -> ()
      "tpu.region"() ({
        %run_scoped3A = tpu.sem_alloc : memref<!tpu.dma_semaphore, #tpu.memory_space<semaphore_mem>>
        %dma_start3A = arith.constant 128 : i32
        %dma_start3A_51 = arith.constant 0 : i32
        %dma_start3A_52 = tpu.memref_slice %arg13[%dma_start3A, %dma_start3A_51] : memref<256x64xf32, #tpu.memory_space<vmem>> -> memref<64x64xf32, #tpu.memory_space<vmem>>
        %dma_start3A_53 = arith.constant 0 : i32
        %dma_start3A_54 = tpu.memref_slice %arg5[%add3A_42, %dma_start3A_53] : memref<51200x64xf32, #tpu.memory_space<hbm>> -> memref<64x64xf32, #tpu.memory_space<hbm>>
        %dma_start3A_55 = arith.constant 128 : i32
        %dma_start3A_56 = arith.constant 0 : i32
        %dma_start3A_57 = tpu.memref_slice %arg13[%dma_start3A_55, %dma_start3A_56] : memref<256x64xf32, #tpu.memory_space<vmem>> -> memref<64x64xf32, #tpu.memory_space<vmem>>
        %dma_start3A_58 = arith.constant 0 : i32
        %dma_start3A_59 = tpu.memref_slice %arg5[%add3A_42, %dma_start3A_58] : memref<51200x64xf32, #tpu.memory_space<hbm>> -> memref<64x64xf32, #tpu.memory_space<hbm>>
        tpu.enqueue_dma source(%dma_start3A_59 : memref<64x64xf32, #tpu.memory_space<hbm>>) target(%dma_start3A_57 : memref<64x64xf32, #tpu.memory_space<vmem>>) target_semaphore(%run_scoped3A : memref<!tpu.dma_semaphore, #tpu.memory_space<semaphore_mem>>)
        %dma_wait3A = arith.constant 128 : i32
        %dma_wait3A_60 = arith.constant 0 : i32
        %dma_wait3A_61 = tpu.memref_slice %arg13[%dma_wait3A, %dma_wait3A_60] : memref<256x64xf32, #tpu.memory_space<vmem>> -> memref<64x64xf32, #tpu.memory_space<vmem>>
        %dma_wait3A_62 = arith.constant 0 : i32
        %dma_wait3A_63 = tpu.memref_slice %arg5[%add3A_42, %dma_wait3A_62] : memref<51200x64xf32, #tpu.memory_space<hbm>> -> memref<64x64xf32, #tpu.memory_space<hbm>>
        %dma_wait3A_64 = arith.constant 128 : i32
        %dma_wait3A_65 = arith.constant 0 : i32
        %dma_wait3A_66 = tpu.memref_slice %arg13[%dma_wait3A_64, %dma_wait3A_65] : memref<256x64xf32, #tpu.memory_space<vmem>> -> memref<64x64xf32, #tpu.memory_space<vmem>>
        %dma_wait3A_67 = arith.constant 0 : i32
        %dma_wait3A_68 = tpu.memref_slice %arg5[%add3A_42, %dma_wait3A_67] : memref<51200x64xf32, #tpu.memory_space<hbm>> -> memref<64x64xf32, #tpu.memory_space<hbm>>
        tpu.wait_dma2 semaphore(%run_scoped3A : memref<!tpu.dma_semaphore, #tpu.memory_space<semaphore_mem>>) src(%dma_wait3A_68 : memref<64x64xf32, #tpu.memory_space<hbm>>) dst(%dma_wait3A_66 : memref<64x64xf32, #tpu.memory_space<vmem>>)
        tpu.yield
      }) : () -> ()
      "tpu.region"() ({
        %run_scoped3A = tpu.sem_alloc : memref<!tpu.dma_semaphore, #tpu.memory_space<semaphore_mem>>
        %dma_start3A = arith.constant 192 : i32
        %dma_start3A_51 = arith.constant 0 : i32
        %dma_start3A_52 = tpu.memref_slice %arg13[%dma_start3A, %dma_start3A_51] : memref<256x64xf32, #tpu.memory_space<vmem>> -> memref<64x64xf32, #tpu.memory_space<vmem>>
        %dma_start3A_53 = arith.constant 0 : i32
        %dma_start3A_54 = tpu.memref_slice %arg6[%add3A_42, %dma_start3A_53] : memref<51200x64xf32, #tpu.memory_space<hbm>> -> memref<64x64xf32, #tpu.memory_space<hbm>>
        %dma_start3A_55 = arith.constant 192 : i32
        %dma_start3A_56 = arith.constant 0 : i32
        %dma_start3A_57 = tpu.memref_slice %arg13[%dma_start3A_55, %dma_start3A_56] : memref<256x64xf32, #tpu.memory_space<vmem>> -> memref<64x64xf32, #tpu.memory_space<vmem>>
        %dma_start3A_58 = arith.constant 0 : i32
        %dma_start3A_59 = tpu.memref_slice %arg6[%add3A_42, %dma_start3A_58] : memref<51200x64xf32, #tpu.memory_space<hbm>> -> memref<64x64xf32, #tpu.memory_space<hbm>>
        tpu.enqueue_dma source(%dma_start3A_59 : memref<64x64xf32, #tpu.memory_space<hbm>>) target(%dma_start3A_57 : memref<64x64xf32, #tpu.memory_space<vmem>>) target_semaphore(%run_scoped3A : memref<!tpu.dma_semaphore, #tpu.memory_space<semaphore_mem>>)
        %dma_wait3A = arith.constant 192 : i32
        %dma_wait3A_60 = arith.constant 0 : i32
        %dma_wait3A_61 = tpu.memref_slice %arg13[%dma_wait3A, %dma_wait3A_60] : memref<256x64xf32, #tpu.memory_space<vmem>> -> memref<64x64xf32, #tpu.memory_space<vmem>>
        %dma_wait3A_62 = arith.constant 0 : i32
        %dma_wait3A_63 = tpu.memref_slice %arg6[%add3A_42, %dma_wait3A_62] : memref<51200x64xf32, #tpu.memory_space<hbm>> -> memref<64x64xf32, #tpu.memory_space<hbm>>
        %dma_wait3A_64 = arith.constant 192 : i32
        %dma_wait3A_65 = arith.constant 0 : i32
        %dma_wait3A_66 = tpu.memref_slice %arg13[%dma_wait3A_64, %dma_wait3A_65] : memref<256x64xf32, #tpu.memory_space<vmem>> -> memref<64x64xf32, #tpu.memory_space<vmem>>
        %dma_wait3A_67 = arith.constant 0 : i32
        %dma_wait3A_68 = tpu.memref_slice %arg6[%add3A_42, %dma_wait3A_67] : memref<51200x64xf32, #tpu.memory_space<hbm>> -> memref<64x64xf32, #tpu.memory_space<hbm>>
        tpu.wait_dma2 semaphore(%run_scoped3A : memref<!tpu.dma_semaphore, #tpu.memory_space<semaphore_mem>>) src(%dma_wait3A_68 : memref<64x64xf32, #tpu.memory_space<hbm>>) dst(%dma_wait3A_66 : memref<64x64xf32, #tpu.memory_space<vmem>>)
        tpu.yield
      }) : () -> ()
      %scan3A_43 = arith.constant 0 : i32
      %scan3A_44 = arith.constant 0 : i32
      %scan3A_45 = arith.constant 64 : i32
      %scan3A_46 = arith.addi %scan3A_44, %scan3A_45 : i32
      %scan3A_47 = arith.constant 1 : i32
      %scan3A_48 = scf.for %scan3A_51 = %scan3A_44 to %scan3A_46 step %scan3A_47 iter_args(%scan3A_52 = %scan3A_43) -> (i32)  : i32 {
        %get3A = arith.index_cast %scan3A_51 : i32 to index
        %get3A_53 = arith.constant 0 : index
        %get3A_54 = tpu.vector_load %arg13[%get3A, %get3A_53] {strides = array<i32>} : memref<256x64xf32, #tpu.memory_space<vmem>>, vector<16xf32>,
        %add3A_55 = arith.constant 192 : i32
        %add3A_56 = arith.addi %add3A_55, %scan3A_51 : i32
        %get3A_57 = arith.index_cast %add3A_56 : i32 to index
        %get3A_58 = arith.constant 0 : index
        %get3A_59 = tpu.vector_load %arg13[%get3A_57, %get3A_58] {strides = array<i32>} : memref<256x64xf32, #tpu.memory_space<vmem>>, vector<16xf32>,
        %add3A_60 = arith.constant 64 : i32
        %add3A_61 = arith.addi %add3A_60, %scan3A_51 : i32
        %get3A_62 = arith.index_cast %add3A_61 : i32 to index
        %get3A_63 = arith.constant 0 : index
        %get3A_64 = tpu.vector_load %arg13[%get3A_62, %get3A_63] {strides = array<i32>} : memref<256x64xf32, #tpu.memory_space<vmem>>, vector<16xf32>,
        %mul3A_65 = arith.mulf %get3A_64, %get3A_54 : vector<16xf32>
        %mul3A_66 = arith.constant 2.500000e-01 : f32
        %mul3A_67 = vector.broadcast %mul3A_66 : f32 to vector<16xf32>
        %mul3A_68 = arith.mulf %mul3A_67, %mul3A_65 : vector<16xf32>
        %add3A_69 = arith.addf %get3A_59, %mul3A_68 : vector<16xf32>
        %add3A_70 = arith.constant 192 : i32
        %add3A_71 = arith.addi %add3A_70, %scan3A_51 : i32
        %swap3A = arith.index_cast %add3A_71 : i32 to index
        %swap3A_72 = arith.constant 0 : index
        %swap3A_73 = tpu.vector_load %arg13[%swap3A, %swap3A_72] {strides = array<i32>} : memref<256x64xf32, #tpu.memory_space<vmem>>, vector<16xf32>,
        tpu.vector_store %arg13[%swap3A, %swap3A_72], %add3A_69 {strides = array<i32>} : memref<256x64xf32, #tpu.memory_space<vmem>>, vector<16xf32>,
        %add3A_74 = arith.constant 128 : i32
        %add3A_75 = arith.addi %add3A_74, %scan3A_51 : i32
        %get3A_76 = arith.index_cast %add3A_75 : i32 to index
        %get3A_77 = arith.constant 0 : index
        %get3A_78 = tpu.vector_load %arg13[%get3A_76, %get3A_77] {strides = array<i32>} : memref<256x64xf32, #tpu.memory_space<vmem>>, vector<16xf32>,
        %mul3A_79 = arith.mulf %get3A_78, %get3A_54 : vector<16xf32>
        %swap3A_80 = arith.index_cast %scan3A_51 : i32 to index
        %swap3A_81 = arith.constant 0 : index
        %swap3A_82 = tpu.vector_load %arg13[%swap3A_80, %swap3A_81] {strides = array<i32>} : memref<256x64xf32, #tpu.memory_space<vmem>>, vector<16xf32>,
        tpu.vector_store %arg13[%swap3A_80, %swap3A_81], %mul3A_79 {strides = array<i32>} : memref<256x64xf32, #tpu.memory_space<vmem>>, vector<16xf32>,
        %get3A_83 = arith.index_cast %scan3A_51 : i32 to index
        %get3A_84 = arith.constant 16 : index
        %get3A_85 = tpu.vector_load %arg13[%get3A_83, %get3A_84] {strides = array<i32>} : memref<256x64xf32, #tpu.memory_space<vmem>>, vector<16xf32>,
        %add3A_86 = arith.constant 192 : i32
        %add3A_87 = arith.addi %add3A_86, %scan3A_51 : i32
        %get3A_88 = arith.index_cast %add3A_87 : i32 to index
        %get3A_89 = arith.constant 16 : index
        %get3A_90 = tpu.vector_load %arg13[%get3A_88, %get3A_89] {strides = array<i32>} : memref<256x64xf32, #tpu.memory_space<vmem>>, vector<16xf32>,
        %add3A_91 = arith.constant 64 : i32
        %add3A_92 = arith.addi %add3A_91, %scan3A_51 : i32
        %get3A_93 = arith.index_cast %add3A_92 : i32 to index
        %get3A_94 = arith.constant 16 : index
        %get3A_95 = tpu.vector_load %arg13[%get3A_93, %get3A_94] {strides = array<i32>} : memref<256x64xf32, #tpu.memory_space<vmem>>, vector<16xf32>,
        %mul3A_96 = arith.mulf %get3A_95, %get3A_85 : vector<16xf32>
        %mul3A_97 = arith.constant 2.500000e-01 : f32
        %mul3A_98 = vector.broadcast %mul3A_97 : f32 to vector<16xf32>
        %mul3A_99 = arith.mulf %mul3A_98, %mul3A_96 : vector<16xf32>
        %add3A_100 = arith.addf %get3A_90, %mul3A_99 : vector<16xf32>
        %add3A_101 = arith.constant 192 : i32
        %add3A_102 = arith.addi %add3A_101, %scan3A_51 : i32
        %swap3A_103 = arith.index_cast %add3A_102 : i32 to index
        %swap3A_104 = arith.constant 16 : index
        %swap3A_105 = tpu.vector_load %arg13[%swap3A_103, %swap3A_104] {strides = array<i32>} : memref<256x64xf32, #tpu.memory_space<vmem>>, vector<16xf32>,
        tpu.vector_store %arg13[%swap3A_103, %swap3A_104], %add3A_100 {strides = array<i32>} : memref<256x64xf32, #tpu.memory_space<vmem>>, vector<16xf32>,
        %add3A_106 = arith.constant 128 : i32
        %add3A_107 = arith.addi %add3A_106, %scan3A_51 : i32
        %get3A_108 = arith.index_cast %add3A_107 : i32 to index
        %get3A_109 = arith.constant 16 : index
        %get3A_110 = tpu.vector_load %arg13[%get3A_108, %get3A_109] {strides = array<i32>} : memref<256x64xf32, #tpu.memory_space<vmem>>, vector<16xf32>,
        %mul3A_111 = arith.mulf %get3A_110, %get3A_85 : vector<16xf32>
        %swap3A_112 = arith.index_cast %scan3A_51 : i32 to index
        %swap3A_113 = arith.constant 16 : index
        %swap3A_114 = tpu.vector_load %arg13[%swap3A_112, %swap3A_113] {strides = array<i32>} : memref<256x64xf32, #tpu.memory_space<vmem>>, vector<16xf32>,
        tpu.vector_store %arg13[%swap3A_112, %swap3A_113], %mul3A_111 {strides = array<i32>} : memref<256x64xf32, #tpu.memory_space<vmem>>, vector<16xf32>,
        %get3A_115 = arith.index_cast %scan3A_51 : i32 to index
        %get3A_116 = arith.constant 32 : index
        %get3A_117 = tpu.vector_load %arg13[%get3A_115, %get3A_116] {strides = array<i32>} : memref<256x64xf32, #tpu.memory_space<vmem>>, vector<16xf32>,
        %add3A_118 = arith.constant 192 : i32
        %add3A_119 = arith.addi %add3A_118, %scan3A_51 : i32
        %get3A_120 = arith.index_cast %add3A_119 : i32 to index
        %get3A_121 = arith.constant 32 : index
        %get3A_122 = tpu.vector_load %arg13[%get3A_120, %get3A_121] {strides = array<i32>} : memref<256x64xf32, #tpu.memory_space<vmem>>, vector<16xf32>,
        %add3A_123 = arith.constant 64 : i32
        %add3A_124 = arith.addi %add3A_123, %scan3A_51 : i32
        %get3A_125 = arith.index_cast %add3A_124 : i32 to index
        %get3A_126 = arith.constant 32 : index
        %get3A_127 = tpu.vector_load %arg13[%get3A_125, %get3A_126] {strides = array<i32>} : memref<256x64xf32, #tpu.memory_space<vmem>>, vector<16xf32>,
        %mul3A_128 = arith.mulf %get3A_127, %get3A_117 : vector<16xf32>
        %mul3A_129 = arith.constant 2.500000e-01 : f32
        %mul3A_130 = vector.broadcast %mul3A_129 : f32 to vector<16xf32>
        %mul3A_131 = arith.mulf %mul3A_130, %mul3A_128 : vector<16xf32>
        %add3A_132 = arith.addf %get3A_122, %mul3A_131 : vector<16xf32>
        %add3A_133 = arith.constant 192 : i32
        %add3A_134 = arith.addi %add3A_133, %scan3A_51 : i32
        %swap3A_135 = arith.index_cast %add3A_134 : i32 to index
        %swap3A_136 = arith.constant 32 : index
        %swap3A_137 = tpu.vector_load %arg13[%swap3A_135, %swap3A_136] {strides = array<i32>} : memref<256x64xf32, #tpu.memory_space<vmem>>, vector<16xf32>,
        tpu.vector_store %arg13[%swap3A_135, %swap3A_136], %add3A_132 {strides = array<i32>} : memref<256x64xf32, #tpu.memory_space<vmem>>, vector<16xf32>,
        %add3A_138 = arith.constant 128 : i32
        %add3A_139 = arith.addi %add3A_138, %scan3A_51 : i32
        %get3A_140 = arith.index_cast %add3A_139 : i32 to index
        %get3A_141 = arith.constant 32 : index
        %get3A_142 = tpu.vector_load %arg13[%get3A_140, %get3A_141] {strides = array<i32>} : memref<256x64xf32, #tpu.memory_space<vmem>>, vector<16xf32>,
        %mul3A_143 = arith.mulf %get3A_142, %get3A_117 : vector<16xf32>
        %swap3A_144 = arith.index_cast %scan3A_51 : i32 to index
        %swap3A_145 = arith.constant 32 : index
        %swap3A_146 = tpu.vector_load %arg13[%swap3A_144, %swap3A_145] {strides = array<i32>} : memref<256x64xf32, #tpu.memory_space<vmem>>, vector<16xf32>,
        tpu.vector_store %arg13[%swap3A_144, %swap3A_145], %mul3A_143 {strides = array<i32>} : memref<256x64xf32, #tpu.memory_space<vmem>>, vector<16xf32>,
        %get3A_147 = arith.index_cast %scan3A_51 : i32 to index
        %get3A_148 = arith.constant 48 : index
        %get3A_149 = tpu.vector_load %arg13[%get3A_147, %get3A_148] {strides = array<i32>} : memref<256x64xf32, #tpu.memory_space<vmem>>, vector<16xf32>,
        %add3A_150 = arith.constant 192 : i32
        %add3A_151 = arith.addi %add3A_150, %scan3A_51 : i32
        %get3A_152 = arith.index_cast %add3A_151 : i32 to index
        %get3A_153 = arith.constant 48 : index
        %get3A_154 = tpu.vector_load %arg13[%get3A_152, %get3A_153] {strides = array<i32>} : memref<256x64xf32, #tpu.memory_space<vmem>>, vector<16xf32>,
        %add3A_155 = arith.constant 64 : i32
        %add3A_156 = arith.addi %add3A_155, %scan3A_51 : i32
        %get3A_157 = arith.index_cast %add3A_156 : i32 to index
        %get3A_158 = arith.constant 48 : index
        %get3A_159 = tpu.vector_load %arg13[%get3A_157, %get3A_158] {strides = array<i32>} : memref<256x64xf32, #tpu.memory_space<vmem>>, vector<16xf32>,
        %mul3A_160 = arith.mulf %get3A_159, %get3A_149 : vector<16xf32>
        %mul3A_161 = arith.constant 2.500000e-01 : f32
        %mul3A_162 = vector.broadcast %mul3A_161 : f32 to vector<16xf32>
        %mul3A_163 = arith.mulf %mul3A_162, %mul3A_160 : vector<16xf32>
        %add3A_164 = arith.addf %get3A_154, %mul3A_163 : vector<16xf32>
        %add3A_165 = arith.constant 192 : i32
        %add3A_166 = arith.addi %add3A_165, %scan3A_51 : i32
        %swap3A_167 = arith.index_cast %add3A_166 : i32 to index
        %swap3A_168 = arith.constant 48 : index
        %swap3A_169 = tpu.vector_load %arg13[%swap3A_167, %swap3A_168] {strides = array<i32>} : memref<256x64xf32, #tpu.memory_space<vmem>>, vector<16xf32>,
        tpu.vector_store %arg13[%swap3A_167, %swap3A_168], %add3A_164 {strides = array<i32>} : memref<256x64xf32, #tpu.memory_space<vmem>>, vector<16xf32>,
        %add3A_170 = arith.constant 128 : i32
        %add3A_171 = arith.addi %add3A_170, %scan3A_51 : i32
        %get3A_172 = arith.index_cast %add3A_171 : i32 to index
        %get3A_173 = arith.constant 48 : index
        %get3A_174 = tpu.vector_load %arg13[%get3A_172, %get3A_173] {strides = array<i32>} : memref<256x64xf32, #tpu.memory_space<vmem>>, vector<16xf32>,
        %mul3A_175 = arith.mulf %get3A_174, %get3A_149 : vector<16xf32>
        %swap3A_176 = arith.index_cast %scan3A_51 : i32 to index
        %swap3A_177 = arith.constant 48 : index
        %swap3A_178 = tpu.vector_load %arg13[%swap3A_176, %swap3A_177] {strides = array<i32>} : memref<256x64xf32, #tpu.memory_space<vmem>>, vector<16xf32>,
        tpu.vector_store %arg13[%swap3A_176, %swap3A_177], %mul3A_175 {strides = array<i32>} : memref<256x64xf32, #tpu.memory_space<vmem>>, vector<16xf32>,
        %scan3A_179 = arith.constant 0 : i32
        scf.yield %scan3A_179 : i32
      }
      %scan3A_49 = arith.constant 64 : i32
      "tpu.region"() ({
        %run_scoped3A = tpu.sem_alloc : memref<!tpu.dma_semaphore, #tpu.memory_space<semaphore_mem>>
        %dma_start3A = arith.constant 192 : i32
        %dma_start3A_51 = arith.constant 0 : i32
        %dma_start3A_52 = tpu.memref_slice %arg13[%dma_start3A, %dma_start3A_51] : memref<256x64xf32, #tpu.memory_space<vmem>> -> memref<64x64xf32, #tpu.memory_space<vmem>>
        %dma_start3A_53 = arith.constant 0 : i32
        %dma_start3A_54 = tpu.memref_slice %arg8[%add3A_42, %dma_start3A_53] : memref<51200x64xf32, #tpu.memory_space<hbm>> -> memref<64x64xf32, #tpu.memory_space<hbm>>
        %dma_start3A_55 = arith.constant 0 : i32
        %dma_start3A_56 = tpu.memref_slice %arg8[%add3A_42, %dma_start3A_55] : memref<51200x64xf32, #tpu.memory_space<hbm>> -> memref<64x64xf32, #tpu.memory_space<hbm>>
        %dma_start3A_57 = arith.constant 192 : i32
        %dma_start3A_58 = arith.constant 0 : i32
        %dma_start3A_59 = tpu.memref_slice %arg13[%dma_start3A_57, %dma_start3A_58] : memref<256x64xf32, #tpu.memory_space<vmem>> -> memref<64x64xf32, #tpu.memory_space<vmem>>
        tpu.enqueue_dma source(%dma_start3A_59 : memref<64x64xf32, #tpu.memory_space<vmem>>) target(%dma_start3A_56 : memref<64x64xf32, #tpu.memory_space<hbm>>) target_semaphore(%run_scoped3A : memref<!tpu.dma_semaphore, #tpu.memory_space<semaphore_mem>>)
        %dma_wait3A = arith.constant 192 : i32
        %dma_wait3A_60 = arith.constant 0 : i32
        %dma_wait3A_61 = tpu.memref_slice %arg13[%dma_wait3A, %dma_wait3A_60] : memref<256x64xf32, #tpu.memory_space<vmem>> -> memref<64x64xf32, #tpu.memory_space<vmem>>
        %dma_wait3A_62 = arith.constant 0 : i32
        %dma_wait3A_63 = tpu.memref_slice %arg8[%add3A_42, %dma_wait3A_62] : memref<51200x64xf32, #tpu.memory_space<hbm>> -> memref<64x64xf32, #tpu.memory_space<hbm>>
        %dma_wait3A_64 = arith.constant 0 : i32
        %dma_wait3A_65 = tpu.memref_slice %arg8[%add3A_42, %dma_wait3A_64] : memref<51200x64xf32, #tpu.memory_space<hbm>> -> memref<64x64xf32, #tpu.memory_space<hbm>>
        %dma_wait3A_66 = arith.constant 192 : i32
        %dma_wait3A_67 = arith.constant 0 : i32
        %dma_wait3A_68 = tpu.memref_slice %arg13[%dma_wait3A_66, %dma_wait3A_67] : memref<256x64xf32, #tpu.memory_space<vmem>> -> memref<64x64xf32, #tpu.memory_space<vmem>>
        tpu.wait_dma2 semaphore(%run_scoped3A : memref<!tpu.dma_semaphore, #tpu.memory_space<semaphore_mem>>) src(%dma_wait3A_68 : memref<64x64xf32, #tpu.memory_space<vmem>>) dst(%dma_wait3A_65 : memref<64x64xf32, #tpu.memory_space<hbm>>)
        tpu.yield
      }) : () -> ()
      "tpu.region"() ({
        %run_scoped3A = tpu.sem_alloc : memref<!tpu.dma_semaphore, #tpu.memory_space<semaphore_mem>>
        %dma_start3A = arith.constant 0 : i32
        %dma_start3A_51 = arith.constant 0 : i32
        %dma_start3A_52 = tpu.memref_slice %arg13[%dma_start3A, %dma_start3A_51] : memref<256x64xf32, #tpu.memory_space<vmem>> -> memref<64x64xf32, #tpu.memory_space<vmem>>
        %dma_start3A_53 = arith.constant 0 : i32
        %dma_start3A_54 = tpu.memref_slice %arg7[%add3A_42, %dma_start3A_53] : memref<51200x64xf32, #tpu.memory_space<hbm>> -> memref<64x64xf32, #tpu.memory_space<hbm>>
        %dma_start3A_55 = arith.constant 0 : i32
        %dma_start3A_56 = tpu.memref_slice %arg7[%add3A_42, %dma_start3A_55] : memref<51200x64xf32, #tpu.memory_space<hbm>> -> memref<64x64xf32, #tpu.memory_space<hbm>>
        %dma_start3A_57 = arith.constant 0 : i32
        %dma_start3A_58 = arith.constant 0 : i32
        %dma_start3A_59 = tpu.memref_slice %arg13[%dma_start3A_57, %dma_start3A_58] : memref<256x64xf32, #tpu.memory_space<vmem>> -> memref<64x64xf32, #tpu.memory_space<vmem>>
        tpu.enqueue_dma source(%dma_start3A_59 : memref<64x64xf32, #tpu.memory_space<vmem>>) target(%dma_start3A_56 : memref<64x64xf32, #tpu.memory_space<hbm>>) target_semaphore(%run_scoped3A : memref<!tpu.dma_semaphore, #tpu.memory_space<semaphore_mem>>)
        %dma_wait3A = arith.constant 0 : i32
        %dma_wait3A_60 = arith.constant 0 : i32
        %dma_wait3A_61 = tpu.memref_slice %arg13[%dma_wait3A, %dma_wait3A_60] : memref<256x64xf32, #tpu.memory_space<vmem>> -> memref<64x64xf32, #tpu.memory_space<vmem>>
        %dma_wait3A_62 = arith.constant 0 : i32
        %dma_wait3A_63 = tpu.memref_slice %arg7[%add3A_42, %dma_wait3A_62] : memref<51200x64xf32, #tpu.memory_space<hbm>> -> memref<64x64xf32, #tpu.memory_space<hbm>>
        %dma_wait3A_64 = arith.constant 0 : i32
        %dma_wait3A_65 = tpu.memref_slice %arg7[%add3A_42, %dma_wait3A_64] : memref<51200x64xf32, #tpu.memory_space<hbm>> -> memref<64x64xf32, #tpu.memory_space<hbm>>
        %dma_wait3A_66 = arith.constant 0 : i32
        %dma_wait3A_67 = arith.constant 0 : i32
        %dma_wait3A_68 = tpu.memref_slice %arg13[%dma_wait3A_66, %dma_wait3A_67] : memref<256x64xf32, #tpu.memory_space<vmem>> -> memref<64x64xf32, #tpu.memory_space<vmem>>
        tpu.wait_dma2 semaphore(%run_scoped3A : memref<!tpu.dma_semaphore, #tpu.memory_space<semaphore_mem>>) src(%dma_wait3A_68 : memref<64x64xf32, #tpu.memory_space<vmem>>) dst(%dma_wait3A_65 : memref<64x64xf32, #tpu.memory_space<hbm>>)
        tpu.yield
      }) : () -> ()
      %scan3A_50 = arith.constant 0 : i32
      scf.yield %scan3A_50 : i32
    }
    %scan3A_34 = arith.constant 25 : i32
    return
  }
}

#map = affine_map<(d0, d1) -> (0, 0)>
module attributes {stable_mosaic.version = 14 : i64} {
  func.func @_layer_body(%arg0: i32, %arg1: i32, %arg2: memref<6400x256xi32, #tpu.memory_space<hbm>>, %arg3: memref<51200x64xf32, #tpu.memory_space<hbm>>, %arg4: memref<51200x64xf32, #tpu.memory_space<hbm>>, %arg5: memref<51200x64xf32, #tpu.memory_space<hbm>>, %arg6: memref<51200x64xf32, #tpu.memory_space<hbm>>, %arg7: memref<51200x64xf32, #tpu.memory_space<hbm>>, %arg8: memref<51200x64xf32, #tpu.memory_space<hbm>>, %arg9: memref<25728x64xf32, #tpu.memory_space<vmem_shared>>, %arg10: memref<16x256xi32, #tpu.memory_space<vmem>>, %arg11: memref<17x128xi32, #tpu.memory_space<vmem>>, %arg12: memref<17x128xi32, #tpu.memory_space<vmem>>, %arg13: memref<256x64xf32, #tpu.memory_space<vmem>>, %arg14: memref<!tpu.dma_semaphore, #tpu.memory_space<semaphore_mem>>, %arg15: memref<!tpu.dma_semaphore, #tpu.memory_space<semaphore_mem>>) attributes {dimension_semantics = [#tpu.dimension_semantics<core_parallel>, #tpu.dimension_semantics<subcore_parallel>], iteration_bounds = array<i64: 2, 16>, scalar_prefetch = 0 : i64, scratch_operands = 7 : i64, tpu.core_type = #tpu.core_type<sc_vector_subcore>, window_params = [{transform_indices = #map}, {transform_indices = #map}, {transform_indices = #map}, {transform_indices = #map}, {transform_indices = #map}, {transform_indices = #map}, {transform_indices = #map}]} {
    %scan3A = arith.constant 0 : i32
    %scan3A_0 = arith.constant 0 : i32
    %scan3A_1 = arith.constant 128 : i32
    %scan3A_2 = arith.addi %scan3A_0, %scan3A_1 : i32
    %scan3A_3 = arith.constant 1 : i32
    %scan3A_4 = scf.for %scan3A_35 = %scan3A_0 to %scan3A_2 step %scan3A_3 iter_args(%scan3A_36 = %scan3A) -> (i32)  : i32 {
      %broadcast_in_dim3A = arith.constant 0.000000e+00 : f32
      %broadcast_in_dim3A_37 = vector.broadcast %broadcast_in_dim3A : f32 to vector<16xf32>
      %swap3A = arith.index_cast %scan3A_35 : i32 to index
      %swap3A_38 = arith.constant 0 : index
      %swap3A_39 = tpu.vector_load %arg13[%swap3A, %swap3A_38] {strides = array<i32>} : memref<256x64xf32, #tpu.memory_space<vmem>>, vector<16xf32>,
      tpu.vector_store %arg13[%swap3A, %swap3A_38], %broadcast_in_dim3A_37 {strides = array<i32>} : memref<256x64xf32, #tpu.memory_space<vmem>>, vector<16xf32>,
      %broadcast_in_dim3A_40 = arith.constant 0.000000e+00 : f32
      %broadcast_in_dim3A_41 = vector.broadcast %broadcast_in_dim3A_40 : f32 to vector<16xf32>
      %swap3A_42 = arith.index_cast %scan3A_35 : i32 to index
      %swap3A_43 = arith.constant 16 : index
      %swap3A_44 = tpu.vector_load %arg13[%swap3A_42, %swap3A_43] {strides = array<i32>} : memref<256x64xf32, #tpu.memory_space<vmem>>, vector<16xf32>,
      tpu.vector_store %arg13[%swap3A_42, %swap3A_43], %broadcast_in_dim3A_41 {strides = array<i32>} : memref<256x64xf32, #tpu.memory_space<vmem>>, vector<16xf32>,
      %broadcast_in_dim3A_45 = arith.constant 0.000000e+00 : f32
      %broadcast_in_dim3A_46 = vector.broadcast %broadcast_in_dim3A_45 : f32 to vector<16xf32>
      %swap3A_47 = arith.index_cast %scan3A_35 : i32 to index
      %swap3A_48 = arith.constant 32 : index
      %swap3A_49 = tpu.vector_load %arg13[%swap3A_47, %swap3A_48] {strides = array<i32>} : memref<256x64xf32, #tpu.memory_space<vmem>>, vector<16xf32>,
      tpu.vector_store %arg13[%swap3A_47, %swap3A_48], %broadcast_in_dim3A_46 {strides = array<i32>} : memref<256x64xf32, #tpu.memory_space<vmem>>, vector<16xf32>,
      %broadcast_in_dim3A_50 = arith.constant 0.000000e+00 : f32
      %broadcast_in_dim3A_51 = vector.broadcast %broadcast_in_dim3A_50 : f32 to vector<16xf32>
      %swap3A_52 = arith.index_cast %scan3A_35 : i32 to index
      %swap3A_53 = arith.constant 48 : index
      %swap3A_54 = tpu.vector_load %arg13[%swap3A_52, %swap3A_53] {strides = array<i32>} : memref<256x64xf32, #tpu.memory_space<vmem>>, vector<16xf32>,
      tpu.vector_store %arg13[%swap3A_52, %swap3A_53], %broadcast_in_dim3A_51 {strides = array<i32>} : memref<256x64xf32, #tpu.memory_space<vmem>>, vector<16xf32>,
      %scan3A_55 = arith.constant 0 : i32
      scf.yield %scan3A_55 : i32
    }
    %scan3A_5 = arith.constant 128 : i32
    %mul3A = arith.constant 1600 : i32
    %mul3A_6 = arith.muli %arg1, %mul3A : i32
    %scan3A_7 = arith.constant 0 : i32
    %scan3A_8 = arith.constant 0 : i32
    %scan3A_9 = arith.constant 12 : i32
    %scan3A_10 = arith.addi %scan3A_8, %scan3A_9 : i32
    %scan3A_11 = arith.constant 1 : i32
    %scan3A_12 = scf.for %scan3A_35 = %scan3A_8 to %scan3A_10 step %scan3A_11 iter_args(%scan3A_36 = %scan3A_7) -> (i32)  : i32 {
      %mul3A_37 = arith.constant 128 : i32
      %mul3A_38 = arith.muli %scan3A_35, %mul3A_37 : i32
      %add3A_39 = arith.addi %mul3A_6, %mul3A_38 : i32
      "tpu.region"() ({
        %run_scoped3A = tpu.sem_alloc : memref<!tpu.dma_semaphore, #tpu.memory_space<semaphore_mem>>
        %dma_start3A = arith.constant 0 : i32
        %dma_start3A_41 = arith.constant 0 : i32
        %dma_start3A_42 = tpu.memref_slice %arg13[%dma_start3A, %dma_start3A_41] : memref<256x64xf32, #tpu.memory_space<vmem>> -> memref<128x64xf32, #tpu.memory_space<vmem>>
        %dma_start3A_43 = arith.constant 0 : i32
        %dma_start3A_44 = tpu.memref_slice %arg9[%add3A_39, %dma_start3A_43] : memref<25728x64xf32, #tpu.memory_space<vmem_shared>> -> memref<128x64xf32, #tpu.memory_space<vmem_shared>>
        %dma_start3A_45 = arith.constant 0 : i32
        %dma_start3A_46 = tpu.memref_slice %arg9[%add3A_39, %dma_start3A_45] : memref<25728x64xf32, #tpu.memory_space<vmem_shared>> -> memref<128x64xf32, #tpu.memory_space<vmem_shared>>
        %dma_start3A_47 = arith.constant 0 : i32
        %dma_start3A_48 = arith.constant 0 : i32
        %dma_start3A_49 = tpu.memref_slice %arg13[%dma_start3A_47, %dma_start3A_48] : memref<256x64xf32, #tpu.memory_space<vmem>> -> memref<128x64xf32, #tpu.memory_space<vmem>>
        tpu.enqueue_dma source(%dma_start3A_49 : memref<128x64xf32, #tpu.memory_space<vmem>>) target(%dma_start3A_46 : memref<128x64xf32, #tpu.memory_space<vmem_shared>>) target_semaphore(%run_scoped3A : memref<!tpu.dma_semaphore, #tpu.memory_space<semaphore_mem>>)
        %dma_wait3A = arith.constant 0 : i32
        %dma_wait3A_50 = arith.constant 0 : i32
        %dma_wait3A_51 = tpu.memref_slice %arg13[%dma_wait3A, %dma_wait3A_50] : memref<256x64xf32, #tpu.memory_space<vmem>> -> memref<128x64xf32, #tpu.memory_space<vmem>>
        %dma_wait3A_52 = arith.constant 0 : i32
        %dma_wait3A_53 = tpu.memref_slice %arg9[%add3A_39, %dma_wait3A_52] : memref<25728x64xf32, #tpu.memory_space<vmem_shared>> -> memref<128x64xf32, #tpu.memory_space<vmem_shared>>
        %dma_wait3A_54 = arith.constant 0 : i32
        %dma_wait3A_55 = tpu.memref_slice %arg9[%add3A_39, %dma_wait3A_54] : memref<25728x64xf32, #tpu.memory_space<vmem_shared>> -> memref<128x64xf32, #tpu.memory_space<vmem_shared>>
        %dma_wait3A_56 = arith.constant 0 : i32
        %dma_wait3A_57 = arith.constant 0 : i32
        %dma_wait3A_58 = tpu.memref_slice %arg13[%dma_wait3A_56, %dma_wait3A_57] : memref<256x64xf32, #tpu.memory_space<vmem>> -> memref<128x64xf32, #tpu.memory_space<vmem>>
        tpu.wait_dma2 semaphore(%run_scoped3A : memref<!tpu.dma_semaphore, #tpu.memory_space<semaphore_mem>>) src(%dma_wait3A_58 : memref<128x64xf32, #tpu.memory_space<vmem>>) dst(%dma_wait3A_55 : memref<128x64xf32, #tpu.memory_space<vmem_shared>>)
        tpu.yield
      }) : () -> ()
      %scan3A_40 = arith.constant 0 : i32
      scf.yield %scan3A_40 : i32
    }
    %scan3A_13 = arith.constant 12 : i32
    %add3A = arith.constant 1600 : i32
    %add3A_14 = arith.addi %mul3A_6, %add3A : i32
    %sub3A = arith.constant 64 : i32
    %sub3A_15 = arith.subi %add3A_14, %sub3A : i32
    "tpu.region"() ({
      %run_scoped3A = tpu.sem_alloc : memref<!tpu.dma_semaphore, #tpu.memory_space<semaphore_mem>>
      %dma_start3A = arith.constant 0 : i32
      %dma_start3A_35 = arith.constant 0 : i32
      %dma_start3A_36 = tpu.memref_slice %arg13[%dma_start3A, %dma_start3A_35] : memref<256x64xf32, #tpu.memory_space<vmem>> -> memref<64x64xf32, #tpu.memory_space<vmem>>
      %dma_start3A_37 = arith.constant 0 : i32
      %dma_start3A_38 = tpu.memref_slice %arg9[%sub3A_15, %dma_start3A_37] : memref<25728x64xf32, #tpu.memory_space<vmem_shared>> -> memref<64x64xf32, #tpu.memory_space<vmem_shared>>
      %dma_start3A_39 = arith.constant 0 : i32
      %dma_start3A_40 = tpu.memref_slice %arg9[%sub3A_15, %dma_start3A_39] : memref<25728x64xf32, #tpu.memory_space<vmem_shared>> -> memref<64x64xf32, #tpu.memory_space<vmem_shared>>
      %dma_start3A_41 = arith.constant 0 : i32
      %dma_start3A_42 = arith.constant 0 : i32
      %dma_start3A_43 = tpu.memref_slice %arg13[%dma_start3A_41, %dma_start3A_42] : memref<256x64xf32, #tpu.memory_space<vmem>> -> memref<64x64xf32, #tpu.memory_space<vmem>>
      tpu.enqueue_dma source(%dma_start3A_43 : memref<64x64xf32, #tpu.memory_space<vmem>>) target(%dma_start3A_40 : memref<64x64xf32, #tpu.memory_space<vmem_shared>>) target_semaphore(%run_scoped3A : memref<!tpu.dma_semaphore, #tpu.memory_space<semaphore_mem>>)
      %dma_wait3A = arith.constant 0 : i32
      %dma_wait3A_44 = arith.constant 0 : i32
      %dma_wait3A_45 = tpu.memref_slice %arg13[%dma_wait3A, %dma_wait3A_44] : memref<256x64xf32, #tpu.memory_space<vmem>> -> memref<64x64xf32, #tpu.memory_space<vmem>>
      %dma_wait3A_46 = arith.constant 0 : i32
      %dma_wait3A_47 = tpu.memref_slice %arg9[%sub3A_15, %dma_wait3A_46] : memref<25728x64xf32, #tpu.memory_space<vmem_shared>> -> memref<64x64xf32, #tpu.memory_space<vmem_shared>>
      %dma_wait3A_48 = arith.constant 0 : i32
      %dma_wait3A_49 = tpu.memref_slice %arg9[%sub3A_15, %dma_wait3A_48] : memref<25728x64xf32, #tpu.memory_space<vmem_shared>> -> memref<64x64xf32, #tpu.memory_space<vmem_shared>>
      %dma_wait3A_50 = arith.constant 0 : i32
      %dma_wait3A_51 = arith.constant 0 : i32
      %dma_wait3A_52 = tpu.memref_slice %arg13[%dma_wait3A_50, %dma_wait3A_51] : memref<256x64xf32, #tpu.memory_space<vmem>> -> memref<64x64xf32, #tpu.memory_space<vmem>>
      tpu.wait_dma2 semaphore(%run_scoped3A : memref<!tpu.dma_semaphore, #tpu.memory_space<semaphore_mem>>) src(%dma_wait3A_52 : memref<64x64xf32, #tpu.memory_space<vmem>>) dst(%dma_wait3A_49 : memref<64x64xf32, #tpu.memory_space<vmem_shared>>)
      tpu.yield
    }) : () -> ()
    %barrier3A = arith.constant 0 : index
    tpu.barrier barrier_id(%barrier3A)
    %mul3A_16 = arith.constant 25600 : i32
    %mul3A_17 = arith.muli %arg0, %mul3A_16 : i32
    %scan3A_18 = arith.constant 0 : i32
    %scan3A_19 = arith.constant 0 : i32
    %scan3A_20 = arith.constant 25 : i32
    %scan3A_21 = arith.addi %scan3A_19, %scan3A_20 : i32
    %scan3A_22 = arith.constant 1 : i32
    %scan3A_23 = scf.for %scan3A_35 = %scan3A_19 to %scan3A_21 step %scan3A_22 iter_args(%scan3A_36 = %scan3A_18) -> (i32)  : i32 {
      %mul3A_37 = arith.constant 400 : i32
      %mul3A_38 = arith.muli %arg1, %mul3A_37 : i32
      %mul3A_39 = arith.constant 16 : i32
      %mul3A_40 = arith.muli %scan3A_35, %mul3A_39 : i32
      %add3A_41 = arith.addi %mul3A_38, %mul3A_40 : i32
      "tpu.region"() ({
        %run_scoped3A = tpu.sem_alloc : memref<!tpu.dma_semaphore, #tpu.memory_space<semaphore_mem>>
        %dma_start3A = arith.constant 0 : i32
        %dma_start3A_80 = tpu.memref_slice %arg2[%add3A_41, %dma_start3A] : memref<6400x256xi32, #tpu.memory_space<hbm>> -> memref<16x256xi32, #tpu.memory_space<hbm>>
        %dma_start3A_81 = arith.constant 0 : i32
        %dma_start3A_82 = tpu.memref_slice %arg2[%add3A_41, %dma_start3A_81] : memref<6400x256xi32, #tpu.memory_space<hbm>> -> memref<16x256xi32, #tpu.memory_space<hbm>>
        tpu.enqueue_dma source(%dma_start3A_82 : memref<16x256xi32, #tpu.memory_space<hbm>>) target(%arg10 : memref<16x256xi32, #tpu.memory_space<vmem>>) target_semaphore(%run_scoped3A : memref<!tpu.dma_semaphore, #tpu.memory_space<semaphore_mem>>)
        %dma_wait3A = arith.constant 0 : i32
        %dma_wait3A_83 = tpu.memref_slice %arg2[%add3A_41, %dma_wait3A] : memref<6400x256xi32, #tpu.memory_space<hbm>> -> memref<16x256xi32, #tpu.memory_space<hbm>>
        %dma_wait3A_84 = arith.constant 0 : i32
        %dma_wait3A_85 = tpu.memref_slice %arg2[%add3A_41, %dma_wait3A_84] : memref<6400x256xi32, #tpu.memory_space<hbm>> -> memref<16x256xi32, #tpu.memory_space<hbm>>
        tpu.wait_dma2 semaphore(%run_scoped3A : memref<!tpu.dma_semaphore, #tpu.memory_space<semaphore_mem>>) src(%dma_wait3A_85 : memref<16x256xi32, #tpu.memory_space<hbm>>) dst(%arg10 : memref<16x256xi32, #tpu.memory_space<vmem>>)
        tpu.yield
      }) : () -> ()
      %iota3A = tpu.iota {dimensions = array<i32: 0>} : vector<16xi32>
      %scan3A_42 = arith.constant 0 : i32
      %scan3A_43 = arith.constant 0 : i32
      %scan3A_44 = arith.constant 128 : i32
      %scan3A_45 = arith.addi %scan3A_43, %scan3A_44 : i32
      %scan3A_46 = arith.constant 1 : i32
      %scan3A_47 = scf.for %scan3A_80 = %scan3A_43 to %scan3A_45 step %scan3A_46 iter_args(%scan3A_81 = %scan3A_42) -> (i32)  : i32 {
        %shift_right_arithmetic3A_82 = arith.constant 3 : i32
        %shift_right_arithmetic3A_83 = arith.shrsi %scan3A_80, %shift_right_arithmetic3A_82 : i32
        %and3A = arith.constant 7 : i32
        %and3A_84 = arith.andi %scan3A_80, %and3A : i32
        %mul3A_85 = arith.constant 16 : i32
        %mul3A_86 = arith.muli %and3A_84, %mul3A_85 : i32
        %mul3A_87 = arith.constant 16 : i32
        %mul3A_88 = arith.muli %and3A_84, %mul3A_87 : i32
        %add3A_89 = arith.constant 128 : i32
        %add3A_90 = arith.addi %add3A_89, %mul3A_88 : i32
        %get3A = arith.index_cast %shift_right_arithmetic3A_83 : i32 to index
        %get3A_91 = arith.index_cast %add3A_90 : i32 to index
        %get3A_92 = tpu.vector_load %arg10[%get3A, %get3A_91] {strides = array<i32>} : memref<16x256xi32, #tpu.memory_space<vmem>>, vector<16xi32>,
        %get3A_93 = arith.index_cast %shift_right_arithmetic3A_83 : i32 to index
        %get3A_94 = arith.index_cast %mul3A_86 : i32 to index
        %get3A_95 = tpu.vector_load %arg10[%get3A_93, %get3A_94] {strides = array<i32>} : memref<16x256xi32, #tpu.memory_space<vmem>>, vector<16xi32>,
        %sub3A_96 = vector.broadcast %mul3A_17 : i32 to vector<16xi32>
        %sub3A_97 = arith.subi %get3A_92, %sub3A_96 : vector<16xi32>
        %ge3A = arith.constant 0 : i32
        %ge3A_98 = vector.broadcast %ge3A : i32 to vector<16xi32>
        %ge3A_99 = arith.cmpi sge, %sub3A_97, %ge3A_98 : vector<16xi32>
        %lt3A = arith.constant 25600 : i32
        %lt3A_100 = vector.broadcast %lt3A : i32 to vector<16xi32>
        %lt3A_101 = arith.cmpi slt, %sub3A_97, %lt3A_100 : vector<16xi32>
        %and3A_102 = arith.andi %ge3A_99, %lt3A_101 : vector<16xi1>
        %jit3A = arith.constant 1 : i32
        %jit3A_103 = arith.constant 0 : i32
        %broadcast_in_dim3A = vector.broadcast %jit3A : i32 to vector<16xi32>
        %broadcast_in_dim3A_104 = vector.broadcast %jit3A_103 : i32 to vector<16xi32>
        %select_n3A = arith.select %and3A_102, %broadcast_in_dim3A, %broadcast_in_dim3A_104 : vector<16xi1>, vector<16xi32>
        %broadcast_in_dim3A_105 = arith.constant true
        %broadcast_in_dim3A_106 = vector.broadcast %broadcast_in_dim3A_105 : i1 to vector<16xi1>
        %masked_cumsum3A = tpu.scan <sum>, %select_n3A masked %broadcast_in_dim3A_106 : vector<16xi32>, vector<16xi1> -> vector<16xi32>
        %sub3A_107 = arith.subi %masked_cumsum3A, %select_n3A : vector<16xi32>
        %add3A_108 = vector.broadcast %scan3A_81 : i32 to vector<16xi32>
        %add3A_109 = arith.addi %add3A_108, %sub3A_107 : vector<16xi32>
        %shift_right_arithmetic3A_110 = arith.constant 7 : i32
        %shift_right_arithmetic3A_111 = vector.broadcast %shift_right_arithmetic3A_110 : i32 to vector<16xi32>
        %shift_right_arithmetic3A_112 = arith.shrsi %add3A_109, %shift_right_arithmetic3A_111 : vector<16xi32>
        %and3A_113 = arith.constant 127 : i32
        %and3A_114 = vector.broadcast %and3A_113 : i32 to vector<16xi32>
        %and3A_115 = arith.andi %add3A_109, %and3A_114 : vector<16xi32>
        tpu.vector_store_idx %arg11[%shift_right_arithmetic3A_112, %and3A_115], %get3A_95 masked %and3A_102 : memref<17x128xi32, #tpu.memory_space<vmem>>[vector<16xi32>, vector<16xi32>], vector<16xi32>, vector<16xi1>
        %shift_right_arithmetic3A_116 = arith.constant 7 : i32
        %shift_right_arithmetic3A_117 = vector.broadcast %shift_right_arithmetic3A_116 : i32 to vector<16xi32>
        %shift_right_arithmetic3A_118 = arith.shrsi %add3A_109, %shift_right_arithmetic3A_117 : vector<16xi32>
        %and3A_119 = arith.constant 127 : i32
        %and3A_120 = vector.broadcast %and3A_119 : i32 to vector<16xi32>
        %and3A_121 = arith.andi %add3A_109, %and3A_120 : vector<16xi32>
        tpu.vector_store_idx %arg12[%shift_right_arithmetic3A_118, %and3A_121], %sub3A_97 masked %and3A_102 : memref<17x128xi32, #tpu.memory_space<vmem>>[vector<16xi32>, vector<16xi32>], vector<16xi32>, vector<16xi1>
        %all_reduce_population_count3A = tpu.all_reduce %and3A_102 {dim = 0 : i64, kind = #tpu.reduction_kind<sum>} : vector<16xi1> -> vector<16xi32>
        %slice3A = vector.extract_strided_slice %all_reduce_population_count3A {offsets = [0], sizes = [1], strides = [1]} : vector<16xi32> to vector<1xi32>
        %squeeze3A = vector.extract %slice3A[0] : i32 from vector<1xi32>
        %add3A_122 = arith.addi %scan3A_81, %squeeze3A : i32
        scf.yield %add3A_122 : i32
      }
      %scan3A_48 = arith.constant 128 : i32
      %add3A_49 = arith.constant 127 : i32
      %add3A_50 = arith.addi %scan3A_47, %add3A_49 : i32
      %shift_right_arithmetic3A = arith.constant 7 : i32
      %shift_right_arithmetic3A_51 = arith.shrsi %add3A_50, %shift_right_arithmetic3A : i32
      %mul3A_52 = arith.constant 128 : i32
      %mul3A_53 = arith.muli %shift_right_arithmetic3A_51, %mul3A_52 : i32
      %scan3A_54 = arith.constant 0 : i32
      %scan3A_55 = arith.constant 0 : i32
      %scan3A_56 = arith.constant 8 : i32
      %scan3A_57 = arith.addi %scan3A_55, %scan3A_56 : i32
      %scan3A_58 = arith.constant 1 : i32
      %scan3A_59 = scf.for %scan3A_80 = %scan3A_55 to %scan3A_57 step %scan3A_58 iter_args(%scan3A_81 = %scan3A_54) -> (i32)  : i32 {
        %mul3A_82 = arith.constant 16 : i32
        %mul3A_83 = arith.muli %scan3A_80, %mul3A_82 : i32
        %add3A_84 = arith.addi %scan3A_47, %mul3A_83 : i32
        %add3A_85 = vector.broadcast %add3A_84 : i32 to vector<16xi32>
        %add3A_86 = arith.addi %add3A_85, %iota3A : vector<16xi32>
        %lt3A = vector.broadcast %mul3A_53 : i32 to vector<16xi32>
        %lt3A_87 = arith.cmpi slt, %add3A_86, %lt3A : vector<16xi32>
        %and3A = arith.constant 1023 : i32
        %and3A_88 = vector.broadcast %and3A : i32 to vector<16xi32>
        %and3A_89 = arith.andi %add3A_86, %and3A_88 : vector<16xi32>
        %add3A_90 = arith.constant 50000 : i32
        %add3A_91 = vector.broadcast %add3A_90 : i32 to vector<16xi32>
        %add3A_92 = arith.addi %add3A_91, %and3A_89 : vector<16xi32>
        %shift_right_arithmetic3A_93 = arith.constant 7 : i32
        %shift_right_arithmetic3A_94 = vector.broadcast %shift_right_arithmetic3A_93 : i32 to vector<16xi32>
        %shift_right_arithmetic3A_95 = arith.shrsi %add3A_86, %shift_right_arithmetic3A_94 : vector<16xi32>
        %and3A_96 = arith.constant 127 : i32
        %and3A_97 = vector.broadcast %and3A_96 : i32 to vector<16xi32>
        %and3A_98 = arith.andi %add3A_86, %and3A_97 : vector<16xi32>
        tpu.vector_store_idx %arg11[%shift_right_arithmetic3A_95, %and3A_98], %add3A_92 masked %lt3A_87 : memref<17x128xi32, #tpu.memory_space<vmem>>[vector<16xi32>, vector<16xi32>], vector<16xi32>, vector<16xi1>
        %shift_right_arithmetic3A_99 = arith.constant 7 : i32
        %shift_right_arithmetic3A_100 = vector.broadcast %shift_right_arithmetic3A_99 : i32 to vector<16xi32>
        %shift_right_arithmetic3A_101 = arith.shrsi %add3A_86, %shift_right_arithmetic3A_100 : vector<16xi32>
        %and3A_102 = arith.constant 127 : i32
        %and3A_103 = vector.broadcast %and3A_102 : i32 to vector<16xi32>
        %and3A_104 = arith.andi %add3A_86, %and3A_103 : vector<16xi32>
        %and3A_105 = arith.constant 127 : i32
        %and3A_106 = vector.broadcast %and3A_105 : i32 to vector<16xi32>
        %and3A_107 = arith.andi %add3A_86, %and3A_106 : vector<16xi32>
        %add3A_108 = arith.constant 25600 : i32
        %add3A_109 = vector.broadcast %add3A_108 : i32 to vector<16xi32>
        %add3A_110 = arith.addi %add3A_109, %and3A_107 : vector<16xi32>
        tpu.vector_store_idx %arg12[%shift_right_arithmetic3A_101, %and3A_104], %add3A_110 masked %lt3A_87 : memref<17x128xi32, #tpu.memory_space<vmem>>[vector<16xi32>, vector<16xi32>], vector<16xi32>, vector<16xi1>
        %scan3A_111 = arith.constant 0 : i32
        scf.yield %scan3A_111 : i32
      }
      %scan3A_60 = arith.constant 8 : i32
      %gt3A = arith.constant 0 : i32
      %gt3A_61 = arith.cmpi sgt, %shift_right_arithmetic3A_51, %gt3A : i32
      %convert_element_type3A = arith.extui %gt3A_61 : i1 to i32
      %cond3A = arith.constant 0 : i32
      %cond3A_62 = arith.cmpi ne, %convert_element_type3A, %cond3A : i32
      scf.if %cond3A_62 {
        %dma_start3A = arith.constant 0 : i32
        %dma_start3A_80 = arith.constant 0 : i32
        %dma_start3A_81 = arith.constant 0 : i32
        %dma_start3A_82 = tpu.memref_slice %arg13[%dma_start3A_80, %dma_start3A_81] : memref<256x64xf32, #tpu.memory_space<vmem>> -> memref<128x64xf32, #tpu.memory_space<vmem>>
        %dma_start3A_83 = arith.constant 0 : i32
        %dma_start3A_84 = tpu.memref_slice %arg11[%dma_start3A, %dma_start3A_83] : memref<17x128xi32, #tpu.memory_space<vmem>> -> memref<1x128xi32, #tpu.memory_space<vmem>>
        %dma_start3A_85 = tpu.memref_squeeze %dma_start3A_84 : memref<1x128xi32, #tpu.memory_space<vmem>> -> memref<128xi32, #tpu.memory_space<vmem>>
        %dma_start3A_86 = arith.constant 0 : i32
        %dma_start3A_87 = arith.constant 0 : i32
        %dma_start3A_88 = tpu.memref_slice %arg3[%dma_start3A_86, %dma_start3A_87] : memref<51200x64xf32, #tpu.memory_space<hbm>> -> memref<51200x64xf32, #tpu.memory_space<hbm>>
        tpu.enqueue_indirect_dma source(%dma_start3A_88 : memref<51200x64xf32, #tpu.memory_space<hbm>>) target(%dma_start3A_82 : memref<128x64xf32, #tpu.memory_space<vmem>>) offsets(%dma_start3A_85 : memref<128xi32, #tpu.memory_space<vmem>>) semaphore(%arg14 : memref<!tpu.dma_semaphore, #tpu.memory_space<semaphore_mem>>)
      } else {
      }
      %while3A = arith.constant 0 : i32
      %while3A_63 = arith.constant 0 : i32
      %while3A_64 = arith.subi %shift_right_arithmetic3A_51, %while3A : i32
      %while3A_65 = arith.addi %while3A, %while3A_64 : i32
      %while3A_66 = arith.constant 1 : i32
      %while3A_67 = arith.divsi %while3A_64, %while3A_66 : i32
      %while3A_68 = arith.muli %while3A_67, %while3A_66 : i32
      %while3A_69 = arith.addi %while3A, %while3A_68 : i32
      %while3A_70 = arith.constant 1 : i32
      %while3A_71 = scf.for %while3A_80 = %while3A to %while3A_69 step %while3A_70 iter_args(%while3A_81 = %while3A_63) -> (i32)  : i32 {
        %and3A = arith.constant 1 : i32
        %and3A_82 = arith.andi %while3A_80, %and3A : i32
        %mul3A_83 = arith.constant 128 : i32
        %mul3A_84 = arith.muli %and3A_82, %mul3A_83 : i32
        %sub3A_85 = arith.constant 128 : i32
        %sub3A_86 = arith.subi %sub3A_85, %mul3A_84 : i32
        %dma_wait3A = arith.constant 0 : i32
        %dma_wait3A_87 = tpu.memref_slice %arg13[%mul3A_84, %dma_wait3A] : memref<256x64xf32, #tpu.memory_space<vmem>> -> memref<128x64xf32, #tpu.memory_space<vmem>>
        %dma_wait3A_88 = arith.constant 0 : i32
        %dma_wait3A_89 = tpu.memref_slice %arg11[%while3A_80, %dma_wait3A_88] : memref<17x128xi32, #tpu.memory_space<vmem>> -> memref<1x128xi32, #tpu.memory_space<vmem>>
        %dma_wait3A_90 = tpu.memref_squeeze %dma_wait3A_89 : memref<1x128xi32, #tpu.memory_space<vmem>> -> memref<128xi32, #tpu.memory_space<vmem>>
        %dma_wait3A_91 = arith.constant 0 : i32
        %dma_wait3A_92 = arith.constant 0 : i32
        %dma_wait3A_93 = tpu.memref_slice %arg3[%dma_wait3A_91, %dma_wait3A_92] : memref<51200x64xf32, #tpu.memory_space<hbm>> -> memref<51200x64xf32, #tpu.memory_space<hbm>>
        tpu.wait_indirect_dma semaphore(%arg14 : memref<!tpu.dma_semaphore, #tpu.memory_space<semaphore_mem>>) src(%dma_wait3A_93 : memref<51200x64xf32, #tpu.memory_space<hbm>>) dst(%dma_wait3A_87 : memref<128x64xf32, #tpu.memory_space<vmem>>)
        %gt3A_94 = arith.constant 0 : i32
        %gt3A_95 = arith.cmpi sgt, %while3A_80, %gt3A_94 : i32
        %convert_element_type3A_96 = arith.extui %gt3A_95 : i1 to i32
        %cond3A_97 = arith.constant 0 : i32
        %cond3A_98 = arith.cmpi ne, %convert_element_type3A_96, %cond3A_97 : i32
        scf.if %cond3A_98 {
          %sub3A_112 = arith.constant 1 : i32
          %sub3A_113 = arith.subi %while3A_80, %sub3A_112 : i32
          %dma_wait3A_114 = arith.constant 0 : i32
          %dma_wait3A_115 = tpu.memref_slice %arg13[%sub3A_86, %dma_wait3A_114] : memref<256x64xf32, #tpu.memory_space<vmem>> -> memref<128x64xf32, #tpu.memory_space<vmem>>
          %dma_wait3A_116 = arith.constant 0 : i32
          %dma_wait3A_117 = tpu.memref_slice %arg12[%sub3A_113, %dma_wait3A_116] : memref<17x128xi32, #tpu.memory_space<vmem>> -> memref<1x128xi32, #tpu.memory_space<vmem>>
          %dma_wait3A_118 = tpu.memref_squeeze %dma_wait3A_117 : memref<1x128xi32, #tpu.memory_space<vmem>> -> memref<128xi32, #tpu.memory_space<vmem>>
          %dma_wait3A_119 = arith.constant 0 : i32
          %dma_wait3A_120 = arith.constant 0 : i32
          %dma_wait3A_121 = tpu.memref_slice %arg9[%dma_wait3A_119, %dma_wait3A_120] : memref<25728x64xf32, #tpu.memory_space<vmem_shared>> -> memref<25728x64xf32, #tpu.memory_space<vmem_shared>>
          tpu.wait_indirect_dma semaphore(%arg15 : memref<!tpu.dma_semaphore, #tpu.memory_space<semaphore_mem>>) src(%dma_wait3A_115 : memref<128x64xf32, #tpu.memory_space<vmem>>) dst(%dma_wait3A_121 : memref<25728x64xf32, #tpu.memory_space<vmem_shared>>)
        } else {
        }
        %dma_start3A = arith.constant 0 : i32
        %dma_start3A_99 = tpu.memref_slice %arg13[%mul3A_84, %dma_start3A] : memref<256x64xf32, #tpu.memory_space<vmem>> -> memref<128x64xf32, #tpu.memory_space<vmem>>
        %dma_start3A_100 = arith.constant 0 : i32
        %dma_start3A_101 = tpu.memref_slice %arg12[%while3A_80, %dma_start3A_100] : memref<17x128xi32, #tpu.memory_space<vmem>> -> memref<1x128xi32, #tpu.memory_space<vmem>>
        %dma_start3A_102 = tpu.memref_squeeze %dma_start3A_101 : memref<1x128xi32, #tpu.memory_space<vmem>> -> memref<128xi32, #tpu.memory_space<vmem>>
        %dma_start3A_103 = arith.constant 0 : i32
        %dma_start3A_104 = arith.constant 0 : i32
        %dma_start3A_105 = tpu.memref_slice %arg9[%dma_start3A_103, %dma_start3A_104] : memref<25728x64xf32, #tpu.memory_space<vmem_shared>> -> memref<25728x64xf32, #tpu.memory_space<vmem_shared>>
        tpu.enqueue_indirect_dma source(%dma_start3A_99 : memref<128x64xf32, #tpu.memory_space<vmem>>) target(%dma_start3A_105 : memref<25728x64xf32, #tpu.memory_space<vmem_shared>>) offsets(%dma_start3A_102 : memref<128xi32, #tpu.memory_space<vmem>>) semaphore(%arg15 : memref<!tpu.dma_semaphore, #tpu.memory_space<semaphore_mem>>) {add = true}
        %add3A_106 = arith.constant 1 : i32
        %add3A_107 = arith.addi %while3A_80, %add3A_106 : i32
        %lt3A = arith.cmpi slt, %add3A_107, %shift_right_arithmetic3A_51 : i32
        %convert_element_type3A_108 = arith.extui %lt3A : i1 to i32
        %cond3A_109 = arith.constant 0 : i32
        %cond3A_110 = arith.cmpi ne, %convert_element_type3A_108, %cond3A_109 : i32
        scf.if %cond3A_110 {
          %add3A_112 = arith.constant 1 : i32
          %add3A_113 = arith.addi %while3A_80, %add3A_112 : i32
          %dma_start3A_114 = arith.constant 0 : i32
          %dma_start3A_115 = tpu.memref_slice %arg13[%sub3A_86, %dma_start3A_114] : memref<256x64xf32, #tpu.memory_space<vmem>> -> memref<128x64xf32, #tpu.memory_space<vmem>>
          %dma_start3A_116 = arith.constant 0 : i32
          %dma_start3A_117 = tpu.memref_slice %arg11[%add3A_113, %dma_start3A_116] : memref<17x128xi32, #tpu.memory_space<vmem>> -> memref<1x128xi32, #tpu.memory_space<vmem>>
          %dma_start3A_118 = tpu.memref_squeeze %dma_start3A_117 : memref<1x128xi32, #tpu.memory_space<vmem>> -> memref<128xi32, #tpu.memory_space<vmem>>
          %dma_start3A_119 = arith.constant 0 : i32
          %dma_start3A_120 = arith.constant 0 : i32
          %dma_start3A_121 = tpu.memref_slice %arg3[%dma_start3A_119, %dma_start3A_120] : memref<51200x64xf32, #tpu.memory_space<hbm>> -> memref<51200x64xf32, #tpu.memory_space<hbm>>
          tpu.enqueue_indirect_dma source(%dma_start3A_121 : memref<51200x64xf32, #tpu.memory_space<hbm>>) target(%dma_start3A_115 : memref<128x64xf32, #tpu.memory_space<vmem>>) offsets(%dma_start3A_118 : memref<128xi32, #tpu.memory_space<vmem>>) semaphore(%arg14 : memref<!tpu.dma_semaphore, #tpu.memory_space<semaphore_mem>>)
        } else {
        }
        %while3A_111 = arith.constant 0 : i32
        scf.yield %while3A_111 : i32
      }
      %while3A_72 = arith.constant 1 : i32
      %while3A_73 = scf.for %while3A_80 = %while3A_69 to %while3A_65 step %while3A_72 iter_args(%while3A_81 = %while3A_71) -> (i32)  : i32 {
        %and3A = arith.constant 1 : i32
        %and3A_82 = arith.andi %while3A_80, %and3A : i32
        %mul3A_83 = arith.constant 128 : i32
        %mul3A_84 = arith.muli %and3A_82, %mul3A_83 : i32
        %sub3A_85 = arith.constant 128 : i32
        %sub3A_86 = arith.subi %sub3A_85, %mul3A_84 : i32
        %dma_wait3A = arith.constant 0 : i32
        %dma_wait3A_87 = tpu.memref_slice %arg13[%mul3A_84, %dma_wait3A] : memref<256x64xf32, #tpu.memory_space<vmem>> -> memref<128x64xf32, #tpu.memory_space<vmem>>
        %dma_wait3A_88 = arith.constant 0 : i32
        %dma_wait3A_89 = tpu.memref_slice %arg11[%while3A_80, %dma_wait3A_88] : memref<17x128xi32, #tpu.memory_space<vmem>> -> memref<1x128xi32, #tpu.memory_space<vmem>>
        %dma_wait3A_90 = tpu.memref_squeeze %dma_wait3A_89 : memref<1x128xi32, #tpu.memory_space<vmem>> -> memref<128xi32, #tpu.memory_space<vmem>>
        %dma_wait3A_91 = arith.constant 0 : i32
        %dma_wait3A_92 = arith.constant 0 : i32
        %dma_wait3A_93 = tpu.memref_slice %arg3[%dma_wait3A_91, %dma_wait3A_92] : memref<51200x64xf32, #tpu.memory_space<hbm>> -> memref<51200x64xf32, #tpu.memory_space<hbm>>
        tpu.wait_indirect_dma semaphore(%arg14 : memref<!tpu.dma_semaphore, #tpu.memory_space<semaphore_mem>>) src(%dma_wait3A_93 : memref<51200x64xf32, #tpu.memory_space<hbm>>) dst(%dma_wait3A_87 : memref<128x64xf32, #tpu.memory_space<vmem>>)
        %gt3A_94 = arith.constant 0 : i32
        %gt3A_95 = arith.cmpi sgt, %while3A_80, %gt3A_94 : i32
        %convert_element_type3A_96 = arith.extui %gt3A_95 : i1 to i32
        %cond3A_97 = arith.constant 0 : i32
        %cond3A_98 = arith.cmpi ne, %convert_element_type3A_96, %cond3A_97 : i32
        scf.if %cond3A_98 {
          %sub3A_112 = arith.constant 1 : i32
          %sub3A_113 = arith.subi %while3A_80, %sub3A_112 : i32
          %dma_wait3A_114 = arith.constant 0 : i32
          %dma_wait3A_115 = tpu.memref_slice %arg13[%sub3A_86, %dma_wait3A_114] : memref<256x64xf32, #tpu.memory_space<vmem>> -> memref<128x64xf32, #tpu.memory_space<vmem>>
          %dma_wait3A_116 = arith.constant 0 : i32
          %dma_wait3A_117 = tpu.memref_slice %arg12[%sub3A_113, %dma_wait3A_116] : memref<17x128xi32, #tpu.memory_space<vmem>> -> memref<1x128xi32, #tpu.memory_space<vmem>>
          %dma_wait3A_118 = tpu.memref_squeeze %dma_wait3A_117 : memref<1x128xi32, #tpu.memory_space<vmem>> -> memref<128xi32, #tpu.memory_space<vmem>>
          %dma_wait3A_119 = arith.constant 0 : i32
          %dma_wait3A_120 = arith.constant 0 : i32
          %dma_wait3A_121 = tpu.memref_slice %arg9[%dma_wait3A_119, %dma_wait3A_120] : memref<25728x64xf32, #tpu.memory_space<vmem_shared>> -> memref<25728x64xf32, #tpu.memory_space<vmem_shared>>
          tpu.wait_indirect_dma semaphore(%arg15 : memref<!tpu.dma_semaphore, #tpu.memory_space<semaphore_mem>>) src(%dma_wait3A_115 : memref<128x64xf32, #tpu.memory_space<vmem>>) dst(%dma_wait3A_121 : memref<25728x64xf32, #tpu.memory_space<vmem_shared>>)
        } else {
        }
        %dma_start3A = arith.constant 0 : i32
        %dma_start3A_99 = tpu.memref_slice %arg13[%mul3A_84, %dma_start3A] : memref<256x64xf32, #tpu.memory_space<vmem>> -> memref<128x64xf32, #tpu.memory_space<vmem>>
        %dma_start3A_100 = arith.constant 0 : i32
        %dma_start3A_101 = tpu.memref_slice %arg12[%while3A_80, %dma_start3A_100] : memref<17x128xi32, #tpu.memory_space<vmem>> -> memref<1x128xi32, #tpu.memory_space<vmem>>
        %dma_start3A_102 = tpu.memref_squeeze %dma_start3A_101 : memref<1x128xi32, #tpu.memory_space<vmem>> -> memref<128xi32, #tpu.memory_space<vmem>>
        %dma_start3A_103 = arith.constant 0 : i32
        %dma_start3A_104 = arith.constant 0 : i32
        %dma_start3A_105 = tpu.memref_slice %arg9[%dma_start3A_103, %dma_start3A_104] : memref<25728x64xf32, #tpu.memory_space<vmem_shared>> -> memref<25728x64xf32, #tpu.memory_space<vmem_shared>>
        tpu.enqueue_indirect_dma source(%dma_start3A_99 : memref<128x64xf32, #tpu.memory_space<vmem>>) target(%dma_start3A_105 : memref<25728x64xf32, #tpu.memory_space<vmem_shared>>) offsets(%dma_start3A_102 : memref<128xi32, #tpu.memory_space<vmem>>) semaphore(%arg15 : memref<!tpu.dma_semaphore, #tpu.memory_space<semaphore_mem>>) {add = true}
        %add3A_106 = arith.constant 1 : i32
        %add3A_107 = arith.addi %while3A_80, %add3A_106 : i32
        %lt3A = arith.cmpi slt, %add3A_107, %shift_right_arithmetic3A_51 : i32
        %convert_element_type3A_108 = arith.extui %lt3A : i1 to i32
        %cond3A_109 = arith.constant 0 : i32
        %cond3A_110 = arith.cmpi ne, %convert_element_type3A_108, %cond3A_109 : i32
        scf.if %cond3A_110 {
          %add3A_112 = arith.constant 1 : i32
          %add3A_113 = arith.addi %while3A_80, %add3A_112 : i32
          %dma_start3A_114 = arith.constant 0 : i32
          %dma_start3A_115 = tpu.memref_slice %arg13[%sub3A_86, %dma_start3A_114] : memref<256x64xf32, #tpu.memory_space<vmem>> -> memref<128x64xf32, #tpu.memory_space<vmem>>
          %dma_start3A_116 = arith.constant 0 : i32
          %dma_start3A_117 = tpu.memref_slice %arg11[%add3A_113, %dma_start3A_116] : memref<17x128xi32, #tpu.memory_space<vmem>> -> memref<1x128xi32, #tpu.memory_space<vmem>>
          %dma_start3A_118 = tpu.memref_squeeze %dma_start3A_117 : memref<1x128xi32, #tpu.memory_space<vmem>> -> memref<128xi32, #tpu.memory_space<vmem>>
          %dma_start3A_119 = arith.constant 0 : i32
          %dma_start3A_120 = arith.constant 0 : i32
          %dma_start3A_121 = tpu.memref_slice %arg3[%dma_start3A_119, %dma_start3A_120] : memref<51200x64xf32, #tpu.memory_space<hbm>> -> memref<51200x64xf32, #tpu.memory_space<hbm>>
          tpu.enqueue_indirect_dma source(%dma_start3A_121 : memref<51200x64xf32, #tpu.memory_space<hbm>>) target(%dma_start3A_115 : memref<128x64xf32, #tpu.memory_space<vmem>>) offsets(%dma_start3A_118 : memref<128xi32, #tpu.memory_space<vmem>>) semaphore(%arg14 : memref<!tpu.dma_semaphore, #tpu.memory_space<semaphore_mem>>)
        } else {
        }
        %while3A_111 = arith.constant 0 : i32
        scf.yield %while3A_111 : i32
      }
      %gt3A_74 = arith.constant 0 : i32
      %gt3A_75 = arith.cmpi sgt, %shift_right_arithmetic3A_51, %gt3A_74 : i32
      %convert_element_type3A_76 = arith.extui %gt3A_75 : i1 to i32
      %cond3A_77 = arith.constant 0 : i32
      %cond3A_78 = arith.cmpi ne, %convert_element_type3A_76, %cond3A_77 : i32
      scf.if %cond3A_78 {
        %sub3A_80 = arith.constant 1 : i32
        %sub3A_81 = arith.subi %shift_right_arithmetic3A_51, %sub3A_80 : i32
        %and3A = arith.constant 1 : i32
        %and3A_82 = arith.andi %sub3A_81, %and3A : i32
        %mul3A_83 = arith.constant 128 : i32
        %mul3A_84 = arith.muli %and3A_82, %mul3A_83 : i32
        %sub3A_85 = arith.constant 1 : i32
        %sub3A_86 = arith.subi %shift_right_arithmetic3A_51, %sub3A_85 : i32
        %dma_wait3A = arith.constant 0 : i32
        %dma_wait3A_87 = tpu.memref_slice %arg13[%mul3A_84, %dma_wait3A] : memref<256x64xf32, #tpu.memory_space<vmem>> -> memref<128x64xf32, #tpu.memory_space<vmem>>
        %dma_wait3A_88 = arith.constant 0 : i32
        %dma_wait3A_89 = tpu.memref_slice %arg12[%sub3A_86, %dma_wait3A_88] : memref<17x128xi32, #tpu.memory_space<vmem>> -> memref<1x128xi32, #tpu.memory_space<vmem>>
        %dma_wait3A_90 = tpu.memref_squeeze %dma_wait3A_89 : memref<1x128xi32, #tpu.memory_space<vmem>> -> memref<128xi32, #tpu.memory_space<vmem>>
        %dma_wait3A_91 = arith.constant 0 : i32
        %dma_wait3A_92 = arith.constant 0 : i32
        %dma_wait3A_93 = tpu.memref_slice %arg9[%dma_wait3A_91, %dma_wait3A_92] : memref<25728x64xf32, #tpu.memory_space<vmem_shared>> -> memref<25728x64xf32, #tpu.memory_space<vmem_shared>>
        tpu.wait_indirect_dma semaphore(%arg15 : memref<!tpu.dma_semaphore, #tpu.memory_space<semaphore_mem>>) src(%dma_wait3A_87 : memref<128x64xf32, #tpu.memory_space<vmem>>) dst(%dma_wait3A_93 : memref<25728x64xf32, #tpu.memory_space<vmem_shared>>)
      } else {
      }
      %scan3A_79 = arith.constant 0 : i32
      scf.yield %scan3A_79 : i32
    }
    %scan3A_24 = arith.constant 25 : i32
    %barrier3A_25 = arith.constant 0 : index
    tpu.barrier barrier_id(%barrier3A_25)
    %mul3A_26 = arith.constant 1600 : i32
    %mul3A_27 = arith.muli %arg1, %mul3A_26 : i32
    %scan3A_28 = arith.constant 0 : i32
    %scan3A_29 = arith.constant 0 : i32
    %scan3A_30 = arith.constant 25 : i32
    %scan3A_31 = arith.addi %scan3A_29, %scan3A_30 : i32
    %scan3A_32 = arith.constant 1 : i32
    %scan3A_33 = scf.for %scan3A_35 = %scan3A_29 to %scan3A_31 step %scan3A_32 iter_args(%scan3A_36 = %scan3A_28) -> (i32)  : i32 {
      %mul3A_37 = arith.constant 64 : i32
      %mul3A_38 = arith.muli %scan3A_35, %mul3A_37 : i32
      %add3A_39 = arith.addi %mul3A_27, %mul3A_38 : i32
      %mul3A_40 = arith.constant 25600 : i32
      %mul3A_41 = arith.muli %arg0, %mul3A_40 : i32
      %add3A_42 = arith.addi %mul3A_41, %add3A_39 : i32
      "tpu.region"() ({
        %run_scoped3A = tpu.sem_alloc : memref<!tpu.dma_semaphore, #tpu.memory_space<semaphore_mem>>
        %dma_start3A = arith.constant 0 : i32
        %dma_start3A_51 = arith.constant 0 : i32
        %dma_start3A_52 = tpu.memref_slice %arg13[%dma_start3A, %dma_start3A_51] : memref<256x64xf32, #tpu.memory_space<vmem>> -> memref<64x64xf32, #tpu.memory_space<vmem>>
        %dma_start3A_53 = arith.constant 0 : i32
        %dma_start3A_54 = tpu.memref_slice %arg9[%add3A_39, %dma_start3A_53] : memref<25728x64xf32, #tpu.memory_space<vmem_shared>> -> memref<64x64xf32, #tpu.memory_space<vmem_shared>>
        %dma_start3A_55 = arith.constant 0 : i32
        %dma_start3A_56 = arith.constant 0 : i32
        %dma_start3A_57 = tpu.memref_slice %arg13[%dma_start3A_55, %dma_start3A_56] : memref<256x64xf32, #tpu.memory_space<vmem>> -> memref<64x64xf32, #tpu.memory_space<vmem>>
        %dma_start3A_58 = arith.constant 0 : i32
        %dma_start3A_59 = tpu.memref_slice %arg9[%add3A_39, %dma_start3A_58] : memref<25728x64xf32, #tpu.memory_space<vmem_shared>> -> memref<64x64xf32, #tpu.memory_space<vmem_shared>>
        tpu.enqueue_dma source(%dma_start3A_59 : memref<64x64xf32, #tpu.memory_space<vmem_shared>>) target(%dma_start3A_57 : memref<64x64xf32, #tpu.memory_space<vmem>>) target_semaphore(%run_scoped3A : memref<!tpu.dma_semaphore, #tpu.memory_space<semaphore_mem>>)
        %dma_wait3A = arith.constant 0 : i32
        %dma_wait3A_60 = arith.constant 0 : i32
        %dma_wait3A_61 = tpu.memref_slice %arg13[%dma_wait3A, %dma_wait3A_60] : memref<256x64xf32, #tpu.memory_space<vmem>> -> memref<64x64xf32, #tpu.memory_space<vmem>>
        %dma_wait3A_62 = arith.constant 0 : i32
        %dma_wait3A_63 = tpu.memref_slice %arg9[%add3A_39, %dma_wait3A_62] : memref<25728x64xf32, #tpu.memory_space<vmem_shared>> -> memref<64x64xf32, #tpu.memory_space<vmem_shared>>
        %dma_wait3A_64 = arith.constant 0 : i32
        %dma_wait3A_65 = arith.constant 0 : i32
        %dma_wait3A_66 = tpu.memref_slice %arg13[%dma_wait3A_64, %dma_wait3A_65] : memref<256x64xf32, #tpu.memory_space<vmem>> -> memref<64x64xf32, #tpu.memory_space<vmem>>
        %dma_wait3A_67 = arith.constant 0 : i32
        %dma_wait3A_68 = tpu.memref_slice %arg9[%add3A_39, %dma_wait3A_67] : memref<25728x64xf32, #tpu.memory_space<vmem_shared>> -> memref<64x64xf32, #tpu.memory_space<vmem_shared>>
        tpu.wait_dma2 semaphore(%run_scoped3A : memref<!tpu.dma_semaphore, #tpu.memory_space<semaphore_mem>>) src(%dma_wait3A_68 : memref<64x64xf32, #tpu.memory_space<vmem_shared>>) dst(%dma_wait3A_66 : memref<64x64xf32, #tpu.memory_space<vmem>>)
        tpu.yield
      }) : () -> ()
      "tpu.region"() ({
        %run_scoped3A = tpu.sem_alloc : memref<!tpu.dma_semaphore, #tpu.memory_space<semaphore_mem>>
        %dma_start3A = arith.constant 64 : i32
        %dma_start3A_51 = arith.constant 0 : i32
        %dma_start3A_52 = tpu.memref_slice %arg13[%dma_start3A, %dma_start3A_51] : memref<256x64xf32, #tpu.memory_space<vmem>> -> memref<64x64xf32, #tpu.memory_space<vmem>>
        %dma_start3A_53 = arith.constant 0 : i32
        %dma_start3A_54 = tpu.memref_slice %arg4[%add3A_42, %dma_start3A_53] : memref<51200x64xf32, #tpu.memory_space<hbm>> -> memref<64x64xf32, #tpu.memory_space<hbm>>
        %dma_start3A_55 = arith.constant 64 : i32
        %dma_start3A_56 = arith.constant 0 : i32
        %dma_start3A_57 = tpu.memref_slice %arg13[%dma_start3A_55, %dma_start3A_56] : memref<256x64xf32, #tpu.memory_space<vmem>> -> memref<64x64xf32, #tpu.memory_space<vmem>>
        %dma_start3A_58 = arith.constant 0 : i32
        %dma_start3A_59 = tpu.memref_slice %arg4[%add3A_42, %dma_start3A_58] : memref<51200x64xf32, #tpu.memory_space<hbm>> -> memref<64x64xf32, #tpu.memory_space<hbm>>
        tpu.enqueue_dma source(%dma_start3A_59 : memref<64x64xf32, #tpu.memory_space<hbm>>) target(%dma_start3A_57 : memref<64x64xf32, #tpu.memory_space<vmem>>) target_semaphore(%run_scoped3A : memref<!tpu.dma_semaphore, #tpu.memory_space<semaphore_mem>>)
        %dma_wait3A = arith.constant 64 : i32
        %dma_wait3A_60 = arith.constant 0 : i32
        %dma_wait3A_61 = tpu.memref_slice %arg13[%dma_wait3A, %dma_wait3A_60] : memref<256x64xf32, #tpu.memory_space<vmem>> -> memref<64x64xf32, #tpu.memory_space<vmem>>
        %dma_wait3A_62 = arith.constant 0 : i32
        %dma_wait3A_63 = tpu.memref_slice %arg4[%add3A_42, %dma_wait3A_62] : memref<51200x64xf32, #tpu.memory_space<hbm>> -> memref<64x64xf32, #tpu.memory_space<hbm>>
        %dma_wait3A_64 = arith.constant 64 : i32
        %dma_wait3A_65 = arith.constant 0 : i32
        %dma_wait3A_66 = tpu.memref_slice %arg13[%dma_wait3A_64, %dma_wait3A_65] : memref<256x64xf32, #tpu.memory_space<vmem>> -> memref<64x64xf32, #tpu.memory_space<vmem>>
        %dma_wait3A_67 = arith.constant 0 : i32
        %dma_wait3A_68 = tpu.memref_slice %arg4[%add3A_42, %dma_wait3A_67] : memref<51200x64xf32, #tpu.memory_space<hbm>> -> memref<64x64xf32, #tpu.memory_space<hbm>>
        tpu.wait_dma2 semaphore(%run_scoped3A : memref<!tpu.dma_semaphore, #tpu.memory_space<semaphore_mem>>) src(%dma_wait3A_68 : memref<64x64xf32, #tpu.memory_space<hbm>>) dst(%dma_wait3A_66 : memref<64x64xf32, #tpu.memory_space<vmem>>)
        tpu.yield
      }) : () -> ()
      "tpu.region"() ({
        %run_scoped3A = tpu.sem_alloc : memref<!tpu.dma_semaphore, #tpu.memory_space<semaphore_mem>>
        %dma_start3A = arith.constant 128 : i32
        %dma_start3A_51 = arith.constant 0 : i32
        %dma_start3A_52 = tpu.memref_slice %arg13[%dma_start3A, %dma_start3A_51] : memref<256x64xf32, #tpu.memory_space<vmem>> -> memref<64x64xf32, #tpu.memory_space<vmem>>
        %dma_start3A_53 = arith.constant 0 : i32
        %dma_start3A_54 = tpu.memref_slice %arg5[%add3A_42, %dma_start3A_53] : memref<51200x64xf32, #tpu.memory_space<hbm>> -> memref<64x64xf32, #tpu.memory_space<hbm>>
        %dma_start3A_55 = arith.constant 128 : i32
        %dma_start3A_56 = arith.constant 0 : i32
        %dma_start3A_57 = tpu.memref_slice %arg13[%dma_start3A_55, %dma_start3A_56] : memref<256x64xf32, #tpu.memory_space<vmem>> -> memref<64x64xf32, #tpu.memory_space<vmem>>
        %dma_start3A_58 = arith.constant 0 : i32
        %dma_start3A_59 = tpu.memref_slice %arg5[%add3A_42, %dma_start3A_58] : memref<51200x64xf32, #tpu.memory_space<hbm>> -> memref<64x64xf32, #tpu.memory_space<hbm>>
        tpu.enqueue_dma source(%dma_start3A_59 : memref<64x64xf32, #tpu.memory_space<hbm>>) target(%dma_start3A_57 : memref<64x64xf32, #tpu.memory_space<vmem>>) target_semaphore(%run_scoped3A : memref<!tpu.dma_semaphore, #tpu.memory_space<semaphore_mem>>)
        %dma_wait3A = arith.constant 128 : i32
        %dma_wait3A_60 = arith.constant 0 : i32
        %dma_wait3A_61 = tpu.memref_slice %arg13[%dma_wait3A, %dma_wait3A_60] : memref<256x64xf32, #tpu.memory_space<vmem>> -> memref<64x64xf32, #tpu.memory_space<vmem>>
        %dma_wait3A_62 = arith.constant 0 : i32
        %dma_wait3A_63 = tpu.memref_slice %arg5[%add3A_42, %dma_wait3A_62] : memref<51200x64xf32, #tpu.memory_space<hbm>> -> memref<64x64xf32, #tpu.memory_space<hbm>>
        %dma_wait3A_64 = arith.constant 128 : i32
        %dma_wait3A_65 = arith.constant 0 : i32
        %dma_wait3A_66 = tpu.memref_slice %arg13[%dma_wait3A_64, %dma_wait3A_65] : memref<256x64xf32, #tpu.memory_space<vmem>> -> memref<64x64xf32, #tpu.memory_space<vmem>>
        %dma_wait3A_67 = arith.constant 0 : i32
        %dma_wait3A_68 = tpu.memref_slice %arg5[%add3A_42, %dma_wait3A_67] : memref<51200x64xf32, #tpu.memory_space<hbm>> -> memref<64x64xf32, #tpu.memory_space<hbm>>
        tpu.wait_dma2 semaphore(%run_scoped3A : memref<!tpu.dma_semaphore, #tpu.memory_space<semaphore_mem>>) src(%dma_wait3A_68 : memref<64x64xf32, #tpu.memory_space<hbm>>) dst(%dma_wait3A_66 : memref<64x64xf32, #tpu.memory_space<vmem>>)
        tpu.yield
      }) : () -> ()
      "tpu.region"() ({
        %run_scoped3A = tpu.sem_alloc : memref<!tpu.dma_semaphore, #tpu.memory_space<semaphore_mem>>
        %dma_start3A = arith.constant 192 : i32
        %dma_start3A_51 = arith.constant 0 : i32
        %dma_start3A_52 = tpu.memref_slice %arg13[%dma_start3A, %dma_start3A_51] : memref<256x64xf32, #tpu.memory_space<vmem>> -> memref<64x64xf32, #tpu.memory_space<vmem>>
        %dma_start3A_53 = arith.constant 0 : i32
        %dma_start3A_54 = tpu.memref_slice %arg6[%add3A_42, %dma_start3A_53] : memref<51200x64xf32, #tpu.memory_space<hbm>> -> memref<64x64xf32, #tpu.memory_space<hbm>>
        %dma_start3A_55 = arith.constant 192 : i32
        %dma_start3A_56 = arith.constant 0 : i32
        %dma_start3A_57 = tpu.memref_slice %arg13[%dma_start3A_55, %dma_start3A_56] : memref<256x64xf32, #tpu.memory_space<vmem>> -> memref<64x64xf32, #tpu.memory_space<vmem>>
        %dma_start3A_58 = arith.constant 0 : i32
        %dma_start3A_59 = tpu.memref_slice %arg6[%add3A_42, %dma_start3A_58] : memref<51200x64xf32, #tpu.memory_space<hbm>> -> memref<64x64xf32, #tpu.memory_space<hbm>>
        tpu.enqueue_dma source(%dma_start3A_59 : memref<64x64xf32, #tpu.memory_space<hbm>>) target(%dma_start3A_57 : memref<64x64xf32, #tpu.memory_space<vmem>>) target_semaphore(%run_scoped3A : memref<!tpu.dma_semaphore, #tpu.memory_space<semaphore_mem>>)
        %dma_wait3A = arith.constant 192 : i32
        %dma_wait3A_60 = arith.constant 0 : i32
        %dma_wait3A_61 = tpu.memref_slice %arg13[%dma_wait3A, %dma_wait3A_60] : memref<256x64xf32, #tpu.memory_space<vmem>> -> memref<64x64xf32, #tpu.memory_space<vmem>>
        %dma_wait3A_62 = arith.constant 0 : i32
        %dma_wait3A_63 = tpu.memref_slice %arg6[%add3A_42, %dma_wait3A_62] : memref<51200x64xf32, #tpu.memory_space<hbm>> -> memref<64x64xf32, #tpu.memory_space<hbm>>
        %dma_wait3A_64 = arith.constant 192 : i32
        %dma_wait3A_65 = arith.constant 0 : i32
        %dma_wait3A_66 = tpu.memref_slice %arg13[%dma_wait3A_64, %dma_wait3A_65] : memref<256x64xf32, #tpu.memory_space<vmem>> -> memref<64x64xf32, #tpu.memory_space<vmem>>
        %dma_wait3A_67 = arith.constant 0 : i32
        %dma_wait3A_68 = tpu.memref_slice %arg6[%add3A_42, %dma_wait3A_67] : memref<51200x64xf32, #tpu.memory_space<hbm>> -> memref<64x64xf32, #tpu.memory_space<hbm>>
        tpu.wait_dma2 semaphore(%run_scoped3A : memref<!tpu.dma_semaphore, #tpu.memory_space<semaphore_mem>>) src(%dma_wait3A_68 : memref<64x64xf32, #tpu.memory_space<hbm>>) dst(%dma_wait3A_66 : memref<64x64xf32, #tpu.memory_space<vmem>>)
        tpu.yield
      }) : () -> ()
      %scan3A_43 = arith.constant 0 : i32
      %scan3A_44 = arith.constant 0 : i32
      %scan3A_45 = arith.constant 64 : i32
      %scan3A_46 = arith.addi %scan3A_44, %scan3A_45 : i32
      %scan3A_47 = arith.constant 1 : i32
      %scan3A_48 = scf.for %scan3A_51 = %scan3A_44 to %scan3A_46 step %scan3A_47 iter_args(%scan3A_52 = %scan3A_43) -> (i32)  : i32 {
        %get3A = arith.index_cast %scan3A_51 : i32 to index
        %get3A_53 = arith.constant 0 : index
        %get3A_54 = tpu.vector_load %arg13[%get3A, %get3A_53] {strides = array<i32>} : memref<256x64xf32, #tpu.memory_space<vmem>>, vector<16xf32>,
        %add3A_55 = arith.constant 192 : i32
        %add3A_56 = arith.addi %add3A_55, %scan3A_51 : i32
        %get3A_57 = arith.index_cast %add3A_56 : i32 to index
        %get3A_58 = arith.constant 0 : index
        %get3A_59 = tpu.vector_load %arg13[%get3A_57, %get3A_58] {strides = array<i32>} : memref<256x64xf32, #tpu.memory_space<vmem>>, vector<16xf32>,
        %add3A_60 = arith.constant 64 : i32
        %add3A_61 = arith.addi %add3A_60, %scan3A_51 : i32
        %get3A_62 = arith.index_cast %add3A_61 : i32 to index
        %get3A_63 = arith.constant 0 : index
        %get3A_64 = tpu.vector_load %arg13[%get3A_62, %get3A_63] {strides = array<i32>} : memref<256x64xf32, #tpu.memory_space<vmem>>, vector<16xf32>,
        %mul3A_65 = arith.mulf %get3A_64, %get3A_54 : vector<16xf32>
        %mul3A_66 = arith.constant 2.500000e-01 : f32
        %mul3A_67 = vector.broadcast %mul3A_66 : f32 to vector<16xf32>
        %mul3A_68 = arith.mulf %mul3A_67, %mul3A_65 : vector<16xf32>
        %add3A_69 = arith.addf %get3A_59, %mul3A_68 : vector<16xf32>
        %add3A_70 = arith.constant 192 : i32
        %add3A_71 = arith.addi %add3A_70, %scan3A_51 : i32
        %swap3A = arith.index_cast %add3A_71 : i32 to index
        %swap3A_72 = arith.constant 0 : index
        %swap3A_73 = tpu.vector_load %arg13[%swap3A, %swap3A_72] {strides = array<i32>} : memref<256x64xf32, #tpu.memory_space<vmem>>, vector<16xf32>,
        tpu.vector_store %arg13[%swap3A, %swap3A_72], %add3A_69 {strides = array<i32>} : memref<256x64xf32, #tpu.memory_space<vmem>>, vector<16xf32>,
        %add3A_74 = arith.constant 128 : i32
        %add3A_75 = arith.addi %add3A_74, %scan3A_51 : i32
        %get3A_76 = arith.index_cast %add3A_75 : i32 to index
        %get3A_77 = arith.constant 0 : index
        %get3A_78 = tpu.vector_load %arg13[%get3A_76, %get3A_77] {strides = array<i32>} : memref<256x64xf32, #tpu.memory_space<vmem>>, vector<16xf32>,
        %mul3A_79 = arith.mulf %get3A_78, %get3A_54 : vector<16xf32>
        %swap3A_80 = arith.index_cast %scan3A_51 : i32 to index
        %swap3A_81 = arith.constant 0 : index
        %swap3A_82 = tpu.vector_load %arg13[%swap3A_80, %swap3A_81] {strides = array<i32>} : memref<256x64xf32, #tpu.memory_space<vmem>>, vector<16xf32>,
        tpu.vector_store %arg13[%swap3A_80, %swap3A_81], %mul3A_79 {strides = array<i32>} : memref<256x64xf32, #tpu.memory_space<vmem>>, vector<16xf32>,
        %get3A_83 = arith.index_cast %scan3A_51 : i32 to index
        %get3A_84 = arith.constant 16 : index
        %get3A_85 = tpu.vector_load %arg13[%get3A_83, %get3A_84] {strides = array<i32>} : memref<256x64xf32, #tpu.memory_space<vmem>>, vector<16xf32>,
        %add3A_86 = arith.constant 192 : i32
        %add3A_87 = arith.addi %add3A_86, %scan3A_51 : i32
        %get3A_88 = arith.index_cast %add3A_87 : i32 to index
        %get3A_89 = arith.constant 16 : index
        %get3A_90 = tpu.vector_load %arg13[%get3A_88, %get3A_89] {strides = array<i32>} : memref<256x64xf32, #tpu.memory_space<vmem>>, vector<16xf32>,
        %add3A_91 = arith.constant 64 : i32
        %add3A_92 = arith.addi %add3A_91, %scan3A_51 : i32
        %get3A_93 = arith.index_cast %add3A_92 : i32 to index
        %get3A_94 = arith.constant 16 : index
        %get3A_95 = tpu.vector_load %arg13[%get3A_93, %get3A_94] {strides = array<i32>} : memref<256x64xf32, #tpu.memory_space<vmem>>, vector<16xf32>,
        %mul3A_96 = arith.mulf %get3A_95, %get3A_85 : vector<16xf32>
        %mul3A_97 = arith.constant 2.500000e-01 : f32
        %mul3A_98 = vector.broadcast %mul3A_97 : f32 to vector<16xf32>
        %mul3A_99 = arith.mulf %mul3A_98, %mul3A_96 : vector<16xf32>
        %add3A_100 = arith.addf %get3A_90, %mul3A_99 : vector<16xf32>
        %add3A_101 = arith.constant 192 : i32
        %add3A_102 = arith.addi %add3A_101, %scan3A_51 : i32
        %swap3A_103 = arith.index_cast %add3A_102 : i32 to index
        %swap3A_104 = arith.constant 16 : index
        %swap3A_105 = tpu.vector_load %arg13[%swap3A_103, %swap3A_104] {strides = array<i32>} : memref<256x64xf32, #tpu.memory_space<vmem>>, vector<16xf32>,
        tpu.vector_store %arg13[%swap3A_103, %swap3A_104], %add3A_100 {strides = array<i32>} : memref<256x64xf32, #tpu.memory_space<vmem>>, vector<16xf32>,
        %add3A_106 = arith.constant 128 : i32
        %add3A_107 = arith.addi %add3A_106, %scan3A_51 : i32
        %get3A_108 = arith.index_cast %add3A_107 : i32 to index
        %get3A_109 = arith.constant 16 : index
        %get3A_110 = tpu.vector_load %arg13[%get3A_108, %get3A_109] {strides = array<i32>} : memref<256x64xf32, #tpu.memory_space<vmem>>, vector<16xf32>,
        %mul3A_111 = arith.mulf %get3A_110, %get3A_85 : vector<16xf32>
        %swap3A_112 = arith.index_cast %scan3A_51 : i32 to index
        %swap3A_113 = arith.constant 16 : index
        %swap3A_114 = tpu.vector_load %arg13[%swap3A_112, %swap3A_113] {strides = array<i32>} : memref<256x64xf32, #tpu.memory_space<vmem>>, vector<16xf32>,
        tpu.vector_store %arg13[%swap3A_112, %swap3A_113], %mul3A_111 {strides = array<i32>} : memref<256x64xf32, #tpu.memory_space<vmem>>, vector<16xf32>,
        %get3A_115 = arith.index_cast %scan3A_51 : i32 to index
        %get3A_116 = arith.constant 32 : index
        %get3A_117 = tpu.vector_load %arg13[%get3A_115, %get3A_116] {strides = array<i32>} : memref<256x64xf32, #tpu.memory_space<vmem>>, vector<16xf32>,
        %add3A_118 = arith.constant 192 : i32
        %add3A_119 = arith.addi %add3A_118, %scan3A_51 : i32
        %get3A_120 = arith.index_cast %add3A_119 : i32 to index
        %get3A_121 = arith.constant 32 : index
        %get3A_122 = tpu.vector_load %arg13[%get3A_120, %get3A_121] {strides = array<i32>} : memref<256x64xf32, #tpu.memory_space<vmem>>, vector<16xf32>,
        %add3A_123 = arith.constant 64 : i32
        %add3A_124 = arith.addi %add3A_123, %scan3A_51 : i32
        %get3A_125 = arith.index_cast %add3A_124 : i32 to index
        %get3A_126 = arith.constant 32 : index
        %get3A_127 = tpu.vector_load %arg13[%get3A_125, %get3A_126] {strides = array<i32>} : memref<256x64xf32, #tpu.memory_space<vmem>>, vector<16xf32>,
        %mul3A_128 = arith.mulf %get3A_127, %get3A_117 : vector<16xf32>
        %mul3A_129 = arith.constant 2.500000e-01 : f32
        %mul3A_130 = vector.broadcast %mul3A_129 : f32 to vector<16xf32>
        %mul3A_131 = arith.mulf %mul3A_130, %mul3A_128 : vector<16xf32>
        %add3A_132 = arith.addf %get3A_122, %mul3A_131 : vector<16xf32>
        %add3A_133 = arith.constant 192 : i32
        %add3A_134 = arith.addi %add3A_133, %scan3A_51 : i32
        %swap3A_135 = arith.index_cast %add3A_134 : i32 to index
        %swap3A_136 = arith.constant 32 : index
        %swap3A_137 = tpu.vector_load %arg13[%swap3A_135, %swap3A_136] {strides = array<i32>} : memref<256x64xf32, #tpu.memory_space<vmem>>, vector<16xf32>,
        tpu.vector_store %arg13[%swap3A_135, %swap3A_136], %add3A_132 {strides = array<i32>} : memref<256x64xf32, #tpu.memory_space<vmem>>, vector<16xf32>,
        %add3A_138 = arith.constant 128 : i32
        %add3A_139 = arith.addi %add3A_138, %scan3A_51 : i32
        %get3A_140 = arith.index_cast %add3A_139 : i32 to index
        %get3A_141 = arith.constant 32 : index
        %get3A_142 = tpu.vector_load %arg13[%get3A_140, %get3A_141] {strides = array<i32>} : memref<256x64xf32, #tpu.memory_space<vmem>>, vector<16xf32>,
        %mul3A_143 = arith.mulf %get3A_142, %get3A_117 : vector<16xf32>
        %swap3A_144 = arith.index_cast %scan3A_51 : i32 to index
        %swap3A_145 = arith.constant 32 : index
        %swap3A_146 = tpu.vector_load %arg13[%swap3A_144, %swap3A_145] {strides = array<i32>} : memref<256x64xf32, #tpu.memory_space<vmem>>, vector<16xf32>,
        tpu.vector_store %arg13[%swap3A_144, %swap3A_145], %mul3A_143 {strides = array<i32>} : memref<256x64xf32, #tpu.memory_space<vmem>>, vector<16xf32>,
        %get3A_147 = arith.index_cast %scan3A_51 : i32 to index
        %get3A_148 = arith.constant 48 : index
        %get3A_149 = tpu.vector_load %arg13[%get3A_147, %get3A_148] {strides = array<i32>} : memref<256x64xf32, #tpu.memory_space<vmem>>, vector<16xf32>,
        %add3A_150 = arith.constant 192 : i32
        %add3A_151 = arith.addi %add3A_150, %scan3A_51 : i32
        %get3A_152 = arith.index_cast %add3A_151 : i32 to index
        %get3A_153 = arith.constant 48 : index
        %get3A_154 = tpu.vector_load %arg13[%get3A_152, %get3A_153] {strides = array<i32>} : memref<256x64xf32, #tpu.memory_space<vmem>>, vector<16xf32>,
        %add3A_155 = arith.constant 64 : i32
        %add3A_156 = arith.addi %add3A_155, %scan3A_51 : i32
        %get3A_157 = arith.index_cast %add3A_156 : i32 to index
        %get3A_158 = arith.constant 48 : index
        %get3A_159 = tpu.vector_load %arg13[%get3A_157, %get3A_158] {strides = array<i32>} : memref<256x64xf32, #tpu.memory_space<vmem>>, vector<16xf32>,
        %mul3A_160 = arith.mulf %get3A_159, %get3A_149 : vector<16xf32>
        %mul3A_161 = arith.constant 2.500000e-01 : f32
        %mul3A_162 = vector.broadcast %mul3A_161 : f32 to vector<16xf32>
        %mul3A_163 = arith.mulf %mul3A_162, %mul3A_160 : vector<16xf32>
        %add3A_164 = arith.addf %get3A_154, %mul3A_163 : vector<16xf32>
        %add3A_165 = arith.constant 192 : i32
        %add3A_166 = arith.addi %add3A_165, %scan3A_51 : i32
        %swap3A_167 = arith.index_cast %add3A_166 : i32 to index
        %swap3A_168 = arith.constant 48 : index
        %swap3A_169 = tpu.vector_load %arg13[%swap3A_167, %swap3A_168] {strides = array<i32>} : memref<256x64xf32, #tpu.memory_space<vmem>>, vector<16xf32>,
        tpu.vector_store %arg13[%swap3A_167, %swap3A_168], %add3A_164 {strides = array<i32>} : memref<256x64xf32, #tpu.memory_space<vmem>>, vector<16xf32>,
        %add3A_170 = arith.constant 128 : i32
        %add3A_171 = arith.addi %add3A_170, %scan3A_51 : i32
        %get3A_172 = arith.index_cast %add3A_171 : i32 to index
        %get3A_173 = arith.constant 48 : index
        %get3A_174 = tpu.vector_load %arg13[%get3A_172, %get3A_173] {strides = array<i32>} : memref<256x64xf32, #tpu.memory_space<vmem>>, vector<16xf32>,
        %mul3A_175 = arith.mulf %get3A_174, %get3A_149 : vector<16xf32>
        %swap3A_176 = arith.index_cast %scan3A_51 : i32 to index
        %swap3A_177 = arith.constant 48 : index
        %swap3A_178 = tpu.vector_load %arg13[%swap3A_176, %swap3A_177] {strides = array<i32>} : memref<256x64xf32, #tpu.memory_space<vmem>>, vector<16xf32>,
        tpu.vector_store %arg13[%swap3A_176, %swap3A_177], %mul3A_175 {strides = array<i32>} : memref<256x64xf32, #tpu.memory_space<vmem>>, vector<16xf32>,
        %scan3A_179 = arith.constant 0 : i32
        scf.yield %scan3A_179 : i32
      }
      %scan3A_49 = arith.constant 64 : i32
      "tpu.region"() ({
        %run_scoped3A = tpu.sem_alloc : memref<!tpu.dma_semaphore, #tpu.memory_space<semaphore_mem>>
        %dma_start3A = arith.constant 192 : i32
        %dma_start3A_51 = arith.constant 0 : i32
        %dma_start3A_52 = tpu.memref_slice %arg13[%dma_start3A, %dma_start3A_51] : memref<256x64xf32, #tpu.memory_space<vmem>> -> memref<64x64xf32, #tpu.memory_space<vmem>>
        %dma_start3A_53 = arith.constant 0 : i32
        %dma_start3A_54 = tpu.memref_slice %arg8[%add3A_42, %dma_start3A_53] : memref<51200x64xf32, #tpu.memory_space<hbm>> -> memref<64x64xf32, #tpu.memory_space<hbm>>
        %dma_start3A_55 = arith.constant 0 : i32
        %dma_start3A_56 = tpu.memref_slice %arg8[%add3A_42, %dma_start3A_55] : memref<51200x64xf32, #tpu.memory_space<hbm>> -> memref<64x64xf32, #tpu.memory_space<hbm>>
        %dma_start3A_57 = arith.constant 192 : i32
        %dma_start3A_58 = arith.constant 0 : i32
        %dma_start3A_59 = tpu.memref_slice %arg13[%dma_start3A_57, %dma_start3A_58] : memref<256x64xf32, #tpu.memory_space<vmem>> -> memref<64x64xf32, #tpu.memory_space<vmem>>
        tpu.enqueue_dma source(%dma_start3A_59 : memref<64x64xf32, #tpu.memory_space<vmem>>) target(%dma_start3A_56 : memref<64x64xf32, #tpu.memory_space<hbm>>) target_semaphore(%run_scoped3A : memref<!tpu.dma_semaphore, #tpu.memory_space<semaphore_mem>>)
        %dma_wait3A = arith.constant 192 : i32
        %dma_wait3A_60 = arith.constant 0 : i32
        %dma_wait3A_61 = tpu.memref_slice %arg13[%dma_wait3A, %dma_wait3A_60] : memref<256x64xf32, #tpu.memory_space<vmem>> -> memref<64x64xf32, #tpu.memory_space<vmem>>
        %dma_wait3A_62 = arith.constant 0 : i32
        %dma_wait3A_63 = tpu.memref_slice %arg8[%add3A_42, %dma_wait3A_62] : memref<51200x64xf32, #tpu.memory_space<hbm>> -> memref<64x64xf32, #tpu.memory_space<hbm>>
        %dma_wait3A_64 = arith.constant 0 : i32
        %dma_wait3A_65 = tpu.memref_slice %arg8[%add3A_42, %dma_wait3A_64] : memref<51200x64xf32, #tpu.memory_space<hbm>> -> memref<64x64xf32, #tpu.memory_space<hbm>>
        %dma_wait3A_66 = arith.constant 192 : i32
        %dma_wait3A_67 = arith.constant 0 : i32
        %dma_wait3A_68 = tpu.memref_slice %arg13[%dma_wait3A_66, %dma_wait3A_67] : memref<256x64xf32, #tpu.memory_space<vmem>> -> memref<64x64xf32, #tpu.memory_space<vmem>>
        tpu.wait_dma2 semaphore(%run_scoped3A : memref<!tpu.dma_semaphore, #tpu.memory_space<semaphore_mem>>) src(%dma_wait3A_68 : memref<64x64xf32, #tpu.memory_space<vmem>>) dst(%dma_wait3A_65 : memref<64x64xf32, #tpu.memory_space<hbm>>)
        tpu.yield
      }) : () -> ()
      "tpu.region"() ({
        %run_scoped3A = tpu.sem_alloc : memref<!tpu.dma_semaphore, #tpu.memory_space<semaphore_mem>>
        %dma_start3A = arith.constant 0 : i32
        %dma_start3A_51 = arith.constant 0 : i32
        %dma_start3A_52 = tpu.memref_slice %arg13[%dma_start3A, %dma_start3A_51] : memref<256x64xf32, #tpu.memory_space<vmem>> -> memref<64x64xf32, #tpu.memory_space<vmem>>
        %dma_start3A_53 = arith.constant 0 : i32
        %dma_start3A_54 = tpu.memref_slice %arg7[%add3A_42, %dma_start3A_53] : memref<51200x64xf32, #tpu.memory_space<hbm>> -> memref<64x64xf32, #tpu.memory_space<hbm>>
        %dma_start3A_55 = arith.constant 0 : i32
        %dma_start3A_56 = tpu.memref_slice %arg7[%add3A_42, %dma_start3A_55] : memref<51200x64xf32, #tpu.memory_space<hbm>> -> memref<64x64xf32, #tpu.memory_space<hbm>>
        %dma_start3A_57 = arith.constant 0 : i32
        %dma_start3A_58 = arith.constant 0 : i32
        %dma_start3A_59 = tpu.memref_slice %arg13[%dma_start3A_57, %dma_start3A_58] : memref<256x64xf32, #tpu.memory_space<vmem>> -> memref<64x64xf32, #tpu.memory_space<vmem>>
        tpu.enqueue_dma source(%dma_start3A_59 : memref<64x64xf32, #tpu.memory_space<vmem>>) target(%dma_start3A_56 : memref<64x64xf32, #tpu.memory_space<hbm>>) target_semaphore(%run_scoped3A : memref<!tpu.dma_semaphore, #tpu.memory_space<semaphore_mem>>)
        %dma_wait3A = arith.constant 0 : i32
        %dma_wait3A_60 = arith.constant 0 : i32
        %dma_wait3A_61 = tpu.memref_slice %arg13[%dma_wait3A, %dma_wait3A_60] : memref<256x64xf32, #tpu.memory_space<vmem>> -> memref<64x64xf32, #tpu.memory_space<vmem>>
        %dma_wait3A_62 = arith.constant 0 : i32
        %dma_wait3A_63 = tpu.memref_slice %arg7[%add3A_42, %dma_wait3A_62] : memref<51200x64xf32, #tpu.memory_space<hbm>> -> memref<64x64xf32, #tpu.memory_space<hbm>>
        %dma_wait3A_64 = arith.constant 0 : i32
        %dma_wait3A_65 = tpu.memref_slice %arg7[%add3A_42, %dma_wait3A_64] : memref<51200x64xf32, #tpu.memory_space<hbm>> -> memref<64x64xf32, #tpu.memory_space<hbm>>
        %dma_wait3A_66 = arith.constant 0 : i32
        %dma_wait3A_67 = arith.constant 0 : i32
        %dma_wait3A_68 = tpu.memref_slice %arg13[%dma_wait3A_66, %dma_wait3A_67] : memref<256x64xf32, #tpu.memory_space<vmem>> -> memref<64x64xf32, #tpu.memory_space<vmem>>
        tpu.wait_dma2 semaphore(%run_scoped3A : memref<!tpu.dma_semaphore, #tpu.memory_space<semaphore_mem>>) src(%dma_wait3A_68 : memref<64x64xf32, #tpu.memory_space<vmem>>) dst(%dma_wait3A_65 : memref<64x64xf32, #tpu.memory_space<hbm>>)
        tpu.yield
      }) : () -> ()
      %scan3A_50 = arith.constant 0 : i32
      scf.yield %scan3A_50 : i32
    }
    %scan3A_34 = arith.constant 25 : i32
    return
  }
}

module attributes {stable_mosaic.version = 14 : i64} {
  func.func @_setup_tc_body(%arg0: i32, %arg1: memref<512x1xf32, #tpu.memory_space<vmem>>, %arg2: memref<512x64xf32, #tpu.memory_space<vmem>>, %arg3: memref<512x64xf32, #tpu.memory_space<vmem>>, %arg4: memref<512x64xf32, #tpu.memory_space<vmem>>, %arg5: memref<512x64xf32, #tpu.memory_space<vmem>>, %arg6: memref<512x64xf32, #tpu.memory_space<vmem>>) attributes {dimension_semantics = [#tpu.dimension_semantics<arbitrary>], iteration_bounds = array<i64: 100>, scalar_prefetch = 0 : i64, scratch_operands = 0 : i64, tpu.core_type = #tpu.core_type<tc>, window_params = [{transform_indices = @transform_0, window_bounds = array<i64: 512, 1>}, {transform_indices = @transform_1, window_bounds = array<i64: 512, 64>}, {transform_indices = @transform_2, window_bounds = array<i64: 512, 64>}, {transform_indices = @transform_3, window_bounds = array<i64: 512, 64>}, {transform_indices = @transform_4, window_bounds = array<i64: 512, 64>}, {transform_indices = @transform_5, window_bounds = array<i64: 512, 64>}]} {
    %get3A = arith.constant 0 : index
    %get3A_0 = arith.constant 0 : index
    %get3A_1 = vector.load %arg1[%get3A, %get3A_0] : memref<512x1xf32, #tpu.memory_space<vmem>>, vector<512x1xf32>
    %ge3A = arith.constant 5.000000e-01 : f32
    %ge3A_2 = vector.broadcast %ge3A : f32 to vector<512x1xf32>
    %ge3A_3 = arith.cmpf oge, %get3A_1, %ge3A_2 : vector<512x1xf32>
    %max3A = arith.constant 9.99999996E-13 : f32
    %max3A_4 = vector.broadcast %max3A : f32 to vector<512x1xf32>
    %max3A_5 = arith.maximumf %get3A_1, %max3A_4 : vector<512x1xf32>
    %rsqrt3A = math.rsqrt %max3A_5 : vector<512x1xf32>
    %jit3A = arith.constant 0.000000e+00 : f32
    %broadcast_in_dim3A = vector.broadcast %jit3A : f32 to vector<512x1xf32>
    %select_n3A = arith.select %ge3A_3, %rsqrt3A, %broadcast_in_dim3A : vector<512x1xi1>, vector<512x1xf32>
    %get3A_6 = arith.constant 0 : index
    %get3A_7 = arith.constant 0 : index
    %get3A_8 = vector.load %arg2[%get3A_6, %get3A_7] : memref<512x64xf32, #tpu.memory_space<vmem>>, vector<512x64xf32>
    %broadcast_in_dim3A_9 = vector.shape_cast %select_n3A : vector<512x1xf32> to vector<512x1xf32>
    %broadcast_in_dim3A_10 = vector.broadcast %broadcast_in_dim3A_9 : vector<512x1xf32> to vector<512x64xf32>
    %swap3A = arith.constant 0 : index
    %swap3A_11 = arith.constant 0 : index
    %swap3A_12 = vector.load %arg3[%swap3A, %swap3A_11] : memref<512x64xf32, #tpu.memory_space<vmem>>, vector<512x64xf32>
    tpu.vector_store %arg3[%swap3A, %swap3A_11], %broadcast_in_dim3A_10 {strides = array<i32>} : memref<512x64xf32, #tpu.memory_space<vmem>>, vector<512x64xf32>,
    %mul3A = arith.mulf %broadcast_in_dim3A_10, %broadcast_in_dim3A_10 : vector<512x64xf32>
    %swap3A_13 = arith.constant 0 : index
    %swap3A_14 = arith.constant 0 : index
    %swap3A_15 = vector.load %arg4[%swap3A_13, %swap3A_14] : memref<512x64xf32, #tpu.memory_space<vmem>>, vector<512x64xf32>
    tpu.vector_store %arg4[%swap3A_13, %swap3A_14], %mul3A {strides = array<i32>} : memref<512x64xf32, #tpu.memory_space<vmem>>, vector<512x64xf32>,
    %mul3A_16 = arith.mulf %broadcast_in_dim3A_10, %get3A_8 : vector<512x64xf32>
    %swap3A_17 = arith.constant 0 : index
    %swap3A_18 = arith.constant 0 : index
    %swap3A_19 = vector.load %arg5[%swap3A_17, %swap3A_18] : memref<512x64xf32, #tpu.memory_space<vmem>>, vector<512x64xf32>
    tpu.vector_store %arg5[%swap3A_17, %swap3A_18], %mul3A_16 {strides = array<i32>} : memref<512x64xf32, #tpu.memory_space<vmem>>, vector<512x64xf32>,
    %mul3A_20 = arith.constant 2.500000e-01 : f32
    %mul3A_21 = vector.broadcast %mul3A_20 : f32 to vector<512x64xf32>
    %mul3A_22 = arith.mulf %mul3A_21, %get3A_8 : vector<512x64xf32>
    %swap3A_23 = arith.constant 0 : index
    %swap3A_24 = arith.constant 0 : index
    %swap3A_25 = vector.load %arg6[%swap3A_23, %swap3A_24] : memref<512x64xf32, #tpu.memory_space<vmem>>, vector<512x64xf32>
    tpu.vector_store %arg6[%swap3A_23, %swap3A_24], %mul3A_22 {strides = array<i32>} : memref<512x64xf32, #tpu.memory_space<vmem>>, vector<512x64xf32>,
    return
  }
  func.func @transform_0(%arg0: i32) -> (i32, i32) {
    %c0_i32 = arith.constant 0 : i32
    %c0_i32_0 = arith.constant 0 : i32
    return %arg0, %c0_i32 : i32, i32
  }
  func.func @transform_1(%arg0: i32) -> (i32, i32) {
    %c0_i32 = arith.constant 0 : i32
    %c0_i32_0 = arith.constant 0 : i32
    return %arg0, %c0_i32 : i32, i32
  }
  func.func @transform_2(%arg0: i32) -> (i32, i32) {
    %c0_i32 = arith.constant 0 : i32
    %c0_i32_0 = arith.constant 0 : i32
    return %arg0, %c0_i32 : i32, i32
  }
  func.func @transform_3(%arg0: i32) -> (i32, i32) {
    %c0_i32 = arith.constant 0 : i32
    %c0_i32_0 = arith.constant 0 : i32
    return %arg0, %c0_i32 : i32, i32
  }
  func.func @transform_4(%arg0: i32) -> (i32, i32) {
    %c0_i32 = arith.constant 0 : i32
    %c0_i32_0 = arith.constant 0 : i32
    return %arg0, %c0_i32 : i32, i32
  }
  func.func @transform_5(%arg0: i32) -> (i32, i32) {
    %c0_i32 = arith.constant 0 : i32
    %c0_i32_0 = arith.constant 0 : i32
    return %arg0, %c0_i32 : i32, i32
  }
}

</mosaic_0001>

<sc_bundles>
// kernel: kernel.10.cloned.1.call-start
scs
__scs_entry_jumppad:
0x0: {  	(pc) =	sbr.rel $0x88, $3  }
0x1: {  	(tag) =	ssettag $0x0;
	lr =	simm.s32 $0x1  }
0x2: {  	[smem:$0x3F9F] =	sst lr;
	_ =	strace $0xD0000000  }
0x3: {  	_ = 	snop  }
0x4: {  	_ = 	snop  }
0x5: {  	_ = 	snop  }
0x6: {  	_ = 	snop  }
0x7: {  	_ = 	snop  }
__scs_overlays_trampoline_lowered:
0x8: {  	[smem:$0x3FAE] =	sst s0  }
0x9: {  	[smem:$0x3FAF] =	sst s1  }
0xa: {  	[smem:$0x3FB0] =	sst s2  }
0xb: {  	[smem:$0x3FB1] =	sst s3  }
0xc: {  	[smem:$0x3FB2] =	sst s4  }
0xd: {  	[smem:$0x3FB3] =	sst s5  }
0xe: {  	[smem:$0x3FB4] =	sst s6  }
0xf: {  	[smem:$0x3FB5] =	sst s7  }
0x10: {  	[smem:$0x3FB6] =	sst s8  }
0x11: {  	[smem:$0x3FB7] =	sst s9;
	s0 =	simm.s32 @!p0 $0x0  }
0x12: {  	s1 =	sld [smem:$0x3F9D];
	s0 =	simm.s32 @p0 $0x1  }
0x13: {  	[smem:$0x3FB8] =	sst s0;
	s0 =	simm.s32 @!p1 $0x0  }
0x14: {  	s2 =	sld [smem:$0x3F9C];
	s0 =	simm.s32 @p1 $0x1  }
0x15: {  	[smem:$0x3FB9] =	sst s0;
	s0 =	simm.s32 @!p2 $0x0  }
0x16: {  	s3 =	sld [smem:$0x3FDB];
	s0 =	simm.s32 @p2 $0x1  }
0x17: {  	s4 =	simm.s32 $0x1BF5;
	[smem:$0x3FBB] =	sst s0  }
0x18: {  	s0 =	sld [smem:$0x3F9E];
	_ =	swait.ge [sflag:s4], $0x0  }
0x19: {  	s7 =	sld [smem:$0x3F9F]  }
0x1a: {  	s8 =	sadd.s32 $0xFFFFE003, lr  }
0x1b: {  	s9 =	sadd.s32 $0xFFFFFEF7, lr;
	s5 =	simm.s32 $0xFFFFFFFF;
	p2 =	slt.u32 s8, $0xFFFFF086  }
0x1c: {  	p1 =	slt.u32 s9, $0xF7A;
	s5 =	simm.s32 @!p2 $0x0  }
0x1d: {  	s5 =	simm.s32 @p1 $0x1;
	p0 =	seq.s32 s7, s2  }
0x1e: {  	s7 =	smul.u32 @!p0 $0xF7A, s2;
	p2 =	seq.s32 @!p0 s5, $0x0  }
0x1f: {  	s9 =	smul.u32 $0xF7A, s1;
	s8 =	simm.s32 @!p0 $0x1BF5;
	p2 =	por !p2, p0  }
0x20: {  	[sflag:s8] =	ssyncset.s32 @!p0 $0xFFFFF086;
	s6 =	sadd.s32 @!p0 s3, s7;
	s7 =	simm.s32 @!p0 $0x108  }
0x21: {  	s3 =	sadd.s32 s3, s9;
	s6 =	sadd.s32 @!p0 $0x88, s6;
	s7 =	simm.s32 @p2 $0x1082  }
0x22: {  	[simem:s7], [sflag:s8] =	dma.local @!p0 [hbm:s6], $0xF7A  }
0x23: {  	s9 =	sor.u32 $0xD0000000, s2;
	s6 =	simm.s32 $0x108;
	_ =	swait.ge @!p0 [sflag:s8], $0x0  }
0x24: {  	s3 =	sadd.s32 $0x88, s3;
	s6 =	simm.s32 @!p1 $0x1082;
	[sflag:s4] =	ssyncset.s32 $0xFFFFF086  }
0x25: {  	[simem:s6], [sflag:s4] =	dma.local [hbm:s3], $0xF7A  }
0x26: {  	[smem:$0x3F9F] =	sst s1;
	(tag) =	ssettag s2;
	_ =	strace s9  }
0x27: {  	s1 =	sld [smem:$0x3FAF]  }
0x28: {  	s2 =	sld [smem:$0x3FB0]  }
0x29: {  	s4 =	sld [smem:$0x3FB2]  }
0x2a: {  	p0 =	seq.s32 s5, $0x0;
	s5 =	sld [smem:$0x3FB3]  }
0x2b: {  	s6 =	sld [smem:$0x3FB4]  }
0x2c: {  	s7 =	sld [smem:$0x3FB5]  }
0x2d: {  	s3 =	simm.s32 $0x108;
	s8 =	sld [smem:$0x3FB6]  }
0x2e: {  	s3 =	simm.s32 @!p0 $0x1082;
	s9 =	sld [smem:$0x3FB7]  }
0x2f: {  	lr =	sadd.s32 s0, s3;
	s0 =	sld [smem:$0x3FAE]  }
0x30: {  	s3 =	sld [smem:$0x3FB1]  }
0x31: {  	[smem:$0x3FBA] =	sst s10  }
0x32: {  	s10 =	sld [smem:$0x3FB8];
	_ =	sdelay $0x3  }
0x33: {  	p0 =	seq.s32 s10, $0x1;
	s10 =	sld [smem:$0x3FBA];
	_ =	sdelay $0x3  }
0x34: {  	[smem:$0x3FBA] =	sst s10  }
0x35: {  	s10 =	sld [smem:$0x3FB9];
	_ =	sdelay $0x3  }
0x36: {  	p1 =	seq.s32 s10, $0x1;
	s10 =	sld [smem:$0x3FBA];
	_ =	sdelay $0x3  }
0x37: {  	[smem:$0x3FBA] =	sst s10  }
0x38: {  	s10 =	sld [smem:$0x3FBB]  }
0x39: {  	_ = 	snop;
	(pc) =	sbr.ind lr, $3  }
0x3a: {  	_ = 	snop  }
0x3b: {  	_ = 	snop  }
0x3c: {  	p2 =	seq.s32 s10, $0x1;
	s10 =	sld [smem:$0x3FBA]  }
0x3d: {  	_ =	shalt  }
0x3e: {  	_ =	shalt  }
0x3f: {  	_ =	shalt  }
0x40: {  	_ =	shalt  }
0x41: {  	_ =	shalt  }
0x42: {  	_ =	shalt  }
0x43: {  	_ =	shalt  }
0x44: {  	_ =	shalt  }
0x45: {  	_ =	shalt  }
0x46: {  	_ =	shalt  }
0x47: {  	_ =	shalt  }
0x48: {  	_ =	shalt  }
0x49: {  	_ =	shalt  }
0x4a: {  	_ =	shalt  }
0x4b: {  	_ =	shalt  }
0x4c: {  	_ =	shalt  }
0x4d: {  	_ =	shalt  }
0x4e: {  	_ =	shalt  }
0x4f: {  	_ =	shalt  }
0x50: {  	_ =	shalt  }
0x51: {  	_ =	shalt  }
0x52: {  	_ =	shalt  }
0x53: {  	_ =	shalt  }
0x54: {  	_ =	shalt  }
0x55: {  	_ =	shalt  }
0x56: {  	_ =	shalt  }
0x57: {  	_ =	shalt  }
0x58: {  	_ =	shalt  }
0x59: {  	_ =	shalt  }
0x5a: {  	_ =	shalt  }
0x5b: {  	_ =	shalt  }
0x5c: {  	_ =	shalt  }
0x5d: {  	_ =	shalt  }
0x5e: {  	_ =	shalt  }
0x5f: {  	_ =	shalt  }
0x60: {  	_ =	shalt  }
0x61: {  	_ =	shalt  }
0x62: {  	_ =	shalt  }
0x63: {  	_ =	shalt  }
0x64: {  	_ =	shalt  }
0x65: {  	_ =	shalt  }
0x66: {  	_ =	shalt  }
0x67: {  	_ =	shalt  }
0x68: {  	_ =	shalt  }
0x69: {  	_ =	shalt  }
0x6a: {  	_ =	shalt  }
0x6b: {  	_ =	shalt  }
0x6c: {  	_ =	shalt  }
0x6d: {  	_ =	shalt  }
0x6e: {  	_ =	shalt  }
0x6f: {  	_ =	shalt  }
0x70: {  	_ =	shalt  }
0x71: {  	_ =	shalt  }
0x72: {  	_ =	shalt  }
0x73: {  	_ =	shalt  }
0x74: {  	_ =	shalt  }
0x75: {  	_ =	shalt  }
0x76: {  	_ =	shalt  }
0x77: {  	_ =	shalt  }
0x78: {  	_ =	shalt  }
0x79: {  	_ =	shalt  }
0x7a: {  	_ =	shalt  }
0x7b: {  	_ =	shalt  }
0x7c: {  	_ =	shalt  }
0x7d: {  	_ =	shalt  }
0x7e: {  	_ =	shalt  }
0x7f: {  	_ =	shalt  }
0x80: {  	_ =	shalt  }
0x81: {  	_ =	shalt  }
0x82: {  	_ =	shalt  }
0x83: {  	_ =	shalt  }
0x84: {  	_ =	shalt  }
0x85: {  	_ =	shalt  }
0x86: {  	_ =	shalt  }
0x87: {  	_ =	shalt  }
.Lfunc_end0:
.L_simem_size_0:
called_computation.1_lowered:
.L_overlay_start_0:
0x88: {  	s2 =	sld [smem:$0x3FD9]  }
0x89: {  	s3 =	sld [smem:$0x3FFE];
	_ =	sdelay $0x1  }
0x8a: {  	s1 =	srdreg.scid  }
0x8b: {  	s0 =	sand.u32 $0x1, s1  }
0x8c: {  	s14 =	sshll.u32 s0, $0xA;
	s2 =	sadd.s32 s3, s2  }
0x8d: {  	s2 =	sadd.s32 s2, s14  }
0x8e: {  	[smem:$0x3FC6] =	sst s2  }
0x8f: {  	_ = 	snop  }
0x90: {  	s2 =	sld [smem:$0x3FD0];
	_ =	sdelay $0x2  }
0x91: {  	s15 =	simm.s32 $0xA;
	s4 =	simm.s32 $0x10  }
0x92: {  	[smem:s4], [sflag:s15] =	dma.local [hbm:s2], $0x1  }
0x93: {  	_ =	swait.eq [sflag:s15], $0x1  }
0x94: {  	[sflag:s15] =	ssyncset.done $0x0  }
0x95: {  	[sflag:s15] =	ssyncadd.s32 $0xFFFFFFFF  }
0x96: {  	s16 =	sld [smem:$0x10];
	(tm) =	ssettm $0x1  }
0x97: {  	s17 =	sld [smem:$0x3FFB];
	_ =	sdelay $0x3  }
0x98: {  	_ =	strace s17  }
0x99: {  	s3 =	sld [smem:$0x3FFC];
	_ =	sdelay $0x3  }
0x9a: {  	_ =	strace s3  }
0x9b: {  	s3 =	sld [smem:$0x3FFD];
	_ =	sdelay $0x3  }
0x9c: {  	_ =	strace s3  }
0x9d: {  	_ =	strace $0x8FFFFFFF  }
0x9e: {  	s18 =	sld [smem:$0x3FDB];
	_ =	sdelay $0x1  }
0x9f: {  	s19 =	simm.s32 $_scs_section_size  }
0xa0: {  	s5 =	simm.s32 $_size__tile_overlayer_lowered;
	s6 =	simm.s32 $_tile_overlayer_lowered  }
0xa1: {  	s22 =	simm.s32 $0x1BFF;
	s21 =	sshll.u32 s6, $0x1;
	s3 =	sadd.s32 s19, s18  }
0xa2: {  	s7 =	simm.s32 $0x0;
	s20 =	sshll.u32 s5, $0x1;
	s5 =	sadd.s32 s21, s3  }
0xa3: {  	[timem:s7], [sflag:s22] =	dma.local [hbm:s5], s20  }
0xa4: {  	_ =	swait.ge [sflag:s22], s20  }
0xa5: {  	s4 =	ssub.s32 $0x0, s20;
	[sflag:s22] =	ssyncset.done $0x0  }
0xa6: {  	[sflag:s22] =	ssyncadd.s32 s4;
	_ =	sdelay $0x1  }
0xa7: {  	s23 =	simm.s32 $0x1B8B  }
0xa8: {  	_ =	swait.ge [sflag:s23], $0x1  }
0xa9: {  	[sflag:s23] =	ssyncset.done $0x0  }
0xaa: {  	s25 =	simm.s32 $0x1B8E;
	s24 =	sld [smem:$0x3FFE];
	[sflag:s23] =	ssyncadd.s32 $0xFFFFFFFF  }
0xab: {  	s26 =	simm.s32 $execute0_lowered;
	[smem:$0x3FD2] =	sst s25  }
0xac: {  	s5 =	sshll.u32 s26, $0x1;
	_ =	strace $0x80000049;
	[dreg:$0x1] =	wrdreg $0xFFFFFFFF  }
0xad: {  	s28 =	simm.s32 $_size_execute0_lowered;
	s3 =	sadd.s32 s3, s5;
	[dreg:$0x0] =	wrdreg $0x0  }
0xae: {  	s5 =	sshll.u32 s28, $0x1;
	[dreg:$0x2] =	wrdreg s3  }
0xaf: {  	[dreg:$0x3] =	wrdreg s5  }
0xb0: {  	[dreg:$0x4] =	wrdreg $0xC0  }
0xb1: {  	_ =	task [dreg:s7], $0x5FFFF  }
0xb2: {  	[dreg:$0x1] =	wrdreg $0xFFFFFFFF  }
0xb3: {  	[dreg:$0x0] =	wrdreg $0x60  }
0xb4: {  	[dreg:$0x2] =	wrdreg s16  }
0xb5: {  	[dreg:$0x3] =	wrdreg s24  }
0xb6: {  	[dreg:$0x4] =	wrdreg $0x0  }
0xb7: {  	[dreg:$0x5] =	wrdreg $0x9  }
0xb8: {  	_ =	task.clear_ibuf [dreg:s7], $0x6FFFF;
	_ =	strace $0x90000049  }
0xb9: {  	s29 =	simm.s32 $0x9;
	_ =	strace $0x8000004B  }
0xba: {  	_ =	swait.ge [sflag:s29], $0x1  }
0xbb: {  	[sflag:s29] =	ssyncadd.s32 $0xFFFFFFFF  }
0xbc: {  	_ =	strace $0x9000004B  }
0xbd: {  	_ =	sfence  }
0xbe: {  	s30 =	sld [smem:$0x0];
	_ =	sdelay $0x2  }
0xbf: {  	s31 =	sshll.u32 s1, $0xD;
	s1 =	sshrl.u32 s1, $0x2  }
0xc0: {  	s3 =	sand.u32 $0x4000, s31;
	s1 =	sadd.s32 s1, s30  }
0xc1: {  	s0 =	sor.u32 s3, s0;
	s1 =	sshll.u32 s1, $0x11  }
0xc2: {  	s0 =	sor.u32 s1, s0  }
0xc3: {  	s0 =	sadd.s32 $0x8F2B, s0  }
0xc4: {  	[sflag:s0] =	ssyncadd.remote.s32 $0x1  }
0xc5: {  	_ =	sfence.sel $0xFFFF  }
0xc6: {  	[dreg:$0x0] =	wrdreg $0xFFFFFFFF;
	(pc) =	sbr.abs _section_cstart, $3  }
0xc7: {  	[dreg:$0x1] =	wrdreg $0xFFFFFFFF  }
0xc8: {  	_ =	task.clear_ibuf [dreg:s7], $0x2FFFF;
	_ =	strace $0x9FFFFFFF  }
0xc9: {  	(tm) =	ssettm $0x7FFFFFFF  }
tec
execute0_lowered:
.L_overlay_start_1:
0x0: {  	(tag) =	ssettag $0x1  }
0x1: {  	s19 =	rddreg [dreg:$0x0]  }
0x2: {  	s0 =	rddreg [dreg:$0x1]  }
0x3: {  	s2 =	rddreg [dreg:$0x2];
	s3 =	simm.s32 $0x0;
	s1 =	srdreg.scid  }
0x4: {  	s6 =	stileid.u32;
	[smem:$0x7FF] =	sst s3;
	s5 =	sadd.s32 $0x4000, s0  }
0x5: {  	s22 =	sadd.s32 $0x68000, s0;
	s7 =	sadd.s32 $0xCC000, s0;
	s4 =	smul.u32 $0x64000, s6  }
0x6: {  	s8 =	sadd.s32 $0x130000, s0;
	s1 =	sand.u32 $0x1, s1;
	s9 =	sadd.s32 $0x194000, s0  }
0x7: {  	s10 =	sadd.s32 $0x1F8000, s0;
	s13 =	ssub.s32 $0x2, s1;
	s4 =	sshrl.u32 s4, $0x2  }
0x8: {  	_ =	strace $0x8000004A;
	s12 =	sshrl.u32 s13, $0x1;
	s4 =	sadd.s32 s4, s2  }
0x9: {  	s0 =	ssub.s32 s13, s12;
	s14 =	sadd.s32 $0x18000, s4;
	[dreg:$0x4] =	wrdreg s4  }
0xa: {  	s0 =	smax.u32 s0, $0x1;
	[dreg:$0x5] =	wrdreg s14  }
0xb: {  	s15 =	sadd.s32 $0x2000, s4;
	[dreg:$0x6] =	wrdreg s0  }
0xc: {  	s16 =	sadd.s32 $0x4000, s4;
	[dreg:$0x7] =	wrdreg s15  }
0xd: {  	s17 =	sadd.s32 $0x6000, s4;
	[dreg:$0x8] =	wrdreg s16  }
0xe: {  	s18 =	sadd.s32 $0x8000, s4;
	[dreg:$0x9] =	wrdreg s17  }
0xf: {  	s20 =	sadd.s32 $0xA000, s4;
	[dreg:$0xa] =	wrdreg s18  }
0x10: {  	s29 =	simm.s32 $0x1B300;
	s21 =	sadd.s32 $0xC000, s4;
	[dreg:$0xb] =	wrdreg s20  }
0x11: {  	s30 =	simm.s32 $0x3;
	s23 =	sadd.s32 $0xE000, s4;
	[dreg:$0xc] =	wrdreg s21  }
0x12: {  	s31 =	simm.s32 $0x1D300;
	s24 =	sadd.s32 $0x10000, s4;
	[dreg:$0xd] =	wrdreg s23  }
0x13: {  	s11 =	smul.u32 $0x640, s6;
	s25 =	sadd.s32 $0x12000, s4;
	[dreg:$0xe] =	wrdreg s24  }
0x14: {  	s6 =	smul.u32 $0x19000, s6;
	s26 =	sadd.s32 $0x14000, s4;
	[dreg:$0xf] =	wrdreg s25  }
0x15: {  	s13 =	smul.u32 $0x6400, s1;
	s28 =	sadd.s32 $0x16000, s4;
	[dreg:$0x10] =	wrdreg s26  }
0x16: {  	s12 =	simm.s32 $0x0;
	s4 =	simm.s32 $0x1AA80;
	[dreg:$0x11] =	wrdreg s28  }
0x17: {  	v1 =	vimm.f32 $0.0e+00;
	s15 =	simm.s32 $0x19200;
	s0 =	simm.s32 $0x1A200;
	s14 =	simm.s32 $0x80  }
0x18: {  	v2 =	vimm.s32 $0x0;
	v3 =	vlaneseq.u32;
	s16 =	simm.s32 $0x1;
	v0 =	vmov s13;
	s17 =	simm.s32 $0x2;
	s21 =	simm.s32 $0x1C300  }
.LBB2_1:
0x19: {  	[dreg:$0x12] =	wrdreg s12;
	s12 =	simm.s32 $0x100;
	s1 =	simm.s32 $0x0  }
.LBB2_2:
0x1a: {  	p0 =	sne.s32 s12, $0x7F00;
	[tilespmem:s1+$0x1B330] =	vst v1;
	s18 =	smov.u32 s12;
	s12 =	sadd.s32 $0x100, s12  }
.Ltmp0:
0x1b: {  	[tilespmem:s1+$0x1B320] =	vst v1;
	(pc) =	sbr.rel @p0 .LBB2_2-.Ltmp0, $3  }
0x1c: {  	[tilespmem:s1+$0x1B300] =	vst v1  }
0x1d: {  	[tilespmem:s1+$0x1B310] =	vst v1;
	_ =	sdelay $0x1  }
0x1e: {  	s1 =	sshra.s32 s18, $0x2  }
0x1f: {  	[tilespmem:s1+$0x1B330] =	vst v1  }
0x20: {  	[tilespmem:s1+$0x1B320] =	vst v1  }
0x21: {  	[tilespmem:s1+$0x1B300] =	vst v1  }
0x22: {  	[tilespmem:s1+$0x1B310] =	vst v1;
	s23 =	rddreg [dreg:$0x4]  }
0x23: {  	[spmem:s23] =	stream.linear.scatter [tilespmem:s29], [sflag:$0x3], $0x2000, $0x38;
	[tilespmem:$0x1F300] =	vst v63  }
0x24: {  	_ =	swait.ge [sflag:s30], $0x2000  }
0x25: {  	[sflag:s30] =	ssyncset.done $0x0  }
0x26: {  	s24 =	rddreg [dreg:$0x7];
	[sflag:s30] =	ssyncadd.s32 $0xFFFFE000  }
0x27: {  	[spmem:s24] =	stream.linear.scatter [tilespmem:s29], [sflag:$0x3], $0x2000, $0x38;
	[tilespmem:$0x1F300] =	vst v63  }
0x28: {  	_ =	swait.ge [sflag:s30], $0x2000  }
0x29: {  	[sflag:s30] =	ssyncset.done $0x0  }
0x2a: {  	s25 =	rddreg [dreg:$0x8];
	[sflag:s30] =	ssyncadd.s32 $0xFFFFE000  }
0x2b: {  	[spmem:s25] =	stream.linear.scatter [tilespmem:s29], [sflag:$0x3], $0x2000, $0x38;
	[tilespmem:$0x1F300] =	vst v63  }
0x2c: {  	_ =	swait.ge [sflag:s30], $0x2000  }
0x2d: {  	[sflag:s30] =	ssyncset.done $0x0  }
0x2e: {  	s26 =	rddreg [dreg:$0x9];
	[sflag:s30] =	ssyncadd.s32 $0xFFFFE000  }
0x2f: {  	[spmem:s26] =	stream.linear.scatter [tilespmem:s29], [sflag:$0x3], $0x2000, $0x38;
	[tilespmem:$0x1F300] =	vst v63  }
0x30: {  	_ =	swait.ge [sflag:s30], $0x2000  }
0x31: {  	[sflag:s30] =	ssyncset.done $0x0  }
0x32: {  	s28 =	rddreg [dreg:$0xa];
	[sflag:s30] =	ssyncadd.s32 $0xFFFFE000  }
0x33: {  	[spmem:s28] =	stream.linear.scatter [tilespmem:s29], [sflag:$0x3], $0x2000, $0x38;
	[tilespmem:$0x1F300] =	vst v63  }
0x34: {  	_ =	swait.ge [sflag:s30], $0x2000  }
0x35: {  	[sflag:s30] =	ssyncset.done $0x0  }
0x36: {  	s12 =	rddreg [dreg:$0xb];
	[sflag:s30] =	ssyncadd.s32 $0xFFFFE000  }
0x37: {  	[spmem:s12] =	stream.linear.scatter [tilespmem:s29], [sflag:$0x3], $0x2000, $0x38;
	[tilespmem:$0x1F300] =	vst v63  }
0x38: {  	_ =	swait.ge [sflag:s30], $0x2000  }
0x39: {  	[sflag:s30] =	ssyncset.done $0x0  }
0x3a: {  	s18 =	rddreg [dreg:$0xc];
	[sflag:s30] =	ssyncadd.s32 $0xFFFFE000  }
0x3b: {  	[spmem:s18] =	stream.linear.scatter [tilespmem:s29], [sflag:$0x3], $0x2000, $0x38;
	[tilespmem:$0x1F300] =	vst v63  }
0x3c: {  	_ =	swait.ge [sflag:s30], $0x2000  }
0x3d: {  	[sflag:s30] =	ssyncset.done $0x0  }
0x3e: {  	s20 =	rddreg [dreg:$0xd];
	[sflag:s30] =	ssyncadd.s32 $0xFFFFE000  }
0x3f: {  	[spmem:s20] =	stream.linear.scatter [tilespmem:s29], [sflag:$0x3], $0x2000, $0x38;
	[tilespmem:$0x1F300] =	vst v63  }
0x40: {  	_ =	swait.ge [sflag:s30], $0x2000  }
0x41: {  	[sflag:s30] =	ssyncset.done $0x0  }
0x42: {  	s23 =	rddreg [dreg:$0xe];
	[sflag:s30] =	ssyncadd.s32 $0xFFFFE000  }
0x43: {  	[spmem:s23] =	stream.linear.scatter [tilespmem:s29], [sflag:$0x3], $0x2000, $0x38;
	[tilespmem:$0x1F300] =	vst v63  }
0x44: {  	_ =	swait.ge [sflag:s30], $0x2000  }
0x45: {  	[sflag:s30] =	ssyncset.done $0x0  }
0x46: {  	s24 =	rddreg [dreg:$0xf];
	[sflag:s30] =	ssyncadd.s32 $0xFFFFE000  }
0x47: {  	[spmem:s24] =	stream.linear.scatter [tilespmem:s29], [sflag:$0x3], $0x2000, $0x38;
	[tilespmem:$0x1F300] =	vst v63  }
0x48: {  	_ =	swait.ge [sflag:s30], $0x2000  }
0x49: {  	[sflag:s30] =	ssyncset.done $0x0  }
0x4a: {  	s25 =	rddreg [dreg:$0x10];
	[sflag:s30] =	ssyncadd.s32 $0xFFFFE000  }
0x4b: {  	[spmem:s25] =	stream.linear.scatter [tilespmem:s29], [sflag:$0x3], $0x2000, $0x38;
	[tilespmem:$0x1F300] =	vst v63  }
0x4c: {  	_ =	swait.ge [sflag:s30], $0x2000  }
0x4d: {  	[sflag:s30] =	ssyncset.done $0x0  }
0x4e: {  	s26 =	rddreg [dreg:$0x11];
	[sflag:s30] =	ssyncadd.s32 $0xFFFFE000  }
0x4f: {  	[spmem:s26] =	stream.linear.scatter [tilespmem:s29], [sflag:$0x3], $0x2000, $0x38;
	[tilespmem:$0x1F300] =	vst v63  }
0x50: {  	_ =	swait.ge [sflag:s30], $0x2000  }
0x51: {  	[sflag:s30] =	ssyncset.done $0x0  }
0x52: {  	s28 =	rddreg [dreg:$0x5];
	[sflag:s30] =	ssyncadd.s32 $0xFFFFE000  }
0x53: {  	[spmem:s28] =	stream.linear.scatter [tilespmem:s29], [sflag:$0x3], $0x1000, $0x38;
	[tilespmem:$0x1F300] =	vst v63  }
.Ltmp1:
0x54: {  	_ =	swait.ge [sflag:s30], $0x1000;
	(pc) =	sbr.rel .LBB2_4-.Ltmp1, $4  }
0x55: {  	[sflag:s30] =	ssyncset.done $0x0  }
0x56: {  	[sflag:s30] =	ssyncadd.s32 $0xFFFFF000  }
0x57: {  	[bflag:$0x0] =	sbarrier.arrive $0xFFFF  }
0x58: {  	s23 =	simm.s32 $0x0;
	s24 =	simm.s32 $0x0  }
.LBB2_12:
0x59: {  	[tilespmem:s20], [sflag:$0x1] =	stream.indirect.gather @!p0 [hbm4b:s5+s31], $0x40, s28, s31, $0xb8;
	[tilespmem:$0x1F300] =	vst v63  }
0x5a: {  	s19 =	smov.u32 s6;
	s22 =	smov.u32 s7;
	s7 =	smov.u32 s8  }
0x5b: {  	s8 =	smov.u32 s9;
	s9 =	smov.u32 s10;
	s10 =	smov.u32 s11  }
0x5c: {  	s11 =	smov.u32 s13;
	s13 =	smov.u32 s15;
	s6 =	smov.u32 s21  }
0x5d: {  	s15 =	simm.s32 $0x19200;
	s31 =	simm.s32 $0x1D300;
	s21 =	simm.s32 $0x1C300  }
.LBB2_13:
0x5e: {  	_ =	swait.ge [sflag:s17], $0x2000  }
0x5f: {  	[sflag:s17] =	ssyncset.done $0x0  }
0x60: {  	[sflag:s17] =	ssyncadd.s32 $0xFFFFE000  }
.LBB2_14:
0x61: {  	s24 =	sadd.s32 $0x1, s24  }
0x62: {  	p0 =	sne.s32 s24, $0x19  }
.Ltmp2:
0x63: {  	_ = 	snop;
	(pc) =	sbr.rel @!p0 .LBB2_15-.Ltmp2, $1  }
0x64: {  	_ =	sdelay $0x3  }
.LBB2_4:
0x65: {  	s1 =	sshll.u32 s24, $0xC  }
0x66: {  	s1 =	sadd.s32 s6, s1  }
0x67: {  	s1 =	sshrl.u32 s1, $0x3  }
0x68: {  	s1 =	sadd.s32 s19, s1  }
0x69: {  	[tilespmem:s15], [sflag:$0x3] =	stream.linear.gather [hbm4b:s1+s23], $0x1000, $0x38;
	[tilespmem:$0x1F300] =	vst v63  }
0x6a: {  	s26 =	sand.u32 $0x70, s23;
	s12 =	sand.u32 $0xF00, s23;
	_ =	swait.ge [sflag:s30], $0x1000  }
0x6b: {  	s1 =	sor.u32 s26, s12;
	[sflag:s30] =	ssyncset.done $0x0  }
0x6c: {  	s12 =	sadd.s32 $0x19200, s1;
	[sflag:s30] =	ssyncadd.s32 $0xFFFFF000  }
0x6d: {  	v4 =	vld [tilespmem:s12+$0x80];
	_ =	sdelay $0x4  }
0x6e: {  	v4 =	vsub.s32 v4, v0  }
0x6f: {  	vm0 =	vlt.u32 v4, $0x6400  }
0x70: {  	v5 =	vsel vm0, $0x1, v2;
	v6 =	vmpcnt.ones.xlane vm0  }
0x71: {  	(xrf0) =	vadd.scan.msk.s32 $0xffff, v5  }
0x72: {  	(v2sf) =	vpush v6, $0x0;
	_ =	sdelay $0x4  }
0x73: {  	v7, _, _ =	vpop (xrf0)  }
0x74: {  	v5 =	vsub.s32 v7, v5  }
0x75: {  	s28 =	simm.s32 $0x20;
	v6 =	vld [tilespmem:s1+$0x19200];
	v5 =	vadd.s32 s23, v5  }
0x76: {  	s25 =	simm.s32 $0x0;
	s26 =	simm.s32 $0x10;
	s12 =	simm.s32 $0x0  }
.LBB2_5:
0x77: {  	p0 =	sne.s32 s28, $0x7F0  }
0x78: {  	s12 =	sadd.s32 $0x20, s12  }
0x79: {  	s1 =	sand.u32 $0x70, s26;
	s26 =	smov.u32 s28;
	s18 =	sand.u32 $0xF00, s12  }
0x7a: {  	s1 =	sor.u32 s1, s18;
	[tilespmem:v5+s0+$0x0] =	vst.idx.msk vm0, v6  }
0x7b: {  	s18 =	sadd.s32 $0x19200, s1;
	[tilespmem:v5+s4+$0x0] =	vst.idx.msk vm0, v4  }
0x7c: {  	v4 =	vld [tilespmem:s18+$0x80]  }
0x7d: {  	s18 =	spop (v2sf)  }
0x7e: {  	s25 =	sadd.s32 s25, s18;
	_ =	sdelay $0x2  }
0x7f: {  	v4 =	vsub.s32 v4, v0  }
0x80: {  	vm0 =	vlt.u32 v4, $0x6400  }
0x81: {  	v5 =	vsel vm0, $0x1, v2;
	v6 =	vmpcnt.ones.xlane vm0  }
0x82: {  	(xrf0) =	vadd.scan.msk.s32 $0xffff, v5  }
0x83: {  	(v2sf) =	vpush v6, $0x0;
	_ =	sdelay $0x3  }
.Ltmp3:
0x84: {  	(pc) =	sbr.rel @p0 .LBB2_5-.Ltmp3, $4  }
0x85: {  	v6, _, _ =	vpop (xrf0)  }
0x86: {  	v5 =	vsub.s32 v6, v5  }
0x87: {  	v6 =	vld [tilespmem:s1+$0x19200];
	v5 =	vadd.s32 s25, v5  }
0x88: {  	s28 =	sadd.s32 $0x10, s28  }
0x89: {  	_ =	sdelay $0x2  }
0x8a: {  	s1 =	sadd.s32 $0x20, s12  }
0x8b: {  	s20 =	sand.u32 $0x70, s26;
	s1 =	sand.u32 $0xF00, s1  }
0x8c: {  	s1 =	sor.u32 s20, s1;
	[tilespmem:v5+s0+$0x0] =	vst.idx.msk vm0, v6  }
0x8d: {  	s12 =	sadd.s32 $0x19200, s1;
	[tilespmem:v5+s4+$0x0] =	vst.idx.msk vm0, v4  }
0x8e: {  	v4 =	vld [tilespmem:s12+$0x80];
	_ =	sdelay $0x4  }
0x8f: {  	v6 =	vsub.s32 v4, v0  }
0x90: {  	vm1 =	vlt.u32 v6, $0x6400  }
0x91: {  	v4 =	vmpcnt.ones.xlane vm1;
	_ =	sdelay $0x1  }
0x92: {  	(v2sf) =	vpush v4, $0x0;
	_ =	sdelay $0x5  }
0x93: {  	v4 =	vsel vm1, $0x1, v2  }
0x94: {  	(xrf0) =	vadd.scan.msk.s32 $0xffff, v4;
	_ =	sdelay $0x5  }
0x95: {  	s26 =	spop (v2sf);
	v5, _, _ =	vpop (xrf0)  }
0x96: {  	s12 =	sadd.s32 s25, s26;
	v4 =	vsub.s32 v5, v4  }
0x97: {  	v7 =	vld [tilespmem:s1+$0x19200];
	v8 =	vadd.s32 s12, v4;
	s28 =	spop (v2sf)  }
0x98: {  	s12 =	sadd.s32 s12, s28  }
0x99: {  	s1 =	sadd.s32 $0x7F, s12  }
0x9a: {  	s20 =	sadd.s32 $0x0, s12;
	s18 =	sand.u32 $0xFFFFFF80, s1  }
0x9b: {  	v4 =	vadd.s32 s20, v3;
	v5 =	vmov s18  }
0x9c: {  	[tilespmem:v8+s0+$0x0] =	vst.idx.msk vm1, v7;
	vm0 =	vlt.s32 v4, v5  }
0x9d: {  	[tilespmem:v8+s4+$0x0] =	vst.idx.msk vm1, v6;
	s18 =	simm.s32 $0x10;
	vm1 =	vmmov vm0  }
.LBB2_7:
0x9e: {  	p0 =	sne.s32 s18, $0x70  }
.Ltmp4:
0x9f: {  	_ = 	snop;
	(pc) =	sbr.rel @p0 .LBB2_7-.Ltmp4, $4  }
0xa0: {  	s20 =	sadd.s32 s18, s12;
	v6 =	vand.u32 $0x3FF, v4  }
0xa1: {  	v8 =	vand.u32 $0x7F, v4;
	v7 =	vadd.s32 s20, v3;
	v6 =	vadd.s32 $0xC350, v6  }
0xa2: {  	[tilespmem:v4+s0+$0x0] =	vst.idx.msk vm0, v6;
	vm0 =	vlt.s32 v7, v5;
	v6 =	vor.u32 $0x6400, v8  }
0xa3: {  	s18 =	sadd.s32 $0x10, s18;
	[tilespmem:v4+s4+$0x0] =	vst.idx.msk vm1, v6;
	v4 =	vmov v7;
	vm1 =	vmmov vm0  }
0xa4: {  	s25 =	sshra.s32 s1, $0x7  }
0xa5: {  	p0 =	slt.s32 s25, $0x1  }
.Ltmp5:
0xa6: {  	_ = 	snop;
	(pc) =	sbr.rel @p0 .LBB2_14-.Ltmp5, $4  }
0xa7: {  	v5 =	vand.u32 $0x3FF, v4  }
0xa8: {  	v6 =	vand.u32 $0x7F, v4;
	v5 =	vadd.s32 $0xC350, v5  }
0xa9: {  	[tilespmem:v4+s0+$0x0] =	vst.idx.msk vm0, v5;
	v5 =	vor.u32 $0x6400, v6  }
0xaa: {  	[tilespmem:v4+s4+$0x0] =	vst.idx.msk vm1, v5  }
0xab: {  	[tilespmem:s29], [sflag:$0x1] =	stream.indirect.gather [hbm4b:s5+s14], $0x40, s0, s14, $0xb8;
	[tilespmem:$0x1F300] =	vst v63  }
0xac: {  	p0 =	seq.s32 s25, $0x1  }
.Ltmp6:
0xad: {  	_ = 	snop;
	(pc) =	sbr.rel @p0 .LBB2_13-.Ltmp6, $4  }
0xae: {  	_ =	swait.ge [sflag:s16], $0x2000  }
0xaf: {  	[sflag:s16] =	ssyncset.done $0x0  }
0xb0: {  	[sflag:s16] =	ssyncadd.s32 $0xFFFFE000  }
0xb1: {  	[spmem:s2] =	stream.indirect.scatter.add.f32 [tilespmem:s29], [sflag:$0x2], $0x40, s4, s14, $0xb8;
	[tilespmem:$0x1F300] =	vst v63  }
0xb2: {  	s21 =	smov.u32 s6;
	s15 =	smov.u32 s13;
	s13 =	smov.u32 s11  }
0xb3: {  	s11 =	smov.u32 s10;
	s10 =	smov.u32 s9;
	s9 =	smov.u32 s8  }
0xb4: {  	s8 =	smov.u32 s7;
	s7 =	smov.u32 s22;
	s6 =	smov.u32 s19  }
0xb5: {  	s1 =	simm.s32 $0x80;
	s12 =	simm.s32 $0x1A280;
	s26 =	sadd.s32 $0xFFFFFFFF, s25  }
0xb6: {  	[tilespmem:s31], [sflag:$0x1] =	stream.indirect.gather [hbm4b:s5+s1], $0x40, s12, s1, $0xb8;
	[tilespmem:$0x1F300] =	vst v63  }
0xb7: {  	s28 =	simm.s32 $0x1A300;
	s20 =	simm.s32 $0x1AB00;
	_ =	swait.ge [sflag:s16], $0x2000  }
0xb8: {  	s18 =	simm.s32 $0x100;
	p0 =	sle.s32 s25, $0x2;
	[sflag:s16] =	ssyncset.done $0x0  }
0xb9: {  	s12 =	simm.s32 $0x1;
	p1 =	sne.s32 s26, $0x1;
	[sflag:s16] =	ssyncadd.s32 $0xFFFFE000  }
.Ltmp7:
0xba: {  	s1 =	sand.u32 $0x80, s1;
	_ =	swait.ge [sflag:s17], $0x2000;
	(pc) =	sbr.rel @!p1 .LBB2_12-.Ltmp7, $4  }
0xbb: {  	s31 =	simm.s32 @!p0 $0x80;
	s19 =	sshll.u32 s1, $0x6;
	[sflag:s17] =	ssyncset.done $0x0  }
0xbc: {  	s1 =	sshll.u32 @!p0 s1, $0x6;
	s22 =	sadd.s32 $0x1B300, s19;
	[sflag:s17] =	ssyncadd.s32 $0xFFFFE000  }
0xbd: {  	[spmem:s2] =	stream.indirect.scatter.add.f32 [tilespmem:s22], [sflag:$0x2], $0x40, s20, s14, $0xb8;
	[tilespmem:$0x1F300] =	vst v63  }
0xbe: {  	s20 =	ssub.s32 @!p0 $0x1D300, s1;
	s22 =	simm.s32 $0x1A380;
	s1 =	simm.s32 $0x1AB80  }
.LBB2_11:
0xbf: {  	[tilespmem:s20], [sflag:$0x1] =	stream.indirect.gather @!p0 [hbm4b:s5+s31], $0x40, s28, s31, $0xb8;
	[tilespmem:$0x1F300] =	vst v63  }
0xc0: {  	s20 =	smov.u32 s12;
	s31 =	smov.u32 s18;
	s28 =	smov.u32 s22  }
0xc1: {  	s12 =	sadd.s32 $0x1, s12;
	_ =	swait.ge [sflag:s16], $0x2000  }
0xc2: {  	s18 =	sadd.s32 $0x80, s18;
	p1 =	sne.s32 s26, s12;
	[sflag:s16] =	ssyncset.done $0x0  }
0xc3: {  	s31 =	sand.u32 $0x80, s31;
	s20 =	sadd.s32 $0x2, s20;
	[sflag:s16] =	ssyncadd.s32 $0xFFFFE000  }
.Ltmp8:
0xc4: {  	s19 =	sshll.u32 s31, $0x6;
	_ =	swait.ge [sflag:s17], $0x2000;
	(pc) =	sbr.rel @p1 .LBB2_11-.Ltmp8, $4  }
0xc5: {  	p0 =	sge.s32 s20, s25;
	s19 =	sadd.s32 $0x1B300, s19;
	[sflag:s17] =	ssyncset.done $0x0  }
0xc6: {  	s20 =	sshll.u32 @!p0 s31, $0x6;
	s31 =	simm.s32 @!p0 $0x80;
	[sflag:s17] =	ssyncadd.s32 $0xFFFFE000  }
0xc7: {  	[spmem:s2] =	stream.indirect.scatter.add.f32 [tilespmem:s19], [sflag:$0x2], $0x40, s1, s14, $0xb8;
	[tilespmem:$0x1F300] =	vst v63  }
0xc8: {  	s22 =	sadd.s32 $0x80, s22;
	s20 =	ssub.s32 @!p0 $0x1D300, s20;
	s1 =	sadd.s32 $0x80, s1  }
.Ltmp9:
0xc9: {  	_ = 	snop;
	(pc) =	sbr.rel .LBB2_12-.Ltmp9, $1  }
0xca: {  	_ =	sdelay $0x3  }
.LBB2_15:
0xcb: {  	[bflag:$0x0] =	sbarrier.arrive $0xFFFF;
	s23 =	simm.s32 $0x0  }
.LBB2_16:
0xcc: {  	s1 =	sshll.u32 s23, $0x6  }
0xcd: {  	s1 =	sadd.s32 s11, s1  }
0xce: {  	s12 =	sshll.u32 s1, $0x6  }
0xcf: {  	s12 =	sand.u32 $0x3FFFFFC0, s12  }
0xd0: {  	s12 =	sadd.s32 s12, s2  }
0xd1: {  	[tilespmem:s29], [sflag:$0x3] =	stream.linear.gather [spmem:s12], $0x1000, $0x38;
	[tilespmem:$0x1F300] =	vst v63  }
0xd2: {  	s1 =	sadd.s32 s13, s1;
	_ =	swait.ge [sflag:s30], $0x1000  }
0xd3: {  	s24 =	sshll.u32 s1, $0x3;
	[sflag:s30] =	ssyncset.done $0x0  }
0xd4: {  	s1 =	sadd.s32 s22, s24;
	[sflag:s30] =	ssyncadd.s32 $0xFFFFF000  }
0xd5: {  	[tilespmem:s21], [sflag:$0x3] =	stream.linear.gather [hbm4b:s1+s3], $0x1000, $0x38;
	[tilespmem:$0x1F300] =	vst v63  }
0xd6: {  	_ =	swait.ge [sflag:s30], $0x1000  }
0xd7: {  	[sflag:s30] =	ssyncset.done $0x0  }
0xd8: {  	s26 =	sadd.s32 s7, s24;
	[sflag:s30] =	ssyncadd.s32 $0xFFFFF000  }
0xd9: {  	[tilespmem:s31], [sflag:$0x3] =	stream.linear.gather [hbm4b:s26+s3], $0x1000, $0x38;
	[tilespmem:$0x1F300] =	vst v63  }
0xda: {  	_ =	swait.ge [sflag:s30], $0x1000  }
0xdb: {  	[sflag:s30] =	ssyncset.done $0x0  }
0xdc: {  	s28 =	sadd.s32 s8, s24;
	s12 =	simm.s32 $0x1E300;
	[sflag:s30] =	ssyncadd.s32 $0xFFFFF000  }
0xdd: {  	[tilespmem:s12], [sflag:$0x3] =	stream.linear.gather [hbm4b:s28+s3], $0x1000, $0x38;
	[tilespmem:$0x1F300] =	vst v63  }
0xde: {  	_ =	swait.ge [sflag:s30], $0x1000  }
0xdf: {  	[sflag:s30] =	ssyncset.done $0x0  }
0xe0: {  	s25 =	simm.s32 $0x1020;
	[sflag:s30] =	ssyncadd.s32 $0xFFFFF000  }
0xe1: {  	v7 =	vld [tilespmem:s25+$0x1C310]  }
0xe2: {  	v5 =	vld [tilespmem:s25+$0x1C2F0]  }
0xe3: {  	v4 =	vld [tilespmem:s25+$0x1C2E0]  }
0xe4: {  	v9 =	vld [tilespmem:s25+$0x1C300]  }
0xe5: {  	v6 =	vld [tilespmem:s25+$0x1D310]  }
0xe6: {  	v14 =	vld [tilespmem:s25+$0x1B310]  }
0xe7: {  	v15 =	vld [tilespmem:s25+$0x1A310]  }
0xe8: {  	v8 =	vld [tilespmem:s25+$0x1A300]  }
0xe9: {  	v16 =	vld [tilespmem:s25+$0x1B2F0]  }
0xea: {  	v13 =	vld [tilespmem:s25+$0x1A2F0]  }
0xeb: {  	v12 =	vld [tilespmem:s25+$0x1B2E0]  }
0xec: {  	v10 =	vld [tilespmem:s25+$0x1A2E0];
	v17 =	vmul.f32 v7, v15  }
0xed: {  	v11 =	vld [tilespmem:s25+$0x1B300];
	v15 =	vmul.f32 v14, v15;
	v18 =	vmul.f32 v9, v8  }
0xee: {  	v7 =	vld [tilespmem:s25+$0x1D300];
	[tilespmem:s25+$0x1A310] =	vst v17  }
0xef: {  	s26 =	simm.s32 $0x4180;
	v9 =	vld [tilespmem:s25+$0x1D2F0];
	v14 =	vmul.f32 v16, v13;
	[tilespmem:s25+$0x1A300] =	vst v18;
	v15 =	vmul.f32 $2.500000000e-01, v15  }
.LBB2_17:
0xf0: {  	s1 =	sshra.s32 s26, $0x2;
	p0 =	sne.s32 s26, $0x7F80;
	s26 =	sadd.s32 $0x100, s26;
	v16 =	vld [tilespmem:s25+$0x1D2E0];
	v13 =	vmul.f32 v5, v13  }
0xf1: {  	v17 =	vld [tilespmem:s1+$0x1C310];
	v12 =	vmul.f32 v12, v10;
	v10 =	vmul.f32 v4, v10;
	v6 =	vadd.f32 v15, v6  }
0xf2: {  	v14 =	vmul.f32 $2.500000000e-01, v14;
	v5 =	vld [tilespmem:s1+$0x1C2F0];
	[tilespmem:s25+$0x1A2F0] =	vst v13;
	v8 =	vmul.f32 v11, v8  }
0xf3: {  	v4 =	vld [tilespmem:s1+$0x1C2E0];
	v11 =	vmul.f32 $2.500000000e-01, v12;
	[tilespmem:s25+$0x1D310] =	vst v6  }
0xf4: {  	v15 =	vld [tilespmem:s1+$0x1C300];
	[tilespmem:s25+$0x1A2E0] =	vst v10;
	v9 =	vadd.f32 v14, v9;
	v8 =	vmul.f32 $2.500000000e-01, v8  }
0xf5: {  	v6 =	vld [tilespmem:s1+$0x1D310];
	v10 =	vadd.f32 v11, v16  }
0xf6: {  	v11 =	vld [tilespmem:s1+$0x1B310];
	[tilespmem:s25+$0x1D2F0] =	vst v9;
	v7 =	vadd.f32 v8, v7  }
0xf7: {  	v9 =	vld [tilespmem:s1+$0x1A310];
	[tilespmem:s25+$0x1D2E0] =	vst v10  }
0xf8: {  	v8 =	vld [tilespmem:s1+$0x1A300];
	[tilespmem:s25+$0x1D300] =	vst v7;
	s25 =	smov.u32 s1  }
0xf9: {  	v14 =	vld [tilespmem:s25+$0x1B2F0]  }
0xfa: {  	v13 =	vld [tilespmem:s25+$0x1A2F0]  }
.Ltmp10:
0xfb: {  	v12 =	vld [tilespmem:s25+$0x1B2E0];
	(pc) =	sbr.rel @p0 .LBB2_17-.Ltmp10, $4  }
0xfc: {  	v10 =	vld [tilespmem:s25+$0x1A2E0];
	v16 =	vmul.f32 v11, v9;
	v9 =	vmul.f32 v17, v9  }
0xfd: {  	v11 =	vld [tilespmem:s25+$0x1B300];
	v15 =	vmul.f32 v15, v8  }
0xfe: {  	v7 =	vld [tilespmem:s25+$0x1D300];
	[tilespmem:s25+$0x1A310] =	vst v9  }
0xff: {  	v9 =	vld [tilespmem:s25+$0x1D2F0];
	v14 =	vmul.f32 v14, v13;
	[tilespmem:s25+$0x1A300] =	vst v15;
	v15 =	vmul.f32 $2.500000000e-01, v16  }
0x100: {  	v16 =	vld [tilespmem:s25+$0x1D2E0]  }
0x101: {  	v5 =	vmul.f32 v5, v13;
	v12 =	vmul.f32 v12, v10  }
0x102: {  	v6 =	vadd.f32 v15, v6;
	v62 =	vmul.f32 $2.500000000e-01, v14;
	v8 =	vmul.f32 v11, v8  }
0x103: {  	v4 =	vmul.f32 v4, v10;
	[tilespmem:s25+$0x1A2F0] =	vst v5;
	v5 =	vmul.f32 $2.500000000e-01, v12  }
0x104: {  	[tilespmem:s25+$0x1D310] =	vst v6;
	v63 =	vadd.f32 v62, v9;
	v8 =	vmul.f32 $2.500000000e-01, v8  }
0x105: {  	[tilespmem:s25+$0x1A2E0] =	vst v4;
	v4 =	vadd.f32 v5, v16  }
0x106: {  	[tilespmem:s25+$0x1D2F0] =	vst v63;
	v5 =	vadd.f32 v8, v7  }
0x107: {  	[tilespmem:s25+$0x1D2E0] =	vst v4  }
0x108: {  	s1 =	sadd.s32 s10, s24;
	[tilespmem:s25+$0x1D300] =	vst v5  }
0x109: {  	[hbm4b:s1+s3] =	stream.linear.scatter [tilespmem:s12], [sflag:$0x3], $0x1000, $0x38;
	[tilespmem:$0x1F300] =	vst v63  }
0x10a: {  	s23 =	sadd.s32 $0x1, s23;
	_ =	swait.ge [sflag:s30], $0x1000  }
0x10b: {  	p0 =	sne.s32 s23, $0x19;
	[sflag:s30] =	ssyncset.done $0x0  }
.Ltmp11:
0x10c: {  	s28 =	sadd.s32 s9, s24;
	[sflag:s30] =	ssyncadd.s32 $0xFFFFF000;
	(pc) =	sbr.rel @p0 .LBB2_16-.Ltmp11, $4  }
0x10d: {  	[hbm4b:s28+s3] =	stream.linear.scatter [tilespmem:s29], [sflag:$0x3], $0x1000, $0x38;
	[tilespmem:$0x1F300] =	vst v63  }
0x10e: {  	_ =	swait.ge [sflag:s30], $0x1000  }
0x10f: {  	[sflag:s30] =	ssyncset.done $0x0  }
0x110: {  	[sflag:s30] =	ssyncadd.s32 $0xFFFFF000  }
0x111: {  	s12 =	rddreg [dreg:$0x12]  }
0x112: {  	s1 =	rddreg [dreg:$0x6];
	s12 =	sadd.s32 $0x1, s12  }
0x113: {  	p0 =	sne.s32 s12, s1  }
.Ltmp12:
0x114: {  	_ = 	snop;
	(pc) =	sbr.rel @p0 .LBB2_1-.Ltmp12, $1  }
0x115: {  	_ =	sdelay $0x3  }
0x116: {  	_ =	sfence.sel $0x180000  }
0x117: {  	[bflag:$0x0] =	sbarrier.arrive $0xFFFF  }
0x118: {  	_ =	strace $0x9000004A  }
0x119: {  	s0 =	stileid.u32;
	[bflag:$0x2] =	sbarrier.arrive $0xFFFF  }
0x11a: {  	p0 =	sne.s32 s0, $0x0;
	s0 =	rddreg [dreg:$0x3]  }
0x11b: {  	s0 =	sadd.s32 @!p0 $0x100000, s0  }
0x11c: {  	[sflag:s0] =	ssyncadd.tile.s32 @!p0 $0x1;
	_ =	shalt  }
.Lfunc_end2:
_tile_overlayer_lowered:
.L_overlay_start_2:
0x11d: {  	(tag) =	ssettag $0x2  }
0x11e: {  	s0 =	rddreg [dreg:$0x0];
	s2 =	stileid.u32  }
0x11f: {  	s1 =	rddreg [dreg:$0x1];
	p0 =	sne.s32 s2, $0x0  }
0x120: {  	s3 =	rddreg [dreg:$0x2];
	[bflag:$0x3] =	sbarrier.arrive $0xFFFF;
	s2 =	simm.s32 @!p0 $0x1C03  }
0x121: {  	[timem:s3], [sflag:s2] =	dma.local @!p0 [hbm:s0], s1  }
0x122: {  	s0 =	simm.s32 @!p0 $0x3  }
0x123: {  	_ =	swait.ge @!p0 [sflag:s0], s1  }
0x124: {  	s1 =	ssub.s32 @!p0 $0x0, s1;
	[sflag:s0] =	ssyncset.done @!p0 $0x0  }
0x125: {  	[sflag:s0] =	ssyncadd.s32 @!p0 s1  }
0x126: {  	[bflag:$0x3] =	sbarrier.arrive $0xFFFF  }
0x127: {  	_ =	shalt  }

// kernel: kernel.13.cloned.1.call-start
scs
__scs_entry_jumppad:
0x0: {  	(pc) =	sbr.rel $0x88, $3  }
0x1: {  	(tag) =	ssettag $0x0;
	lr =	simm.s32 $0x1  }
0x2: {  	[smem:$0x3F9F] =	sst lr;
	_ =	strace $0xD0000000  }
0x3: {  	_ = 	snop  }
0x4: {  	_ = 	snop  }
0x5: {  	_ = 	snop  }
0x6: {  	_ = 	snop  }
0x7: {  	_ = 	snop  }
__scs_overlays_trampoline_lowered:
0x8: {  	[smem:$0x3FAE] =	sst s0  }
0x9: {  	[smem:$0x3FAF] =	sst s1  }
0xa: {  	[smem:$0x3FB0] =	sst s2  }
0xb: {  	[smem:$0x3FB1] =	sst s3  }
0xc: {  	[smem:$0x3FB2] =	sst s4  }
0xd: {  	[smem:$0x3FB3] =	sst s5  }
0xe: {  	[smem:$0x3FB4] =	sst s6  }
0xf: {  	[smem:$0x3FB5] =	sst s7  }
0x10: {  	[smem:$0x3FB6] =	sst s8  }
0x11: {  	[smem:$0x3FB7] =	sst s9;
	s0 =	simm.s32 @!p0 $0x0  }
0x12: {  	s1 =	sld [smem:$0x3F9D];
	s0 =	simm.s32 @p0 $0x1  }
0x13: {  	[smem:$0x3FB8] =	sst s0;
	s0 =	simm.s32 @!p1 $0x0  }
0x14: {  	s2 =	sld [smem:$0x3F9C];
	s0 =	simm.s32 @p1 $0x1  }
0x15: {  	[smem:$0x3FB9] =	sst s0;
	s0 =	simm.s32 @!p2 $0x0  }
0x16: {  	s3 =	sld [smem:$0x3FDB];
	s0 =	simm.s32 @p2 $0x1  }
0x17: {  	s4 =	simm.s32 $0x1BF5;
	[smem:$0x3FBB] =	sst s0  }
0x18: {  	s0 =	sld [smem:$0x3F9E];
	_ =	swait.ge [sflag:s4], $0x0  }
0x19: {  	s7 =	sld [smem:$0x3F9F]  }
0x1a: {  	s8 =	sadd.s32 $0xFFFFE003, lr  }
0x1b: {  	s9 =	sadd.s32 $0xFFFFFEF7, lr;
	s5 =	simm.s32 $0xFFFFFFFF;
	p2 =	slt.u32 s8, $0xFFFFF086  }
0x1c: {  	p1 =	slt.u32 s9, $0xF7A;
	s5 =	simm.s32 @!p2 $0x0  }
0x1d: {  	s5 =	simm.s32 @p1 $0x1;
	p0 =	seq.s32 s7, s2  }
0x1e: {  	s7 =	smul.u32 @!p0 $0xF7A, s2;
	p2 =	seq.s32 @!p0 s5, $0x0  }
0x1f: {  	s9 =	smul.u32 $0xF7A, s1;
	s8 =	simm.s32 @!p0 $0x1BF5;
	p2 =	por !p2, p0  }
0x20: {  	[sflag:s8] =	ssyncset.s32 @!p0 $0xFFFFF086;
	s6 =	sadd.s32 @!p0 s3, s7;
	s7 =	simm.s32 @!p0 $0x108  }
0x21: {  	s3 =	sadd.s32 s3, s9;
	s6 =	sadd.s32 @!p0 $0x88, s6;
	s7 =	simm.s32 @p2 $0x1082  }
0x22: {  	[simem:s7], [sflag:s8] =	dma.local @!p0 [hbm:s6], $0xF7A  }
0x23: {  	s9 =	sor.u32 $0xD0000000, s2;
	s6 =	simm.s32 $0x108;
	_ =	swait.ge @!p0 [sflag:s8], $0x0  }
0x24: {  	s3 =	sadd.s32 $0x88, s3;
	s6 =	simm.s32 @!p1 $0x1082;
	[sflag:s4] =	ssyncset.s32 $0xFFFFF086  }
0x25: {  	[simem:s6], [sflag:s4] =	dma.local [hbm:s3], $0xF7A  }
0x26: {  	[smem:$0x3F9F] =	sst s1;
	(tag) =	ssettag s2;
	_ =	strace s9  }
0x27: {  	s1 =	sld [smem:$0x3FAF]  }
0x28: {  	s2 =	sld [smem:$0x3FB0]  }
0x29: {  	s4 =	sld [smem:$0x3FB2]  }
0x2a: {  	p0 =	seq.s32 s5, $0x0;
	s5 =	sld [smem:$0x3FB3]  }
0x2b: {  	s6 =	sld [smem:$0x3FB4]  }
0x2c: {  	s7 =	sld [smem:$0x3FB5]  }
0x2d: {  	s3 =	simm.s32 $0x108;
	s8 =	sld [smem:$0x3FB6]  }
0x2e: {  	s3 =	simm.s32 @!p0 $0x1082;
	s9 =	sld [smem:$0x3FB7]  }
0x2f: {  	lr =	sadd.s32 s0, s3;
	s0 =	sld [smem:$0x3FAE]  }
0x30: {  	s3 =	sld [smem:$0x3FB1]  }
0x31: {  	[smem:$0x3FBA] =	sst s10  }
0x32: {  	s10 =	sld [smem:$0x3FB8];
	_ =	sdelay $0x3  }
0x33: {  	p0 =	seq.s32 s10, $0x1;
	s10 =	sld [smem:$0x3FBA];
	_ =	sdelay $0x3  }
0x34: {  	[smem:$0x3FBA] =	sst s10  }
0x35: {  	s10 =	sld [smem:$0x3FB9];
	_ =	sdelay $0x3  }
0x36: {  	p1 =	seq.s32 s10, $0x1;
	s10 =	sld [smem:$0x3FBA];
	_ =	sdelay $0x3  }
0x37: {  	[smem:$0x3FBA] =	sst s10  }
0x38: {  	s10 =	sld [smem:$0x3FBB]  }
0x39: {  	_ = 	snop;
	(pc) =	sbr.ind lr, $3  }
0x3a: {  	_ = 	snop  }
0x3b: {  	_ = 	snop  }
0x3c: {  	p2 =	seq.s32 s10, $0x1;
	s10 =	sld [smem:$0x3FBA]  }
0x3d: {  	_ =	shalt  }
0x3e: {  	_ =	shalt  }
0x3f: {  	_ =	shalt  }
0x40: {  	_ =	shalt  }
0x41: {  	_ =	shalt  }
0x42: {  	_ =	shalt  }
0x43: {  	_ =	shalt  }
0x44: {  	_ =	shalt  }
0x45: {  	_ =	shalt  }
0x46: {  	_ =	shalt  }
0x47: {  	_ =	shalt  }
0x48: {  	_ =	shalt  }
0x49: {  	_ =	shalt  }
0x4a: {  	_ =	shalt  }
0x4b: {  	_ =	shalt  }
0x4c: {  	_ =	shalt  }
0x4d: {  	_ =	shalt  }
0x4e: {  	_ =	shalt  }
0x4f: {  	_ =	shalt  }
0x50: {  	_ =	shalt  }
0x51: {  	_ =	shalt  }
0x52: {  	_ =	shalt  }
0x53: {  	_ =	shalt  }
0x54: {  	_ =	shalt  }
0x55: {  	_ =	shalt  }
0x56: {  	_ =	shalt  }
0x57: {  	_ =	shalt  }
0x58: {  	_ =	shalt  }
0x59: {  	_ =	shalt  }
0x5a: {  	_ =	shalt  }
0x5b: {  	_ =	shalt  }
0x5c: {  	_ =	shalt  }
0x5d: {  	_ =	shalt  }
0x5e: {  	_ =	shalt  }
0x5f: {  	_ =	shalt  }
0x60: {  	_ =	shalt  }
0x61: {  	_ =	shalt  }
0x62: {  	_ =	shalt  }
0x63: {  	_ =	shalt  }
0x64: {  	_ =	shalt  }
0x65: {  	_ =	shalt  }
0x66: {  	_ =	shalt  }
0x67: {  	_ =	shalt  }
0x68: {  	_ =	shalt  }
0x69: {  	_ =	shalt  }
0x6a: {  	_ =	shalt  }
0x6b: {  	_ =	shalt  }
0x6c: {  	_ =	shalt  }
0x6d: {  	_ =	shalt  }
0x6e: {  	_ =	shalt  }
0x6f: {  	_ =	shalt  }
0x70: {  	_ =	shalt  }
0x71: {  	_ =	shalt  }
0x72: {  	_ =	shalt  }
0x73: {  	_ =	shalt  }
0x74: {  	_ =	shalt  }
0x75: {  	_ =	shalt  }
0x76: {  	_ =	shalt  }
0x77: {  	_ =	shalt  }
0x78: {  	_ =	shalt  }
0x79: {  	_ =	shalt  }
0x7a: {  	_ =	shalt  }
0x7b: {  	_ =	shalt  }
0x7c: {  	_ =	shalt  }
0x7d: {  	_ =	shalt  }
0x7e: {  	_ =	shalt  }
0x7f: {  	_ =	shalt  }
0x80: {  	_ =	shalt  }
0x81: {  	_ =	shalt  }
0x82: {  	_ =	shalt  }
0x83: {  	_ =	shalt  }
0x84: {  	_ =	shalt  }
0x85: {  	_ =	shalt  }
0x86: {  	_ =	shalt  }
0x87: {  	_ =	shalt  }
.Lfunc_end0:
.L_simem_size_0:
called_computation.2_lowered:
.L_overlay_start_0:
0x88: {  	s2 =	sld [smem:$0x3FD9]  }
0x89: {  	s3 =	sld [smem:$0x3FFE];
	_ =	sdelay $0x1  }
0x8a: {  	s1 =	srdreg.scid  }
0x8b: {  	s0 =	sand.u32 $0x1, s1  }
0x8c: {  	s14 =	sshll.u32 s0, $0xA;
	s2 =	sadd.s32 s3, s2  }
0x8d: {  	s2 =	sadd.s32 s2, s14  }
0x8e: {  	[smem:$0x3FC6] =	sst s2  }
0x8f: {  	_ = 	snop  }
0x90: {  	s2 =	sld [smem:$0x3FD0];
	_ =	sdelay $0x2  }
0x91: {  	s15 =	simm.s32 $0xA;
	s4 =	simm.s32 $0x10  }
0x92: {  	[smem:s4], [sflag:s15] =	dma.local [hbm:s2], $0x1  }
0x93: {  	_ =	swait.eq [sflag:s15], $0x1  }
0x94: {  	[sflag:s15] =	ssyncset.done $0x0  }
0x95: {  	[sflag:s15] =	ssyncadd.s32 $0xFFFFFFFF  }
0x96: {  	s16 =	sld [smem:$0x10];
	(tm) =	ssettm $0x1  }
0x97: {  	s17 =	sld [smem:$0x3FFB];
	_ =	sdelay $0x3  }
0x98: {  	_ =	strace s17  }
0x99: {  	s3 =	sld [smem:$0x3FFC];
	_ =	sdelay $0x3  }
0x9a: {  	_ =	strace s3  }
0x9b: {  	s3 =	sld [smem:$0x3FFD];
	_ =	sdelay $0x3  }
0x9c: {  	_ =	strace s3  }
0x9d: {  	_ =	strace $0x8FFFFFFF  }
0x9e: {  	s18 =	sld [smem:$0x3FDB];
	_ =	sdelay $0x1  }
0x9f: {  	s19 =	simm.s32 $_scs_section_size  }
0xa0: {  	s5 =	simm.s32 $_size__tile_overlayer_lowered;
	s6 =	simm.s32 $_tile_overlayer_lowered  }
0xa1: {  	s22 =	simm.s32 $0x1BFF;
	s21 =	sshll.u32 s6, $0x1;
	s3 =	sadd.s32 s19, s18  }
0xa2: {  	s7 =	simm.s32 $0x0;
	s20 =	sshll.u32 s5, $0x1;
	s5 =	sadd.s32 s21, s3  }
0xa3: {  	[timem:s7], [sflag:s22] =	dma.local [hbm:s5], s20  }
0xa4: {  	_ =	swait.ge [sflag:s22], s20  }
0xa5: {  	s4 =	ssub.s32 $0x0, s20;
	[sflag:s22] =	ssyncset.done $0x0  }
0xa6: {  	[sflag:s22] =	ssyncadd.s32 s4;
	_ =	sdelay $0x1  }
0xa7: {  	s23 =	simm.s32 $0x1B8B  }
0xa8: {  	_ =	swait.ge [sflag:s23], $0x1  }
0xa9: {  	[sflag:s23] =	ssyncset.done $0x0  }
0xaa: {  	s25 =	simm.s32 $0x1B8E;
	s24 =	sld [smem:$0x3FFE];
	[sflag:s23] =	ssyncadd.s32 $0xFFFFFFFF  }
0xab: {  	s26 =	simm.s32 $execute0_lowered;
	[smem:$0x3FD2] =	sst s25  }
0xac: {  	s5 =	sshll.u32 s26, $0x1;
	_ =	strace $0x8000004C;
	[dreg:$0x1] =	wrdreg $0xFFFFFFFF  }
0xad: {  	s28 =	simm.s32 $_size_execute0_lowered;
	s3 =	sadd.s32 s3, s5;
	[dreg:$0x0] =	wrdreg $0x0  }
0xae: {  	s5 =	sshll.u32 s28, $0x1;
	[dreg:$0x2] =	wrdreg s3  }
0xaf: {  	[dreg:$0x3] =	wrdreg s5  }
0xb0: {  	[dreg:$0x4] =	wrdreg $0xC0  }
0xb1: {  	_ =	task [dreg:s7], $0x5FFFF  }
0xb2: {  	[dreg:$0x1] =	wrdreg $0xFFFFFFFF  }
0xb3: {  	[dreg:$0x0] =	wrdreg $0x60  }
0xb4: {  	[dreg:$0x2] =	wrdreg s16  }
0xb5: {  	[dreg:$0x3] =	wrdreg s24  }
0xb6: {  	[dreg:$0x4] =	wrdreg $0x0  }
0xb7: {  	[dreg:$0x5] =	wrdreg $0x9  }
0xb8: {  	_ =	task.clear_ibuf [dreg:s7], $0x6FFFF;
	_ =	strace $0x9000004C  }
0xb9: {  	s29 =	simm.s32 $0x9;
	_ =	strace $0x8000004E  }
0xba: {  	_ =	swait.ge [sflag:s29], $0x1  }
0xbb: {  	[sflag:s29] =	ssyncadd.s32 $0xFFFFFFFF  }
0xbc: {  	_ =	strace $0x9000004E  }
0xbd: {  	_ =	sfence  }
0xbe: {  	s30 =	sld [smem:$0x0];
	_ =	sdelay $0x2  }
0xbf: {  	s31 =	sshll.u32 s1, $0xD;
	s1 =	sshrl.u32 s1, $0x2  }
0xc0: {  	s3 =	sand.u32 $0x4000, s31;
	s1 =	sadd.s32 s1, s30  }
0xc1: {  	s0 =	sor.u32 s3, s0;
	s1 =	sshll.u32 s1, $0x11  }
0xc2: {  	s0 =	sor.u32 s1, s0  }
0xc3: {  	s0 =	sadd.s32 $0x8F2B, s0  }
0xc4: {  	[sflag:s0] =	ssyncadd.remote.s32 $0x1  }
0xc5: {  	_ =	sfence.sel $0xFFFF  }
0xc6: {  	[dreg:$0x0] =	wrdreg $0xFFFFFFFF;
	(pc) =	sbr.abs _section_cstart, $3  }
0xc7: {  	[dreg:$0x1] =	wrdreg $0xFFFFFFFF  }
0xc8: {  	_ =	task.clear_ibuf [dreg:s7], $0x2FFFF;
	_ =	strace $0x9FFFFFFF  }
0xc9: {  	(tm) =	ssettm $0x7FFFFFFF  }
tec
execute0_lowered:
.L_overlay_start_1:
0x0: {  	(tag) =	ssettag $0x1  }
0x1: {  	s19 =	rddreg [dreg:$0x0]  }
0x2: {  	s0 =	rddreg [dreg:$0x1]  }
0x3: {  	s2 =	rddreg [dreg:$0x2];
	s3 =	simm.s32 $0x0;
	s1 =	srdreg.scid  }
0x4: {  	s6 =	stileid.u32;
	[smem:$0x7FF] =	sst s3;
	s5 =	sadd.s32 $0x194000, s0  }
0x5: {  	s22 =	sadd.s32 $0x68000, s0;
	s7 =	sadd.s32 $0xCC000, s0;
	s4 =	smul.u32 $0x64000, s6  }
0x6: {  	s8 =	sadd.s32 $0x1F8000, s0;
	s1 =	sand.u32 $0x1, s1;
	s9 =	sadd.s32 $0x4000, s0  }
0x7: {  	s10 =	sadd.s32 $0x130000, s0;
	s13 =	ssub.s32 $0x2, s1;
	s4 =	sshrl.u32 s4, $0x2  }
0x8: {  	_ =	strace $0x8000004D;
	s12 =	sshrl.u32 s13, $0x1;
	s4 =	sadd.s32 s4, s2  }
0x9: {  	s0 =	ssub.s32 s13, s12;
	s14 =	sadd.s32 $0x18000, s4;
	[dreg:$0x4] =	wrdreg s4  }
0xa: {  	s0 =	smax.u32 s0, $0x1;
	[dreg:$0x5] =	wrdreg s14  }
0xb: {  	s15 =	sadd.s32 $0x2000, s4;
	[dreg:$0x6] =	wrdreg s0  }
0xc: {  	s16 =	sadd.s32 $0x4000, s4;
	[dreg:$0x7] =	wrdreg s15  }
0xd: {  	s17 =	sadd.s32 $0x6000, s4;
	[dreg:$0x8] =	wrdreg s16  }
0xe: {  	s18 =	sadd.s32 $0x8000, s4;
	[dreg:$0x9] =	wrdreg s17  }
0xf: {  	s20 =	sadd.s32 $0xA000, s4;
	[dreg:$0xa] =	wrdreg s18  }
0x10: {  	s29 =	simm.s32 $0x1B300;
	s21 =	sadd.s32 $0xC000, s4;
	[dreg:$0xb] =	wrdreg s20  }
0x11: {  	s30 =	simm.s32 $0x3;
	s23 =	sadd.s32 $0xE000, s4;
	[dreg:$0xc] =	wrdreg s21  }
0x12: {  	s31 =	simm.s32 $0x1D300;
	s24 =	sadd.s32 $0x10000, s4;
	[dreg:$0xd] =	wrdreg s23  }
0x13: {  	s11 =	smul.u32 $0x640, s6;
	s25 =	sadd.s32 $0x12000, s4;
	[dreg:$0xe] =	wrdreg s24  }
0x14: {  	s6 =	smul.u32 $0x19000, s6;
	s26 =	sadd.s32 $0x14000, s4;
	[dreg:$0xf] =	wrdreg s25  }
0x15: {  	s13 =	smul.u32 $0x6400, s1;
	s28 =	sadd.s32 $0x16000, s4;
	[dreg:$0x10] =	wrdreg s26  }
0x16: {  	s12 =	simm.s32 $0x0;
	s4 =	simm.s32 $0x1AA80;
	[dreg:$0x11] =	wrdreg s28  }
0x17: {  	v1 =	vimm.f32 $0.0e+00;
	s15 =	simm.s32 $0x19200;
	s0 =	simm.s32 $0x1A200;
	s14 =	simm.s32 $0x80  }
0x18: {  	v2 =	vimm.s32 $0x0;
	v3 =	vlaneseq.u32;
	s16 =	simm.s32 $0x1;
	v0 =	vmov s13;
	s17 =	simm.s32 $0x2;
	s21 =	simm.s32 $0x1C300  }
.LBB2_1:
0x19: {  	[dreg:$0x12] =	wrdreg s12;
	s12 =	simm.s32 $0x100;
	s1 =	simm.s32 $0x0  }
.LBB2_2:
0x1a: {  	p0 =	sne.s32 s12, $0x7F00;
	[tilespmem:s1+$0x1B330] =	vst v1;
	s18 =	smov.u32 s12;
	s12 =	sadd.s32 $0x100, s12  }
.Ltmp0:
0x1b: {  	[tilespmem:s1+$0x1B320] =	vst v1;
	(pc) =	sbr.rel @p0 .LBB2_2-.Ltmp0, $3  }
0x1c: {  	[tilespmem:s1+$0x1B300] =	vst v1  }
0x1d: {  	[tilespmem:s1+$0x1B310] =	vst v1;
	_ =	sdelay $0x1  }
0x1e: {  	s1 =	sshra.s32 s18, $0x2  }
0x1f: {  	[tilespmem:s1+$0x1B330] =	vst v1  }
0x20: {  	[tilespmem:s1+$0x1B320] =	vst v1  }
0x21: {  	[tilespmem:s1+$0x1B300] =	vst v1  }
0x22: {  	[tilespmem:s1+$0x1B310] =	vst v1;
	s23 =	rddreg [dreg:$0x4]  }
0x23: {  	[spmem:s23] =	stream.linear.scatter [tilespmem:s29], [sflag:$0x3], $0x2000, $0x38;
	[tilespmem:$0x1F300] =	vst v63  }
0x24: {  	_ =	swait.ge [sflag:s30], $0x2000  }
0x25: {  	[sflag:s30] =	ssyncset.done $0x0  }
0x26: {  	s24 =	rddreg [dreg:$0x7];
	[sflag:s30] =	ssyncadd.s32 $0xFFFFE000  }
0x27: {  	[spmem:s24] =	stream.linear.scatter [tilespmem:s29], [sflag:$0x3], $0x2000, $0x38;
	[tilespmem:$0x1F300] =	vst v63  }
0x28: {  	_ =	swait.ge [sflag:s30], $0x2000  }
0x29: {  	[sflag:s30] =	ssyncset.done $0x0  }
0x2a: {  	s25 =	rddreg [dreg:$0x8];
	[sflag:s30] =	ssyncadd.s32 $0xFFFFE000  }
0x2b: {  	[spmem:s25] =	stream.linear.scatter [tilespmem:s29], [sflag:$0x3], $0x2000, $0x38;
	[tilespmem:$0x1F300] =	vst v63  }
0x2c: {  	_ =	swait.ge [sflag:s30], $0x2000  }
0x2d: {  	[sflag:s30] =	ssyncset.done $0x0  }
0x2e: {  	s26 =	rddreg [dreg:$0x9];
	[sflag:s30] =	ssyncadd.s32 $0xFFFFE000  }
0x2f: {  	[spmem:s26] =	stream.linear.scatter [tilespmem:s29], [sflag:$0x3], $0x2000, $0x38;
	[tilespmem:$0x1F300] =	vst v63  }
0x30: {  	_ =	swait.ge [sflag:s30], $0x2000  }
0x31: {  	[sflag:s30] =	ssyncset.done $0x0  }
0x32: {  	s28 =	rddreg [dreg:$0xa];
	[sflag:s30] =	ssyncadd.s32 $0xFFFFE000  }
0x33: {  	[spmem:s28] =	stream.linear.scatter [tilespmem:s29], [sflag:$0x3], $0x2000, $0x38;
	[tilespmem:$0x1F300] =	vst v63  }
0x34: {  	_ =	swait.ge [sflag:s30], $0x2000  }
0x35: {  	[sflag:s30] =	ssyncset.done $0x0  }
0x36: {  	s12 =	rddreg [dreg:$0xb];
	[sflag:s30] =	ssyncadd.s32 $0xFFFFE000  }
0x37: {  	[spmem:s12] =	stream.linear.scatter [tilespmem:s29], [sflag:$0x3], $0x2000, $0x38;
	[tilespmem:$0x1F300] =	vst v63  }
0x38: {  	_ =	swait.ge [sflag:s30], $0x2000  }
0x39: {  	[sflag:s30] =	ssyncset.done $0x0  }
0x3a: {  	s18 =	rddreg [dreg:$0xc];
	[sflag:s30] =	ssyncadd.s32 $0xFFFFE000  }
0x3b: {  	[spmem:s18] =	stream.linear.scatter [tilespmem:s29], [sflag:$0x3], $0x2000, $0x38;
	[tilespmem:$0x1F300] =	vst v63  }
0x3c: {  	_ =	swait.ge [sflag:s30], $0x2000  }
0x3d: {  	[sflag:s30] =	ssyncset.done $0x0  }
0x3e: {  	s20 =	rddreg [dreg:$0xd];
	[sflag:s30] =	ssyncadd.s32 $0xFFFFE000  }
0x3f: {  	[spmem:s20] =	stream.linear.scatter [tilespmem:s29], [sflag:$0x3], $0x2000, $0x38;
	[tilespmem:$0x1F300] =	vst v63  }
0x40: {  	_ =	swait.ge [sflag:s30], $0x2000  }
0x41: {  	[sflag:s30] =	ssyncset.done $0x0  }
0x42: {  	s23 =	rddreg [dreg:$0xe];
	[sflag:s30] =	ssyncadd.s32 $0xFFFFE000  }
0x43: {  	[spmem:s23] =	stream.linear.scatter [tilespmem:s29], [sflag:$0x3], $0x2000, $0x38;
	[tilespmem:$0x1F300] =	vst v63  }
0x44: {  	_ =	swait.ge [sflag:s30], $0x2000  }
0x45: {  	[sflag:s30] =	ssyncset.done $0x0  }
0x46: {  	s24 =	rddreg [dreg:$0xf];
	[sflag:s30] =	ssyncadd.s32 $0xFFFFE000  }
0x47: {  	[spmem:s24] =	stream.linear.scatter [tilespmem:s29], [sflag:$0x3], $0x2000, $0x38;
	[tilespmem:$0x1F300] =	vst v63  }
0x48: {  	_ =	swait.ge [sflag:s30], $0x2000  }
0x49: {  	[sflag:s30] =	ssyncset.done $0x0  }
0x4a: {  	s25 =	rddreg [dreg:$0x10];
	[sflag:s30] =	ssyncadd.s32 $0xFFFFE000  }
0x4b: {  	[spmem:s25] =	stream.linear.scatter [tilespmem:s29], [sflag:$0x3], $0x2000, $0x38;
	[tilespmem:$0x1F300] =	vst v63  }
0x4c: {  	_ =	swait.ge [sflag:s30], $0x2000  }
0x4d: {  	[sflag:s30] =	ssyncset.done $0x0  }
0x4e: {  	s26 =	rddreg [dreg:$0x11];
	[sflag:s30] =	ssyncadd.s32 $0xFFFFE000  }
0x4f: {  	[spmem:s26] =	stream.linear.scatter [tilespmem:s29], [sflag:$0x3], $0x2000, $0x38;
	[tilespmem:$0x1F300] =	vst v63  }
0x50: {  	_ =	swait.ge [sflag:s30], $0x2000  }
0x51: {  	[sflag:s30] =	ssyncset.done $0x0  }
0x52: {  	s28 =	rddreg [dreg:$0x5];
	[sflag:s30] =	ssyncadd.s32 $0xFFFFE000  }
0x53: {  	[spmem:s28] =	stream.linear.scatter [tilespmem:s29], [sflag:$0x3], $0x1000, $0x38;
	[tilespmem:$0x1F300] =	vst v63  }
.Ltmp1:
0x54: {  	_ =	swait.ge [sflag:s30], $0x1000;
	(pc) =	sbr.rel .LBB2_4-.Ltmp1, $4  }
0x55: {  	[sflag:s30] =	ssyncset.done $0x0  }
0x56: {  	[sflag:s30] =	ssyncadd.s32 $0xFFFFF000  }
0x57: {  	[bflag:$0x0] =	sbarrier.arrive $0xFFFF  }
0x58: {  	s23 =	simm.s32 $0x0;
	s24 =	simm.s32 $0x0  }
.LBB2_12:
0x59: {  	[tilespmem:s20], [sflag:$0x1] =	stream.indirect.gather @!p0 [hbm4b:s5+s31], $0x40, s28, s31, $0xb8;
	[tilespmem:$0x1F300] =	vst v63  }
0x5a: {  	s19 =	smov.u32 s6;
	s22 =	smov.u32 s7;
	s7 =	smov.u32 s8  }
0x5b: {  	s8 =	smov.u32 s9;
	s9 =	smov.u32 s10;
	s10 =	smov.u32 s11  }
0x5c: {  	s11 =	smov.u32 s13;
	s13 =	smov.u32 s15;
	s6 =	smov.u32 s21  }
0x5d: {  	s15 =	simm.s32 $0x19200;
	s31 =	simm.s32 $0x1D300;
	s21 =	simm.s32 $0x1C300  }
.LBB2_13:
0x5e: {  	_ =	swait.ge [sflag:s17], $0x2000  }
0x5f: {  	[sflag:s17] =	ssyncset.done $0x0  }
0x60: {  	[sflag:s17] =	ssyncadd.s32 $0xFFFFE000  }
.LBB2_14:
0x61: {  	s24 =	sadd.s32 $0x1, s24  }
0x62: {  	p0 =	sne.s32 s24, $0x19  }
.Ltmp2:
0x63: {  	_ = 	snop;
	(pc) =	sbr.rel @!p0 .LBB2_15-.Ltmp2, $1  }
0x64: {  	_ =	sdelay $0x3  }
.LBB2_4:
0x65: {  	s1 =	sshll.u32 s24, $0xC  }
0x66: {  	s1 =	sadd.s32 s6, s1  }
0x67: {  	s1 =	sshrl.u32 s1, $0x3  }
0x68: {  	s1 =	sadd.s32 s19, s1  }
0x69: {  	[tilespmem:s15], [sflag:$0x3] =	stream.linear.gather [hbm4b:s1+s23], $0x1000, $0x38;
	[tilespmem:$0x1F300] =	vst v63  }
0x6a: {  	s26 =	sand.u32 $0x70, s23;
	s12 =	sand.u32 $0xF00, s23;
	_ =	swait.ge [sflag:s30], $0x1000  }
0x6b: {  	s1 =	sor.u32 s26, s12;
	[sflag:s30] =	ssyncset.done $0x0  }
0x6c: {  	s12 =	sadd.s32 $0x19200, s1;
	[sflag:s30] =	ssyncadd.s32 $0xFFFFF000  }
0x6d: {  	v4 =	vld [tilespmem:s12+$0x80];
	_ =	sdelay $0x4  }
0x6e: {  	v4 =	vsub.s32 v4, v0  }
0x6f: {  	vm0 =	vlt.u32 v4, $0x6400  }
0x70: {  	v5 =	vsel vm0, $0x1, v2;
	v6 =	vmpcnt.ones.xlane vm0  }
0x71: {  	(xrf0) =	vadd.scan.msk.s32 $0xffff, v5  }
0x72: {  	(v2sf) =	vpush v6, $0x0;
	_ =	sdelay $0x4  }
0x73: {  	v7, _, _ =	vpop (xrf0)  }
0x74: {  	v5 =	vsub.s32 v7, v5  }
0x75: {  	s28 =	simm.s32 $0x20;
	v6 =	vld [tilespmem:s1+$0x19200];
	v5 =	vadd.s32 s23, v5  }
0x76: {  	s25 =	simm.s32 $0x0;
	s26 =	simm.s32 $0x10;
	s12 =	simm.s32 $0x0  }
.LBB2_5:
0x77: {  	p0 =	sne.s32 s28, $0x7F0  }
0x78: {  	s12 =	sadd.s32 $0x20, s12  }
0x79: {  	s1 =	sand.u32 $0x70, s26;
	s26 =	smov.u32 s28;
	s18 =	sand.u32 $0xF00, s12  }
0x7a: {  	s1 =	sor.u32 s1, s18;
	[tilespmem:v5+s0+$0x0] =	vst.idx.msk vm0, v6  }
0x7b: {  	s18 =	sadd.s32 $0x19200, s1;
	[tilespmem:v5+s4+$0x0] =	vst.idx.msk vm0, v4  }
0x7c: {  	v4 =	vld [tilespmem:s18+$0x80]  }
0x7d: {  	s18 =	spop (v2sf)  }
0x7e: {  	s25 =	sadd.s32 s25, s18;
	_ =	sdelay $0x2  }
0x7f: {  	v4 =	vsub.s32 v4, v0  }
0x80: {  	vm0 =	vlt.u32 v4, $0x6400  }
0x81: {  	v5 =	vsel vm0, $0x1, v2;
	v6 =	vmpcnt.ones.xlane vm0  }
0x82: {  	(xrf0) =	vadd.scan.msk.s32 $0xffff, v5  }
0x83: {  	(v2sf) =	vpush v6, $0x0;
	_ =	sdelay $0x3  }
.Ltmp3:
0x84: {  	(pc) =	sbr.rel @p0 .LBB2_5-.Ltmp3, $4  }
0x85: {  	v6, _, _ =	vpop (xrf0)  }
0x86: {  	v5 =	vsub.s32 v6, v5  }
0x87: {  	v6 =	vld [tilespmem:s1+$0x19200];
	v5 =	vadd.s32 s25, v5  }
0x88: {  	s28 =	sadd.s32 $0x10, s28  }
0x89: {  	_ =	sdelay $0x2  }
0x8a: {  	s1 =	sadd.s32 $0x20, s12  }
0x8b: {  	s20 =	sand.u32 $0x70, s26;
	s1 =	sand.u32 $0xF00, s1  }
0x8c: {  	s1 =	sor.u32 s20, s1;
	[tilespmem:v5+s0+$0x0] =	vst.idx.msk vm0, v6  }
0x8d: {  	s12 =	sadd.s32 $0x19200, s1;
	[tilespmem:v5+s4+$0x0] =	vst.idx.msk vm0, v4  }
0x8e: {  	v4 =	vld [tilespmem:s12+$0x80];
	_ =	sdelay $0x4  }
0x8f: {  	v6 =	vsub.s32 v4, v0  }
0x90: {  	vm1 =	vlt.u32 v6, $0x6400  }
0x91: {  	v4 =	vmpcnt.ones.xlane vm1;
	_ =	sdelay $0x1  }
0x92: {  	(v2sf) =	vpush v4, $0x0;
	_ =	sdelay $0x5  }
0x93: {  	v4 =	vsel vm1, $0x1, v2  }
0x94: {  	(xrf0) =	vadd.scan.msk.s32 $0xffff, v4;
	_ =	sdelay $0x5  }
0x95: {  	s26 =	spop (v2sf);
	v5, _, _ =	vpop (xrf0)  }
0x96: {  	s12 =	sadd.s32 s25, s26;
	v4 =	vsub.s32 v5, v4  }
0x97: {  	v7 =	vld [tilespmem:s1+$0x19200];
	v8 =	vadd.s32 s12, v4;
	s28 =	spop (v2sf)  }
0x98: {  	s12 =	sadd.s32 s12, s28  }
0x99: {  	s1 =	sadd.s32 $0x7F, s12  }
0x9a: {  	s20 =	sadd.s32 $0x0, s12;
	s18 =	sand.u32 $0xFFFFFF80, s1  }
0x9b: {  	v4 =	vadd.s32 s20, v3;
	v5 =	vmov s18  }
0x9c: {  	[tilespmem:v8+s0+$0x0] =	vst.idx.msk vm1, v7;
	vm0 =	vlt.s32 v4, v5  }
0x9d: {  	[tilespmem:v8+s4+$0x0] =	vst.idx.msk vm1, v6;
	s18 =	simm.s32 $0x10;
	vm1 =	vmmov vm0  }
.LBB2_7:
0x9e: {  	p0 =	sne.s32 s18, $0x70  }
.Ltmp4:
0x9f: {  	_ = 	snop;
	(pc) =	sbr.rel @p0 .LBB2_7-.Ltmp4, $4  }
0xa0: {  	s20 =	sadd.s32 s18, s12;
	v6 =	vand.u32 $0x3FF, v4  }
0xa1: {  	v8 =	vand.u32 $0x7F, v4;
	v7 =	vadd.s32 s20, v3;
	v6 =	vadd.s32 $0xC350, v6  }
0xa2: {  	[tilespmem:v4+s0+$0x0] =	vst.idx.msk vm0, v6;
	vm0 =	vlt.s32 v7, v5;
	v6 =	vor.u32 $0x6400, v8  }
0xa3: {  	s18 =	sadd.s32 $0x10, s18;
	[tilespmem:v4+s4+$0x0] =	vst.idx.msk vm1, v6;
	v4 =	vmov v7;
	vm1 =	vmmov vm0  }
0xa4: {  	s25 =	sshra.s32 s1, $0x7  }
0xa5: {  	p0 =	slt.s32 s25, $0x1  }
.Ltmp5:
0xa6: {  	_ = 	snop;
	(pc) =	sbr.rel @p0 .LBB2_14-.Ltmp5, $4  }
0xa7: {  	v5 =	vand.u32 $0x3FF, v4  }
0xa8: {  	v6 =	vand.u32 $0x7F, v4;
	v5 =	vadd.s32 $0xC350, v5  }
0xa9: {  	[tilespmem:v4+s0+$0x0] =	vst.idx.msk vm0, v5;
	v5 =	vor.u32 $0x6400, v6  }
0xaa: {  	[tilespmem:v4+s4+$0x0] =	vst.idx.msk vm1, v5  }
0xab: {  	[tilespmem:s29], [sflag:$0x1] =	stream.indirect.gather [hbm4b:s5+s14], $0x40, s0, s14, $0xb8;
	[tilespmem:$0x1F300] =	vst v63  }
0xac: {  	p0 =	seq.s32 s25, $0x1  }
.Ltmp6:
0xad: {  	_ = 	snop;
	(pc) =	sbr.rel @p0 .LBB2_13-.Ltmp6, $4  }
0xae: {  	_ =	swait.ge [sflag:s16], $0x2000  }
0xaf: {  	[sflag:s16] =	ssyncset.done $0x0  }
0xb0: {  	[sflag:s16] =	ssyncadd.s32 $0xFFFFE000  }
0xb1: {  	[spmem:s2] =	stream.indirect.scatter.add.f32 [tilespmem:s29], [sflag:$0x2], $0x40, s4, s14, $0xb8;
	[tilespmem:$0x1F300] =	vst v63  }
0xb2: {  	s21 =	smov.u32 s6;
	s15 =	smov.u32 s13;
	s13 =	smov.u32 s11  }
0xb3: {  	s11 =	smov.u32 s10;
	s10 =	smov.u32 s9;
	s9 =	smov.u32 s8  }
0xb4: {  	s8 =	smov.u32 s7;
	s7 =	smov.u32 s22;
	s6 =	smov.u32 s19  }
0xb5: {  	s1 =	simm.s32 $0x80;
	s12 =	simm.s32 $0x1A280;
	s26 =	sadd.s32 $0xFFFFFFFF, s25  }
0xb6: {  	[tilespmem:s31], [sflag:$0x1] =	stream.indirect.gather [hbm4b:s5+s1], $0x40, s12, s1, $0xb8;
	[tilespmem:$0x1F300] =	vst v63  }
0xb7: {  	s28 =	simm.s32 $0x1A300;
	s20 =	simm.s32 $0x1AB00;
	_ =	swait.ge [sflag:s16], $0x2000  }
0xb8: {  	s18 =	simm.s32 $0x100;
	p0 =	sle.s32 s25, $0x2;
	[sflag:s16] =	ssyncset.done $0x0  }
0xb9: {  	s12 =	simm.s32 $0x1;
	p1 =	sne.s32 s26, $0x1;
	[sflag:s16] =	ssyncadd.s32 $0xFFFFE000  }
.Ltmp7:
0xba: {  	s1 =	sand.u32 $0x80, s1;
	_ =	swait.ge [sflag:s17], $0x2000;
	(pc) =	sbr.rel @!p1 .LBB2_12-.Ltmp7, $4  }
0xbb: {  	s31 =	simm.s32 @!p0 $0x80;
	s19 =	sshll.u32 s1, $0x6;
	[sflag:s17] =	ssyncset.done $0x0  }
0xbc: {  	s1 =	sshll.u32 @!p0 s1, $0x6;
	s22 =	sadd.s32 $0x1B300, s19;
	[sflag:s17] =	ssyncadd.s32 $0xFFFFE000  }
0xbd: {  	[spmem:s2] =	stream.indirect.scatter.add.f32 [tilespmem:s22], [sflag:$0x2], $0x40, s20, s14, $0xb8;
	[tilespmem:$0x1F300] =	vst v63  }
0xbe: {  	s20 =	ssub.s32 @!p0 $0x1D300, s1;
	s22 =	simm.s32 $0x1A380;
	s1 =	simm.s32 $0x1AB80  }
.LBB2_11:
0xbf: {  	[tilespmem:s20], [sflag:$0x1] =	stream.indirect.gather @!p0 [hbm4b:s5+s31], $0x40, s28, s31, $0xb8;
	[tilespmem:$0x1F300] =	vst v63  }
0xc0: {  	s20 =	smov.u32 s12;
	s31 =	smov.u32 s18;
	s28 =	smov.u32 s22  }
0xc1: {  	s12 =	sadd.s32 $0x1, s12;
	_ =	swait.ge [sflag:s16], $0x2000  }
0xc2: {  	s18 =	sadd.s32 $0x80, s18;
	p1 =	sne.s32 s26, s12;
	[sflag:s16] =	ssyncset.done $0x0  }
0xc3: {  	s31 =	sand.u32 $0x80, s31;
	s20 =	sadd.s32 $0x2, s20;
	[sflag:s16] =	ssyncadd.s32 $0xFFFFE000  }
.Ltmp8:
0xc4: {  	s19 =	sshll.u32 s31, $0x6;
	_ =	swait.ge [sflag:s17], $0x2000;
	(pc) =	sbr.rel @p1 .LBB2_11-.Ltmp8, $4  }
0xc5: {  	p0 =	sge.s32 s20, s25;
	s19 =	sadd.s32 $0x1B300, s19;
	[sflag:s17] =	ssyncset.done $0x0  }
0xc6: {  	s20 =	sshll.u32 @!p0 s31, $0x6;
	s31 =	simm.s32 @!p0 $0x80;
	[sflag:s17] =	ssyncadd.s32 $0xFFFFE000  }
0xc7: {  	[spmem:s2] =	stream.indirect.scatter.add.f32 [tilespmem:s19], [sflag:$0x2], $0x40, s1, s14, $0xb8;
	[tilespmem:$0x1F300] =	vst v63  }
0xc8: {  	s22 =	sadd.s32 $0x80, s22;
	s20 =	ssub.s32 @!p0 $0x1D300, s20;
	s1 =	sadd.s32 $0x80, s1  }
.Ltmp9:
0xc9: {  	_ = 	snop;
	(pc) =	sbr.rel .LBB2_12-.Ltmp9, $1  }
0xca: {  	_ =	sdelay $0x3  }
.LBB2_15:
0xcb: {  	[bflag:$0x0] =	sbarrier.arrive $0xFFFF;
	s23 =	simm.s32 $0x0  }
.LBB2_16:
0xcc: {  	s1 =	sshll.u32 s23, $0x6  }
0xcd: {  	s1 =	sadd.s32 s11, s1  }
0xce: {  	s12 =	sshll.u32 s1, $0x6  }
0xcf: {  	s12 =	sand.u32 $0x3FFFFFC0, s12  }
0xd0: {  	s12 =	sadd.s32 s12, s2  }
0xd1: {  	[tilespmem:s29], [sflag:$0x3] =	stream.linear.gather [spmem:s12], $0x1000, $0x38;
	[tilespmem:$0x1F300] =	vst v63  }
0xd2: {  	s1 =	sadd.s32 s13, s1;
	_ =	swait.ge [sflag:s30], $0x1000  }
0xd3: {  	s24 =	sshll.u32 s1, $0x3;
	[sflag:s30] =	ssyncset.done $0x0  }
0xd4: {  	s1 =	sadd.s32 s22, s24;
	[sflag:s30] =	ssyncadd.s32 $0xFFFFF000  }
0xd5: {  	[tilespmem:s21], [sflag:$0x3] =	stream.linear.gather [hbm4b:s1+s3], $0x1000, $0x38;
	[tilespmem:$0x1F300] =	vst v63  }
0xd6: {  	_ =	swait.ge [sflag:s30], $0x1000  }
0xd7: {  	[sflag:s30] =	ssyncset.done $0x0  }
0xd8: {  	s26 =	sadd.s32 s7, s24;
	[sflag:s30] =	ssyncadd.s32 $0xFFFFF000  }
0xd9: {  	[tilespmem:s31], [sflag:$0x3] =	stream.linear.gather [hbm4b:s26+s3], $0x1000, $0x38;
	[tilespmem:$0x1F300] =	vst v63  }
0xda: {  	_ =	swait.ge [sflag:s30], $0x1000  }
0xdb: {  	[sflag:s30] =	ssyncset.done $0x0  }
0xdc: {  	s28 =	sadd.s32 s8, s24;
	s12 =	simm.s32 $0x1E300;
	[sflag:s30] =	ssyncadd.s32 $0xFFFFF000  }
0xdd: {  	[tilespmem:s12], [sflag:$0x3] =	stream.linear.gather [hbm4b:s28+s3], $0x1000, $0x38;
	[tilespmem:$0x1F300] =	vst v63  }
0xde: {  	_ =	swait.ge [sflag:s30], $0x1000  }
0xdf: {  	[sflag:s30] =	ssyncset.done $0x0  }
0xe0: {  	s25 =	simm.s32 $0x1020;
	[sflag:s30] =	ssyncadd.s32 $0xFFFFF000  }
0xe1: {  	v7 =	vld [tilespmem:s25+$0x1C310]  }
0xe2: {  	v5 =	vld [tilespmem:s25+$0x1C2F0]  }
0xe3: {  	v4 =	vld [tilespmem:s25+$0x1C2E0]  }
0xe4: {  	v9 =	vld [tilespmem:s25+$0x1C300]  }
0xe5: {  	v6 =	vld [tilespmem:s25+$0x1D310]  }
0xe6: {  	v14 =	vld [tilespmem:s25+$0x1B310]  }
0xe7: {  	v15 =	vld [tilespmem:s25+$0x1A310]  }
0xe8: {  	v8 =	vld [tilespmem:s25+$0x1A300]  }
0xe9: {  	v16 =	vld [tilespmem:s25+$0x1B2F0]  }
0xea: {  	v13 =	vld [tilespmem:s25+$0x1A2F0]  }
0xeb: {  	v12 =	vld [tilespmem:s25+$0x1B2E0]  }
0xec: {  	v10 =	vld [tilespmem:s25+$0x1A2E0];
	v17 =	vmul.f32 v7, v15  }
0xed: {  	v11 =	vld [tilespmem:s25+$0x1B300];
	v15 =	vmul.f32 v14, v15;
	v18 =	vmul.f32 v9, v8  }
0xee: {  	v7 =	vld [tilespmem:s25+$0x1D300];
	[tilespmem:s25+$0x1A310] =	vst v17  }
0xef: {  	s26 =	simm.s32 $0x4180;
	v9 =	vld [tilespmem:s25+$0x1D2F0];
	v14 =	vmul.f32 v16, v13;
	[tilespmem:s25+$0x1A300] =	vst v18;
	v15 =	vmul.f32 $2.500000000e-01, v15  }
.LBB2_17:
0xf0: {  	s1 =	sshra.s32 s26, $0x2;
	p0 =	sne.s32 s26, $0x7F80;
	s26 =	sadd.s32 $0x100, s26;
	v16 =	vld [tilespmem:s25+$0x1D2E0];
	v13 =	vmul.f32 v5, v13  }
0xf1: {  	v17 =	vld [tilespmem:s1+$0x1C310];
	v12 =	vmul.f32 v12, v10;
	v10 =	vmul.f32 v4, v10;
	v6 =	vadd.f32 v15, v6  }
0xf2: {  	v14 =	vmul.f32 $2.500000000e-01, v14;
	v5 =	vld [tilespmem:s1+$0x1C2F0];
	[tilespmem:s25+$0x1A2F0] =	vst v13;
	v8 =	vmul.f32 v11, v8  }
0xf3: {  	v4 =	vld [tilespmem:s1+$0x1C2E0];
	v11 =	vmul.f32 $2.500000000e-01, v12;
	[tilespmem:s25+$0x1D310] =	vst v6  }
0xf4: {  	v15 =	vld [tilespmem:s1+$0x1C300];
	[tilespmem:s25+$0x1A2E0] =	vst v10;
	v9 =	vadd.f32 v14, v9;
	v8 =	vmul.f32 $2.500000000e-01, v8  }
0xf5: {  	v6 =	vld [tilespmem:s1+$0x1D310];
	v10 =	vadd.f32 v11, v16  }
0xf6: {  	v11 =	vld [tilespmem:s1+$0x1B310];
	[tilespmem:s25+$0x1D2F0] =	vst v9;
	v7 =	vadd.f32 v8, v7  }
0xf7: {  	v9 =	vld [tilespmem:s1+$0x1A310];
	[tilespmem:s25+$0x1D2E0] =	vst v10  }
0xf8: {  	v8 =	vld [tilespmem:s1+$0x1A300];
	[tilespmem:s25+$0x1D300] =	vst v7;
	s25 =	smov.u32 s1  }
0xf9: {  	v14 =	vld [tilespmem:s25+$0x1B2F0]  }
0xfa: {  	v13 =	vld [tilespmem:s25+$0x1A2F0]  }
.Ltmp10:
0xfb: {  	v12 =	vld [tilespmem:s25+$0x1B2E0];
	(pc) =	sbr.rel @p0 .LBB2_17-.Ltmp10, $4  }
0xfc: {  	v10 =	vld [tilespmem:s25+$0x1A2E0];
	v16 =	vmul.f32 v11, v9;
	v9 =	vmul.f32 v17, v9  }
0xfd: {  	v11 =	vld [tilespmem:s25+$0x1B300];
	v15 =	vmul.f32 v15, v8  }
0xfe: {  	v7 =	vld [tilespmem:s25+$0x1D300];
	[tilespmem:s25+$0x1A310] =	vst v9  }
0xff: {  	v9 =	vld [tilespmem:s25+$0x1D2F0];
	v14 =	vmul.f32 v14, v13;
	[tilespmem:s25+$0x1A300] =	vst v15;
	v15 =	vmul.f32 $2.500000000e-01, v16  }
0x100: {  	v16 =	vld [tilespmem:s25+$0x1D2E0]  }
0x101: {  	v5 =	vmul.f32 v5, v13;
	v12 =	vmul.f32 v12, v10  }
0x102: {  	v6 =	vadd.f32 v15, v6;
	v62 =	vmul.f32 $2.500000000e-01, v14;
	v8 =	vmul.f32 v11, v8  }
0x103: {  	v4 =	vmul.f32 v4, v10;
	[tilespmem:s25+$0x1A2F0] =	vst v5;
	v5 =	vmul.f32 $2.500000000e-01, v12  }
0x104: {  	[tilespmem:s25+$0x1D310] =	vst v6;
	v63 =	vadd.f32 v62, v9;
	v8 =	vmul.f32 $2.500000000e-01, v8  }
0x105: {  	[tilespmem:s25+$0x1A2E0] =	vst v4;
	v4 =	vadd.f32 v5, v16  }
0x106: {  	[tilespmem:s25+$0x1D2F0] =	vst v63;
	v5 =	vadd.f32 v8, v7  }
0x107: {  	[tilespmem:s25+$0x1D2E0] =	vst v4  }
0x108: {  	s1 =	sadd.s32 s10, s24;
	[tilespmem:s25+$0x1D300] =	vst v5  }
0x109: {  	[hbm4b:s1+s3] =	stream.linear.scatter [tilespmem:s12], [sflag:$0x3], $0x1000, $0x38;
	[tilespmem:$0x1F300] =	vst v63  }
0x10a: {  	s23 =	sadd.s32 $0x1, s23;
	_ =	swait.ge [sflag:s30], $0x1000  }
0x10b: {  	p0 =	sne.s32 s23, $0x19;
	[sflag:s30] =	ssyncset.done $0x0  }
.Ltmp11:
0x10c: {  	s28 =	sadd.s32 s9, s24;
	[sflag:s30] =	ssyncadd.s32 $0xFFFFF000;
	(pc) =	sbr.rel @p0 .LBB2_16-.Ltmp11, $4  }
0x10d: {  	[hbm4b:s28+s3] =	stream.linear.scatter [tilespmem:s29], [sflag:$0x3], $0x1000, $0x38;
	[tilespmem:$0x1F300] =	vst v63  }
0x10e: {  	_ =	swait.ge [sflag:s30], $0x1000  }
0x10f: {  	[sflag:s30] =	ssyncset.done $0x0  }
0x110: {  	[sflag:s30] =	ssyncadd.s32 $0xFFFFF000  }
0x111: {  	s12 =	rddreg [dreg:$0x12]  }
0x112: {  	s1 =	rddreg [dreg:$0x6];
	s12 =	sadd.s32 $0x1, s12  }
0x113: {  	p0 =	sne.s32 s12, s1  }
.Ltmp12:
0x114: {  	_ = 	snop;
	(pc) =	sbr.rel @p0 .LBB2_1-.Ltmp12, $1  }
0x115: {  	_ =	sdelay $0x3  }
0x116: {  	_ =	sfence.sel $0x180000  }
0x117: {  	[bflag:$0x0] =	sbarrier.arrive $0xFFFF  }
0x118: {  	_ =	strace $0x9000004D  }
0x119: {  	s0 =	stileid.u32;
	[bflag:$0x2] =	sbarrier.arrive $0xFFFF  }
0x11a: {  	p0 =	sne.s32 s0, $0x0;
	s0 =	rddreg [dreg:$0x3]  }
0x11b: {  	s0 =	sadd.s32 @!p0 $0x100000, s0  }
0x11c: {  	[sflag:s0] =	ssyncadd.tile.s32 @!p0 $0x1;
	_ =	shalt  }
.Lfunc_end2:
_tile_overlayer_lowered:
.L_overlay_start_2:
0x11d: {  	(tag) =	ssettag $0x2  }
0x11e: {  	s0 =	rddreg [dreg:$0x0];
	s2 =	stileid.u32  }
0x11f: {  	s1 =	rddreg [dreg:$0x1];
	p0 =	sne.s32 s2, $0x0  }
0x120: {  	s3 =	rddreg [dreg:$0x2];
	[bflag:$0x3] =	sbarrier.arrive $0xFFFF;
	s2 =	simm.s32 @!p0 $0x1C03  }
0x121: {  	[timem:s3], [sflag:s2] =	dma.local @!p0 [hbm:s0], s1  }
0x122: {  	s0 =	simm.s32 @!p0 $0x3  }
0x123: {  	_ =	swait.ge @!p0 [sflag:s0], s1  }
0x124: {  	s1 =	ssub.s32 @!p0 $0x0, s1;
	[sflag:s0] =	ssyncset.done @!p0 $0x0  }
0x125: {  	[sflag:s0] =	ssyncadd.s32 @!p0 s1  }
0x126: {  	[bflag:$0x3] =	sbarrier.arrive $0xFFFF  }
0x127: {  	_ =	shalt  }

// kernel: kernel.16.cloned.1.call-start
scs
__scs_entry_jumppad:
0x0: {  	(pc) =	sbr.rel $0x88, $3  }
0x1: {  	(tag) =	ssettag $0x0;
	lr =	simm.s32 $0x1  }
0x2: {  	[smem:$0x3F9F] =	sst lr;
	_ =	strace $0xD0000000  }
0x3: {  	_ = 	snop  }
0x4: {  	_ = 	snop  }
0x5: {  	_ = 	snop  }
0x6: {  	_ = 	snop  }
0x7: {  	_ = 	snop  }
__scs_overlays_trampoline_lowered:
0x8: {  	[smem:$0x3FAE] =	sst s0  }
0x9: {  	[smem:$0x3FAF] =	sst s1  }
0xa: {  	[smem:$0x3FB0] =	sst s2  }
0xb: {  	[smem:$0x3FB1] =	sst s3  }
0xc: {  	[smem:$0x3FB2] =	sst s4  }
0xd: {  	[smem:$0x3FB3] =	sst s5  }
0xe: {  	[smem:$0x3FB4] =	sst s6  }
0xf: {  	[smem:$0x3FB5] =	sst s7  }
0x10: {  	[smem:$0x3FB6] =	sst s8  }
0x11: {  	[smem:$0x3FB7] =	sst s9;
	s0 =	simm.s32 @!p0 $0x0  }
0x12: {  	s1 =	sld [smem:$0x3F9D];
	s0 =	simm.s32 @p0 $0x1  }
0x13: {  	[smem:$0x3FB8] =	sst s0;
	s0 =	simm.s32 @!p1 $0x0  }
0x14: {  	s2 =	sld [smem:$0x3F9C];
	s0 =	simm.s32 @p1 $0x1  }
0x15: {  	[smem:$0x3FB9] =	sst s0;
	s0 =	simm.s32 @!p2 $0x0  }
0x16: {  	s3 =	sld [smem:$0x3FDB];
	s0 =	simm.s32 @p2 $0x1  }
0x17: {  	s4 =	simm.s32 $0x1BF5;
	[smem:$0x3FBB] =	sst s0  }
0x18: {  	s0 =	sld [smem:$0x3F9E];
	_ =	swait.ge [sflag:s4], $0x0  }
0x19: {  	s7 =	sld [smem:$0x3F9F]  }
0x1a: {  	s8 =	sadd.s32 $0xFFFFE003, lr  }
0x1b: {  	s9 =	sadd.s32 $0xFFFFFEF7, lr;
	s5 =	simm.s32 $0xFFFFFFFF;
	p2 =	slt.u32 s8, $0xFFFFF086  }
0x1c: {  	p1 =	slt.u32 s9, $0xF7A;
	s5 =	simm.s32 @!p2 $0x0  }
0x1d: {  	s5 =	simm.s32 @p1 $0x1;
	p0 =	seq.s32 s7, s2  }
0x1e: {  	s7 =	smul.u32 @!p0 $0xF7A, s2;
	p2 =	seq.s32 @!p0 s5, $0x0  }
0x1f: {  	s9 =	smul.u32 $0xF7A, s1;
	s8 =	simm.s32 @!p0 $0x1BF5;
	p2 =	por !p2, p0  }
0x20: {  	[sflag:s8] =	ssyncset.s32 @!p0 $0xFFFFF086;
	s6 =	sadd.s32 @!p0 s3, s7;
	s7 =	simm.s32 @!p0 $0x108  }
0x21: {  	s3 =	sadd.s32 s3, s9;
	s6 =	sadd.s32 @!p0 $0x88, s6;
	s7 =	simm.s32 @p2 $0x1082  }
0x22: {  	[simem:s7], [sflag:s8] =	dma.local @!p0 [hbm:s6], $0xF7A  }
0x23: {  	s9 =	sor.u32 $0xD0000000, s2;
	s6 =	simm.s32 $0x108;
	_ =	swait.ge @!p0 [sflag:s8], $0x0  }
0x24: {  	s3 =	sadd.s32 $0x88, s3;
	s6 =	simm.s32 @!p1 $0x1082;
	[sflag:s4] =	ssyncset.s32 $0xFFFFF086  }
0x25: {  	[simem:s6], [sflag:s4] =	dma.local [hbm:s3], $0xF7A  }
0x26: {  	[smem:$0x3F9F] =	sst s1;
	(tag) =	ssettag s2;
	_ =	strace s9  }
0x27: {  	s1 =	sld [smem:$0x3FAF]  }
0x28: {  	s2 =	sld [smem:$0x3FB0]  }
0x29: {  	s4 =	sld [smem:$0x3FB2]  }
0x2a: {  	p0 =	seq.s32 s5, $0x0;
	s5 =	sld [smem:$0x3FB3]  }
0x2b: {  	s6 =	sld [smem:$0x3FB4]  }
0x2c: {  	s7 =	sld [smem:$0x3FB5]  }
0x2d: {  	s3 =	simm.s32 $0x108;
	s8 =	sld [smem:$0x3FB6]  }
0x2e: {  	s3 =	simm.s32 @!p0 $0x1082;
	s9 =	sld [smem:$0x3FB7]  }
0x2f: {  	lr =	sadd.s32 s0, s3;
	s0 =	sld [smem:$0x3FAE]  }
0x30: {  	s3 =	sld [smem:$0x3FB1]  }
0x31: {  	[smem:$0x3FBA] =	sst s10  }
0x32: {  	s10 =	sld [smem:$0x3FB8];
	_ =	sdelay $0x3  }
0x33: {  	p0 =	seq.s32 s10, $0x1;
	s10 =	sld [smem:$0x3FBA];
	_ =	sdelay $0x3  }
0x34: {  	[smem:$0x3FBA] =	sst s10  }
0x35: {  	s10 =	sld [smem:$0x3FB9];
	_ =	sdelay $0x3  }
0x36: {  	p1 =	seq.s32 s10, $0x1;
	s10 =	sld [smem:$0x3FBA];
	_ =	sdelay $0x3  }
0x37: {  	[smem:$0x3FBA] =	sst s10  }
0x38: {  	s10 =	sld [smem:$0x3FBB]  }
0x39: {  	_ = 	snop;
	(pc) =	sbr.ind lr, $3  }
0x3a: {  	_ = 	snop  }
0x3b: {  	_ = 	snop  }
0x3c: {  	p2 =	seq.s32 s10, $0x1;
	s10 =	sld [smem:$0x3FBA]  }
0x3d: {  	_ =	shalt  }
0x3e: {  	_ =	shalt  }
0x3f: {  	_ =	shalt  }
0x40: {  	_ =	shalt  }
0x41: {  	_ =	shalt  }
0x42: {  	_ =	shalt  }
0x43: {  	_ =	shalt  }
0x44: {  	_ =	shalt  }
0x45: {  	_ =	shalt  }
0x46: {  	_ =	shalt  }
0x47: {  	_ =	shalt  }
0x48: {  	_ =	shalt  }
0x49: {  	_ =	shalt  }
0x4a: {  	_ =	shalt  }
0x4b: {  	_ =	shalt  }
0x4c: {  	_ =	shalt  }
0x4d: {  	_ =	shalt  }
0x4e: {  	_ =	shalt  }
0x4f: {  	_ =	shalt  }
0x50: {  	_ =	shalt  }
0x51: {  	_ =	shalt  }
0x52: {  	_ =	shalt  }
0x53: {  	_ =	shalt  }
0x54: {  	_ =	shalt  }
0x55: {  	_ =	shalt  }
0x56: {  	_ =	shalt  }
0x57: {  	_ =	shalt  }
0x58: {  	_ =	shalt  }
0x59: {  	_ =	shalt  }
0x5a: {  	_ =	shalt  }
0x5b: {  	_ =	shalt  }
0x5c: {  	_ =	shalt  }
0x5d: {  	_ =	shalt  }
0x5e: {  	_ =	shalt  }
0x5f: {  	_ =	shalt  }
0x60: {  	_ =	shalt  }
0x61: {  	_ =	shalt  }
0x62: {  	_ =	shalt  }
0x63: {  	_ =	shalt  }
0x64: {  	_ =	shalt  }
0x65: {  	_ =	shalt  }
0x66: {  	_ =	shalt  }
0x67: {  	_ =	shalt  }
0x68: {  	_ =	shalt  }
0x69: {  	_ =	shalt  }
0x6a: {  	_ =	shalt  }
0x6b: {  	_ =	shalt  }
0x6c: {  	_ =	shalt  }
0x6d: {  	_ =	shalt  }
0x6e: {  	_ =	shalt  }
0x6f: {  	_ =	shalt  }
0x70: {  	_ =	shalt  }
0x71: {  	_ =	shalt  }
0x72: {  	_ =	shalt  }
0x73: {  	_ =	shalt  }
0x74: {  	_ =	shalt  }
0x75: {  	_ =	shalt  }
0x76: {  	_ =	shalt  }
0x77: {  	_ =	shalt  }
0x78: {  	_ =	shalt  }
0x79: {  	_ =	shalt  }
0x7a: {  	_ =	shalt  }
0x7b: {  	_ =	shalt  }
0x7c: {  	_ =	shalt  }
0x7d: {  	_ =	shalt  }
0x7e: {  	_ =	shalt  }
0x7f: {  	_ =	shalt  }
0x80: {  	_ =	shalt  }
0x81: {  	_ =	shalt  }
0x82: {  	_ =	shalt  }
0x83: {  	_ =	shalt  }
0x84: {  	_ =	shalt  }
0x85: {  	_ =	shalt  }
0x86: {  	_ =	shalt  }
0x87: {  	_ =	shalt  }
.Lfunc_end0:
.L_simem_size_0:
called_computation.3_lowered:
.L_overlay_start_0:
0x88: {  	s2 =	sld [smem:$0x3FD9]  }
0x89: {  	s3 =	sld [smem:$0x3FFE];
	_ =	sdelay $0x1  }
0x8a: {  	s1 =	srdreg.scid  }
0x8b: {  	s0 =	sand.u32 $0x1, s1  }
0x8c: {  	s14 =	sshll.u32 s0, $0xA;
	s2 =	sadd.s32 s3, s2  }
0x8d: {  	s2 =	sadd.s32 s2, s14  }
0x8e: {  	[smem:$0x3FC6] =	sst s2  }
0x8f: {  	_ = 	snop  }
0x90: {  	s2 =	sld [smem:$0x3FD0];
	_ =	sdelay $0x2  }
0x91: {  	s15 =	simm.s32 $0xA;
	s4 =	simm.s32 $0x10  }
0x92: {  	[smem:s4], [sflag:s15] =	dma.local [hbm:s2], $0x1  }
0x93: {  	_ =	swait.eq [sflag:s15], $0x1  }
0x94: {  	[sflag:s15] =	ssyncset.done $0x0  }
0x95: {  	[sflag:s15] =	ssyncadd.s32 $0xFFFFFFFF  }
0x96: {  	s16 =	sld [smem:$0x10];
	(tm) =	ssettm $0x1  }
0x97: {  	s17 =	sld [smem:$0x3FFB];
	_ =	sdelay $0x3  }
0x98: {  	_ =	strace s17  }
0x99: {  	s3 =	sld [smem:$0x3FFC];
	_ =	sdelay $0x3  }
0x9a: {  	_ =	strace s3  }
0x9b: {  	s3 =	sld [smem:$0x3FFD];
	_ =	sdelay $0x3  }
0x9c: {  	_ =	strace s3  }
0x9d: {  	_ =	strace $0x8FFFFFFF  }
0x9e: {  	s18 =	sld [smem:$0x3FDB];
	_ =	sdelay $0x1  }
0x9f: {  	s19 =	simm.s32 $_scs_section_size  }
0xa0: {  	s5 =	simm.s32 $_size__tile_overlayer_lowered;
	s6 =	simm.s32 $_tile_overlayer_lowered  }
0xa1: {  	s22 =	simm.s32 $0x1BFF;
	s21 =	sshll.u32 s6, $0x1;
	s3 =	sadd.s32 s19, s18  }
0xa2: {  	s7 =	simm.s32 $0x0;
	s20 =	sshll.u32 s5, $0x1;
	s5 =	sadd.s32 s21, s3  }
0xa3: {  	[timem:s7], [sflag:s22] =	dma.local [hbm:s5], s20  }
0xa4: {  	_ =	swait.ge [sflag:s22], s20  }
0xa5: {  	s4 =	ssub.s32 $0x0, s20;
	[sflag:s22] =	ssyncset.done $0x0  }
0xa6: {  	[sflag:s22] =	ssyncadd.s32 s4;
	_ =	sdelay $0x1  }
0xa7: {  	s23 =	simm.s32 $0x1B8B  }
0xa8: {  	_ =	swait.ge [sflag:s23], $0x1  }
0xa9: {  	[sflag:s23] =	ssyncset.done $0x0  }
0xaa: {  	s25 =	simm.s32 $0x1B8E;
	s24 =	sld [smem:$0x3FFE];
	[sflag:s23] =	ssyncadd.s32 $0xFFFFFFFF  }
0xab: {  	s26 =	simm.s32 $execute0_lowered;
	[smem:$0x3FD2] =	sst s25  }
0xac: {  	s5 =	sshll.u32 s26, $0x1;
	_ =	strace $0x8000004F;
	[dreg:$0x1] =	wrdreg $0xFFFFFFFF  }
0xad: {  	s28 =	simm.s32 $_size_execute0_lowered;
	s3 =	sadd.s32 s3, s5;
	[dreg:$0x0] =	wrdreg $0x0  }
0xae: {  	s5 =	sshll.u32 s28, $0x1;
	[dreg:$0x2] =	wrdreg s3  }
0xaf: {  	[dreg:$0x3] =	wrdreg s5  }
0xb0: {  	[dreg:$0x4] =	wrdreg $0xC0  }
0xb1: {  	_ =	task [dreg:s7], $0x5FFFF  }
0xb2: {  	[dreg:$0x1] =	wrdreg $0xFFFFFFFF  }
0xb3: {  	[dreg:$0x0] =	wrdreg $0x60  }
0xb4: {  	[dreg:$0x2] =	wrdreg s16  }
0xb5: {  	[dreg:$0x3] =	wrdreg s24  }
0xb6: {  	[dreg:$0x4] =	wrdreg $0x0  }
0xb7: {  	[dreg:$0x5] =	wrdreg $0x9  }
0xb8: {  	_ =	task.clear_ibuf [dreg:s7], $0x6FFFF;
	_ =	strace $0x9000004F  }
0xb9: {  	s29 =	simm.s32 $0x9;
	_ =	strace $0x80000051  }
0xba: {  	_ =	swait.ge [sflag:s29], $0x1  }
0xbb: {  	[sflag:s29] =	ssyncadd.s32 $0xFFFFFFFF  }
0xbc: {  	_ =	strace $0x90000051  }
0xbd: {  	_ =	sfence  }
0xbe: {  	s30 =	sld [smem:$0x0];
	_ =	sdelay $0x2  }
0xbf: {  	s31 =	sshll.u32 s1, $0xD;
	s1 =	sshrl.u32 s1, $0x2  }
0xc0: {  	s3 =	sand.u32 $0x4000, s31;
	s1 =	sadd.s32 s1, s30  }
0xc1: {  	s0 =	sor.u32 s3, s0;
	s1 =	sshll.u32 s1, $0x11  }
0xc2: {  	s0 =	sor.u32 s1, s0  }
0xc3: {  	s0 =	sadd.s32 $0x8F2B, s0  }
0xc4: {  	[sflag:s0] =	ssyncadd.remote.s32 $0x1  }
0xc5: {  	_ =	sfence.sel $0xFFFF  }
0xc6: {  	[dreg:$0x0] =	wrdreg $0xFFFFFFFF;
	(pc) =	sbr.abs _section_cstart, $3  }
0xc7: {  	[dreg:$0x1] =	wrdreg $0xFFFFFFFF  }
0xc8: {  	_ =	task.clear_ibuf [dreg:s7], $0x2FFFF;
	_ =	strace $0x9FFFFFFF  }
0xc9: {  	(tm) =	ssettm $0x7FFFFFFF  }
tec
execute0_lowered:
.L_overlay_start_1:
0x0: {  	(tag) =	ssettag $0x1  }
0x1: {  	s19 =	rddreg [dreg:$0x0]  }
0x2: {  	s0 =	rddreg [dreg:$0x1]  }
0x3: {  	s2 =	rddreg [dreg:$0x2];
	s3 =	simm.s32 $0x0;
	s1 =	srdreg.scid  }
0x4: {  	s6 =	stileid.u32;
	[smem:$0x7FF] =	sst s3;
	s5 =	sadd.s32 $0x4000, s0  }
0x5: {  	s22 =	sadd.s32 $0x68000, s0;
	s7 =	sadd.s32 $0xCC000, s0;
	s4 =	smul.u32 $0x64000, s6  }
0x6: {  	s8 =	sadd.s32 $0x130000, s0;
	s1 =	sand.u32 $0x1, s1;
	s9 =	sadd.s32 $0x194000, s0  }
0x7: {  	s10 =	sadd.s32 $0x1F8000, s0;
	s13 =	ssub.s32 $0x2, s1;
	s4 =	sshrl.u32 s4, $0x2  }
0x8: {  	_ =	strace $0x80000050;
	s12 =	sshrl.u32 s13, $0x1;
	s4 =	sadd.s32 s4, s2  }
0x9: {  	s0 =	ssub.s32 s13, s12;
	s14 =	sadd.s32 $0x18000, s4;
	[dreg:$0x4] =	wrdreg s4  }
0xa: {  	s0 =	smax.u32 s0, $0x1;
	[dreg:$0x5] =	wrdreg s14  }
0xb: {  	s15 =	sadd.s32 $0x2000, s4;
	[dreg:$0x6] =	wrdreg s0  }
0xc: {  	s16 =	sadd.s32 $0x4000, s4;
	[dreg:$0x7] =	wrdreg s15  }
0xd: {  	s17 =	sadd.s32 $0x6000, s4;
	[dreg:$0x8] =	wrdreg s16  }
0xe: {  	s18 =	sadd.s32 $0x8000, s4;
	[dreg:$0x9] =	wrdreg s17  }
0xf: {  	s20 =	sadd.s32 $0xA000, s4;
	[dreg:$0xa] =	wrdreg s18  }
0x10: {  	s29 =	simm.s32 $0x1B300;
	s21 =	sadd.s32 $0xC000, s4;
	[dreg:$0xb] =	wrdreg s20  }
0x11: {  	s30 =	simm.s32 $0x3;
	s23 =	sadd.s32 $0xE000, s4;
	[dreg:$0xc] =	wrdreg s21  }
0x12: {  	s31 =	simm.s32 $0x1D300;
	s24 =	sadd.s32 $0x10000, s4;
	[dreg:$0xd] =	wrdreg s23  }
0x13: {  	s11 =	smul.u32 $0x640, s6;
	s25 =	sadd.s32 $0x12000, s4;
	[dreg:$0xe] =	wrdreg s24  }
0x14: {  	s6 =	smul.u32 $0x19000, s6;
	s26 =	sadd.s32 $0x14000, s4;
	[dreg:$0xf] =	wrdreg s25  }
0x15: {  	s13 =	smul.u32 $0x6400, s1;
	s28 =	sadd.s32 $0x16000, s4;
	[dreg:$0x10] =	wrdreg s26  }
0x16: {  	s12 =	simm.s32 $0x0;
	s4 =	simm.s32 $0x1AA80;
	[dreg:$0x11] =	wrdreg s28  }
0x17: {  	v1 =	vimm.f32 $0.0e+00;
	s15 =	simm.s32 $0x19200;
	s0 =	simm.s32 $0x1A200;
	s14 =	simm.s32 $0x80  }
0x18: {  	v2 =	vimm.s32 $0x0;
	v3 =	vlaneseq.u32;
	s16 =	simm.s32 $0x1;
	v0 =	vmov s13;
	s17 =	simm.s32 $0x2;
	s21 =	simm.s32 $0x1C300  }
.LBB2_1:
0x19: {  	[dreg:$0x12] =	wrdreg s12;
	s12 =	simm.s32 $0x100;
	s1 =	simm.s32 $0x0  }
.LBB2_2:
0x1a: {  	p0 =	sne.s32 s12, $0x7F00;
	[tilespmem:s1+$0x1B330] =	vst v1;
	s18 =	smov.u32 s12;
	s12 =	sadd.s32 $0x100, s12  }
.Ltmp0:
0x1b: {  	[tilespmem:s1+$0x1B320] =	vst v1;
	(pc) =	sbr.rel @p0 .LBB2_2-.Ltmp0, $3  }
0x1c: {  	[tilespmem:s1+$0x1B300] =	vst v1  }
0x1d: {  	[tilespmem:s1+$0x1B310] =	vst v1;
	_ =	sdelay $0x1  }
0x1e: {  	s1 =	sshra.s32 s18, $0x2  }
0x1f: {  	[tilespmem:s1+$0x1B330] =	vst v1  }
0x20: {  	[tilespmem:s1+$0x1B320] =	vst v1  }
0x21: {  	[tilespmem:s1+$0x1B300] =	vst v1  }
0x22: {  	[tilespmem:s1+$0x1B310] =	vst v1;
	s23 =	rddreg [dreg:$0x4]  }
0x23: {  	[spmem:s23] =	stream.linear.scatter [tilespmem:s29], [sflag:$0x3], $0x2000, $0x38;
	[tilespmem:$0x1F300] =	vst v63  }
0x24: {  	_ =	swait.ge [sflag:s30], $0x2000  }
0x25: {  	[sflag:s30] =	ssyncset.done $0x0  }
0x26: {  	s24 =	rddreg [dreg:$0x7];
	[sflag:s30] =	ssyncadd.s32 $0xFFFFE000  }
0x27: {  	[spmem:s24] =	stream.linear.scatter [tilespmem:s29], [sflag:$0x3], $0x2000, $0x38;
	[tilespmem:$0x1F300] =	vst v63  }
0x28: {  	_ =	swait.ge [sflag:s30], $0x2000  }
0x29: {  	[sflag:s30] =	ssyncset.done $0x0  }
0x2a: {  	s25 =	rddreg [dreg:$0x8];
	[sflag:s30] =	ssyncadd.s32 $0xFFFFE000  }
0x2b: {  	[spmem:s25] =	stream.linear.scatter [tilespmem:s29], [sflag:$0x3], $0x2000, $0x38;
	[tilespmem:$0x1F300] =	vst v63  }
0x2c: {  	_ =	swait.ge [sflag:s30], $0x2000  }
0x2d: {  	[sflag:s30] =	ssyncset.done $0x0  }
0x2e: {  	s26 =	rddreg [dreg:$0x9];
	[sflag:s30] =	ssyncadd.s32 $0xFFFFE000  }
0x2f: {  	[spmem:s26] =	stream.linear.scatter [tilespmem:s29], [sflag:$0x3], $0x2000, $0x38;
	[tilespmem:$0x1F300] =	vst v63  }
0x30: {  	_ =	swait.ge [sflag:s30], $0x2000  }
0x31: {  	[sflag:s30] =	ssyncset.done $0x0  }
0x32: {  	s28 =	rddreg [dreg:$0xa];
	[sflag:s30] =	ssyncadd.s32 $0xFFFFE000  }
0x33: {  	[spmem:s28] =	stream.linear.scatter [tilespmem:s29], [sflag:$0x3], $0x2000, $0x38;
	[tilespmem:$0x1F300] =	vst v63  }
0x34: {  	_ =	swait.ge [sflag:s30], $0x2000  }
0x35: {  	[sflag:s30] =	ssyncset.done $0x0  }
0x36: {  	s12 =	rddreg [dreg:$0xb];
	[sflag:s30] =	ssyncadd.s32 $0xFFFFE000  }
0x37: {  	[spmem:s12] =	stream.linear.scatter [tilespmem:s29], [sflag:$0x3], $0x2000, $0x38;
	[tilespmem:$0x1F300] =	vst v63  }
0x38: {  	_ =	swait.ge [sflag:s30], $0x2000  }
0x39: {  	[sflag:s30] =	ssyncset.done $0x0  }
0x3a: {  	s18 =	rddreg [dreg:$0xc];
	[sflag:s30] =	ssyncadd.s32 $0xFFFFE000  }
0x3b: {  	[spmem:s18] =	stream.linear.scatter [tilespmem:s29], [sflag:$0x3], $0x2000, $0x38;
	[tilespmem:$0x1F300] =	vst v63  }
0x3c: {  	_ =	swait.ge [sflag:s30], $0x2000  }
0x3d: {  	[sflag:s30] =	ssyncset.done $0x0  }
0x3e: {  	s20 =	rddreg [dreg:$0xd];
	[sflag:s30] =	ssyncadd.s32 $0xFFFFE000  }
0x3f: {  	[spmem:s20] =	stream.linear.scatter [tilespmem:s29], [sflag:$0x3], $0x2000, $0x38;
	[tilespmem:$0x1F300] =	vst v63  }
0x40: {  	_ =	swait.ge [sflag:s30], $0x2000  }
0x41: {  	[sflag:s30] =	ssyncset.done $0x0  }
0x42: {  	s23 =	rddreg [dreg:$0xe];
	[sflag:s30] =	ssyncadd.s32 $0xFFFFE000  }
0x43: {  	[spmem:s23] =	stream.linear.scatter [tilespmem:s29], [sflag:$0x3], $0x2000, $0x38;
	[tilespmem:$0x1F300] =	vst v63  }
0x44: {  	_ =	swait.ge [sflag:s30], $0x2000  }
0x45: {  	[sflag:s30] =	ssyncset.done $0x0  }
0x46: {  	s24 =	rddreg [dreg:$0xf];
	[sflag:s30] =	ssyncadd.s32 $0xFFFFE000  }
0x47: {  	[spmem:s24] =	stream.linear.scatter [tilespmem:s29], [sflag:$0x3], $0x2000, $0x38;
	[tilespmem:$0x1F300] =	vst v63  }
0x48: {  	_ =	swait.ge [sflag:s30], $0x2000  }
0x49: {  	[sflag:s30] =	ssyncset.done $0x0  }
0x4a: {  	s25 =	rddreg [dreg:$0x10];
	[sflag:s30] =	ssyncadd.s32 $0xFFFFE000  }
0x4b: {  	[spmem:s25] =	stream.linear.scatter [tilespmem:s29], [sflag:$0x3], $0x2000, $0x38;
	[tilespmem:$0x1F300] =	vst v63  }
0x4c: {  	_ =	swait.ge [sflag:s30], $0x2000  }
0x4d: {  	[sflag:s30] =	ssyncset.done $0x0  }
0x4e: {  	s26 =	rddreg [dreg:$0x11];
	[sflag:s30] =	ssyncadd.s32 $0xFFFFE000  }
0x4f: {  	[spmem:s26] =	stream.linear.scatter [tilespmem:s29], [sflag:$0x3], $0x2000, $0x38;
	[tilespmem:$0x1F300] =	vst v63  }
0x50: {  	_ =	swait.ge [sflag:s30], $0x2000  }
0x51: {  	[sflag:s30] =	ssyncset.done $0x0  }
0x52: {  	s28 =	rddreg [dreg:$0x5];
	[sflag:s30] =	ssyncadd.s32 $0xFFFFE000  }
0x53: {  	[spmem:s28] =	stream.linear.scatter [tilespmem:s29], [sflag:$0x3], $0x1000, $0x38;
	[tilespmem:$0x1F300] =	vst v63  }
.Ltmp1:
0x54: {  	_ =	swait.ge [sflag:s30], $0x1000;
	(pc) =	sbr.rel .LBB2_4-.Ltmp1, $4  }
0x55: {  	[sflag:s30] =	ssyncset.done $0x0  }
0x56: {  	[sflag:s30] =	ssyncadd.s32 $0xFFFFF000  }
0x57: {  	[bflag:$0x0] =	sbarrier.arrive $0xFFFF  }
0x58: {  	s23 =	simm.s32 $0x0;
	s24 =	simm.s32 $0x0  }
.LBB2_12:
0x59: {  	[tilespmem:s20], [sflag:$0x1] =	stream.indirect.gather @!p0 [hbm4b:s5+s31], $0x40, s28, s31, $0xb8;
	[tilespmem:$0x1F300] =	vst v63  }
0x5a: {  	s19 =	smov.u32 s6;
	s22 =	smov.u32 s7;
	s7 =	smov.u32 s8  }
0x5b: {  	s8 =	smov.u32 s9;
	s9 =	smov.u32 s10;
	s10 =	smov.u32 s11  }
0x5c: {  	s11 =	smov.u32 s13;
	s13 =	smov.u32 s15;
	s6 =	smov.u32 s21  }
0x5d: {  	s15 =	simm.s32 $0x19200;
	s31 =	simm.s32 $0x1D300;
	s21 =	simm.s32 $0x1C300  }
.LBB2_13:
0x5e: {  	_ =	swait.ge [sflag:s17], $0x2000  }
0x5f: {  	[sflag:s17] =	ssyncset.done $0x0  }
0x60: {  	[sflag:s17] =	ssyncadd.s32 $0xFFFFE000  }
.LBB2_14:
0x61: {  	s24 =	sadd.s32 $0x1, s24  }
0x62: {  	p0 =	sne.s32 s24, $0x19  }
.Ltmp2:
0x63: {  	_ = 	snop;
	(pc) =	sbr.rel @!p0 .LBB2_15-.Ltmp2, $1  }
0x64: {  	_ =	sdelay $0x3  }
.LBB2_4:
0x65: {  	s1 =	sshll.u32 s24, $0xC  }
0x66: {  	s1 =	sadd.s32 s6, s1  }
0x67: {  	s1 =	sshrl.u32 s1, $0x3  }
0x68: {  	s1 =	sadd.s32 s19, s1  }
0x69: {  	[tilespmem:s15], [sflag:$0x3] =	stream.linear.gather [hbm4b:s1+s23], $0x1000, $0x38;
	[tilespmem:$0x1F300] =	vst v63  }
0x6a: {  	s26 =	sand.u32 $0x70, s23;
	s12 =	sand.u32 $0xF00, s23;
	_ =	swait.ge [sflag:s30], $0x1000  }
0x6b: {  	s1 =	sor.u32 s26, s12;
	[sflag:s30] =	ssyncset.done $0x0  }
0x6c: {  	s12 =	sadd.s32 $0x19200, s1;
	[sflag:s30] =	ssyncadd.s32 $0xFFFFF000  }
0x6d: {  	v4 =	vld [tilespmem:s12+$0x80];
	_ =	sdelay $0x4  }
0x6e: {  	v4 =	vsub.s32 v4, v0  }
0x6f: {  	vm0 =	vlt.u32 v4, $0x6400  }
0x70: {  	v5 =	vsel vm0, $0x1, v2;
	v6 =	vmpcnt.ones.xlane vm0  }
0x71: {  	(xrf0) =	vadd.scan.msk.s32 $0xffff, v5  }
0x72: {  	(v2sf) =	vpush v6, $0x0;
	_ =	sdelay $0x4  }
0x73: {  	v7, _, _ =	vpop (xrf0)  }
0x74: {  	v5 =	vsub.s32 v7, v5  }
0x75: {  	s28 =	simm.s32 $0x20;
	v6 =	vld [tilespmem:s1+$0x19200];
	v5 =	vadd.s32 s23, v5  }
0x76: {  	s25 =	simm.s32 $0x0;
	s26 =	simm.s32 $0x10;
	s12 =	simm.s32 $0x0  }
.LBB2_5:
0x77: {  	p0 =	sne.s32 s28, $0x7F0  }
0x78: {  	s12 =	sadd.s32 $0x20, s12  }
0x79: {  	s1 =	sand.u32 $0x70, s26;
	s26 =	smov.u32 s28;
	s18 =	sand.u32 $0xF00, s12  }
0x7a: {  	s1 =	sor.u32 s1, s18;
	[tilespmem:v5+s0+$0x0] =	vst.idx.msk vm0, v6  }
0x7b: {  	s18 =	sadd.s32 $0x19200, s1;
	[tilespmem:v5+s4+$0x0] =	vst.idx.msk vm0, v4  }
0x7c: {  	v4 =	vld [tilespmem:s18+$0x80]  }
0x7d: {  	s18 =	spop (v2sf)  }
0x7e: {  	s25 =	sadd.s32 s25, s18;
	_ =	sdelay $0x2  }
0x7f: {  	v4 =	vsub.s32 v4, v0  }
0x80: {  	vm0 =	vlt.u32 v4, $0x6400  }
0x81: {  	v5 =	vsel vm0, $0x1, v2;
	v6 =	vmpcnt.ones.xlane vm0  }
0x82: {  	(xrf0) =	vadd.scan.msk.s32 $0xffff, v5  }
0x83: {  	(v2sf) =	vpush v6, $0x0;
	_ =	sdelay $0x3  }
.Ltmp3:
0x84: {  	(pc) =	sbr.rel @p0 .LBB2_5-.Ltmp3, $4  }
0x85: {  	v6, _, _ =	vpop (xrf0)  }
0x86: {  	v5 =	vsub.s32 v6, v5  }
0x87: {  	v6 =	vld [tilespmem:s1+$0x19200];
	v5 =	vadd.s32 s25, v5  }
0x88: {  	s28 =	sadd.s32 $0x10, s28  }
0x89: {  	_ =	sdelay $0x2  }
0x8a: {  	s1 =	sadd.s32 $0x20, s12  }
0x8b: {  	s20 =	sand.u32 $0x70, s26;
	s1 =	sand.u32 $0xF00, s1  }
0x8c: {  	s1 =	sor.u32 s20, s1;
	[tilespmem:v5+s0+$0x0] =	vst.idx.msk vm0, v6  }
0x8d: {  	s12 =	sadd.s32 $0x19200, s1;
	[tilespmem:v5+s4+$0x0] =	vst.idx.msk vm0, v4  }
0x8e: {  	v4 =	vld [tilespmem:s12+$0x80];
	_ =	sdelay $0x4  }
0x8f: {  	v6 =	vsub.s32 v4, v0  }
0x90: {  	vm1 =	vlt.u32 v6, $0x6400  }
0x91: {  	v4 =	vmpcnt.ones.xlane vm1;
	_ =	sdelay $0x1  }
0x92: {  	(v2sf) =	vpush v4, $0x0;
	_ =	sdelay $0x5  }
0x93: {  	v4 =	vsel vm1, $0x1, v2  }
0x94: {  	(xrf0) =	vadd.scan.msk.s32 $0xffff, v4;
	_ =	sdelay $0x5  }
0x95: {  	s26 =	spop (v2sf);
	v5, _, _ =	vpop (xrf0)  }
0x96: {  	s12 =	sadd.s32 s25, s26;
	v4 =	vsub.s32 v5, v4  }
0x97: {  	v7 =	vld [tilespmem:s1+$0x19200];
	v8 =	vadd.s32 s12, v4;
	s28 =	spop (v2sf)  }
0x98: {  	s12 =	sadd.s32 s12, s28  }
0x99: {  	s1 =	sadd.s32 $0x7F, s12  }
0x9a: {  	s20 =	sadd.s32 $0x0, s12;
	s18 =	sand.u32 $0xFFFFFF80, s1  }
0x9b: {  	v4 =	vadd.s32 s20, v3;
	v5 =	vmov s18  }
0x9c: {  	[tilespmem:v8+s0+$0x0] =	vst.idx.msk vm1, v7;
	vm0 =	vlt.s32 v4, v5  }
0x9d: {  	[tilespmem:v8+s4+$0x0] =	vst.idx.msk vm1, v6;
	s18 =	simm.s32 $0x10;
	vm1 =	vmmov vm0  }
.LBB2_7:
0x9e: {  	p0 =	sne.s32 s18, $0x70  }
.Ltmp4:
0x9f: {  	_ = 	snop;
	(pc) =	sbr.rel @p0 .LBB2_7-.Ltmp4, $4  }
0xa0: {  	s20 =	sadd.s32 s18, s12;
	v6 =	vand.u32 $0x3FF, v4  }
0xa1: {  	v8 =	vand.u32 $0x7F, v4;
	v7 =	vadd.s32 s20, v3;
	v6 =	vadd.s32 $0xC350, v6  }
0xa2: {  	[tilespmem:v4+s0+$0x0] =	vst.idx.msk vm0, v6;
	vm0 =	vlt.s32 v7, v5;
	v6 =	vor.u32 $0x6400, v8  }
0xa3: {  	s18 =	sadd.s32 $0x10, s18;
	[tilespmem:v4+s4+$0x0] =	vst.idx.msk vm1, v6;
	v4 =	vmov v7;
	vm1 =	vmmov vm0  }
0xa4: {  	s25 =	sshra.s32 s1, $0x7  }
0xa5: {  	p0 =	slt.s32 s25, $0x1  }
.Ltmp5:
0xa6: {  	_ = 	snop;
	(pc) =	sbr.rel @p0 .LBB2_14-.Ltmp5, $4  }
0xa7: {  	v5 =	vand.u32 $0x3FF, v4  }
0xa8: {  	v6 =	vand.u32 $0x7F, v4;
	v5 =	vadd.s32 $0xC350, v5  }
0xa9: {  	[tilespmem:v4+s0+$0x0] =	vst.idx.msk vm0, v5;
	v5 =	vor.u32 $0x6400, v6  }
0xaa: {  	[tilespmem:v4+s4+$0x0] =	vst.idx.msk vm1, v5  }
0xab: {  	[tilespmem:s29], [sflag:$0x1] =	stream.indirect.gather [hbm4b:s5+s14], $0x40, s0, s14, $0xb8;
	[tilespmem:$0x1F300] =	vst v63  }
0xac: {  	p0 =	seq.s32 s25, $0x1  }
.Ltmp6:
0xad: {  	_ = 	snop;
	(pc) =	sbr.rel @p0 .LBB2_13-.Ltmp6, $4  }
0xae: {  	_ =	swait.ge [sflag:s16], $0x2000  }
0xaf: {  	[sflag:s16] =	ssyncset.done $0x0  }
0xb0: {  	[sflag:s16] =	ssyncadd.s32 $0xFFFFE000  }
0xb1: {  	[spmem:s2] =	stream.indirect.scatter.add.f32 [tilespmem:s29], [sflag:$0x2], $0x40, s4, s14, $0xb8;
	[tilespmem:$0x1F300] =	vst v63  }
0xb2: {  	s21 =	smov.u32 s6;
	s15 =	smov.u32 s13;
	s13 =	smov.u32 s11  }
0xb3: {  	s11 =	smov.u32 s10;
	s10 =	smov.u32 s9;
	s9 =	smov.u32 s8  }
0xb4: {  	s8 =	smov.u32 s7;
	s7 =	smov.u32 s22;
	s6 =	smov.u32 s19  }
0xb5: {  	s1 =	simm.s32 $0x80;
	s12 =	simm.s32 $0x1A280;
	s26 =	sadd.s32 $0xFFFFFFFF, s25  }
0xb6: {  	[tilespmem:s31], [sflag:$0x1] =	stream.indirect.gather [hbm4b:s5+s1], $0x40, s12, s1, $0xb8;
	[tilespmem:$0x1F300] =	vst v63  }
0xb7: {  	s28 =	simm.s32 $0x1A300;
	s20 =	simm.s32 $0x1AB00;
	_ =	swait.ge [sflag:s16], $0x2000  }
0xb8: {  	s18 =	simm.s32 $0x100;
	p0 =	sle.s32 s25, $0x2;
	[sflag:s16] =	ssyncset.done $0x0  }
0xb9: {  	s12 =	simm.s32 $0x1;
	p1 =	sne.s32 s26, $0x1;
	[sflag:s16] =	ssyncadd.s32 $0xFFFFE000  }
.Ltmp7:
0xba: {  	s1 =	sand.u32 $0x80, s1;
	_ =	swait.ge [sflag:s17], $0x2000;
	(pc) =	sbr.rel @!p1 .LBB2_12-.Ltmp7, $4  }
0xbb: {  	s31 =	simm.s32 @!p0 $0x80;
	s19 =	sshll.u32 s1, $0x6;
	[sflag:s17] =	ssyncset.done $0x0  }
0xbc: {  	s1 =	sshll.u32 @!p0 s1, $0x6;
	s22 =	sadd.s32 $0x1B300, s19;
	[sflag:s17] =	ssyncadd.s32 $0xFFFFE000  }
0xbd: {  	[spmem:s2] =	stream.indirect.scatter.add.f32 [tilespmem:s22], [sflag:$0x2], $0x40, s20, s14, $0xb8;
	[tilespmem:$0x1F300] =	vst v63  }
0xbe: {  	s20 =	ssub.s32 @!p0 $0x1D300, s1;
	s22 =	simm.s32 $0x1A380;
	s1 =	simm.s32 $0x1AB80  }
.LBB2_11:
0xbf: {  	[tilespmem:s20], [sflag:$0x1] =	stream.indirect.gather @!p0 [hbm4b:s5+s31], $0x40, s28, s31, $0xb8;
	[tilespmem:$0x1F300] =	vst v63  }
0xc0: {  	s20 =	smov.u32 s12;
	s31 =	smov.u32 s18;
	s28 =	smov.u32 s22  }
0xc1: {  	s12 =	sadd.s32 $0x1, s12;
	_ =	swait.ge [sflag:s16], $0x2000  }
0xc2: {  	s18 =	sadd.s32 $0x80, s18;
	p1 =	sne.s32 s26, s12;
	[sflag:s16] =	ssyncset.done $0x0  }
0xc3: {  	s31 =	sand.u32 $0x80, s31;
	s20 =	sadd.s32 $0x2, s20;
	[sflag:s16] =	ssyncadd.s32 $0xFFFFE000  }
.Ltmp8:
0xc4: {  	s19 =	sshll.u32 s31, $0x6;
	_ =	swait.ge [sflag:s17], $0x2000;
	(pc) =	sbr.rel @p1 .LBB2_11-.Ltmp8, $4  }
0xc5: {  	p0 =	sge.s32 s20, s25;
	s19 =	sadd.s32 $0x1B300, s19;
	[sflag:s17] =	ssyncset.done $0x0  }
0xc6: {  	s20 =	sshll.u32 @!p0 s31, $0x6;
	s31 =	simm.s32 @!p0 $0x80;
	[sflag:s17] =	ssyncadd.s32 $0xFFFFE000  }
0xc7: {  	[spmem:s2] =	stream.indirect.scatter.add.f32 [tilespmem:s19], [sflag:$0x2], $0x40, s1, s14, $0xb8;
	[tilespmem:$0x1F300] =	vst v63  }
0xc8: {  	s22 =	sadd.s32 $0x80, s22;
	s20 =	ssub.s32 @!p0 $0x1D300, s20;
	s1 =	sadd.s32 $0x80, s1  }
.Ltmp9:
0xc9: {  	_ = 	snop;
	(pc) =	sbr.rel .LBB2_12-.Ltmp9, $1  }
0xca: {  	_ =	sdelay $0x3  }
.LBB2_15:
0xcb: {  	[bflag:$0x0] =	sbarrier.arrive $0xFFFF;
	s23 =	simm.s32 $0x0  }
.LBB2_16:
0xcc: {  	s1 =	sshll.u32 s23, $0x6  }
0xcd: {  	s1 =	sadd.s32 s11, s1  }
0xce: {  	s12 =	sshll.u32 s1, $0x6  }
0xcf: {  	s12 =	sand.u32 $0x3FFFFFC0, s12  }
0xd0: {  	s12 =	sadd.s32 s12, s2  }
0xd1: {  	[tilespmem:s29], [sflag:$0x3] =	stream.linear.gather [spmem:s12], $0x1000, $0x38;
	[tilespmem:$0x1F300] =	vst v63  }
0xd2: {  	s1 =	sadd.s32 s13, s1;
	_ =	swait.ge [sflag:s30], $0x1000  }
0xd3: {  	s24 =	sshll.u32 s1, $0x3;
	[sflag:s30] =	ssyncset.done $0x0  }
0xd4: {  	s1 =	sadd.s32 s22, s24;
	[sflag:s30] =	ssyncadd.s32 $0xFFFFF000  }
0xd5: {  	[tilespmem:s21], [sflag:$0x3] =	stream.linear.gather [hbm4b:s1+s3], $0x1000, $0x38;
	[tilespmem:$0x1F300] =	vst v63  }
0xd6: {  	_ =	swait.ge [sflag:s30], $0x1000  }
0xd7: {  	[sflag:s30] =	ssyncset.done $0x0  }
0xd8: {  	s26 =	sadd.s32 s7, s24;
	[sflag:s30] =	ssyncadd.s32 $0xFFFFF000  }
0xd9: {  	[tilespmem:s31], [sflag:$0x3] =	stream.linear.gather [hbm4b:s26+s3], $0x1000, $0x38;
	[tilespmem:$0x1F300] =	vst v63  }
0xda: {  	_ =	swait.ge [sflag:s30], $0x1000  }
0xdb: {  	[sflag:s30] =	ssyncset.done $0x0  }
0xdc: {  	s28 =	sadd.s32 s8, s24;
	s12 =	simm.s32 $0x1E300;
	[sflag:s30] =	ssyncadd.s32 $0xFFFFF000  }
0xdd: {  	[tilespmem:s12], [sflag:$0x3] =	stream.linear.gather [hbm4b:s28+s3], $0x1000, $0x38;
	[tilespmem:$0x1F300] =	vst v63  }
0xde: {  	_ =	swait.ge [sflag:s30], $0x1000  }
0xdf: {  	[sflag:s30] =	ssyncset.done $0x0  }
0xe0: {  	s25 =	simm.s32 $0x1020;
	[sflag:s30] =	ssyncadd.s32 $0xFFFFF000  }
0xe1: {  	v7 =	vld [tilespmem:s25+$0x1C310]  }
0xe2: {  	v5 =	vld [tilespmem:s25+$0x1C2F0]  }
0xe3: {  	v4 =	vld [tilespmem:s25+$0x1C2E0]  }
0xe4: {  	v9 =	vld [tilespmem:s25+$0x1C300]  }
0xe5: {  	v6 =	vld [tilespmem:s25+$0x1D310]  }
0xe6: {  	v14 =	vld [tilespmem:s25+$0x1B310]  }
0xe7: {  	v15 =	vld [tilespmem:s25+$0x1A310]  }
0xe8: {  	v8 =	vld [tilespmem:s25+$0x1A300]  }
0xe9: {  	v16 =	vld [tilespmem:s25+$0x1B2F0]  }
0xea: {  	v13 =	vld [tilespmem:s25+$0x1A2F0]  }
0xeb: {  	v12 =	vld [tilespmem:s25+$0x1B2E0]  }
0xec: {  	v10 =	vld [tilespmem:s25+$0x1A2E0];
	v17 =	vmul.f32 v7, v15  }
0xed: {  	v11 =	vld [tilespmem:s25+$0x1B300];
	v15 =	vmul.f32 v14, v15;
	v18 =	vmul.f32 v9, v8  }
0xee: {  	v7 =	vld [tilespmem:s25+$0x1D300];
	[tilespmem:s25+$0x1A310] =	vst v17  }
0xef: {  	s26 =	simm.s32 $0x4180;
	v9 =	vld [tilespmem:s25+$0x1D2F0];
	v14 =	vmul.f32 v16, v13;
	[tilespmem:s25+$0x1A300] =	vst v18;
	v15 =	vmul.f32 $2.500000000e-01, v15  }
.LBB2_17:
0xf0: {  	s1 =	sshra.s32 s26, $0x2;
	p0 =	sne.s32 s26, $0x7F80;
	s26 =	sadd.s32 $0x100, s26;
	v16 =	vld [tilespmem:s25+$0x1D2E0];
	v13 =	vmul.f32 v5, v13  }
0xf1: {  	v17 =	vld [tilespmem:s1+$0x1C310];
	v12 =	vmul.f32 v12, v10;
	v10 =	vmul.f32 v4, v10;
	v6 =	vadd.f32 v15, v6  }
0xf2: {  	v14 =	vmul.f32 $2.500000000e-01, v14;
	v5 =	vld [tilespmem:s1+$0x1C2F0];
	[tilespmem:s25+$0x1A2F0] =	vst v13;
	v8 =	vmul.f32 v11, v8  }
0xf3: {  	v4 =	vld [tilespmem:s1+$0x1C2E0];
	v11 =	vmul.f32 $2.500000000e-01, v12;
	[tilespmem:s25+$0x1D310] =	vst v6  }
0xf4: {  	v15 =	vld [tilespmem:s1+$0x1C300];
	[tilespmem:s25+$0x1A2E0] =	vst v10;
	v9 =	vadd.f32 v14, v9;
	v8 =	vmul.f32 $2.500000000e-01, v8  }
0xf5: {  	v6 =	vld [tilespmem:s1+$0x1D310];
	v10 =	vadd.f32 v11, v16  }
0xf6: {  	v11 =	vld [tilespmem:s1+$0x1B310];
	[tilespmem:s25+$0x1D2F0] =	vst v9;
	v7 =	vadd.f32 v8, v7  }
0xf7: {  	v9 =	vld [tilespmem:s1+$0x1A310];
	[tilespmem:s25+$0x1D2E0] =	vst v10  }
0xf8: {  	v8 =	vld [tilespmem:s1+$0x1A300];
	[tilespmem:s25+$0x1D300] =	vst v7;
	s25 =	smov.u32 s1  }
0xf9: {  	v14 =	vld [tilespmem:s25+$0x1B2F0]  }
0xfa: {  	v13 =	vld [tilespmem:s25+$0x1A2F0]  }
.Ltmp10:
0xfb: {  	v12 =	vld [tilespmem:s25+$0x1B2E0];
	(pc) =	sbr.rel @p0 .LBB2_17-.Ltmp10, $4  }
0xfc: {  	v10 =	vld [tilespmem:s25+$0x1A2E0];
	v16 =	vmul.f32 v11, v9;
	v9 =	vmul.f32 v17, v9  }
0xfd: {  	v11 =	vld [tilespmem:s25+$0x1B300];
	v15 =	vmul.f32 v15, v8  }
0xfe: {  	v7 =	vld [tilespmem:s25+$0x1D300];
	[tilespmem:s25+$0x1A310] =	vst v9  }
0xff: {  	v9 =	vld [tilespmem:s25+$0x1D2F0];
	v14 =	vmul.f32 v14, v13;
	[tilespmem:s25+$0x1A300] =	vst v15;
	v15 =	vmul.f32 $2.500000000e-01, v16  }
0x100: {  	v16 =	vld [tilespmem:s25+$0x1D2E0]  }
0x101: {  	v5 =	vmul.f32 v5, v13;
	v12 =	vmul.f32 v12, v10  }
0x102: {  	v6 =	vadd.f32 v15, v6;
	v62 =	vmul.f32 $2.500000000e-01, v14;
	v8 =	vmul.f32 v11, v8  }
0x103: {  	v4 =	vmul.f32 v4, v10;
	[tilespmem:s25+$0x1A2F0] =	vst v5;
	v5 =	vmul.f32 $2.500000000e-01, v12  }
0x104: {  	[tilespmem:s25+$0x1D310] =	vst v6;
	v63 =	vadd.f32 v62, v9;
	v8 =	vmul.f32 $2.500000000e-01, v8  }
0x105: {  	[tilespmem:s25+$0x1A2E0] =	vst v4;
	v4 =	vadd.f32 v5, v16  }
0x106: {  	[tilespmem:s25+$0x1D2F0] =	vst v63;
	v5 =	vadd.f32 v8, v7  }
0x107: {  	[tilespmem:s25+$0x1D2E0] =	vst v4  }
0x108: {  	s1 =	sadd.s32 s10, s24;
	[tilespmem:s25+$0x1D300] =	vst v5  }
0x109: {  	[hbm4b:s1+s3] =	stream.linear.scatter [tilespmem:s12], [sflag:$0x3], $0x1000, $0x38;
	[tilespmem:$0x1F300] =	vst v63  }
0x10a: {  	s23 =	sadd.s32 $0x1, s23;
	_ =	swait.ge [sflag:s30], $0x1000  }
0x10b: {  	p0 =	sne.s32 s23, $0x19;
	[sflag:s30] =	ssyncset.done $0x0  }
.Ltmp11:
0x10c: {  	s28 =	sadd.s32 s9, s24;
	[sflag:s30] =	ssyncadd.s32 $0xFFFFF000;
	(pc) =	sbr.rel @p0 .LBB2_16-.Ltmp11, $4  }
0x10d: {  	[hbm4b:s28+s3] =	stream.linear.scatter [tilespmem:s29], [sflag:$0x3], $0x1000, $0x38;
	[tilespmem:$0x1F300] =	vst v63  }
0x10e: {  	_ =	swait.ge [sflag:s30], $0x1000  }
0x10f: {  	[sflag:s30] =	ssyncset.done $0x0  }
0x110: {  	[sflag:s30] =	ssyncadd.s32 $0xFFFFF000  }
0x111: {  	s12 =	rddreg [dreg:$0x12]  }
0x112: {  	s1 =	rddreg [dreg:$0x6];
	s12 =	sadd.s32 $0x1, s12  }
0x113: {  	p0 =	sne.s32 s12, s1  }
.Ltmp12:
0x114: {  	_ = 	snop;
	(pc) =	sbr.rel @p0 .LBB2_1-.Ltmp12, $1  }
0x115: {  	_ =	sdelay $0x3  }
0x116: {  	_ =	sfence.sel $0x180000  }
0x117: {  	[bflag:$0x0] =	sbarrier.arrive $0xFFFF  }
0x118: {  	_ =	strace $0x90000050  }
0x119: {  	s0 =	stileid.u32;
	[bflag:$0x2] =	sbarrier.arrive $0xFFFF  }
0x11a: {  	p0 =	sne.s32 s0, $0x0;
	s0 =	rddreg [dreg:$0x3]  }
0x11b: {  	s0 =	sadd.s32 @!p0 $0x100000, s0  }
0x11c: {  	[sflag:s0] =	ssyncadd.tile.s32 @!p0 $0x1;
	_ =	shalt  }
.Lfunc_end2:
_tile_overlayer_lowered:
.L_overlay_start_2:
0x11d: {  	(tag) =	ssettag $0x2  }
0x11e: {  	s0 =	rddreg [dreg:$0x0];
	s2 =	stileid.u32  }
0x11f: {  	s1 =	rddreg [dreg:$0x1];
	p0 =	sne.s32 s2, $0x0  }
0x120: {  	s3 =	rddreg [dreg:$0x2];
	[bflag:$0x3] =	sbarrier.arrive $0xFFFF;
	s2 =	simm.s32 @!p0 $0x1C03  }
0x121: {  	[timem:s3], [sflag:s2] =	dma.local @!p0 [hbm:s0], s1  }
0x122: {  	s0 =	simm.s32 @!p0 $0x3  }
0x123: {  	_ =	swait.ge @!p0 [sflag:s0], s1  }
0x124: {  	s1 =	ssub.s32 @!p0 $0x0, s1;
	[sflag:s0] =	ssyncset.done @!p0 $0x0  }
0x125: {  	[sflag:s0] =	ssyncadd.s32 @!p0 s1  }
0x126: {  	[bflag:$0x3] =	sbarrier.arrive $0xFFFF  }
0x127: {  	_ =	shalt  }

// kernel: kernel.7.cloned.1.call-start
scs
__scs_entry_jumppad:
0x0: {  	(pc) =	sbr.rel $0x88, $3  }
0x1: {  	(tag) =	ssettag $0x0;
	lr =	simm.s32 $0x1  }
0x2: {  	[smem:$0x3F9F] =	sst lr;
	_ =	strace $0xD0000000  }
0x3: {  	_ = 	snop  }
0x4: {  	_ = 	snop  }
0x5: {  	_ = 	snop  }
0x6: {  	_ = 	snop  }
0x7: {  	_ = 	snop  }
__scs_overlays_trampoline_lowered:
0x8: {  	[smem:$0x3FAE] =	sst s0  }
0x9: {  	[smem:$0x3FAF] =	sst s1  }
0xa: {  	[smem:$0x3FB0] =	sst s2  }
0xb: {  	[smem:$0x3FB1] =	sst s3  }
0xc: {  	[smem:$0x3FB2] =	sst s4  }
0xd: {  	[smem:$0x3FB3] =	sst s5  }
0xe: {  	[smem:$0x3FB4] =	sst s6  }
0xf: {  	[smem:$0x3FB5] =	sst s7  }
0x10: {  	[smem:$0x3FB6] =	sst s8  }
0x11: {  	[smem:$0x3FB7] =	sst s9;
	s0 =	simm.s32 @!p0 $0x0  }
0x12: {  	s1 =	sld [smem:$0x3F9D];
	s0 =	simm.s32 @p0 $0x1  }
0x13: {  	[smem:$0x3FB8] =	sst s0;
	s0 =	simm.s32 @!p1 $0x0  }
0x14: {  	s2 =	sld [smem:$0x3F9C];
	s0 =	simm.s32 @p1 $0x1  }
0x15: {  	[smem:$0x3FB9] =	sst s0;
	s0 =	simm.s32 @!p2 $0x0  }
0x16: {  	s3 =	sld [smem:$0x3FDB];
	s0 =	simm.s32 @p2 $0x1  }
0x17: {  	s4 =	simm.s32 $0x1BF5;
	[smem:$0x3FBB] =	sst s0  }
0x18: {  	s0 =	sld [smem:$0x3F9E];
	_ =	swait.ge [sflag:s4], $0x0  }
0x19: {  	s7 =	sld [smem:$0x3F9F]  }
0x1a: {  	s8 =	sadd.s32 $0xFFFFE003, lr  }
0x1b: {  	s9 =	sadd.s32 $0xFFFFFEF7, lr;
	s5 =	simm.s32 $0xFFFFFFFF;
	p2 =	slt.u32 s8, $0xFFFFF086  }
0x1c: {  	p1 =	slt.u32 s9, $0xF7A;
	s5 =	simm.s32 @!p2 $0x0  }
0x1d: {  	s5 =	simm.s32 @p1 $0x1;
	p0 =	seq.s32 s7, s2  }
0x1e: {  	s7 =	smul.u32 @!p0 $0xF7A, s2;
	p2 =	seq.s32 @!p0 s5, $0x0  }
0x1f: {  	s9 =	smul.u32 $0xF7A, s1;
	s8 =	simm.s32 @!p0 $0x1BF5;
	p2 =	por !p2, p0  }
0x20: {  	[sflag:s8] =	ssyncset.s32 @!p0 $0xFFFFF086;
	s6 =	sadd.s32 @!p0 s3, s7;
	s7 =	simm.s32 @!p0 $0x108  }
0x21: {  	s3 =	sadd.s32 s3, s9;
	s6 =	sadd.s32 @!p0 $0x88, s6;
	s7 =	simm.s32 @p2 $0x1082  }
0x22: {  	[simem:s7], [sflag:s8] =	dma.local @!p0 [hbm:s6], $0xF7A  }
0x23: {  	s9 =	sor.u32 $0xD0000000, s2;
	s6 =	simm.s32 $0x108;
	_ =	swait.ge @!p0 [sflag:s8], $0x0  }
0x24: {  	s3 =	sadd.s32 $0x88, s3;
	s6 =	simm.s32 @!p1 $0x1082;
	[sflag:s4] =	ssyncset.s32 $0xFFFFF086  }
0x25: {  	[simem:s6], [sflag:s4] =	dma.local [hbm:s3], $0xF7A  }
0x26: {  	[smem:$0x3F9F] =	sst s1;
	(tag) =	ssettag s2;
	_ =	strace s9  }
0x27: {  	s1 =	sld [smem:$0x3FAF]  }
0x28: {  	s2 =	sld [smem:$0x3FB0]  }
0x29: {  	s4 =	sld [smem:$0x3FB2]  }
0x2a: {  	p0 =	seq.s32 s5, $0x0;
	s5 =	sld [smem:$0x3FB3]  }
0x2b: {  	s6 =	sld [smem:$0x3FB4]  }
0x2c: {  	s7 =	sld [smem:$0x3FB5]  }
0x2d: {  	s3 =	simm.s32 $0x108;
	s8 =	sld [smem:$0x3FB6]  }
0x2e: {  	s3 =	simm.s32 @!p0 $0x1082;
	s9 =	sld [smem:$0x3FB7]  }
0x2f: {  	lr =	sadd.s32 s0, s3;
	s0 =	sld [smem:$0x3FAE]  }
0x30: {  	s3 =	sld [smem:$0x3FB1]  }
0x31: {  	[smem:$0x3FBA] =	sst s10  }
0x32: {  	s10 =	sld [smem:$0x3FB8];
	_ =	sdelay $0x3  }
0x33: {  	p0 =	seq.s32 s10, $0x1;
	s10 =	sld [smem:$0x3FBA];
	_ =	sdelay $0x3  }
0x34: {  	[smem:$0x3FBA] =	sst s10  }
0x35: {  	s10 =	sld [smem:$0x3FB9];
	_ =	sdelay $0x3  }
0x36: {  	p1 =	seq.s32 s10, $0x1;
	s10 =	sld [smem:$0x3FBA];
	_ =	sdelay $0x3  }
0x37: {  	[smem:$0x3FBA] =	sst s10  }
0x38: {  	s10 =	sld [smem:$0x3FBB]  }
0x39: {  	_ = 	snop;
	(pc) =	sbr.ind lr, $3  }
0x3a: {  	_ = 	snop  }
0x3b: {  	_ = 	snop  }
0x3c: {  	p2 =	seq.s32 s10, $0x1;
	s10 =	sld [smem:$0x3FBA]  }
0x3d: {  	_ =	shalt  }
0x3e: {  	_ =	shalt  }
0x3f: {  	_ =	shalt  }
0x40: {  	_ =	shalt  }
0x41: {  	_ =	shalt  }
0x42: {  	_ =	shalt  }
0x43: {  	_ =	shalt  }
0x44: {  	_ =	shalt  }
0x45: {  	_ =	shalt  }
0x46: {  	_ =	shalt  }
0x47: {  	_ =	shalt  }
0x48: {  	_ =	shalt  }
0x49: {  	_ =	shalt  }
0x4a: {  	_ =	shalt  }
0x4b: {  	_ =	shalt  }
0x4c: {  	_ =	shalt  }
0x4d: {  	_ =	shalt  }
0x4e: {  	_ =	shalt  }
0x4f: {  	_ =	shalt  }
0x50: {  	_ =	shalt  }
0x51: {  	_ =	shalt  }
0x52: {  	_ =	shalt  }
0x53: {  	_ =	shalt  }
0x54: {  	_ =	shalt  }
0x55: {  	_ =	shalt  }
0x56: {  	_ =	shalt  }
0x57: {  	_ =	shalt  }
0x58: {  	_ =	shalt  }
0x59: {  	_ =	shalt  }
0x5a: {  	_ =	shalt  }
0x5b: {  	_ =	shalt  }
0x5c: {  	_ =	shalt  }
0x5d: {  	_ =	shalt  }
0x5e: {  	_ =	shalt  }
0x5f: {  	_ =	shalt  }
0x60: {  	_ =	shalt  }
0x61: {  	_ =	shalt  }
0x62: {  	_ =	shalt  }
0x63: {  	_ =	shalt  }
0x64: {  	_ =	shalt  }
0x65: {  	_ =	shalt  }
0x66: {  	_ =	shalt  }
0x67: {  	_ =	shalt  }
0x68: {  	_ =	shalt  }
0x69: {  	_ =	shalt  }
0x6a: {  	_ =	shalt  }
0x6b: {  	_ =	shalt  }
0x6c: {  	_ =	shalt  }
0x6d: {  	_ =	shalt  }
0x6e: {  	_ =	shalt  }
0x6f: {  	_ =	shalt  }
0x70: {  	_ =	shalt  }
0x71: {  	_ =	shalt  }
0x72: {  	_ =	shalt  }
0x73: {  	_ =	shalt  }
0x74: {  	_ =	shalt  }
0x75: {  	_ =	shalt  }
0x76: {  	_ =	shalt  }
0x77: {  	_ =	shalt  }
0x78: {  	_ =	shalt  }
0x79: {  	_ =	shalt  }
0x7a: {  	_ =	shalt  }
0x7b: {  	_ =	shalt  }
0x7c: {  	_ =	shalt  }
0x7d: {  	_ =	shalt  }
0x7e: {  	_ =	shalt  }
0x7f: {  	_ =	shalt  }
0x80: {  	_ =	shalt  }
0x81: {  	_ =	shalt  }
0x82: {  	_ =	shalt  }
0x83: {  	_ =	shalt  }
0x84: {  	_ =	shalt  }
0x85: {  	_ =	shalt  }
0x86: {  	_ =	shalt  }
0x87: {  	_ =	shalt  }
.Lfunc_end0:
.L_simem_size_0:
called_computation_lowered:
.L_overlay_start_0:
0x88: {  	s2 =	sld [smem:$0x3FD9]  }
0x89: {  	s3 =	sld [smem:$0x3FFE];
	_ =	sdelay $0x1  }
0x8a: {  	s1 =	srdreg.scid  }
0x8b: {  	s0 =	sand.u32 $0x1, s1  }
0x8c: {  	s15 =	sshll.u32 s0, $0xA;
	s2 =	sadd.s32 s3, s2  }
0x8d: {  	s2 =	sadd.s32 s2, s15  }
0x8e: {  	[smem:$0x3FC6] =	sst s2  }
0x8f: {  	_ = 	snop  }
0x90: {  	s2 =	sld [smem:$0x3FD0];
	_ =	sdelay $0x2  }
0x91: {  	s16 =	simm.s32 $0xA;
	s4 =	simm.s32 $0x10  }
0x92: {  	[smem:s4], [sflag:s16] =	dma.local [hbm:s2], $0x1  }
0x93: {  	_ =	swait.eq [sflag:s16], $0x1  }
0x94: {  	[sflag:s16] =	ssyncset.done $0x0  }
0x95: {  	s17 =	sld [smem:$0x10];
	[sflag:s16] =	ssyncadd.s32 $0xFFFFFFFF  }
0x96: {  	s18 =	sld [smem:$0x11];
	(tm) =	ssettm $0x1  }
0x97: {  	s19 =	sld [smem:$0x3FFB];
	_ =	sdelay $0x3  }
0x98: {  	_ =	strace s19  }
0x99: {  	s4 =	sld [smem:$0x3FFC];
	_ =	sdelay $0x3  }
0x9a: {  	_ =	strace s4  }
0x9b: {  	s4 =	sld [smem:$0x3FFD];
	_ =	sdelay $0x3  }
0x9c: {  	_ =	strace s4  }
0x9d: {  	_ =	strace $0x8FFFFFFF  }
0x9e: {  	s20 =	sld [smem:$0x3FDB];
	_ =	sdelay $0x1  }
0x9f: {  	s5 =	simm.s32 $_scs_section_size  }
0xa0: {  	s6 =	simm.s32 $_size__tile_overlayer_lowered;
	s7 =	simm.s32 $_tile_overlayer_lowered  }
0xa1: {  	s23 =	simm.s32 $0x1BFF;
	s22 =	sshll.u32 s7, $0x1;
	s4 =	sadd.s32 s5, s20  }
0xa2: {  	s8 =	simm.s32 $0x0;
	s21 =	sshll.u32 s6, $0x1;
	s6 =	sadd.s32 s22, s4  }
0xa3: {  	[timem:s8], [sflag:s23] =	dma.local [hbm:s6], s21  }
0xa4: {  	_ =	swait.ge [sflag:s23], s21  }
0xa5: {  	s5 =	ssub.s32 $0x0, s21;
	[sflag:s23] =	ssyncset.done $0x0  }
0xa6: {  	[sflag:s23] =	ssyncadd.s32 s5;
	_ =	sdelay $0x1  }
0xa7: {  	s24 =	simm.s32 $0x1B8B  }
0xa8: {  	_ =	swait.ge [sflag:s24], $0x1  }
0xa9: {  	[sflag:s24] =	ssyncset.done $0x0  }
0xaa: {  	s25 =	simm.s32 $0x1B8E;
	[sflag:s24] =	ssyncadd.s32 $0xFFFFFFFF  }
0xab: {  	s26 =	simm.s32 $execute0_lowered;
	[smem:$0x3FD2] =	sst s25  }
0xac: {  	s5 =	sshll.u32 s26, $0x1;
	_ =	strace $0x80000046;
	[dreg:$0x1] =	wrdreg $0xFFFFFFFF  }
0xad: {  	s28 =	simm.s32 $_size_execute0_lowered;
	s4 =	sadd.s32 s4, s5;
	[dreg:$0x0] =	wrdreg $0x0  }
0xae: {  	s5 =	sshll.u32 s28, $0x1;
	[dreg:$0x2] =	wrdreg s4  }
0xaf: {  	[dreg:$0x3] =	wrdreg s5  }
0xb0: {  	[dreg:$0x4] =	wrdreg $0xC0  }
0xb1: {  	_ =	task [dreg:s8], $0x5FFFF  }
0xb2: {  	[dreg:$0x1] =	wrdreg $0xFFFFFFFF  }
0xb3: {  	[dreg:$0x0] =	wrdreg $0x60  }
0xb4: {  	[dreg:$0x2] =	wrdreg s17  }
0xb5: {  	[dreg:$0x3] =	wrdreg s18  }
0xb6: {  	[dreg:$0x4] =	wrdreg $0x0  }
0xb7: {  	[dreg:$0x5] =	wrdreg $0x9  }
0xb8: {  	_ =	task.clear_ibuf [dreg:s8], $0x6FFFF;
	_ =	strace $0x90000046  }
0xb9: {  	s29 =	simm.s32 $0x9;
	_ =	strace $0x80000048  }
0xba: {  	_ =	swait.ge [sflag:s29], $0x1  }
0xbb: {  	[sflag:s29] =	ssyncadd.s32 $0xFFFFFFFF  }
0xbc: {  	_ =	strace $0x90000048  }
0xbd: {  	_ =	sfence  }
0xbe: {  	s30 =	sld [smem:$0x0];
	_ =	sdelay $0x2  }
0xbf: {  	s31 =	sshll.u32 s1, $0xD;
	s1 =	sshrl.u32 s1, $0x2  }
0xc0: {  	s3 =	sand.u32 $0x4000, s31;
	s1 =	sadd.s32 s1, s30  }
0xc1: {  	s0 =	sor.u32 s3, s0;
	s1 =	sshll.u32 s1, $0x11  }
0xc2: {  	s0 =	sor.u32 s1, s0  }
0xc3: {  	s0 =	sadd.s32 $0x8F2B, s0  }
0xc4: {  	[sflag:s0] =	ssyncadd.remote.s32 $0x1  }
0xc5: {  	_ =	sfence.sel $0xFFFF  }
0xc6: {  	[dreg:$0x0] =	wrdreg $0xFFFFFFFF;
	(pc) =	sbr.abs _section_cstart, $3  }
0xc7: {  	[dreg:$0x1] =	wrdreg $0xFFFFFFFF  }
0xc8: {  	_ =	task.clear_ibuf [dreg:s8], $0x2FFFF;
	_ =	strace $0x9FFFFFFF  }
0xc9: {  	(tm) =	ssettm $0x7FFFFFFF  }
tec
execute0_lowered:
.L_overlay_start_1:
0x0: {  	(tag) =	ssettag $0x1  }
0x1: {  	s1 =	rddreg [dreg:$0x0]  }
0x2: {  	s0 =	rddreg [dreg:$0x1];
	s2 =	srdreg.scid  }
0x3: {  	s8 =	stileid.u32;
	s3 =	rddreg [dreg:$0x2];
	s5 =	simm.s32 $0x0  }
0x4: {  	s21 =	simm.s32 $0x27C8;
	s22 =	simm.s32 $0x2;
	s23 =	simm.s32 $0x648  }
0x5: {  	s28 =	simm.s32 $0x2748;
	s2 =	sand.u32 $0x1, s2;
	s4 =	smul.u32 $0x640, s8  }
0x6: {  	s29 =	simm.s32 $0x1;
	[smem:$0x7FF] =	sst s5;
	s6 =	smul.u32 $0x6400, s2  }
0x7: {  	s30 =	simm.s32 $0x0;
	s2 =	ssub.s32 $0x2, s2;
	_ =	strace $0x80000047  }
0x8: {  	s24 =	sshrl.u32 s2, $0x1;
	s5 =	sadd.s32 s4, s3;
	s7 =	sadd.s32 s4, s6  }
0x9: {  	s2 =	ssub.s32 s2, s24;
	s26 =	sadd.s32 $0x600, s5;
	s10 =	sadd.s32 $0x80, s5  }
0xa: {  	s11 =	sadd.s32 $0x100, s5;
	s12 =	sadd.s32 $0x180, s5;
	s13 =	sadd.s32 $0x200, s5  }
0xb: {  	s14 =	sadd.s32 $0x280, s5;
	s15 =	sadd.s32 $0x300, s5;
	s16 =	sadd.s32 $0x380, s5  }
.Ltmp0:
0xc: {  	s17 =	sadd.s32 $0x400, s5;
	s18 =	sadd.s32 $0x480, s5;
	(pc) =	sbr.rel .LBB2_1-.Ltmp0, $4  }
0xd: {  	s19 =	sadd.s32 $0x500, s5;
	s20 =	sadd.s32 $0x580, s5;
	s24 =	simm.s32 $0x1648  }
0xe: {  	s25 =	sshrl.u32 s7, $0x3;
	[dreg:$0x4] =	wrdreg s26;
	s31 =	smax.u32 s2, $0x1  }
0xf: {  	v1 =	vimm.f32 $1.000000000e+00;
	v2 =	vimm.f32 $0.0e+00;
	s7 =	smul.u32 $0x19000, s8;
	s0 =	sadd.s32 s0, s25;
	[dreg:$0x6] =	wrdreg s31  }
0x10: {  	v3 =	vimm.s32 $0x0;
	v4 =	vlaneseq.u32;
	v0 =	vmov s6;
	s26 =	simm.s32 $0x80;
	s25 =	simm.s32 $0x1EC8;
	[dreg:$0x5] =	wrdreg s0  }
.LBB2_13:
0x11: {  	[bflag:$0x0] =	sbarrier.arrive $0xFFFF  }
0x12: {  	[tilespmem:s21], [sflag:$0x2] =	stream.linear.gather [spmem:s5], $0x640, $0x38;
	[tilespmem:$0x2E08] =	vst v63  }
0x13: {  	_ =	swait.ge [sflag:s22], $0x640  }
0x14: {  	[sflag:s22] =	ssyncset.done $0x0  }
0x15: {  	s0 =	simm.s32 $0x0;
	s2 =	rddreg [dreg:$0x5];
	[sflag:s22] =	ssyncadd.s32 $0xFFFFF9C0  }
0x16: {  	[hbm4b:s2+s0] =	stream.linear.scatter [tilespmem:s21], [sflag:$0x2], $0x640, $0x38;
	[tilespmem:$0x2E08] =	vst v63  }
0x17: {  	_ =	swait.ge [sflag:s22], $0x640  }
0x18: {  	s30 =	sadd.s32 $0x1, s30;
	s31 =	rddreg [dreg:$0x6]  }
0x19: {  	p0 =	sne.s32 s30, s31  }
.Ltmp1:
0x1a: {  	_ = 	snop;
	(pc) =	sbr.rel @!p0 .LBB2_14-.Ltmp1, $3  }
0x1b: {  	_ =	sdelay $0x1  }
0x1c: {  	[sflag:s22] =	ssyncset.done $0x0  }
0x1d: {  	[sflag:s22] =	ssyncadd.s32 $0xFFFFF9C0  }
.LBB2_1:
0x1e: {  	[tilespmem:$0x2748] =	vst v1  }
0x1f: {  	[tilespmem:$0x27C8] =	vst v2  }
0x20: {  	[tilespmem:$0x2758] =	vst v1  }
0x21: {  	[tilespmem:$0x27D8] =	vst v2  }
0x22: {  	[tilespmem:$0x2768] =	vst v1  }
0x23: {  	[tilespmem:$0x27E8] =	vst v2  }
0x24: {  	[tilespmem:$0x2778] =	vst v1  }
0x25: {  	[tilespmem:$0x27F8] =	vst v2  }
0x26: {  	[tilespmem:$0x2788] =	vst v1  }
0x27: {  	[tilespmem:$0x2808] =	vst v2  }
0x28: {  	[tilespmem:$0x2798] =	vst v1  }
0x29: {  	[tilespmem:$0x2818] =	vst v2  }
0x2a: {  	[tilespmem:$0x27A8] =	vst v1  }
0x2b: {  	[tilespmem:$0x2828] =	vst v2  }
0x2c: {  	[tilespmem:$0x27B8] =	vst v1  }
0x2d: {  	[tilespmem:$0x2838] =	vst v2  }
0x2e: {  	[spmem:s5] =	stream.linear.scatter [tilespmem:s21], [sflag:$0x2], $0x80, $0x38;
	[tilespmem:$0x2E08] =	vst v63  }
0x2f: {  	_ =	swait.ge [sflag:s22], $0x80  }
0x30: {  	[sflag:s22] =	ssyncset.done $0x0  }
0x31: {  	[sflag:s22] =	ssyncadd.s32 $0xFFFFFF80  }
0x32: {  	[spmem:s10] =	stream.linear.scatter [tilespmem:s21], [sflag:$0x2], $0x80, $0x38;
	[tilespmem:$0x2E08] =	vst v63  }
0x33: {  	_ =	swait.ge [sflag:s22], $0x80  }
0x34: {  	[sflag:s22] =	ssyncset.done $0x0  }
0x35: {  	[sflag:s22] =	ssyncadd.s32 $0xFFFFFF80  }
0x36: {  	[spmem:s11] =	stream.linear.scatter [tilespmem:s21], [sflag:$0x2], $0x80, $0x38;
	[tilespmem:$0x2E08] =	vst v63  }
0x37: {  	_ =	swait.ge [sflag:s22], $0x80  }
0x38: {  	[sflag:s22] =	ssyncset.done $0x0  }
0x39: {  	[sflag:s22] =	ssyncadd.s32 $0xFFFFFF80  }
0x3a: {  	[spmem:s12] =	stream.linear.scatter [tilespmem:s21], [sflag:$0x2], $0x80, $0x38;
	[tilespmem:$0x2E08] =	vst v63  }
0x3b: {  	_ =	swait.ge [sflag:s22], $0x80  }
0x3c: {  	[sflag:s22] =	ssyncset.done $0x0  }
0x3d: {  	[sflag:s22] =	ssyncadd.s32 $0xFFFFFF80  }
0x3e: {  	[spmem:s13] =	stream.linear.scatter [tilespmem:s21], [sflag:$0x2], $0x80, $0x38;
	[tilespmem:$0x2E08] =	vst v63  }
0x3f: {  	_ =	swait.ge [sflag:s22], $0x80  }
0x40: {  	[sflag:s22] =	ssyncset.done $0x0  }
0x41: {  	[sflag:s22] =	ssyncadd.s32 $0xFFFFFF80  }
0x42: {  	[spmem:s14] =	stream.linear.scatter [tilespmem:s21], [sflag:$0x2], $0x80, $0x38;
	[tilespmem:$0x2E08] =	vst v63  }
0x43: {  	_ =	swait.ge [sflag:s22], $0x80  }
0x44: {  	[sflag:s22] =	ssyncset.done $0x0  }
0x45: {  	[sflag:s22] =	ssyncadd.s32 $0xFFFFFF80  }
0x46: {  	[spmem:s15] =	stream.linear.scatter [tilespmem:s21], [sflag:$0x2], $0x80, $0x38;
	[tilespmem:$0x2E08] =	vst v63  }
0x47: {  	_ =	swait.ge [sflag:s22], $0x80  }
0x48: {  	[sflag:s22] =	ssyncset.done $0x0  }
0x49: {  	[sflag:s22] =	ssyncadd.s32 $0xFFFFFF80  }
0x4a: {  	[spmem:s16] =	stream.linear.scatter [tilespmem:s21], [sflag:$0x2], $0x80, $0x38;
	[tilespmem:$0x2E08] =	vst v63  }
0x4b: {  	_ =	swait.ge [sflag:s22], $0x80  }
0x4c: {  	[sflag:s22] =	ssyncset.done $0x0  }
0x4d: {  	[sflag:s22] =	ssyncadd.s32 $0xFFFFFF80  }
0x4e: {  	[spmem:s17] =	stream.linear.scatter [tilespmem:s21], [sflag:$0x2], $0x80, $0x38;
	[tilespmem:$0x2E08] =	vst v63  }
0x4f: {  	_ =	swait.ge [sflag:s22], $0x80  }
0x50: {  	[sflag:s22] =	ssyncset.done $0x0  }
0x51: {  	[sflag:s22] =	ssyncadd.s32 $0xFFFFFF80  }
0x52: {  	[spmem:s18] =	stream.linear.scatter [tilespmem:s21], [sflag:$0x2], $0x80, $0x38;
	[tilespmem:$0x2E08] =	vst v63  }
0x53: {  	_ =	swait.ge [sflag:s22], $0x80  }
0x54: {  	[sflag:s22] =	ssyncset.done $0x0  }
0x55: {  	[sflag:s22] =	ssyncadd.s32 $0xFFFFFF80  }
0x56: {  	[spmem:s19] =	stream.linear.scatter [tilespmem:s21], [sflag:$0x2], $0x80, $0x38;
	[tilespmem:$0x2E08] =	vst v63  }
0x57: {  	_ =	swait.ge [sflag:s22], $0x80  }
0x58: {  	[sflag:s22] =	ssyncset.done $0x0  }
0x59: {  	[sflag:s22] =	ssyncadd.s32 $0xFFFFFF80  }
0x5a: {  	[spmem:s20] =	stream.linear.scatter [tilespmem:s21], [sflag:$0x2], $0x80, $0x38;
	[tilespmem:$0x2E08] =	vst v63  }
0x5b: {  	_ =	swait.ge [sflag:s22], $0x80  }
0x5c: {  	[sflag:s22] =	ssyncset.done $0x0  }
0x5d: {  	s0 =	rddreg [dreg:$0x4];
	[sflag:s22] =	ssyncadd.s32 $0xFFFFFF80  }
0x5e: {  	[spmem:s0] =	stream.linear.scatter [tilespmem:s21], [sflag:$0x2], $0x40, $0x38;
	[tilespmem:$0x2E08] =	vst v63  }
.Ltmp2:
0x5f: {  	_ =	swait.ge [sflag:s22], $0x40;
	(pc) =	sbr.rel .LBB2_2-.Ltmp2, $4  }
0x60: {  	[sflag:s22] =	ssyncset.done $0x0  }
0x61: {  	[sflag:s22] =	ssyncadd.s32 $0xFFFFFFC0  }
0x62: {  	[bflag:$0x0] =	sbarrier.arrive $0xFFFF  }
0x63: {  	s31 =	simm.s32 $0x0  }
.LBB2_11:
0x64: {  	[sflag:s29] =	ssyncadd.s32 $0xFFFFFF80  }
.LBB2_12:
0x65: {  	s31 =	sadd.s32 $0x1, s31  }
0x66: {  	p0 =	sne.s32 s31, $0x19  }
.Ltmp3:
0x67: {  	_ = 	snop;
	(pc) =	sbr.rel @!p0 .LBB2_13-.Ltmp3, $1  }
0x68: {  	_ =	sdelay $0x3  }
.LBB2_2:
0x69: {  	s0 =	sshll.u32 s31, $0xC  }
0x6a: {  	s0 =	sadd.s32 s7, s0  }
0x6b: {  	s0 =	sshrl.u32 s0, $0x3  }
0x6c: {  	s2 =	simm.s32 $0x0;
	s0 =	sadd.s32 s1, s0  }
0x6d: {  	[tilespmem:s23], [sflag:$0x2] =	stream.linear.gather [hbm4b:s0+s2], $0x1000, $0x38;
	[tilespmem:$0x2E08] =	vst v63  }
0x6e: {  	_ =	swait.ge [sflag:s22], $0x1000  }
0x6f: {  	s9 =	sand.u32 $0x70, s2;
	s4 =	sand.u32 $0xF00, s2;
	[sflag:s22] =	ssyncset.done $0x0  }
0x70: {  	s0 =	sor.u32 s9, s4;
	[sflag:s22] =	ssyncadd.s32 $0xFFFFF000  }
0x71: {  	v5 =	vld [tilespmem:s0+$0x6C8];
	_ =	sdelay $0x4  }
0x72: {  	v5 =	vsub.s32 v5, v0  }
0x73: {  	vm0 =	vlt.u32 v5, $0x6400  }
0x74: {  	v6 =	vsel vm0, $0x1, v3;
	v7 =	vmpcnt.ones.xlane vm0  }
0x75: {  	(xrf0) =	vadd.scan.msk.s32 $0xffff, v6  }
0x76: {  	(v2sf) =	vpush v7, $0x0;
	_ =	sdelay $0x4  }
0x77: {  	v8, _, _ =	vpop (xrf0)  }
0x78: {  	v6 =	vsub.s32 v8, v6  }
0x79: {  	v7 =	vld [tilespmem:s0+$0x648];
	v6 =	vadd.s32 s2, v6;
	_ =	sdelay $0x1  }
0x7a: {  	s6 =	simm.s32 $0x20;
	s4 =	simm.s32 $0x10;
	s0 =	simm.s32 $0x0  }
.LBB2_3:
0x7b: {  	p0 =	sne.s32 s6, $0x7F0  }
0x7c: {  	s2 =	sadd.s32 $0x20, s2  }
0x7d: {  	s8 =	sand.u32 $0x70, s4;
	s4 =	smov.u32 s6;
	s9 =	sand.u32 $0xF00, s2;
	[tilespmem:v6+s24+$0x0] =	vst.idx.msk vm0, v7  }
0x7e: {  	s8 =	sor.u32 s8, s9;
	[tilespmem:v6+s25+$0x0] =	vst.idx.msk vm0, v5  }
0x7f: {  	v5 =	vld [tilespmem:s8+$0x6C8]  }
0x80: {  	s9 =	spop (v2sf)  }
0x81: {  	s0 =	sadd.s32 s0, s9;
	_ =	sdelay $0x2  }
0x82: {  	v5 =	vsub.s32 v5, v0  }
0x83: {  	vm0 =	vlt.u32 v5, $0x6400  }
0x84: {  	v6 =	vsel vm0, $0x1, v3;
	v7 =	vmpcnt.ones.xlane vm0  }
0x85: {  	(xrf0) =	vadd.scan.msk.s32 $0xffff, v6  }
0x86: {  	(v2sf) =	vpush v7, $0x0;
	_ =	sdelay $0x4  }
.Ltmp4:
0x87: {  	v7, _, _ =	vpop (xrf0);
	(pc) =	sbr.rel @p0 .LBB2_3-.Ltmp4, $3  }
0x88: {  	v6 =	vsub.s32 v7, v6  }
0x89: {  	v7 =	vld [tilespmem:s8+$0x648];
	v6 =	vadd.s32 s0, v6;
	_ =	sdelay $0x1  }
0x8a: {  	s6 =	sadd.s32 $0x10, s6  }
0x8b: {  	_ =	sdelay $0x3  }
0x8c: {  	s2 =	sadd.s32 $0x20, s2  }
0x8d: {  	s4 =	sand.u32 $0x70, s4;
	s2 =	sand.u32 $0xF00, s2;
	[tilespmem:v6+s24+$0x0] =	vst.idx.msk vm0, v7  }
0x8e: {  	s2 =	sor.u32 s4, s2;
	[tilespmem:v6+s25+$0x0] =	vst.idx.msk vm0, v5  }
0x8f: {  	v5 =	vld [tilespmem:s2+$0x6C8];
	_ =	sdelay $0x4  }
0x90: {  	v5 =	vsub.s32 v5, v0  }
0x91: {  	vm0 =	vlt.u32 v5, $0x6400  }
0x92: {  	v6 =	vmpcnt.ones.xlane vm0;
	_ =	sdelay $0x1  }
0x93: {  	(v2sf) =	vpush v6, $0x0;
	_ =	sdelay $0x3  }
0x94: {  	v6 =	vsel vm0, $0x1, v3  }
0x95: {  	(xrf0) =	vadd.scan.msk.s32 $0xffff, v6;
	_ =	sdelay $0x5  }
0x96: {  	s9 =	spop (v2sf);
	v7, _, _ =	vpop (xrf0)  }
0x97: {  	s0 =	sadd.s32 s0, s9;
	v6 =	vsub.s32 v7, v6  }
0x98: {  	v7 =	vld [tilespmem:s2+$0x648];
	v6 =	vadd.s32 s0, v6;
	_ =	sdelay $0x1  }
0x99: {  	s6 =	spop (v2sf)  }
0x9a: {  	s2 =	sadd.s32 s0, s6  }
0x9b: {  	s0 =	sadd.s32 $0x7F, s2  }
0x9c: {  	[tilespmem:v6+s24+$0x0] =	vst.idx.msk vm0, v7;
	s9 =	sadd.s32 $0x0, s2;
	s8 =	sand.u32 $0xFFFFFF80, s0  }
0x9d: {  	[tilespmem:v6+s25+$0x0] =	vst.idx.msk vm0, v5;
	v5 =	vadd.s32 s9, v4;
	v6 =	vmov s8  }
0x9e: {  	vm0 =	vlt.s32 v5, v6  }
0x9f: {  	s4 =	simm.s32 $0x10;
	vm1 =	vmmov vm0  }
.LBB2_5:
0xa0: {  	p0 =	seq.s32 s4, $0x70  }
.Ltmp5:
0xa1: {  	_ = 	snop;
	(pc) =	sbr.rel @!p0 .LBB2_5-.Ltmp5, $4  }
0xa2: {  	s6 =	sadd.s32 s4, s2;
	v7 =	vand.u32 $0x3FF, v5  }
0xa3: {  	v9 =	vand.u32 $0x7F, v5;
	v8 =	vadd.s32 s6, v4;
	v7 =	vadd.s32 $0xC350, v7  }
0xa4: {  	[tilespmem:v5+s24+$0x0] =	vst.idx.msk vm0, v7;
	vm0 =	vlt.s32 v8, v6;
	v7 =	vor.u32 $0x6400, v9  }
0xa5: {  	s4 =	sadd.s32 $0x10, s4;
	[tilespmem:v5+s25+$0x0] =	vst.idx.msk vm1, v7;
	v5 =	vmov v8;
	vm1 =	vmmov vm0  }
0xa6: {  	s0 =	sshra.s32 s0, $0x7  }
0xa7: {  	p0 =	sgt.s32 s0, $0x0  }
.Ltmp6:
0xa8: {  	_ = 	snop;
	(pc) =	sbr.rel @!p0 .LBB2_12-.Ltmp6, $4  }
0xa9: {  	v6 =	vand.u32 $0x3FF, v5  }
0xaa: {  	v7 =	vand.u32 $0x7F, v5;
	v6 =	vadd.s32 $0xC350, v6  }
0xab: {  	[tilespmem:v5+s24+$0x0] =	vst.idx.msk vm0, v6;
	v6 =	vor.u32 $0x6400, v7  }
0xac: {  	s2 =	simm.s32 $0x1EC8;
	[tilespmem:v5+s25+$0x0] =	vst.idx.msk vm1, v6  }
0xad: {  	p0 =	sne.s32 s0, $0x1  }
.Ltmp7:
0xae: {  	_ = 	snop;
	(pc) =	sbr.rel @!p0 .LBB2_9-.Ltmp7, $3  }
0xaf: {  	_ =	sdelay $0x1  }
0xb0: {  	[spmem:s3] =	stream.indirect.scatter.add.f32 [tilespmem:s28], [sflag:$0x1], $0x1, s2, s26, $0xb8;
	[tilespmem:$0x2E08] =	vst v63  }
0xb1: {  	s4 =	sadd.s32 $0xFFFFFFFF, s0  }
.LBB2_8:
0xb2: {  	p0 =	sne.s32 s4, $0x1  }
.Ltmp8:
0xb3: {  	_ = 	snop;
	(pc) =	sbr.rel @p0 .LBB2_8-.Ltmp8, $3  }
0xb4: {  	_ = 	snop  }
0xb5: {  	s4 =	sadd.s32 $0xFFFFFFFF, s4;
	s2 =	sadd.s32 $0x80, s2;
	_ =	sdelay $0x1  }
0xb6: {  	[spmem:s3] =	stream.indirect.scatter.add.f32 [tilespmem:s28], [sflag:$0x1], $0x1, s2, s26, $0xb8;
	[tilespmem:$0x2E08] =	vst v63  }
.LBB2_9:
0xb7: {  	p0 =	sne.s32 s0, $0x1  }
.Ltmp9:
0xb8: {  	_ = 	snop;
	(pc) =	sbr.rel @!p0 .LBB2_11-.Ltmp9, $3  }
0xb9: {  	_ =	sdelay $0x1  }
0xba: {  	_ =	swait.ge [sflag:s29], $0x80  }
0xbb: {  	s0 =	sadd.s32 $0xFFFFFFFF, s0;
	[sflag:s29] =	ssyncset.done $0x0  }
.LBB2_10:
0xbc: {  	p0 =	sne.s32 s0, $0x1;
	s0 =	sadd.s32 $0xFFFFFFFF, s0;
	[sflag:s29] =	ssyncadd.s32 $0xFFFFFF80  }
.Ltmp10:
0xbd: {  	(pc) =	sbr.rel @p0 .LBB2_10-.Ltmp10, $3  }
0xbe: {  	_ =	sdelay $0x1  }
0xbf: {  	_ =	swait.ge [sflag:s29], $0x80  }
0xc0: {  	[sflag:s29] =	ssyncset.done $0x0  }
.Ltmp11:
0xc1: {  	_ = 	snop;
	(pc) =	sbr.rel .LBB2_11-.Ltmp11, $1  }
0xc2: {  	_ =	sdelay $0x3  }
.LBB2_14:
0xc3: {  	_ =	sfence.sel $0x180000  }
0xc4: {  	[bflag:$0x0] =	sbarrier.arrive $0xFFFF  }
0xc5: {  	_ =	strace $0x90000047  }
0xc6: {  	s0 =	stileid.u32;
	[bflag:$0x2] =	sbarrier.arrive $0xFFFF  }
0xc7: {  	p0 =	sne.s32 s0, $0x0;
	s0 =	rddreg [dreg:$0x3]  }
0xc8: {  	s0 =	sadd.s32 @!p0 $0x100000, s0  }
0xc9: {  	[sflag:s0] =	ssyncadd.tile.s32 @!p0 $0x1;
	_ =	shalt  }
.Lfunc_end2:
_tile_overlayer_lowered:
.L_overlay_start_2:
0xca: {  	(tag) =	ssettag $0x2  }
0xcb: {  	s0 =	rddreg [dreg:$0x0];
	s2 =	stileid.u32  }
0xcc: {  	s1 =	rddreg [dreg:$0x1];
	p0 =	sne.s32 s2, $0x0  }
0xcd: {  	s3 =	rddreg [dreg:$0x2];
	[bflag:$0x3] =	sbarrier.arrive $0xFFFF;
	s2 =	simm.s32 @!p0 $0x1C02  }
0xce: {  	[timem:s3], [sflag:s2] =	dma.local @!p0 [hbm:s0], s1  }
0xcf: {  	s0 =	simm.s32 @!p0 $0x2  }
0xd0: {  	_ =	swait.ge @!p0 [sflag:s0], s1  }
0xd1: {  	s1 =	ssub.s32 @!p0 $0x0, s1;
	[sflag:s0] =	ssyncset.done @!p0 $0x0  }
0xd2: {  	[sflag:s0] =	ssyncadd.s32 @!p0 s1  }
0xd3: {  	[bflag:$0x3] =	sbarrier.arrive $0xFFFF  }
0xd4: {  	_ =	shalt  }

</sc_bundles>
